<compile_context>
chip_gen: v7x
topology: tpu7x:2x2x1
jax: 0.10.2.dev20260603
libtpu: 0.0.44.dev20260713+nightly
codegen_flags: <defaults>
</compile_context>

<pallas_src>
import functools

import jax
import jax.numpy as jnp
from jax import lax
from jax.experimental import pallas as pl
from jax.experimental.pallas import tpu as pltpu, tpu_sc as plsc

N_AGENT = 50000
H = 128
NC, NS = 2, 16
G = 32
D = 12

CH_A = 6272
N_CHUNKS = 8
NPAD = CH_A * N_CHUNKS
ACC_ROWS = CH_A + 16
STRIP = 2048
ZR = 64


def _ceil_to(n, m):
    return (n + m - 1) // m * m


def _decompose(n, step):
    out = []
    off = 0
    while off < n:
        k = min(step, n - off)
        out.append((off, k))
        off += k
    return out


def _pad_edges(src, dst):
    e = src.shape[0]
    share = _ceil_to((e + NS - 1) // NS, STRIP)
    pad = NS * share - e
    src_p = jnp.concatenate([src, jnp.zeros((pad,), jnp.int32)])
    dst_p = jnp.concatenate([dst, jnp.full((pad,), -1, jnp.int32)])
    s3 = src_p.reshape(NS, share // STRIP, 1, STRIP)
    d3 = dst_p.reshape(NS, share // STRIP, 1, STRIP)
    packed = jnp.concatenate([s3, d3], axis=2).reshape(
        NS, share // STRIP, 2 * STRIP)
    return packed, dst_p.reshape(NS, share), share



@functools.lru_cache(maxsize=None)
def _build_seg_kernel(rel_descs):
    mesh = plsc.VectorSubcoreMesh(core_axis_name="c", subcore_axis_name="s",
                                  num_cores=NC, num_subcores=NS)

    out_type = [jax.ShapeDtypeStruct((NPAD, H), jnp.float32)
                for _ in rel_descs]

    scratch = [
        pltpu.VMEM((2 * STRIP,), jnp.int32),
        pltpu.VMEM((STRIP // G, G), jnp.int32),
        pltpu.VMEM((STRIP // G, G), jnp.int32),
        pltpu.VMEM((D * G, H), jnp.float32),
        pltpu.VMEM((ZR, H), jnp.float32),
        pltpu.VMEM_SHARED((ACC_ROWS, H), jnp.float32),
        pltpu.SemaphoreType.DMA((D,)),
    ]

    def body(*refs):
        h_hbm = refs[0]
        pos = 1
        rel_ids = []
        for _ in rel_descs:
            rel_ids.append(refs[pos])
            pos += 1
        outs = list(refs[pos:pos + len(rel_descs)])
        pos += len(rel_descs)
        (ids, csrc, cldst, rowsbuf, zrows,
         acc, gsem) = refs[pos:pos + 7]

        c = lax.axis_index("c")
        s = lax.axis_index("s")
        ch = CH_A
        stripe = ch // NS

        zf = jnp.zeros((16,), jnp.float32)
        dummyv = jnp.full((16,), ch, jnp.int32)
        ziv = jnp.zeros((16,), jnp.int32)

        def init_row(r, _):
            for j in range(H // 16):
                zrows[r, pl.ds(j * 16, 16)] = zf
            return 0
        lax.fori_loop(0, ZR, init_row, 0)

        for ridx, (share,) in enumerate(rel_descs):
            e_hbm = rel_ids[ridx]
            s_out = outs[ridx]
            zcopies = list(enumerate(_decompose(stripe, ZR)))

            def do_pass(p, _):
                chunk_id = p * NC + c
                lo = chunk_id * ch
                base = s * stripe
                for i, (off, n) in zcopies:
                    pltpu.async_copy(zrows.at[:n],
                                     acc.at[pl.ds(base + off, n)],
                                     gsem.at[i])
                for i, (off, n) in zcopies:
                    pltpu.make_async_copy(zrows.at[:n],
                                          acc.at[pl.ds(base + off, n)],
                                          gsem.at[i]).wait()
                plsc.subcore_barrier()

                def do_strip(t, _):
                    pltpu.sync_copy(e_hbm.at[s, t], ids)

                    def pre(k, _):
                        for j in range(G // 16):
                            csrc[k, pl.ds(j * 16, 16)] = ziv
                            cldst[k, pl.ds(j * 16, 16)] = dummyv
                        return 0
                    lax.fori_loop(0, STRIP // G, pre, 0)

                    def filt(k, off):
                        d = ids[pl.ds(STRIP + k * 16, 16)]
                        m = (d >= lo) & (d < lo + ch)
                        sv = ids[pl.ds(k * 16, 16)]
                        mi = jnp.where(m, jnp.int32(1), jnp.int32(0))
                        posn = off + plsc.cumsum(mi) - 1
                        plsc.store_scatter(csrc, [posn // G, posn % G], sv,
                                           mask=m)
                        ld = jnp.where(m, d - lo, jnp.int32(ch))
                        plsc.store_scatter(cldst, [posn // G, posn % G],
                                           ld, mask=m)
                        return off + jnp.sum(mi)
                    kcnt = lax.fori_loop(0, STRIP // 16, filt, jnp.int32(0))

                    n_it = (kcnt + G - 1) // G

                    def gsc(g, _):
                        b = lax.rem(g, D)
                        slot = rowsbuf.at[pl.ds(b * G, G)]

                        @pl.when(g >= D)
                        def _():
                            pltpu.make_async_copy(
                                h_hbm.at[csrc.at[g - D]], slot,
                                gsem.at[b]).wait()
                            pltpu.sync_copy(slot, acc.at[cldst.at[g - D]],
                                            add=True)

                        @pl.when(g < n_it)
                        def _():
                            pltpu.async_copy(h_hbm.at[csrc.at[g]], slot,
                                             gsem.at[b])
                        return 0
                    lax.fori_loop(0, n_it + D, gsc, 0)
                    return 0
                lax.fori_loop(0, share // STRIP, do_strip, 0)

                plsc.subcore_barrier()
                for i, (off, n) in zcopies:
                    pltpu.async_copy(acc.at[pl.ds(base + off, n)],
                                     s_out.at[pl.ds(lo + base + off, n)],
                                     gsem.at[i])
                for i, (off, n) in zcopies:
                    pltpu.make_async_copy(acc.at[pl.ds(base + off, n)],
                                          s_out.at[pl.ds(lo + base + off, n)],
                                          gsem.at[i]).wait()
                plsc.subcore_barrier()
                return 0

            lax.fori_loop(0, N_CHUNKS // NC, do_pass, 0)

    return pl.kernel(body, out_type=tuple(out_type), mesh=mesh,
                     compiler_params=pltpu.CompilerParams(
                         needs_layout_passes=False),
                     scratch_types=scratch)


@functools.lru_cache(maxsize=None)
def _build_deg_kernel(rel_descs):
    mesh = plsc.VectorSubcoreMesh(core_axis_name="c", subcore_axis_name="s",
                                  num_cores=NC, num_subcores=NS)
    out_type = [jax.ShapeDtypeStruct((NC * NS, NPAD), jnp.float32)
                for _ in rel_descs]
    scratch = [
        pltpu.VMEM((STRIP,), jnp.int32),
        pltpu.VMEM((NPAD,), jnp.float32),
    ]

    def body(*refs):
        pos = 0
        rel_ids = []
        for _ in rel_descs:
            rel_ids.append(refs[pos])
            pos += 1
        outs = list(refs[pos:pos + len(rel_descs)])
        pos += len(rel_descs)
        ids_dst, degv = refs[pos:pos + 2]

        c = lax.axis_index("c")
        s = lax.axis_index("s")
        zf = jnp.zeros((16,), jnp.float32)
        onef = jnp.ones((16,), jnp.float32)

        for ridx, (share,) in enumerate(rel_descs):
            dst_hbm = rel_ids[ridx]
            d_out = outs[ridx]
            half = share // 2

            def dz(r, _):
                degv[pl.ds(r * 16, 16)] = zf
                return 0
            lax.fori_loop(0, NPAD // 16, dz, 0)

            def do_strip(t, _):
                pltpu.sync_copy(
                    dst_hbm.at[s, pl.ds(c * half + t * STRIP, STRIP)],
                    ids_dst)

                def hist(k, _):
                    d = ids_dst[pl.ds(k * 16, 16)]
                    m = d >= 0
                    plsc.addupdate_scatter(
                        degv, [jnp.where(m, d, 0)], onef, mask=m)
                    return 0
                lax.fori_loop(0, STRIP // 16, hist, 0)
                return 0
            lax.fori_loop(0, half // STRIP, do_strip, 0)

            pltpu.sync_copy(degv.at[pl.ds(0, NPAD)], d_out.at[c * NS + s])
        return None

    return pl.kernel(body, out_type=tuple(out_type), mesh=mesh,
                     compiler_params=pltpu.CompilerParams(
                         needs_layout_passes=False),
                     scratch_types=scratch)



BR = 1024


def _adapter(x, w, b):
    n, d = x.shape
    grid = (n + BR - 1) // BR

    def body(x_ref, w_ref, b_ref, o_ref):
        o_ref[...] = (jnp.dot(x_ref[...], w_ref[...],
                              preferred_element_type=jnp.float32)
                      + b_ref[...])

    return pl.pallas_call(
        body,
        grid=(grid,),
        in_specs=[
            pl.BlockSpec((BR, d), lambda i: (i, 0)),
            pl.BlockSpec((d, H), lambda i: (0, 0)),
            pl.BlockSpec((1, H), lambda i: (0, 0)),
        ],
        out_specs=pl.BlockSpec((BR, H), lambda i: (i, 0)),
        out_shape=jax.ShapeDtypeStruct((n, H), jnp.float32),
    )(x, w, b.reshape(1, H))


def _combine_agents(h, s_c, s_m, d_c, d_m, ws1, wn1, b1, ws2, wn2, b2, pool):
    grid = (N_AGENT + BR - 1) // BR

    def body(h_ref, sc_ref, sm_ref, dc_ref, dm_ref, ws1_ref, wn1_ref, b1_ref,
             ws2_ref, wn2_ref, b2_ref, o_ref):
        hv = h_ref[...]
        dc = jnp.sum(dc_ref[...], axis=1, keepdims=True)
        dm = jnp.sum(dm_ref[...], axis=1, keepdims=True)
        mc = sc_ref[...] / jnp.maximum(dc, 1.0)
        mm = sm_ref[...] / jnp.maximum(dm, 1.0)
        a1 = jax.nn.gelu(jnp.dot(hv, ws1_ref[...],
                                 preferred_element_type=jnp.float32)
                         + jnp.dot(mc, wn1_ref[...],
                                   preferred_element_type=jnp.float32)
                         + b1_ref[...])
        a2 = jax.nn.gelu(jnp.dot(hv, ws2_ref[...],
                                 preferred_element_type=jnp.float32)
                         + jnp.dot(mm, wn2_ref[...],
                                   preferred_element_type=jnp.float32)
                         + b2_ref[...])
        o = jax.nn.gelu((a1 + a2) * 0.5)
        if pool:
            i = pl.program_id(0)
            row = i * BR + lax.broadcasted_iota(jnp.int32, (BR, 1), 0)
            om = jnp.where(row < N_AGENT, o, 0.0)

            @pl.when(i == 0)
            def _():
                o_ref[...] = jnp.zeros_like(o_ref)
            o_ref[...] += jnp.sum(om, axis=0, keepdims=True)
        else:
            o_ref[...] = o

    if pool:
        out_spec = pl.BlockSpec((1, H), lambda i: (0, 0))
        out_shape = jax.ShapeDtypeStruct((1, H), jnp.float32)
    else:
        out_spec = pl.BlockSpec((BR, H), lambda i: (i, 0))
        out_shape = jax.ShapeDtypeStruct((N_AGENT, H), jnp.float32)

    return pl.pallas_call(
        body,
        grid=(grid,),
        in_specs=[
            pl.BlockSpec((BR, H), lambda i: (i, 0)),
            pl.BlockSpec((BR, H), lambda i: (i, 0)),
            pl.BlockSpec((BR, H), lambda i: (i, 0)),
            pl.BlockSpec((BR, NC * NS), lambda i: (i, 0)),
            pl.BlockSpec((BR, NC * NS), lambda i: (i, 0)),
            pl.BlockSpec((H, H), lambda i: (0, 0)),
            pl.BlockSpec((H, H), lambda i: (0, 0)),
            pl.BlockSpec((1, H), lambda i: (0, 0)),
            pl.BlockSpec((H, H), lambda i: (0, 0)),
            pl.BlockSpec((H, H), lambda i: (0, 0)),
            pl.BlockSpec((1, H), lambda i: (0, 0)),
        ],
        out_specs=out_spec,
        out_shape=out_shape,
    )(h, s_c, s_m, d_c, d_m, ws1, wn1, b1.reshape(1, H), ws2, wn2,
      b2.reshape(1, H))


def _classifier(pooled_sum, wc1, bc1, wc2, bc2):
    def body(p_ref, w1_ref, b1_ref, w2_ref, b2_ref, o_ref):
        p = p_ref[...] * (1.0 / N_AGENT)
        hc = jnp.maximum(jnp.dot(p, w1_ref[...],
                                 preferred_element_type=jnp.float32)
                         + b1_ref[...], 0.0)
        o_ref[...] = (jnp.dot(hc, w2_ref[...],
                              preferred_element_type=jnp.float32)
                      + b2_ref[...])

    return pl.pallas_call(
        body,
        out_shape=jax.ShapeDtypeStruct((1, 8), jnp.float32),
    )(pooled_sum, wc1, bc1.reshape(1, -1), wc2, bc2.reshape(1, -1))



def kernel(agent_features, resource_features, collab_edges, comm_edges,
           uses_src, uses_dst, Wa, ba, Wr, br,
           l0_collab_Ws, l0_collab_Wn, l0_collab_b,
           l0_comm_Ws, l0_comm_Wn, l0_comm_b,
           l0_uses_Ws, l0_uses_Wn, l0_uses_b,
           l1_collab_Ws, l1_collab_Wn, l1_collab_b,
           l1_comm_Ws, l1_comm_Wn, l1_comm_b,
           l1_uses_Ws, l1_uses_Wn, l1_uses_b,
           Wc1, bc1, Wc2, bc2):
    cp, cd, share_c = _pad_edges(collab_edges[0], collab_edges[1])
    mp, md, share_m = _pad_edges(comm_edges[0], comm_edges[1])

    rels = ((share_c,), (share_m,))

    h_a = _adapter(agent_features, Wa, ba)

    degk = _build_deg_kernel(rels)
    d_c32, d_m32 = degk(cd, md)
    d_c = d_c32.T
    d_m = d_m32.T

    seg0 = _build_seg_kernel(rels)
    s_c0, s_m0 = seg0(h_a, cp, mp)

    h_a1 = _combine_agents(h_a, s_c0, s_m0, d_c, d_m,
                           l0_collab_Ws, l0_collab_Wn, l0_collab_b,
                           l0_comm_Ws, l0_comm_Wn, l0_comm_b, pool=False)

    s_c1, s_m1 = seg0(h_a1, cp, mp)

    pooled = _combine_agents(h_a1, s_c1, s_m1, d_c, d_m,
                             l1_collab_Ws, l1_collab_Wn, l1_collab_b,
                             l1_comm_Ws, l1_comm_Wn, l1_comm_b, pool=True)

    return _classifier(pooled, Wc1, bc1, Wc2, bc2)

# --- scband reference (transcript-rebuilt; emitter-appended) ---
"""Pipeline reference for scband-kuvahetero-gnn-40759239639547 (READ-ONLY COPY).

The authoritative reference and input builder live on the scoring server;
editing this copy changes nothing except your own understanding.
"""

import jax, jax.numpy as jnp
import numpy as np

N_AGENT = 50000
N_RES = 10000
E_COL = 250000
E_COM = 250000
E_USE = 100000
D_AG = 128
D_RS = 64
H = 128
C = 8


def _sage(h_src, h_dst, src, dst, n_dst, Ws, Wn, b):
    # DGL SAGEConv('mean'): fc_self(h_dst) + fc_neigh(mean_{src->dst} h_src), then gelu activation
    msgs = h_src[src]
    s = jax.ops.segment_sum(msgs, dst, num_segments=n_dst)
    deg = jax.ops.segment_sum(jnp.ones((src.shape[0], 1), h_src.dtype), dst, num_segments=n_dst)
    mean = s / jnp.maximum(deg, 1.0)
    return jax.nn.gelu(h_dst @ Ws + mean @ Wn + b)


def setup_inputs(seed: int = 0):
    key = jax.random.key(seed)
    k = lambda i: jax.random.fold_in(key, i)
    w = lambda i, shape: jax.random.normal(k(i), shape, jnp.float32) * 0.02
    inp = {}
    inp["agent_features"] = jax.random.normal(k(0), (N_AGENT, D_AG), jnp.float32)
    inp["resource_features"] = jax.random.normal(k(1), (N_RES, D_RS), jnp.float32)
    inp["collab_edges"] = jax.random.randint(k(2), (2, E_COL), 0, N_AGENT, jnp.int32)
    inp["comm_edges"] = jax.random.randint(k(3), (2, E_COM), 0, N_AGENT, jnp.int32)
    inp["uses_src"] = jax.random.randint(k(4), (E_USE,), 0, N_AGENT, jnp.int32)
    inp["uses_dst"] = jax.random.randint(k(5), (E_USE,), 0, N_RES, jnp.int32)
    inp["Wa"] = w(10, (D_AG, H))
    inp["ba"] = jnp.zeros((H,), jnp.float32)
    inp["Wr"] = w(11, (D_RS, H))
    inp["br"] = jnp.zeros((H,), jnp.float32)
    idx = 20
    for l in range(2):
        for rel in ["collab", "comm", "uses"]:
            inp[f"l{l}_{rel}_Ws"] = w(idx, (H, H)); idx += 1
            inp[f"l{l}_{rel}_Wn"] = w(idx, (H, H)); idx += 1
            inp[f"l{l}_{rel}_b"] = jnp.zeros((H,), jnp.float32)
    inp["Wc1"] = w(50, (H, 2 * H))
    inp["bc1"] = jnp.zeros((2 * H,), jnp.float32)
    inp["Wc2"] = w(51, (2 * H, C))
    inp["bc2"] = jnp.zeros((C,), jnp.float32)
    return inp


def reference(agent_features, resource_features, collab_edges, comm_edges, uses_src, uses_dst,
              Wa, ba, Wr, br,
              l0_collab_Ws, l0_collab_Wn, l0_collab_b,
              l0_comm_Ws, l0_comm_Wn, l0_comm_b,
              l0_uses_Ws, l0_uses_Wn, l0_uses_b,
              l1_collab_Ws, l1_collab_Wn, l1_collab_b,
              l1_comm_Ws, l1_comm_Wn, l1_comm_b,
              l1_uses_Ws, l1_uses_Wn, l1_uses_b,
              Wc1, bc1, Wc2, bc2):
    # type-specific adapters
    h_a = agent_features @ Wa + ba
    h_r = resource_features @ Wr + br
    layer_params = [
        (l0_collab_Ws, l0_collab_Wn, l0_collab_b, l0_comm_Ws, l0_comm_Wn, l0_comm_b, l0_uses_Ws, l0_uses_Wn, l0_uses_b),
        (l1_collab_Ws, l1_collab_Wn, l1_collab_b, l1_comm_Ws, l1_comm_Wn, l1_comm_b, l1_uses_Ws, l1_uses_Wn, l1_uses_b),
    ]
    for (cWs, cWn, cb, mWs, mWn, mb, uWs, uWn, ub) in layer_params:
        # relations: collaborates (agent->agent), communicates (agent->agent), uses (agent->resource)
        a1 = _sage(h_a, h_a, collab_edges[0], collab_edges[1], N_AGENT, cWs, cWn, cb)
        a2 = _sage(h_a, h_a, comm_edges[0], comm_edges[1], N_AGENT, mWs, mWn, mb)
        r1 = _sage(h_a, h_r, uses_src, uses_dst, N_RES, uWs, uWn, ub)
        # HeteroGraphConv aggregate='mean' across relations, then outer GELU from forward()
        h_a = jax.nn.gelu((a1 + a2) / 2.0)
        h_r = jax.nn.gelu(r1)
    # readout_nodes op='mean' over agent nodes (single graph -> batch of 1)
    pooled = jnp.mean(h_a, axis=0, keepdims=True)
    # classifier: Linear -> ReLU -> (dropout eval=identity) -> Linear
    h = jnp.maximum(pooled @ Wc1 + bc1, 0.0)
    return h @ Wc2 + bc2

if __name__ == "__main__":
    import jax
    _d = setup_inputs()
    print(jax.jit(kernel)(*tuple(_d.values())))

</pallas_src>

<mosaic_0001>
#map = affine_map<(d0, d1) -> (0, 0)>
#map1 = affine_map<(d0, d1) -> (0, 0, 0)>
module attributes {stable_mosaic.version = 14 : i64} {
  func.func @body(%arg0: i32, %arg1: i32, %arg2: memref<50000x128xf32, #tpu.memory_space<hbm>>, %arg3: memref<16x8x4096xi32, #tpu.memory_space<hbm>>, %arg4: memref<16x8x4096xi32, #tpu.memory_space<hbm>>, %arg5: memref<50176x128xf32, #tpu.memory_space<hbm>>, %arg6: memref<50176x128xf32, #tpu.memory_space<hbm>>, %arg7: memref<4096xi32, #tpu.memory_space<vmem>>, %arg8: memref<64x32xi32, #tpu.memory_space<vmem>>, %arg9: memref<64x32xi32, #tpu.memory_space<vmem>>, %arg10: memref<384x128xf32, #tpu.memory_space<vmem>>, %arg11: memref<64x128xf32, #tpu.memory_space<vmem>>, %arg12: memref<6288x128xf32, #tpu.memory_space<vmem_shared>>, %arg13: memref<12x!tpu.dma_semaphore, #tpu.memory_space<semaphore_mem>>) attributes {dimension_semantics = [#tpu.dimension_semantics<core_parallel>, #tpu.dimension_semantics<subcore_parallel>], iteration_bounds = array<i64: 2, 16>, scalar_prefetch = 0 : i64, scratch_operands = 7 : i64, tpu.core_type = #tpu.core_type<sc_vector_subcore>, window_params = [{transform_indices = #map}, {transform_indices = #map1}, {transform_indices = #map1}, {transform_indices = #map}, {transform_indices = #map}]} {
    %broadcast_in_dim3A = arith.constant 0.000000e+00 : f32
    %broadcast_in_dim3A_0 = vector.broadcast %broadcast_in_dim3A : f32 to vector<16xf32>
    %broadcast_in_dim3A_1 = arith.constant 6272 : i32
    %broadcast_in_dim3A_2 = vector.broadcast %broadcast_in_dim3A_1 : i32 to vector<16xi32>
    %broadcast_in_dim3A_3 = arith.constant 0 : i32
    %broadcast_in_dim3A_4 = vector.broadcast %broadcast_in_dim3A_3 : i32 to vector<16xi32>
    %scan3A = arith.constant 0 : i32
    %scan3A_5 = arith.constant 0 : i32
    %scan3A_6 = arith.constant 64 : i32
    %scan3A_7 = arith.addi %scan3A_5, %scan3A_6 : i32
    %scan3A_8 = arith.constant 1 : i32
    %scan3A_9 = scf.for %scan3A_25 = %scan3A_5 to %scan3A_7 step %scan3A_8 iter_args(%scan3A_26 = %scan3A) -> (i32)  : i32 {
      %swap3A = arith.index_cast %scan3A_25 : i32 to index
      %swap3A_27 = arith.constant 0 : index
      %swap3A_28 = tpu.vector_load %arg11[%swap3A, %swap3A_27] {strides = array<i32>} : memref<64x128xf32, #tpu.memory_space<vmem>>, vector<16xf32>,
      tpu.vector_store %arg11[%swap3A, %swap3A_27], %broadcast_in_dim3A_0 {strides = array<i32>} : memref<64x128xf32, #tpu.memory_space<vmem>>, vector<16xf32>,
      %swap3A_29 = arith.index_cast %scan3A_25 : i32 to index
      %swap3A_30 = arith.constant 16 : index
      %swap3A_31 = tpu.vector_load %arg11[%swap3A_29, %swap3A_30] {strides = array<i32>} : memref<64x128xf32, #tpu.memory_space<vmem>>, vector<16xf32>,
      tpu.vector_store %arg11[%swap3A_29, %swap3A_30], %broadcast_in_dim3A_0 {strides = array<i32>} : memref<64x128xf32, #tpu.memory_space<vmem>>, vector<16xf32>,
      %swap3A_32 = arith.index_cast %scan3A_25 : i32 to index
      %swap3A_33 = arith.constant 32 : index
      %swap3A_34 = tpu.vector_load %arg11[%swap3A_32, %swap3A_33] {strides = array<i32>} : memref<64x128xf32, #tpu.memory_space<vmem>>, vector<16xf32>,
      tpu.vector_store %arg11[%swap3A_32, %swap3A_33], %broadcast_in_dim3A_0 {strides = array<i32>} : memref<64x128xf32, #tpu.memory_space<vmem>>, vector<16xf32>,
      %swap3A_35 = arith.index_cast %scan3A_25 : i32 to index
      %swap3A_36 = arith.constant 48 : index
      %swap3A_37 = tpu.vector_load %arg11[%swap3A_35, %swap3A_36] {strides = array<i32>} : memref<64x128xf32, #tpu.memory_space<vmem>>, vector<16xf32>,
      tpu.vector_store %arg11[%swap3A_35, %swap3A_36], %broadcast_in_dim3A_0 {strides = array<i32>} : memref<64x128xf32, #tpu.memory_space<vmem>>, vector<16xf32>,
      %swap3A_38 = arith.index_cast %scan3A_25 : i32 to index
      %swap3A_39 = arith.constant 64 : index
      %swap3A_40 = tpu.vector_load %arg11[%swap3A_38, %swap3A_39] {strides = array<i32>} : memref<64x128xf32, #tpu.memory_space<vmem>>, vector<16xf32>,
      tpu.vector_store %arg11[%swap3A_38, %swap3A_39], %broadcast_in_dim3A_0 {strides = array<i32>} : memref<64x128xf32, #tpu.memory_space<vmem>>, vector<16xf32>,
      %swap3A_41 = arith.index_cast %scan3A_25 : i32 to index
      %swap3A_42 = arith.constant 80 : index
      %swap3A_43 = tpu.vector_load %arg11[%swap3A_41, %swap3A_42] {strides = array<i32>} : memref<64x128xf32, #tpu.memory_space<vmem>>, vector<16xf32>,
      tpu.vector_store %arg11[%swap3A_41, %swap3A_42], %broadcast_in_dim3A_0 {strides = array<i32>} : memref<64x128xf32, #tpu.memory_space<vmem>>, vector<16xf32>,
      %swap3A_44 = arith.index_cast %scan3A_25 : i32 to index
      %swap3A_45 = arith.constant 96 : index
      %swap3A_46 = tpu.vector_load %arg11[%swap3A_44, %swap3A_45] {strides = array<i32>} : memref<64x128xf32, #tpu.memory_space<vmem>>, vector<16xf32>,
      tpu.vector_store %arg11[%swap3A_44, %swap3A_45], %broadcast_in_dim3A_0 {strides = array<i32>} : memref<64x128xf32, #tpu.memory_space<vmem>>, vector<16xf32>,
      %swap3A_47 = arith.index_cast %scan3A_25 : i32 to index
      %swap3A_48 = arith.constant 112 : index
      %swap3A_49 = tpu.vector_load %arg11[%swap3A_47, %swap3A_48] {strides = array<i32>} : memref<64x128xf32, #tpu.memory_space<vmem>>, vector<16xf32>,
      tpu.vector_store %arg11[%swap3A_47, %swap3A_48], %broadcast_in_dim3A_0 {strides = array<i32>} : memref<64x128xf32, #tpu.memory_space<vmem>>, vector<16xf32>,
      %scan3A_50 = arith.constant 0 : i32
      scf.yield %scan3A_50 : i32
    }
    %scan3A_10 = arith.constant 64 : i32
    %scan3A_11 = arith.constant 0 : i32
    %scan3A_12 = arith.constant 0 : i32
    %scan3A_13 = arith.constant 4 : i32
    %scan3A_14 = arith.addi %scan3A_12, %scan3A_13 : i32
    %scan3A_15 = arith.constant 1 : i32
    %scan3A_16 = scf.for %scan3A_25 = %scan3A_12 to %scan3A_14 step %scan3A_15 iter_args(%scan3A_26 = %scan3A_11) -> (i32)  : i32 {
      %mul3A = arith.constant 2 : i32
      %mul3A_27 = arith.muli %scan3A_25, %mul3A : i32
      %add3A = arith.addi %mul3A_27, %arg0 : i32
      %mul3A_28 = arith.constant 6272 : i32
      %mul3A_29 = arith.muli %add3A, %mul3A_28 : i32
      %mul3A_30 = arith.constant 392 : i32
      %mul3A_31 = arith.muli %arg1, %mul3A_30 : i32
      %add3A_32 = arith.constant 0 : i32
      %add3A_33 = arith.addi %mul3A_31, %add3A_32 : i32
      %dma_start3A = arith.constant 0 : i32
      %dma_start3A_34 = arith.constant 0 : i32
      %dma_start3A_35 = arith.constant 0 : i32
      %dma_start3A_36 = tpu.memref_slice %arg11[%dma_start3A_34, %dma_start3A_35] : memref<64x128xf32, #tpu.memory_space<vmem>> -> memref<64x128xf32, #tpu.memory_space<vmem>>
      %dma_start3A_37 = arith.constant 0 : i32
      %dma_start3A_38 = tpu.memref_slice %arg12[%add3A_33, %dma_start3A_37] : memref<6288x128xf32, #tpu.memory_space<vmem_shared>> -> memref<64x128xf32, #tpu.memory_space<vmem_shared>>
      %dma_start3A_39 = tpu.memref_slice %arg13[%dma_start3A] : memref<12x!tpu.dma_semaphore, #tpu.memory_space<semaphore_mem>> -> memref<1x!tpu.dma_semaphore, #tpu.memory_space<semaphore_mem>>
      %dma_start3A_40 = tpu.memref_squeeze %dma_start3A_39 : memref<1x!tpu.dma_semaphore, #tpu.memory_space<semaphore_mem>> -> memref<!tpu.dma_semaphore, #tpu.memory_space<semaphore_mem>>
      %dma_start3A_41 = arith.constant 0 : i32
      %dma_start3A_42 = tpu.memref_slice %arg12[%add3A_33, %dma_start3A_41] : memref<6288x128xf32, #tpu.memory_space<vmem_shared>> -> memref<64x128xf32, #tpu.memory_space<vmem_shared>>
      %dma_start3A_43 = arith.constant 0 : i32
      %dma_start3A_44 = arith.constant 0 : i32
      %dma_start3A_45 = tpu.memref_slice %arg11[%dma_start3A_43, %dma_start3A_44] : memref<64x128xf32, #tpu.memory_space<vmem>> -> memref<64x128xf32, #tpu.memory_space<vmem>>
      tpu.enqueue_dma source(%dma_start3A_45 : memref<64x128xf32, #tpu.memory_space<vmem>>) target(%dma_start3A_42 : memref<64x128xf32, #tpu.memory_space<vmem_shared>>) target_semaphore(%dma_start3A_40 : memref<!tpu.dma_semaphore, #tpu.memory_space<semaphore_mem>>)
      %add3A_46 = arith.constant 64 : i32
      %add3A_47 = arith.addi %mul3A_31, %add3A_46 : i32
      %dma_start3A_48 = arith.constant 1 : i32
      %dma_start3A_49 = arith.constant 0 : i32
      %dma_start3A_50 = arith.constant 0 : i32
      %dma_start3A_51 = tpu.memref_slice %arg11[%dma_start3A_49, %dma_start3A_50] : memref<64x128xf32, #tpu.memory_space<vmem>> -> memref<64x128xf32, #tpu.memory_space<vmem>>
      %dma_start3A_52 = arith.constant 0 : i32
      %dma_start3A_53 = tpu.memref_slice %arg12[%add3A_47, %dma_start3A_52] : memref<6288x128xf32, #tpu.memory_space<vmem_shared>> -> memref<64x128xf32, #tpu.memory_space<vmem_shared>>
      %dma_start3A_54 = tpu.memref_slice %arg13[%dma_start3A_48] : memref<12x!tpu.dma_semaphore, #tpu.memory_space<semaphore_mem>> -> memref<1x!tpu.dma_semaphore, #tpu.memory_space<semaphore_mem>>
      %dma_start3A_55 = tpu.memref_squeeze %dma_start3A_54 : memref<1x!tpu.dma_semaphore, #tpu.memory_space<semaphore_mem>> -> memref<!tpu.dma_semaphore, #tpu.memory_space<semaphore_mem>>
      %dma_start3A_56 = arith.constant 0 : i32
      %dma_start3A_57 = tpu.memref_slice %arg12[%add3A_47, %dma_start3A_56] : memref<6288x128xf32, #tpu.memory_space<vmem_shared>> -> memref<64x128xf32, #tpu.memory_space<vmem_shared>>
      %dma_start3A_58 = arith.constant 0 : i32
      %dma_start3A_59 = arith.constant 0 : i32
      %dma_start3A_60 = tpu.memref_slice %arg11[%dma_start3A_58, %dma_start3A_59] : memref<64x128xf32, #tpu.memory_space<vmem>> -> memref<64x128xf32, #tpu.memory_space<vmem>>
      tpu.enqueue_dma source(%dma_start3A_60 : memref<64x128xf32, #tpu.memory_space<vmem>>) target(%dma_start3A_57 : memref<64x128xf32, #tpu.memory_space<vmem_shared>>) target_semaphore(%dma_start3A_55 : memref<!tpu.dma_semaphore, #tpu.memory_space<semaphore_mem>>)
      %add3A_61 = arith.constant 128 : i32
      %add3A_62 = arith.addi %mul3A_31, %add3A_61 : i32
      %dma_start3A_63 = arith.constant 2 : i32
      %dma_start3A_64 = arith.constant 0 : i32
      %dma_start3A_65 = arith.constant 0 : i32
      %dma_start3A_66 = tpu.memref_slice %arg11[%dma_start3A_64, %dma_start3A_65] : memref<64x128xf32, #tpu.memory_space<vmem>> -> memref<64x128xf32, #tpu.memory_space<vmem>>
      %dma_start3A_67 = arith.constant 0 : i32
      %dma_start3A_68 = tpu.memref_slice %arg12[%add3A_62, %dma_start3A_67] : memref<6288x128xf32, #tpu.memory_space<vmem_shared>> -> memref<64x128xf32, #tpu.memory_space<vmem_shared>>
      %dma_start3A_69 = tpu.memref_slice %arg13[%dma_start3A_63] : memref<12x!tpu.dma_semaphore, #tpu.memory_space<semaphore_mem>> -> memref<1x!tpu.dma_semaphore, #tpu.memory_space<semaphore_mem>>
      %dma_start3A_70 = tpu.memref_squeeze %dma_start3A_69 : memref<1x!tpu.dma_semaphore, #tpu.memory_space<semaphore_mem>> -> memref<!tpu.dma_semaphore, #tpu.memory_space<semaphore_mem>>
      %dma_start3A_71 = arith.constant 0 : i32
      %dma_start3A_72 = tpu.memref_slice %arg12[%add3A_62, %dma_start3A_71] : memref<6288x128xf32, #tpu.memory_space<vmem_shared>> -> memref<64x128xf32, #tpu.memory_space<vmem_shared>>
      %dma_start3A_73 = arith.constant 0 : i32
      %dma_start3A_74 = arith.constant 0 : i32
      %dma_start3A_75 = tpu.memref_slice %arg11[%dma_start3A_73, %dma_start3A_74] : memref<64x128xf32, #tpu.memory_space<vmem>> -> memref<64x128xf32, #tpu.memory_space<vmem>>
      tpu.enqueue_dma source(%dma_start3A_75 : memref<64x128xf32, #tpu.memory_space<vmem>>) target(%dma_start3A_72 : memref<64x128xf32, #tpu.memory_space<vmem_shared>>) target_semaphore(%dma_start3A_70 : memref<!tpu.dma_semaphore, #tpu.memory_space<semaphore_mem>>)
      %add3A_76 = arith.constant 192 : i32
      %add3A_77 = arith.addi %mul3A_31, %add3A_76 : i32
      %dma_start3A_78 = arith.constant 3 : i32
      %dma_start3A_79 = arith.constant 0 : i32
      %dma_start3A_80 = arith.constant 0 : i32
      %dma_start3A_81 = tpu.memref_slice %arg11[%dma_start3A_79, %dma_start3A_80] : memref<64x128xf32, #tpu.memory_space<vmem>> -> memref<64x128xf32, #tpu.memory_space<vmem>>
      %dma_start3A_82 = arith.constant 0 : i32
      %dma_start3A_83 = tpu.memref_slice %arg12[%add3A_77, %dma_start3A_82] : memref<6288x128xf32, #tpu.memory_space<vmem_shared>> -> memref<64x128xf32, #tpu.memory_space<vmem_shared>>
      %dma_start3A_84 = tpu.memref_slice %arg13[%dma_start3A_78] : memref<12x!tpu.dma_semaphore, #tpu.memory_space<semaphore_mem>> -> memref<1x!tpu.dma_semaphore, #tpu.memory_space<semaphore_mem>>
      %dma_start3A_85 = tpu.memref_squeeze %dma_start3A_84 : memref<1x!tpu.dma_semaphore, #tpu.memory_space<semaphore_mem>> -> memref<!tpu.dma_semaphore, #tpu.memory_space<semaphore_mem>>
      %dma_start3A_86 = arith.constant 0 : i32
      %dma_start3A_87 = tpu.memref_slice %arg12[%add3A_77, %dma_start3A_86] : memref<6288x128xf32, #tpu.memory_space<vmem_shared>> -> memref<64x128xf32, #tpu.memory_space<vmem_shared>>
      %dma_start3A_88 = arith.constant 0 : i32
      %dma_start3A_89 = arith.constant 0 : i32
      %dma_start3A_90 = tpu.memref_slice %arg11[%dma_start3A_88, %dma_start3A_89] : memref<64x128xf32, #tpu.memory_space<vmem>> -> memref<64x128xf32, #tpu.memory_space<vmem>>
      tpu.enqueue_dma source(%dma_start3A_90 : memref<64x128xf32, #tpu.memory_space<vmem>>) target(%dma_start3A_87 : memref<64x128xf32, #tpu.memory_space<vmem_shared>>) target_semaphore(%dma_start3A_85 : memref<!tpu.dma_semaphore, #tpu.memory_space<semaphore_mem>>)
      %add3A_91 = arith.constant 256 : i32
      %add3A_92 = arith.addi %mul3A_31, %add3A_91 : i32
      %dma_start3A_93 = arith.constant 4 : i32
      %dma_start3A_94 = arith.constant 0 : i32
      %dma_start3A_95 = arith.constant 0 : i32
      %dma_start3A_96 = tpu.memref_slice %arg11[%dma_start3A_94, %dma_start3A_95] : memref<64x128xf32, #tpu.memory_space<vmem>> -> memref<64x128xf32, #tpu.memory_space<vmem>>
      %dma_start3A_97 = arith.constant 0 : i32
      %dma_start3A_98 = tpu.memref_slice %arg12[%add3A_92, %dma_start3A_97] : memref<6288x128xf32, #tpu.memory_space<vmem_shared>> -> memref<64x128xf32, #tpu.memory_space<vmem_shared>>
      %dma_start3A_99 = tpu.memref_slice %arg13[%dma_start3A_93] : memref<12x!tpu.dma_semaphore, #tpu.memory_space<semaphore_mem>> -> memref<1x!tpu.dma_semaphore, #tpu.memory_space<semaphore_mem>>
      %dma_start3A_100 = tpu.memref_squeeze %dma_start3A_99 : memref<1x!tpu.dma_semaphore, #tpu.memory_space<semaphore_mem>> -> memref<!tpu.dma_semaphore, #tpu.memory_space<semaphore_mem>>
      %dma_start3A_101 = arith.constant 0 : i32
      %dma_start3A_102 = tpu.memref_slice %arg12[%add3A_92, %dma_start3A_101] : memref<6288x128xf32, #tpu.memory_space<vmem_shared>> -> memref<64x128xf32, #tpu.memory_space<vmem_shared>>
      %dma_start3A_103 = arith.constant 0 : i32
      %dma_start3A_104 = arith.constant 0 : i32
      %dma_start3A_105 = tpu.memref_slice %arg11[%dma_start3A_103, %dma_start3A_104] : memref<64x128xf32, #tpu.memory_space<vmem>> -> memref<64x128xf32, #tpu.memory_space<vmem>>
      tpu.enqueue_dma source(%dma_start3A_105 : memref<64x128xf32, #tpu.memory_space<vmem>>) target(%dma_start3A_102 : memref<64x128xf32, #tpu.memory_space<vmem_shared>>) target_semaphore(%dma_start3A_100 : memref<!tpu.dma_semaphore, #tpu.memory_space<semaphore_mem>>)
      %add3A_106 = arith.constant 320 : i32
      %add3A_107 = arith.addi %mul3A_31, %add3A_106 : i32
      %dma_start3A_108 = arith.constant 5 : i32
      %dma_start3A_109 = arith.constant 0 : i32
      %dma_start3A_110 = arith.constant 0 : i32
      %dma_start3A_111 = tpu.memref_slice %arg11[%dma_start3A_109, %dma_start3A_110] : memref<64x128xf32, #tpu.memory_space<vmem>> -> memref<64x128xf32, #tpu.memory_space<vmem>>
      %dma_start3A_112 = arith.constant 0 : i32
      %dma_start3A_113 = tpu.memref_slice %arg12[%add3A_107, %dma_start3A_112] : memref<6288x128xf32, #tpu.memory_space<vmem_shared>> -> memref<64x128xf32, #tpu.memory_space<vmem_shared>>
      %dma_start3A_114 = tpu.memref_slice %arg13[%dma_start3A_108] : memref<12x!tpu.dma_semaphore, #tpu.memory_space<semaphore_mem>> -> memref<1x!tpu.dma_semaphore, #tpu.memory_space<semaphore_mem>>
      %dma_start3A_115 = tpu.memref_squeeze %dma_start3A_114 : memref<1x!tpu.dma_semaphore, #tpu.memory_space<semaphore_mem>> -> memref<!tpu.dma_semaphore, #tpu.memory_space<semaphore_mem>>
      %dma_start3A_116 = arith.constant 0 : i32
      %dma_start3A_117 = tpu.memref_slice %arg12[%add3A_107, %dma_start3A_116] : memref<6288x128xf32, #tpu.memory_space<vmem_shared>> -> memref<64x128xf32, #tpu.memory_space<vmem_shared>>
      %dma_start3A_118 = arith.constant 0 : i32
      %dma_start3A_119 = arith.constant 0 : i32
      %dma_start3A_120 = tpu.memref_slice %arg11[%dma_start3A_118, %dma_start3A_119] : memref<64x128xf32, #tpu.memory_space<vmem>> -> memref<64x128xf32, #tpu.memory_space<vmem>>
      tpu.enqueue_dma source(%dma_start3A_120 : memref<64x128xf32, #tpu.memory_space<vmem>>) target(%dma_start3A_117 : memref<64x128xf32, #tpu.memory_space<vmem_shared>>) target_semaphore(%dma_start3A_115 : memref<!tpu.dma_semaphore, #tpu.memory_space<semaphore_mem>>)
      %add3A_121 = arith.constant 384 : i32
      %add3A_122 = arith.addi %mul3A_31, %add3A_121 : i32
      %dma_start3A_123 = arith.constant 6 : i32
      %dma_start3A_124 = arith.constant 0 : i32
      %dma_start3A_125 = arith.constant 0 : i32
      %dma_start3A_126 = tpu.memref_slice %arg11[%dma_start3A_124, %dma_start3A_125] : memref<64x128xf32, #tpu.memory_space<vmem>> -> memref<8x128xf32, #tpu.memory_space<vmem>>
      %dma_start3A_127 = arith.constant 0 : i32
      %dma_start3A_128 = tpu.memref_slice %arg12[%add3A_122, %dma_start3A_127] : memref<6288x128xf32, #tpu.memory_space<vmem_shared>> -> memref<8x128xf32, #tpu.memory_space<vmem_shared>>
      %dma_start3A_129 = tpu.memref_slice %arg13[%dma_start3A_123] : memref<12x!tpu.dma_semaphore, #tpu.memory_space<semaphore_mem>> -> memref<1x!tpu.dma_semaphore, #tpu.memory_space<semaphore_mem>>
      %dma_start3A_130 = tpu.memref_squeeze %dma_start3A_129 : memref<1x!tpu.dma_semaphore, #tpu.memory_space<semaphore_mem>> -> memref<!tpu.dma_semaphore, #tpu.memory_space<semaphore_mem>>
      %dma_start3A_131 = arith.constant 0 : i32
      %dma_start3A_132 = tpu.memref_slice %arg12[%add3A_122, %dma_start3A_131] : memref<6288x128xf32, #tpu.memory_space<vmem_shared>> -> memref<8x128xf32, #tpu.memory_space<vmem_shared>>
      %dma_start3A_133 = arith.constant 0 : i32
      %dma_start3A_134 = arith.constant 0 : i32
      %dma_start3A_135 = tpu.memref_slice %arg11[%dma_start3A_133, %dma_start3A_134] : memref<64x128xf32, #tpu.memory_space<vmem>> -> memref<8x128xf32, #tpu.memory_space<vmem>>
      tpu.enqueue_dma source(%dma_start3A_135 : memref<8x128xf32, #tpu.memory_space<vmem>>) target(%dma_start3A_132 : memref<8x128xf32, #tpu.memory_space<vmem_shared>>) target_semaphore(%dma_start3A_130 : memref<!tpu.dma_semaphore, #tpu.memory_space<semaphore_mem>>)
      %add3A_136 = arith.constant 0 : i32
      %add3A_137 = arith.addi %mul3A_31, %add3A_136 : i32
      %dma_wait3A = arith.constant 0 : i32
      %dma_wait3A_138 = arith.constant 0 : i32
      %dma_wait3A_139 = arith.constant 0 : i32
      %dma_wait3A_140 = tpu.memref_slice %arg11[%dma_wait3A_138, %dma_wait3A_139] : memref<64x128xf32, #tpu.memory_space<vmem>> -> memref<64x128xf32, #tpu.memory_space<vmem>>
      %dma_wait3A_141 = arith.constant 0 : i32
      %dma_wait3A_142 = tpu.memref_slice %arg12[%add3A_137, %dma_wait3A_141] : memref<6288x128xf32, #tpu.memory_space<vmem_shared>> -> memref<64x128xf32, #tpu.memory_space<vmem_shared>>
      %dma_wait3A_143 = tpu.memref_slice %arg13[%dma_wait3A] : memref<12x!tpu.dma_semaphore, #tpu.memory_space<semaphore_mem>> -> memref<1x!tpu.dma_semaphore, #tpu.memory_space<semaphore_mem>>
      %dma_wait3A_144 = tpu.memref_squeeze %dma_wait3A_143 : memref<1x!tpu.dma_semaphore, #tpu.memory_space<semaphore_mem>> -> memref<!tpu.dma_semaphore, #tpu.memory_space<semaphore_mem>>
      %dma_wait3A_145 = arith.constant 0 : i32
      %dma_wait3A_146 = tpu.memref_slice %arg12[%add3A_137, %dma_wait3A_145] : memref<6288x128xf32, #tpu.memory_space<vmem_shared>> -> memref<64x128xf32, #tpu.memory_space<vmem_shared>>
      %dma_wait3A_147 = arith.constant 0 : i32
      %dma_wait3A_148 = arith.constant 0 : i32
      %dma_wait3A_149 = tpu.memref_slice %arg11[%dma_wait3A_147, %dma_wait3A_148] : memref<64x128xf32, #tpu.memory_space<vmem>> -> memref<64x128xf32, #tpu.memory_space<vmem>>
      tpu.wait_dma2 semaphore(%dma_wait3A_144 : memref<!tpu.dma_semaphore, #tpu.memory_space<semaphore_mem>>) src(%dma_wait3A_149 : memref<64x128xf32, #tpu.memory_space<vmem>>) dst(%dma_wait3A_146 : memref<64x128xf32, #tpu.memory_space<vmem_shared>>)
      %add3A_150 = arith.constant 64 : i32
      %add3A_151 = arith.addi %mul3A_31, %add3A_150 : i32
      %dma_wait3A_152 = arith.constant 1 : i32
      %dma_wait3A_153 = arith.constant 0 : i32
      %dma_wait3A_154 = arith.constant 0 : i32
      %dma_wait3A_155 = tpu.memref_slice %arg11[%dma_wait3A_153, %dma_wait3A_154] : memref<64x128xf32, #tpu.memory_space<vmem>> -> memref<64x128xf32, #tpu.memory_space<vmem>>
      %dma_wait3A_156 = arith.constant 0 : i32
      %dma_wait3A_157 = tpu.memref_slice %arg12[%add3A_151, %dma_wait3A_156] : memref<6288x128xf32, #tpu.memory_space<vmem_shared>> -> memref<64x128xf32, #tpu.memory_space<vmem_shared>>
      %dma_wait3A_158 = tpu.memref_slice %arg13[%dma_wait3A_152] : memref<12x!tpu.dma_semaphore, #tpu.memory_space<semaphore_mem>> -> memref<1x!tpu.dma_semaphore, #tpu.memory_space<semaphore_mem>>
      %dma_wait3A_159 = tpu.memref_squeeze %dma_wait3A_158 : memref<1x!tpu.dma_semaphore, #tpu.memory_space<semaphore_mem>> -> memref<!tpu.dma_semaphore, #tpu.memory_space<semaphore_mem>>
      %dma_wait3A_160 = arith.constant 0 : i32
      %dma_wait3A_161 = tpu.memref_slice %arg12[%add3A_151, %dma_wait3A_160] : memref<6288x128xf32, #tpu.memory_space<vmem_shared>> -> memref<64x128xf32, #tpu.memory_space<vmem_shared>>
      %dma_wait3A_162 = arith.constant 0 : i32
      %dma_wait3A_163 = arith.constant 0 : i32
      %dma_wait3A_164 = tpu.memref_slice %arg11[%dma_wait3A_162, %dma_wait3A_163] : memref<64x128xf32, #tpu.memory_space<vmem>> -> memref<64x128xf32, #tpu.memory_space<vmem>>
      tpu.wait_dma2 semaphore(%dma_wait3A_159 : memref<!tpu.dma_semaphore, #tpu.memory_space<semaphore_mem>>) src(%dma_wait3A_164 : memref<64x128xf32, #tpu.memory_space<vmem>>) dst(%dma_wait3A_161 : memref<64x128xf32, #tpu.memory_space<vmem_shared>>)
      %add3A_165 = arith.constant 128 : i32
      %add3A_166 = arith.addi %mul3A_31, %add3A_165 : i32
      %dma_wait3A_167 = arith.constant 2 : i32
      %dma_wait3A_168 = arith.constant 0 : i32
      %dma_wait3A_169 = arith.constant 0 : i32
      %dma_wait3A_170 = tpu.memref_slice %arg11[%dma_wait3A_168, %dma_wait3A_169] : memref<64x128xf32, #tpu.memory_space<vmem>> -> memref<64x128xf32, #tpu.memory_space<vmem>>
      %dma_wait3A_171 = arith.constant 0 : i32
      %dma_wait3A_172 = tpu.memref_slice %arg12[%add3A_166, %dma_wait3A_171] : memref<6288x128xf32, #tpu.memory_space<vmem_shared>> -> memref<64x128xf32, #tpu.memory_space<vmem_shared>>
      %dma_wait3A_173 = tpu.memref_slice %arg13[%dma_wait3A_167] : memref<12x!tpu.dma_semaphore, #tpu.memory_space<semaphore_mem>> -> memref<1x!tpu.dma_semaphore, #tpu.memory_space<semaphore_mem>>
      %dma_wait3A_174 = tpu.memref_squeeze %dma_wait3A_173 : memref<1x!tpu.dma_semaphore, #tpu.memory_space<semaphore_mem>> -> memref<!tpu.dma_semaphore, #tpu.memory_space<semaphore_mem>>
      %dma_wait3A_175 = arith.constant 0 : i32
      %dma_wait3A_176 = tpu.memref_slice %arg12[%add3A_166, %dma_wait3A_175] : memref<6288x128xf32, #tpu.memory_space<vmem_shared>> -> memref<64x128xf32, #tpu.memory_space<vmem_shared>>
      %dma_wait3A_177 = arith.constant 0 : i32
      %dma_wait3A_178 = arith.constant 0 : i32
      %dma_wait3A_179 = tpu.memref_slice %arg11[%dma_wait3A_177, %dma_wait3A_178] : memref<64x128xf32, #tpu.memory_space<vmem>> -> memref<64x128xf32, #tpu.memory_space<vmem>>
      tpu.wait_dma2 semaphore(%dma_wait3A_174 : memref<!tpu.dma_semaphore, #tpu.memory_space<semaphore_mem>>) src(%dma_wait3A_179 : memref<64x128xf32, #tpu.memory_space<vmem>>) dst(%dma_wait3A_176 : memref<64x128xf32, #tpu.memory_space<vmem_shared>>)
      %add3A_180 = arith.constant 192 : i32
      %add3A_181 = arith.addi %mul3A_31, %add3A_180 : i32
      %dma_wait3A_182 = arith.constant 3 : i32
      %dma_wait3A_183 = arith.constant 0 : i32
      %dma_wait3A_184 = arith.constant 0 : i32
      %dma_wait3A_185 = tpu.memref_slice %arg11[%dma_wait3A_183, %dma_wait3A_184] : memref<64x128xf32, #tpu.memory_space<vmem>> -> memref<64x128xf32, #tpu.memory_space<vmem>>
      %dma_wait3A_186 = arith.constant 0 : i32
      %dma_wait3A_187 = tpu.memref_slice %arg12[%add3A_181, %dma_wait3A_186] : memref<6288x128xf32, #tpu.memory_space<vmem_shared>> -> memref<64x128xf32, #tpu.memory_space<vmem_shared>>
      %dma_wait3A_188 = tpu.memref_slice %arg13[%dma_wait3A_182] : memref<12x!tpu.dma_semaphore, #tpu.memory_space<semaphore_mem>> -> memref<1x!tpu.dma_semaphore, #tpu.memory_space<semaphore_mem>>
      %dma_wait3A_189 = tpu.memref_squeeze %dma_wait3A_188 : memref<1x!tpu.dma_semaphore, #tpu.memory_space<semaphore_mem>> -> memref<!tpu.dma_semaphore, #tpu.memory_space<semaphore_mem>>
      %dma_wait3A_190 = arith.constant 0 : i32
      %dma_wait3A_191 = tpu.memref_slice %arg12[%add3A_181, %dma_wait3A_190] : memref<6288x128xf32, #tpu.memory_space<vmem_shared>> -> memref<64x128xf32, #tpu.memory_space<vmem_shared>>
      %dma_wait3A_192 = arith.constant 0 : i32
      %dma_wait3A_193 = arith.constant 0 : i32
      %dma_wait3A_194 = tpu.memref_slice %arg11[%dma_wait3A_192, %dma_wait3A_193] : memref<64x128xf32, #tpu.memory_space<vmem>> -> memref<64x128xf32, #tpu.memory_space<vmem>>
      tpu.wait_dma2 semaphore(%dma_wait3A_189 : memref<!tpu.dma_semaphore, #tpu.memory_space<semaphore_mem>>) src(%dma_wait3A_194 : memref<64x128xf32, #tpu.memory_space<vmem>>) dst(%dma_wait3A_191 : memref<64x128xf32, #tpu.memory_space<vmem_shared>>)
      %add3A_195 = arith.constant 256 : i32
      %add3A_196 = arith.addi %mul3A_31, %add3A_195 : i32
      %dma_wait3A_197 = arith.constant 4 : i32
      %dma_wait3A_198 = arith.constant 0 : i32
      %dma_wait3A_199 = arith.constant 0 : i32
      %dma_wait3A_200 = tpu.memref_slice %arg11[%dma_wait3A_198, %dma_wait3A_199] : memref<64x128xf32, #tpu.memory_space<vmem>> -> memref<64x128xf32, #tpu.memory_space<vmem>>
      %dma_wait3A_201 = arith.constant 0 : i32
      %dma_wait3A_202 = tpu.memref_slice %arg12[%add3A_196, %dma_wait3A_201] : memref<6288x128xf32, #tpu.memory_space<vmem_shared>> -> memref<64x128xf32, #tpu.memory_space<vmem_shared>>
      %dma_wait3A_203 = tpu.memref_slice %arg13[%dma_wait3A_197] : memref<12x!tpu.dma_semaphore, #tpu.memory_space<semaphore_mem>> -> memref<1x!tpu.dma_semaphore, #tpu.memory_space<semaphore_mem>>
      %dma_wait3A_204 = tpu.memref_squeeze %dma_wait3A_203 : memref<1x!tpu.dma_semaphore, #tpu.memory_space<semaphore_mem>> -> memref<!tpu.dma_semaphore, #tpu.memory_space<semaphore_mem>>
      %dma_wait3A_205 = arith.constant 0 : i32
      %dma_wait3A_206 = tpu.memref_slice %arg12[%add3A_196, %dma_wait3A_205] : memref<6288x128xf32, #tpu.memory_space<vmem_shared>> -> memref<64x128xf32, #tpu.memory_space<vmem_shared>>
      %dma_wait3A_207 = arith.constant 0 : i32
      %dma_wait3A_208 = arith.constant 0 : i32
      %dma_wait3A_209 = tpu.memref_slice %arg11[%dma_wait3A_207, %dma_wait3A_208] : memref<64x128xf32, #tpu.memory_space<vmem>> -> memref<64x128xf32, #tpu.memory_space<vmem>>
      tpu.wait_dma2 semaphore(%dma_wait3A_204 : memref<!tpu.dma_semaphore, #tpu.memory_space<semaphore_mem>>) src(%dma_wait3A_209 : memref<64x128xf32, #tpu.memory_space<vmem>>) dst(%dma_wait3A_206 : memref<64x128xf32, #tpu.memory_space<vmem_shared>>)
      %add3A_210 = arith.constant 320 : i32
      %add3A_211 = arith.addi %mul3A_31, %add3A_210 : i32
      %dma_wait3A_212 = arith.constant 5 : i32
      %dma_wait3A_213 = arith.constant 0 : i32
      %dma_wait3A_214 = arith.constant 0 : i32
      %dma_wait3A_215 = tpu.memref_slice %arg11[%dma_wait3A_213, %dma_wait3A_214] : memref<64x128xf32, #tpu.memory_space<vmem>> -> memref<64x128xf32, #tpu.memory_space<vmem>>
      %dma_wait3A_216 = arith.constant 0 : i32
      %dma_wait3A_217 = tpu.memref_slice %arg12[%add3A_211, %dma_wait3A_216] : memref<6288x128xf32, #tpu.memory_space<vmem_shared>> -> memref<64x128xf32, #tpu.memory_space<vmem_shared>>
      %dma_wait3A_218 = tpu.memref_slice %arg13[%dma_wait3A_212] : memref<12x!tpu.dma_semaphore, #tpu.memory_space<semaphore_mem>> -> memref<1x!tpu.dma_semaphore, #tpu.memory_space<semaphore_mem>>
      %dma_wait3A_219 = tpu.memref_squeeze %dma_wait3A_218 : memref<1x!tpu.dma_semaphore, #tpu.memory_space<semaphore_mem>> -> memref<!tpu.dma_semaphore, #tpu.memory_space<semaphore_mem>>
      %dma_wait3A_220 = arith.constant 0 : i32
      %dma_wait3A_221 = tpu.memref_slice %arg12[%add3A_211, %dma_wait3A_220] : memref<6288x128xf32, #tpu.memory_space<vmem_shared>> -> memref<64x128xf32, #tpu.memory_space<vmem_shared>>
      %dma_wait3A_222 = arith.constant 0 : i32
      %dma_wait3A_223 = arith.constant 0 : i32
      %dma_wait3A_224 = tpu.memref_slice %arg11[%dma_wait3A_222, %dma_wait3A_223] : memref<64x128xf32, #tpu.memory_space<vmem>> -> memref<64x128xf32, #tpu.memory_space<vmem>>
      tpu.wait_dma2 semaphore(%dma_wait3A_219 : memref<!tpu.dma_semaphore, #tpu.memory_space<semaphore_mem>>) src(%dma_wait3A_224 : memref<64x128xf32, #tpu.memory_space<vmem>>) dst(%dma_wait3A_221 : memref<64x128xf32, #tpu.memory_space<vmem_shared>>)
      %add3A_225 = arith.constant 384 : i32
      %add3A_226 = arith.addi %mul3A_31, %add3A_225 : i32
      %dma_wait3A_227 = arith.constant 6 : i32
      %dma_wait3A_228 = arith.constant 0 : i32
      %dma_wait3A_229 = arith.constant 0 : i32
      %dma_wait3A_230 = tpu.memref_slice %arg11[%dma_wait3A_228, %dma_wait3A_229] : memref<64x128xf32, #tpu.memory_space<vmem>> -> memref<8x128xf32, #tpu.memory_space<vmem>>
      %dma_wait3A_231 = arith.constant 0 : i32
      %dma_wait3A_232 = tpu.memref_slice %arg12[%add3A_226, %dma_wait3A_231] : memref<6288x128xf32, #tpu.memory_space<vmem_shared>> -> memref<8x128xf32, #tpu.memory_space<vmem_shared>>
      %dma_wait3A_233 = tpu.memref_slice %arg13[%dma_wait3A_227] : memref<12x!tpu.dma_semaphore, #tpu.memory_space<semaphore_mem>> -> memref<1x!tpu.dma_semaphore, #tpu.memory_space<semaphore_mem>>
      %dma_wait3A_234 = tpu.memref_squeeze %dma_wait3A_233 : memref<1x!tpu.dma_semaphore, #tpu.memory_space<semaphore_mem>> -> memref<!tpu.dma_semaphore, #tpu.memory_space<semaphore_mem>>
      %dma_wait3A_235 = arith.constant 0 : i32
      %dma_wait3A_236 = tpu.memref_slice %arg12[%add3A_226, %dma_wait3A_235] : memref<6288x128xf32, #tpu.memory_space<vmem_shared>> -> memref<8x128xf32, #tpu.memory_space<vmem_shared>>
      %dma_wait3A_237 = arith.constant 0 : i32
      %dma_wait3A_238 = arith.constant 0 : i32
      %dma_wait3A_239 = tpu.memref_slice %arg11[%dma_wait3A_237, %dma_wait3A_238] : memref<64x128xf32, #tpu.memory_space<vmem>> -> memref<8x128xf32, #tpu.memory_space<vmem>>
      tpu.wait_dma2 semaphore(%dma_wait3A_234 : memref<!tpu.dma_semaphore, #tpu.memory_space<semaphore_mem>>) src(%dma_wait3A_239 : memref<8x128xf32, #tpu.memory_space<vmem>>) dst(%dma_wait3A_236 : memref<8x128xf32, #tpu.memory_space<vmem_shared>>)
      %barrier3A = arith.constant 0 : index
      tpu.barrier barrier_id(%barrier3A)
      %scan3A_240 = arith.constant 0 : i32
      %scan3A_241 = arith.constant 0 : i32
      %scan3A_242 = arith.constant 8 : i32
      %scan3A_243 = arith.addi %scan3A_241, %scan3A_242 : i32
      %scan3A_244 = arith.constant 1 : i32
      %scan3A_245 = scf.for %scan3A_418 = %scan3A_241 to %scan3A_243 step %scan3A_244 iter_args(%scan3A_419 = %scan3A_240) -> (i32)  : i32 {
        "tpu.region"() ({
          %run_scoped3A = tpu.sem_alloc : memref<!tpu.dma_semaphore, #tpu.memory_space<semaphore_mem>>
          %dma_start3A_468 = arith.constant 0 : i32
          %dma_start3A_469 = tpu.memref_slice %arg3[%arg1, %scan3A_418, %dma_start3A_468] : memref<16x8x4096xi32, #tpu.memory_space<hbm>> -> memref<1x1x4096xi32, #tpu.memory_space<hbm>>
          %dma_start3A_470 = tpu.memref_squeeze %dma_start3A_469 : memref<1x1x4096xi32, #tpu.memory_space<hbm>> -> memref<4096xi32, #tpu.memory_space<hbm>>
          %dma_start3A_471 = arith.constant 0 : i32
          %dma_start3A_472 = tpu.memref_slice %arg3[%arg1, %scan3A_418, %dma_start3A_471] : memref<16x8x4096xi32, #tpu.memory_space<hbm>> -> memref<1x1x4096xi32, #tpu.memory_space<hbm>>
          %dma_start3A_473 = tpu.memref_squeeze %dma_start3A_472 : memref<1x1x4096xi32, #tpu.memory_space<hbm>> -> memref<4096xi32, #tpu.memory_space<hbm>>
          tpu.enqueue_dma source(%dma_start3A_473 : memref<4096xi32, #tpu.memory_space<hbm>>) target(%arg7 : memref<4096xi32, #tpu.memory_space<vmem>>) target_semaphore(%run_scoped3A : memref<!tpu.dma_semaphore, #tpu.memory_space<semaphore_mem>>)
          %dma_wait3A_474 = arith.constant 0 : i32
          %dma_wait3A_475 = tpu.memref_slice %arg3[%arg1, %scan3A_418, %dma_wait3A_474] : memref<16x8x4096xi32, #tpu.memory_space<hbm>> -> memref<1x1x4096xi32, #tpu.memory_space<hbm>>
          %dma_wait3A_476 = tpu.memref_squeeze %dma_wait3A_475 : memref<1x1x4096xi32, #tpu.memory_space<hbm>> -> memref<4096xi32, #tpu.memory_space<hbm>>
          %dma_wait3A_477 = arith.constant 0 : i32
          %dma_wait3A_478 = tpu.memref_slice %arg3[%arg1, %scan3A_418, %dma_wait3A_477] : memref<16x8x4096xi32, #tpu.memory_space<hbm>> -> memref<1x1x4096xi32, #tpu.memory_space<hbm>>
          %dma_wait3A_479 = tpu.memref_squeeze %dma_wait3A_478 : memref<1x1x4096xi32, #tpu.memory_space<hbm>> -> memref<4096xi32, #tpu.memory_space<hbm>>
          tpu.wait_dma2 semaphore(%run_scoped3A : memref<!tpu.dma_semaphore, #tpu.memory_space<semaphore_mem>>) src(%dma_wait3A_479 : memref<4096xi32, #tpu.memory_space<hbm>>) dst(%arg7 : memref<4096xi32, #tpu.memory_space<vmem>>)
          tpu.yield
        }) : () -> ()
        %scan3A_420 = arith.constant 0 : i32
        %scan3A_421 = arith.constant 0 : i32
        %scan3A_422 = arith.constant 64 : i32
        %scan3A_423 = arith.addi %scan3A_421, %scan3A_422 : i32
        %scan3A_424 = arith.constant 1 : i32
        %scan3A_425 = scf.for %scan3A_468 = %scan3A_421 to %scan3A_423 step %scan3A_424 iter_args(%scan3A_469 = %scan3A_420) -> (i32)  : i32 {
          %swap3A = arith.index_cast %scan3A_468 : i32 to index
          %swap3A_470 = arith.constant 0 : index
          %swap3A_471 = tpu.vector_load %arg8[%swap3A, %swap3A_470] {strides = array<i32>} : memref<64x32xi32, #tpu.memory_space<vmem>>, vector<16xi32>,
          tpu.vector_store %arg8[%swap3A, %swap3A_470], %broadcast_in_dim3A_4 {strides = array<i32>} : memref<64x32xi32, #tpu.memory_space<vmem>>, vector<16xi32>,
          %swap3A_472 = arith.index_cast %scan3A_468 : i32 to index
          %swap3A_473 = arith.constant 0 : index
          %swap3A_474 = tpu.vector_load %arg9[%swap3A_472, %swap3A_473] {strides = array<i32>} : memref<64x32xi32, #tpu.memory_space<vmem>>, vector<16xi32>,
          tpu.vector_store %arg9[%swap3A_472, %swap3A_473], %broadcast_in_dim3A_2 {strides = array<i32>} : memref<64x32xi32, #tpu.memory_space<vmem>>, vector<16xi32>,
          %swap3A_475 = arith.index_cast %scan3A_468 : i32 to index
          %swap3A_476 = arith.constant 16 : index
          %swap3A_477 = tpu.vector_load %arg8[%swap3A_475, %swap3A_476] {strides = array<i32>} : memref<64x32xi32, #tpu.memory_space<vmem>>, vector<16xi32>,
          tpu.vector_store %arg8[%swap3A_475, %swap3A_476], %broadcast_in_dim3A_4 {strides = array<i32>} : memref<64x32xi32, #tpu.memory_space<vmem>>, vector<16xi32>,
          %swap3A_478 = arith.index_cast %scan3A_468 : i32 to index
          %swap3A_479 = arith.constant 16 : index
          %swap3A_480 = tpu.vector_load %arg9[%swap3A_478, %swap3A_479] {strides = array<i32>} : memref<64x32xi32, #tpu.memory_space<vmem>>, vector<16xi32>,
          tpu.vector_store %arg9[%swap3A_478, %swap3A_479], %broadcast_in_dim3A_2 {strides = array<i32>} : memref<64x32xi32, #tpu.memory_space<vmem>>, vector<16xi32>,
          %scan3A_481 = arith.constant 0 : i32
          scf.yield %scan3A_481 : i32
        }
        %scan3A_426 = arith.constant 64 : i32
        %scan3A_427 = arith.constant 0 : i32
        %scan3A_428 = arith.constant 0 : i32
        %scan3A_429 = arith.constant 128 : i32
        %scan3A_430 = arith.addi %scan3A_428, %scan3A_429 : i32
        %scan3A_431 = arith.constant 1 : i32
        %scan3A_432 = scf.for %scan3A_468 = %scan3A_428 to %scan3A_430 step %scan3A_431 iter_args(%scan3A_469 = %scan3A_427) -> (i32)  : i32 {
          %mul3A_470 = arith.constant 16 : i32
          %mul3A_471 = arith.muli %scan3A_468, %mul3A_470 : i32
          %add3A_472 = arith.constant 2048 : i32
          %add3A_473 = arith.addi %add3A_472, %mul3A_471 : i32
          %get3A = arith.index_cast %add3A_473 : i32 to index
          %get3A_474 = tpu.vector_load %arg7[%get3A] {strides = array<i32>} : memref<4096xi32, #tpu.memory_space<vmem>>, vector<16xi32>,
          %ge3A = vector.broadcast %mul3A_29 : i32 to vector<16xi32>
          %ge3A_475 = arith.cmpi sge, %get3A_474, %ge3A : vector<16xi32>
          %add3A_476 = arith.constant 6272 : i32
          %add3A_477 = arith.addi %mul3A_29, %add3A_476 : i32
          %lt3A = vector.broadcast %add3A_477 : i32 to vector<16xi32>
          %lt3A_478 = arith.cmpi slt, %get3A_474, %lt3A : vector<16xi32>
          %and3A_479 = arith.andi %ge3A_475, %lt3A_478 : vector<16xi1>
          %mul3A_480 = arith.constant 16 : i32
          %mul3A_481 = arith.muli %scan3A_468, %mul3A_480 : i32
          %get3A_482 = arith.index_cast %mul3A_481 : i32 to index
          %get3A_483 = tpu.vector_load %arg7[%get3A_482] {strides = array<i32>} : memref<4096xi32, #tpu.memory_space<vmem>>, vector<16xi32>,
          %jit3A_484 = arith.constant 1 : i32
          %jit3A_485 = arith.constant 0 : i32
          %broadcast_in_dim3A_486 = vector.broadcast %jit3A_484 : i32 to vector<16xi32>
          %broadcast_in_dim3A_487 = vector.broadcast %jit3A_485 : i32 to vector<16xi32>
          %select_n3A_488 = arith.select %and3A_479, %broadcast_in_dim3A_486, %broadcast_in_dim3A_487 : vector<16xi1>, vector<16xi32>
          %broadcast_in_dim3A_489 = arith.constant true
          %broadcast_in_dim3A_490 = vector.broadcast %broadcast_in_dim3A_489 : i1 to vector<16xi1>
          %masked_cumsum3A = tpu.scan <sum>, %select_n3A_488 masked %broadcast_in_dim3A_490 : vector<16xi32>, vector<16xi1> -> vector<16xi32>
          %add3A_491 = vector.broadcast %scan3A_469 : i32 to vector<16xi32>
          %add3A_492 = arith.addi %add3A_491, %masked_cumsum3A : vector<16xi32>
          %sub3A_493 = arith.constant 1 : i32
          %sub3A_494 = vector.broadcast %sub3A_493 : i32 to vector<16xi32>
          %sub3A_495 = arith.subi %add3A_492, %sub3A_494 : vector<16xi32>
          %jit3A_496 = arith.constant 32 : i32
          %div3A_497 = vector.broadcast %jit3A_496 : i32 to vector<16xi32>
          %div3A_498 = arith.divsi %sub3A_495, %div3A_497 : vector<16xi32>
          %sign3A_499 = arith.constant 0 : i32
          %sign3A_500 = vector.broadcast %sign3A_499 : i32 to vector<16xi32>
          %sign3A_501 = arith.cmpi sgt, %sub3A_495, %sign3A_500 : vector<16xi32>
          %sign3A_502 = arith.extui %sign3A_501 : vector<16xi1> to vector<16xi32>
          %sign3A_503 = arith.constant 0 : i32
          %sign3A_504 = vector.broadcast %sign3A_503 : i32 to vector<16xi32>
          %sign3A_505 = arith.cmpi slt, %sub3A_495, %sign3A_504 : vector<16xi32>
          %sign3A_506 = arith.extui %sign3A_505 : vector<16xi1> to vector<16xi32>
          %sign3A_507 = arith.subi %sign3A_502, %sign3A_506 : vector<16xi32>
          %sign3A_508 = arith.constant 0 : i32
          %sign3A_509 = arith.cmpi sgt, %jit3A_496, %sign3A_508 : i32
          %sign3A_510 = arith.extui %sign3A_509 : i1 to i32
          %sign3A_511 = arith.constant 0 : i32
          %sign3A_512 = arith.cmpi slt, %jit3A_496, %sign3A_511 : i32
          %sign3A_513 = arith.extui %sign3A_512 : i1 to i32
          %sign3A_514 = arith.subi %sign3A_510, %sign3A_513 : i32
          %ne3A_515 = vector.broadcast %sign3A_514 : i32 to vector<16xi32>
          %ne3A_516 = arith.cmpi ne, %sign3A_507, %ne3A_515 : vector<16xi32>
          %rem3A_517 = vector.broadcast %jit3A_496 : i32 to vector<16xi32>
          %rem3A_518 = arith.remsi %sub3A_495, %rem3A_517 : vector<16xi32>
          %ne3A_519 = arith.constant 0 : i32
          %ne3A_520 = vector.broadcast %ne3A_519 : i32 to vector<16xi32>
          %ne3A_521 = arith.cmpi ne, %rem3A_518, %ne3A_520 : vector<16xi32>
          %and3A_522 = arith.andi %ne3A_516, %ne3A_521 : vector<16xi1>
          %sub3A_523 = arith.constant 1 : i32
          %sub3A_524 = vector.broadcast %sub3A_523 : i32 to vector<16xi32>
          %sub3A_525 = arith.subi %div3A_498, %sub3A_524 : vector<16xi32>
          %select_n3A_526 = arith.select %and3A_522, %sub3A_525, %div3A_498 : vector<16xi1>, vector<16xi32>
          %jit3A_527 = arith.constant 32 : i32
          %eq3A = arith.constant 0 : i32
          %eq3A_528 = arith.cmpi eq, %jit3A_527, %eq3A : i32
          %jit3A_529 = arith.constant 1 : i32
          %select_n3A_530 = arith.select %eq3A_528, %jit3A_529, %jit3A_527 : i32
          %rem3A_531 = vector.broadcast %select_n3A_530 : i32 to vector<16xi32>
          %rem3A_532 = arith.remsi %sub3A_495, %rem3A_531 : vector<16xi32>
          %ne3A_533 = arith.constant 0 : i32
          %ne3A_534 = vector.broadcast %ne3A_533 : i32 to vector<16xi32>
          %ne3A_535 = arith.cmpi ne, %rem3A_532, %ne3A_534 : vector<16xi32>
          %lt3A_536 = arith.constant 0 : i32
          %lt3A_537 = vector.broadcast %lt3A_536 : i32 to vector<16xi32>
          %lt3A_538 = arith.cmpi slt, %rem3A_532, %lt3A_537 : vector<16xi32>
          %lt3A_539 = arith.constant 0 : i32
          %lt3A_540 = arith.cmpi slt, %select_n3A_530, %lt3A_539 : i32
          %ne3A_541 = vector.broadcast %lt3A_540 : i1 to vector<16xi1>
          %ne3A_542 = vector.broadcast %ne3A_541 : vector<16xi1> to vector<16xi1>
          %ne3A_543 = arith.xori %lt3A_538, %ne3A_542 : vector<16xi1>
          %and3A_544 = arith.andi %ne3A_543, %ne3A_535 : vector<16xi1>
          %add3A_545 = vector.broadcast %select_n3A_530 : i32 to vector<16xi32>
          %add3A_546 = arith.addi %rem3A_532, %add3A_545 : vector<16xi32>
          %select_n3A_547 = arith.select %and3A_544, %add3A_546, %rem3A_532 : vector<16xi1>, vector<16xi32>
          tpu.vector_store_idx %arg8[%select_n3A_526, %select_n3A_547], %get3A_483 masked %and3A_479 : memref<64x32xi32, #tpu.memory_space<vmem>>[vector<16xi32>, vector<16xi32>], vector<16xi32>, vector<16xi1>
          %sub3A_548 = vector.broadcast %mul3A_29 : i32 to vector<16xi32>
          %sub3A_549 = arith.subi %get3A_474, %sub3A_548 : vector<16xi32>
          %jit3A_550 = arith.constant 6272 : i32
          %broadcast_in_dim3A_551 = vector.broadcast %jit3A_550 : i32 to vector<16xi32>
          %select_n3A_552 = arith.select %and3A_479, %sub3A_549, %broadcast_in_dim3A_551 : vector<16xi1>, vector<16xi32>
          %jit3A_553 = arith.constant 32 : i32
          %div3A_554 = vector.broadcast %jit3A_553 : i32 to vector<16xi32>
          %div3A_555 = arith.divsi %sub3A_495, %div3A_554 : vector<16xi32>
          %sign3A_556 = arith.constant 0 : i32
          %sign3A_557 = vector.broadcast %sign3A_556 : i32 to vector<16xi32>
          %sign3A_558 = arith.cmpi sgt, %sub3A_495, %sign3A_557 : vector<16xi32>
          %sign3A_559 = arith.extui %sign3A_558 : vector<16xi1> to vector<16xi32>
          %sign3A_560 = arith.constant 0 : i32
          %sign3A_561 = vector.broadcast %sign3A_560 : i32 to vector<16xi32>
          %sign3A_562 = arith.cmpi slt, %sub3A_495, %sign3A_561 : vector<16xi32>
          %sign3A_563 = arith.extui %sign3A_562 : vector<16xi1> to vector<16xi32>
          %sign3A_564 = arith.subi %sign3A_559, %sign3A_563 : vector<16xi32>
          %sign3A_565 = arith.constant 0 : i32
          %sign3A_566 = arith.cmpi sgt, %jit3A_553, %sign3A_565 : i32
          %sign3A_567 = arith.extui %sign3A_566 : i1 to i32
          %sign3A_568 = arith.constant 0 : i32
          %sign3A_569 = arith.cmpi slt, %jit3A_553, %sign3A_568 : i32
          %sign3A_570 = arith.extui %sign3A_569 : i1 to i32
          %sign3A_571 = arith.subi %sign3A_567, %sign3A_570 : i32
          %ne3A_572 = vector.broadcast %sign3A_571 : i32 to vector<16xi32>
          %ne3A_573 = arith.cmpi ne, %sign3A_564, %ne3A_572 : vector<16xi32>
          %rem3A_574 = vector.broadcast %jit3A_553 : i32 to vector<16xi32>
          %rem3A_575 = arith.remsi %sub3A_495, %rem3A_574 : vector<16xi32>
          %ne3A_576 = arith.constant 0 : i32
          %ne3A_577 = vector.broadcast %ne3A_576 : i32 to vector<16xi32>
          %ne3A_578 = arith.cmpi ne, %rem3A_575, %ne3A_577 : vector<16xi32>
          %and3A_579 = arith.andi %ne3A_573, %ne3A_578 : vector<16xi1>
          %sub3A_580 = arith.constant 1 : i32
          %sub3A_581 = vector.broadcast %sub3A_580 : i32 to vector<16xi32>
          %sub3A_582 = arith.subi %div3A_555, %sub3A_581 : vector<16xi32>
          %select_n3A_583 = arith.select %and3A_579, %sub3A_582, %div3A_555 : vector<16xi1>, vector<16xi32>
          %jit3A_584 = arith.constant 32 : i32
          %eq3A_585 = arith.constant 0 : i32
          %eq3A_586 = arith.cmpi eq, %jit3A_584, %eq3A_585 : i32
          %jit3A_587 = arith.constant 1 : i32
          %select_n3A_588 = arith.select %eq3A_586, %jit3A_587, %jit3A_584 : i32
          %rem3A_589 = vector.broadcast %select_n3A_588 : i32 to vector<16xi32>
          %rem3A_590 = arith.remsi %sub3A_495, %rem3A_589 : vector<16xi32>
          %ne3A_591 = arith.constant 0 : i32
          %ne3A_592 = vector.broadcast %ne3A_591 : i32 to vector<16xi32>
          %ne3A_593 = arith.cmpi ne, %rem3A_590, %ne3A_592 : vector<16xi32>
          %lt3A_594 = arith.constant 0 : i32
          %lt3A_595 = vector.broadcast %lt3A_594 : i32 to vector<16xi32>
          %lt3A_596 = arith.cmpi slt, %rem3A_590, %lt3A_595 : vector<16xi32>
          %lt3A_597 = arith.constant 0 : i32
          %lt3A_598 = arith.cmpi slt, %select_n3A_588, %lt3A_597 : i32
          %ne3A_599 = vector.broadcast %lt3A_598 : i1 to vector<16xi1>
          %ne3A_600 = vector.broadcast %ne3A_599 : vector<16xi1> to vector<16xi1>
          %ne3A_601 = arith.xori %lt3A_596, %ne3A_600 : vector<16xi1>
          %and3A_602 = arith.andi %ne3A_601, %ne3A_593 : vector<16xi1>
          %add3A_603 = vector.broadcast %select_n3A_588 : i32 to vector<16xi32>
          %add3A_604 = arith.addi %rem3A_590, %add3A_603 : vector<16xi32>
          %select_n3A_605 = arith.select %and3A_602, %add3A_604, %rem3A_590 : vector<16xi1>, vector<16xi32>
          tpu.vector_store_idx %arg9[%select_n3A_583, %select_n3A_605], %select_n3A_552 masked %and3A_479 : memref<64x32xi32, #tpu.memory_space<vmem>>[vector<16xi32>, vector<16xi32>], vector<16xi32>, vector<16xi1>
          %reduce_sum3A = arith.constant true
          %reduce_sum3A_606 = vector.broadcast %reduce_sum3A : i1 to vector<16xi1>
          %reduce_sum3A_607 = tpu.scan <sum>, %select_n3A_488 masked %reduce_sum3A_606 : vector<16xi32>, vector<16xi1> -> vector<16xi32>
          %reduce_sum3A_608 = vector.extract %reduce_sum3A_607[15] : i32 from vector<16xi32>
          %add3A_609 = arith.addi %scan3A_469, %reduce_sum3A_608 : i32
          scf.yield %add3A_609 : i32
        }
        %scan3A_433 = arith.constant 128 : i32
        %add3A_434 = arith.constant 32 : i32
        %add3A_435 = arith.addi %scan3A_432, %add3A_434 : i32
        %sub3A = arith.constant 1 : i32
        %sub3A_436 = arith.subi %add3A_435, %sub3A : i32
        %jit3A = arith.constant 32 : i32
        %div3A = arith.divsi %sub3A_436, %jit3A : i32
        %sign3A = arith.constant 0 : i32
        %sign3A_437 = arith.cmpi sgt, %sub3A_436, %sign3A : i32
        %sign3A_438 = arith.extui %sign3A_437 : i1 to i32
        %sign3A_439 = arith.constant 0 : i32
        %sign3A_440 = arith.cmpi slt, %sub3A_436, %sign3A_439 : i32
        %sign3A_441 = arith.extui %sign3A_440 : i1 to i32
        %sign3A_442 = arith.subi %sign3A_438, %sign3A_441 : i32
        %sign3A_443 = arith.constant 0 : i32
        %sign3A_444 = arith.cmpi sgt, %jit3A, %sign3A_443 : i32
        %sign3A_445 = arith.extui %sign3A_444 : i1 to i32
        %sign3A_446 = arith.constant 0 : i32
        %sign3A_447 = arith.cmpi slt, %jit3A, %sign3A_446 : i32
        %sign3A_448 = arith.extui %sign3A_447 : i1 to i32
        %sign3A_449 = arith.subi %sign3A_445, %sign3A_448 : i32
        %ne3A = arith.cmpi ne, %sign3A_442, %sign3A_449 : i32
        %rem3A = arith.remsi %sub3A_436, %jit3A : i32
        %ne3A_450 = arith.constant 0 : i32
        %ne3A_451 = arith.cmpi ne, %rem3A, %ne3A_450 : i32
        %and3A = arith.andi %ne3A, %ne3A_451 : i1
        %sub3A_452 = arith.constant 1 : i32
        %sub3A_453 = arith.subi %div3A, %sub3A_452 : i32
        %select_n3A = arith.select %and3A, %sub3A_453, %div3A : i32
        %add3A_454 = arith.constant 12 : i32
        %add3A_455 = arith.addi %select_n3A, %add3A_454 : i32
        %while3A = arith.constant 0 : i32
        %while3A_456 = arith.constant 0 : i32
        %while3A_457 = arith.subi %add3A_455, %while3A : i32
        %while3A_458 = arith.addi %while3A, %while3A_457 : i32
        %while3A_459 = arith.constant 1 : i32
        %while3A_460 = arith.divsi %while3A_457, %while3A_459 : i32
        %while3A_461 = arith.muli %while3A_460, %while3A_459 : i32
        %while3A_462 = arith.addi %while3A, %while3A_461 : i32
        %while3A_463 = arith.constant 1 : i32
        %while3A_464 = scf.for %while3A_468 = %while3A to %while3A_462 step %while3A_463 iter_args(%while3A_469 = %while3A_456) -> (i32)  : i32 {
          %rem3A_470 = arith.constant 12 : i32
          %rem3A_471 = arith.remsi %while3A_468, %rem3A_470 : i32
          %mul3A_472 = arith.constant 32 : i32
          %mul3A_473 = arith.muli %rem3A_471, %mul3A_472 : i32
          %ge3A = arith.constant 12 : i32
          %ge3A_474 = arith.cmpi sge, %while3A_468, %ge3A : i32
          %convert_element_type3A = arith.extui %ge3A_474 : i1 to i32
          %cond3A = arith.constant 0 : i32
          %cond3A_475 = arith.cmpi ne, %convert_element_type3A, %cond3A : i32
          scf.if %cond3A_475 {
            %sub3A_480 = arith.constant 12 : i32
            %sub3A_481 = arith.subi %while3A_468, %sub3A_480 : i32
            %dma_wait3A_482 = arith.constant 0 : i32
            %dma_wait3A_483 = tpu.memref_slice %arg10[%mul3A_473, %dma_wait3A_482] : memref<384x128xf32, #tpu.memory_space<vmem>> -> memref<32x128xf32, #tpu.memory_space<vmem>>
            %dma_wait3A_484 = arith.constant 0 : i32
            %dma_wait3A_485 = tpu.memref_slice %arg8[%sub3A_481, %dma_wait3A_484] : memref<64x32xi32, #tpu.memory_space<vmem>> -> memref<1x32xi32, #tpu.memory_space<vmem>>
            %dma_wait3A_486 = tpu.memref_squeeze %dma_wait3A_485 : memref<1x32xi32, #tpu.memory_space<vmem>> -> memref<32xi32, #tpu.memory_space<vmem>>
            %dma_wait3A_487 = arith.constant 0 : i32
            %dma_wait3A_488 = arith.constant 0 : i32
            %dma_wait3A_489 = tpu.memref_slice %arg2[%dma_wait3A_487, %dma_wait3A_488] : memref<50000x128xf32, #tpu.memory_space<hbm>> -> memref<50000x128xf32, #tpu.memory_space<hbm>>
            %dma_wait3A_490 = tpu.memref_slice %arg13[%rem3A_471] : memref<12x!tpu.dma_semaphore, #tpu.memory_space<semaphore_mem>> -> memref<1x!tpu.dma_semaphore, #tpu.memory_space<semaphore_mem>>
            %dma_wait3A_491 = tpu.memref_squeeze %dma_wait3A_490 : memref<1x!tpu.dma_semaphore, #tpu.memory_space<semaphore_mem>> -> memref<!tpu.dma_semaphore, #tpu.memory_space<semaphore_mem>>
            tpu.wait_indirect_dma semaphore(%dma_wait3A_491 : memref<!tpu.dma_semaphore, #tpu.memory_space<semaphore_mem>>) src(%dma_wait3A_489 : memref<50000x128xf32, #tpu.memory_space<hbm>>) dst(%dma_wait3A_483 : memref<32x128xf32, #tpu.memory_space<vmem>>)
            %sub3A_492 = arith.constant 12 : i32
            %sub3A_493 = arith.subi %while3A_468, %sub3A_492 : i32
            "tpu.region"() ({
              %run_scoped3A = tpu.sem_alloc : memref<!tpu.dma_semaphore, #tpu.memory_space<semaphore_mem>>
              %dma_start3A_494 = arith.constant 0 : i32
              %dma_start3A_495 = tpu.memref_slice %arg10[%mul3A_473, %dma_start3A_494] : memref<384x128xf32, #tpu.memory_space<vmem>> -> memref<32x128xf32, #tpu.memory_space<vmem>>
              %dma_start3A_496 = arith.constant 0 : i32
              %dma_start3A_497 = tpu.memref_slice %arg9[%sub3A_493, %dma_start3A_496] : memref<64x32xi32, #tpu.memory_space<vmem>> -> memref<1x32xi32, #tpu.memory_space<vmem>>
              %dma_start3A_498 = tpu.memref_squeeze %dma_start3A_497 : memref<1x32xi32, #tpu.memory_space<vmem>> -> memref<32xi32, #tpu.memory_space<vmem>>
              %dma_start3A_499 = arith.constant 0 : i32
              %dma_start3A_500 = arith.constant 0 : i32
              %dma_start3A_501 = tpu.memref_slice %arg12[%dma_start3A_499, %dma_start3A_500] : memref<6288x128xf32, #tpu.memory_space<vmem_shared>> -> memref<6288x128xf32, #tpu.memory_space<vmem_shared>>
              tpu.enqueue_indirect_dma source(%dma_start3A_495 : memref<32x128xf32, #tpu.memory_space<vmem>>) target(%dma_start3A_501 : memref<6288x128xf32, #tpu.memory_space<vmem_shared>>) offsets(%dma_start3A_498 : memref<32xi32, #tpu.memory_space<vmem>>) semaphore(%run_scoped3A : memref<!tpu.dma_semaphore, #tpu.memory_space<semaphore_mem>>) {add = true}
              %dma_wait3A_502 = arith.constant 0 : i32
              %dma_wait3A_503 = tpu.memref_slice %arg10[%mul3A_473, %dma_wait3A_502] : memref<384x128xf32, #tpu.memory_space<vmem>> -> memref<32x128xf32, #tpu.memory_space<vmem>>
              %dma_wait3A_504 = arith.constant 0 : i32
              %dma_wait3A_505 = tpu.memref_slice %arg9[%sub3A_493, %dma_wait3A_504] : memref<64x32xi32, #tpu.memory_space<vmem>> -> memref<1x32xi32, #tpu.memory_space<vmem>>
              %dma_wait3A_506 = tpu.memref_squeeze %dma_wait3A_505 : memref<1x32xi32, #tpu.memory_space<vmem>> -> memref<32xi32, #tpu.memory_space<vmem>>
              %dma_wait3A_507 = arith.constant 0 : i32
              %dma_wait3A_508 = arith.constant 0 : i32
              %dma_wait3A_509 = tpu.memref_slice %arg12[%dma_wait3A_507, %dma_wait3A_508] : memref<6288x128xf32, #tpu.memory_space<vmem_shared>> -> memref<6288x128xf32, #tpu.memory_space<vmem_shared>>
              tpu.wait_indirect_dma semaphore(%run_scoped3A : memref<!tpu.dma_semaphore, #tpu.memory_space<semaphore_mem>>) src(%dma_wait3A_503 : memref<32x128xf32, #tpu.memory_space<vmem>>) dst(%dma_wait3A_509 : memref<6288x128xf32, #tpu.memory_space<vmem_shared>>)
              tpu.yield
            }) : () -> ()
          } else {
          }
          %lt3A = arith.cmpi slt, %while3A_468, %select_n3A : i32
          %convert_element_type3A_476 = arith.extui %lt3A : i1 to i32
          %cond3A_477 = arith.constant 0 : i32
          %cond3A_478 = arith.cmpi ne, %convert_element_type3A_476, %cond3A_477 : i32
          scf.if %cond3A_478 {
            %dma_start3A_480 = arith.constant 0 : i32
            %dma_start3A_481 = tpu.memref_slice %arg10[%mul3A_473, %dma_start3A_480] : memref<384x128xf32, #tpu.memory_space<vmem>> -> memref<32x128xf32, #tpu.memory_space<vmem>>
            %dma_start3A_482 = arith.constant 0 : i32
            %dma_start3A_483 = tpu.memref_slice %arg8[%while3A_468, %dma_start3A_482] : memref<64x32xi32, #tpu.memory_space<vmem>> -> memref<1x32xi32, #tpu.memory_space<vmem>>
            %dma_start3A_484 = tpu.memref_squeeze %dma_start3A_483 : memref<1x32xi32, #tpu.memory_space<vmem>> -> memref<32xi32, #tpu.memory_space<vmem>>
            %dma_start3A_485 = arith.constant 0 : i32
            %dma_start3A_486 = arith.constant 0 : i32
            %dma_start3A_487 = tpu.memref_slice %arg2[%dma_start3A_485, %dma_start3A_486] : memref<50000x128xf32, #tpu.memory_space<hbm>> -> memref<50000x128xf32, #tpu.memory_space<hbm>>
            %dma_start3A_488 = tpu.memref_slice %arg13[%rem3A_471] : memref<12x!tpu.dma_semaphore, #tpu.memory_space<semaphore_mem>> -> memref<1x!tpu.dma_semaphore, #tpu.memory_space<semaphore_mem>>
            %dma_start3A_489 = tpu.memref_squeeze %dma_start3A_488 : memref<1x!tpu.dma_semaphore, #tpu.memory_space<semaphore_mem>> -> memref<!tpu.dma_semaphore, #tpu.memory_space<semaphore_mem>>
            tpu.enqueue_indirect_dma source(%dma_start3A_487 : memref<50000x128xf32, #tpu.memory_space<hbm>>) target(%dma_start3A_481 : memref<32x128xf32, #tpu.memory_space<vmem>>) offsets(%dma_start3A_484 : memref<32xi32, #tpu.memory_space<vmem>>) semaphore(%dma_start3A_489 : memref<!tpu.dma_semaphore, #tpu.memory_space<semaphore_mem>>)
          } else {
          }
          %while3A_479 = arith.constant 0 : i32
          scf.yield %while3A_479 : i32
        }
        %while3A_465 = arith.constant 1 : i32
        %while3A_466 = scf.for %while3A_468 = %while3A_462 to %while3A_458 step %while3A_465 iter_args(%while3A_469 = %while3A_464) -> (i32)  : i32 {
          %rem3A_470 = arith.constant 12 : i32
          %rem3A_471 = arith.remsi %while3A_468, %rem3A_470 : i32
          %mul3A_472 = arith.constant 32 : i32
          %mul3A_473 = arith.muli %rem3A_471, %mul3A_472 : i32
          %ge3A = arith.constant 12 : i32
          %ge3A_474 = arith.cmpi sge, %while3A_468, %ge3A : i32
          %convert_element_type3A = arith.extui %ge3A_474 : i1 to i32
          %cond3A = arith.constant 0 : i32
          %cond3A_475 = arith.cmpi ne, %convert_element_type3A, %cond3A : i32
          scf.if %cond3A_475 {
            %sub3A_480 = arith.constant 12 : i32
            %sub3A_481 = arith.subi %while3A_468, %sub3A_480 : i32
            %dma_wait3A_482 = arith.constant 0 : i32
            %dma_wait3A_483 = tpu.memref_slice %arg10[%mul3A_473, %dma_wait3A_482] : memref<384x128xf32, #tpu.memory_space<vmem>> -> memref<32x128xf32, #tpu.memory_space<vmem>>
            %dma_wait3A_484 = arith.constant 0 : i32
            %dma_wait3A_485 = tpu.memref_slice %arg8[%sub3A_481, %dma_wait3A_484] : memref<64x32xi32, #tpu.memory_space<vmem>> -> memref<1x32xi32, #tpu.memory_space<vmem>>
            %dma_wait3A_486 = tpu.memref_squeeze %dma_wait3A_485 : memref<1x32xi32, #tpu.memory_space<vmem>> -> memref<32xi32, #tpu.memory_space<vmem>>
            %dma_wait3A_487 = arith.constant 0 : i32
            %dma_wait3A_488 = arith.constant 0 : i32
            %dma_wait3A_489 = tpu.memref_slice %arg2[%dma_wait3A_487, %dma_wait3A_488] : memref<50000x128xf32, #tpu.memory_space<hbm>> -> memref<50000x128xf32, #tpu.memory_space<hbm>>
            %dma_wait3A_490 = tpu.memref_slice %arg13[%rem3A_471] : memref<12x!tpu.dma_semaphore, #tpu.memory_space<semaphore_mem>> -> memref<1x!tpu.dma_semaphore, #tpu.memory_space<semaphore_mem>>
            %dma_wait3A_491 = tpu.memref_squeeze %dma_wait3A_490 : memref<1x!tpu.dma_semaphore, #tpu.memory_space<semaphore_mem>> -> memref<!tpu.dma_semaphore, #tpu.memory_space<semaphore_mem>>
            tpu.wait_indirect_dma semaphore(%dma_wait3A_491 : memref<!tpu.dma_semaphore, #tpu.memory_space<semaphore_mem>>) src(%dma_wait3A_489 : memref<50000x128xf32, #tpu.memory_space<hbm>>) dst(%dma_wait3A_483 : memref<32x128xf32, #tpu.memory_space<vmem>>)
            %sub3A_492 = arith.constant 12 : i32
            %sub3A_493 = arith.subi %while3A_468, %sub3A_492 : i32
            "tpu.region"() ({
              %run_scoped3A = tpu.sem_alloc : memref<!tpu.dma_semaphore, #tpu.memory_space<semaphore_mem>>
              %dma_start3A_494 = arith.constant 0 : i32
              %dma_start3A_495 = tpu.memref_slice %arg10[%mul3A_473, %dma_start3A_494] : memref<384x128xf32, #tpu.memory_space<vmem>> -> memref<32x128xf32, #tpu.memory_space<vmem>>
              %dma_start3A_496 = arith.constant 0 : i32
              %dma_start3A_497 = tpu.memref_slice %arg9[%sub3A_493, %dma_start3A_496] : memref<64x32xi32, #tpu.memory_space<vmem>> -> memref<1x32xi32, #tpu.memory_space<vmem>>
              %dma_start3A_498 = tpu.memref_squeeze %dma_start3A_497 : memref<1x32xi32, #tpu.memory_space<vmem>> -> memref<32xi32, #tpu.memory_space<vmem>>
              %dma_start3A_499 = arith.constant 0 : i32
              %dma_start3A_500 = arith.constant 0 : i32
              %dma_start3A_501 = tpu.memref_slice %arg12[%dma_start3A_499, %dma_start3A_500] : memref<6288x128xf32, #tpu.memory_space<vmem_shared>> -> memref<6288x128xf32, #tpu.memory_space<vmem_shared>>
              tpu.enqueue_indirect_dma source(%dma_start3A_495 : memref<32x128xf32, #tpu.memory_space<vmem>>) target(%dma_start3A_501 : memref<6288x128xf32, #tpu.memory_space<vmem_shared>>) offsets(%dma_start3A_498 : memref<32xi32, #tpu.memory_space<vmem>>) semaphore(%run_scoped3A : memref<!tpu.dma_semaphore, #tpu.memory_space<semaphore_mem>>) {add = true}
              %dma_wait3A_502 = arith.constant 0 : i32
              %dma_wait3A_503 = tpu.memref_slice %arg10[%mul3A_473, %dma_wait3A_502] : memref<384x128xf32, #tpu.memory_space<vmem>> -> memref<32x128xf32, #tpu.memory_space<vmem>>
              %dma_wait3A_504 = arith.constant 0 : i32
              %dma_wait3A_505 = tpu.memref_slice %arg9[%sub3A_493, %dma_wait3A_504] : memref<64x32xi32, #tpu.memory_space<vmem>> -> memref<1x32xi32, #tpu.memory_space<vmem>>
              %dma_wait3A_506 = tpu.memref_squeeze %dma_wait3A_505 : memref<1x32xi32, #tpu.memory_space<vmem>> -> memref<32xi32, #tpu.memory_space<vmem>>
              %dma_wait3A_507 = arith.constant 0 : i32
              %dma_wait3A_508 = arith.constant 0 : i32
              %dma_wait3A_509 = tpu.memref_slice %arg12[%dma_wait3A_507, %dma_wait3A_508] : memref<6288x128xf32, #tpu.memory_space<vmem_shared>> -> memref<6288x128xf32, #tpu.memory_space<vmem_shared>>
              tpu.wait_indirect_dma semaphore(%run_scoped3A : memref<!tpu.dma_semaphore, #tpu.memory_space<semaphore_mem>>) src(%dma_wait3A_503 : memref<32x128xf32, #tpu.memory_space<vmem>>) dst(%dma_wait3A_509 : memref<6288x128xf32, #tpu.memory_space<vmem_shared>>)
              tpu.yield
            }) : () -> ()
          } else {
          }
          %lt3A = arith.cmpi slt, %while3A_468, %select_n3A : i32
          %convert_element_type3A_476 = arith.extui %lt3A : i1 to i32
          %cond3A_477 = arith.constant 0 : i32
          %cond3A_478 = arith.cmpi ne, %convert_element_type3A_476, %cond3A_477 : i32
          scf.if %cond3A_478 {
            %dma_start3A_480 = arith.constant 0 : i32
            %dma_start3A_481 = tpu.memref_slice %arg10[%mul3A_473, %dma_start3A_480] : memref<384x128xf32, #tpu.memory_space<vmem>> -> memref<32x128xf32, #tpu.memory_space<vmem>>
            %dma_start3A_482 = arith.constant 0 : i32
            %dma_start3A_483 = tpu.memref_slice %arg8[%while3A_468, %dma_start3A_482] : memref<64x32xi32, #tpu.memory_space<vmem>> -> memref<1x32xi32, #tpu.memory_space<vmem>>
            %dma_start3A_484 = tpu.memref_squeeze %dma_start3A_483 : memref<1x32xi32, #tpu.memory_space<vmem>> -> memref<32xi32, #tpu.memory_space<vmem>>
            %dma_start3A_485 = arith.constant 0 : i32
            %dma_start3A_486 = arith.constant 0 : i32
            %dma_start3A_487 = tpu.memref_slice %arg2[%dma_start3A_485, %dma_start3A_486] : memref<50000x128xf32, #tpu.memory_space<hbm>> -> memref<50000x128xf32, #tpu.memory_space<hbm>>
            %dma_start3A_488 = tpu.memref_slice %arg13[%rem3A_471] : memref<12x!tpu.dma_semaphore, #tpu.memory_space<semaphore_mem>> -> memref<1x!tpu.dma_semaphore, #tpu.memory_space<semaphore_mem>>
            %dma_start3A_489 = tpu.memref_squeeze %dma_start3A_488 : memref<1x!tpu.dma_semaphore, #tpu.memory_space<semaphore_mem>> -> memref<!tpu.dma_semaphore, #tpu.memory_space<semaphore_mem>>
            tpu.enqueue_indirect_dma source(%dma_start3A_487 : memref<50000x128xf32, #tpu.memory_space<hbm>>) target(%dma_start3A_481 : memref<32x128xf32, #tpu.memory_space<vmem>>) offsets(%dma_start3A_484 : memref<32xi32, #tpu.memory_space<vmem>>) semaphore(%dma_start3A_489 : memref<!tpu.dma_semaphore, #tpu.memory_space<semaphore_mem>>)
          } else {
          }
          %while3A_479 = arith.constant 0 : i32
          scf.yield %while3A_479 : i32
        }
        %scan3A_467 = arith.constant 0 : i32
        scf.yield %scan3A_467 : i32
      }
      %scan3A_246 = arith.constant 8 : i32
      %barrier3A_247 = arith.constant 0 : index
      tpu.barrier barrier_id(%barrier3A_247)
      %add3A_248 = arith.constant 0 : i32
      %add3A_249 = arith.addi %mul3A_31, %add3A_248 : i32
      %add3A_250 = arith.addi %mul3A_29, %mul3A_31 : i32
      %add3A_251 = arith.constant 0 : i32
      %add3A_252 = arith.addi %add3A_250, %add3A_251 : i32
      %dma_start3A_253 = arith.constant 0 : i32
      %dma_start3A_254 = tpu.memref_slice %arg13[%dma_start3A_253] : memref<12x!tpu.dma_semaphore, #tpu.memory_space<semaphore_mem>> -> memref<1x!tpu.dma_semaphore, #tpu.memory_space<semaphore_mem>>
      %dma_start3A_255 = tpu.memref_squeeze %dma_start3A_254 : memref<1x!tpu.dma_semaphore, #tpu.memory_space<semaphore_mem>> -> memref<!tpu.dma_semaphore, #tpu.memory_space<semaphore_mem>>
      %dma_start3A_256 = arith.constant 0 : i32
      %dma_start3A_257 = tpu.memref_slice %arg5[%add3A_252, %dma_start3A_256] : memref<50176x128xf32, #tpu.memory_space<hbm>> -> memref<64x128xf32, #tpu.memory_space<hbm>>
      %dma_start3A_258 = arith.constant 0 : i32
      %dma_start3A_259 = tpu.memref_slice %arg12[%add3A_249, %dma_start3A_258] : memref<6288x128xf32, #tpu.memory_space<vmem_shared>> -> memref<64x128xf32, #tpu.memory_space<vmem_shared>>
      tpu.enqueue_dma source(%dma_start3A_259 : memref<64x128xf32, #tpu.memory_space<vmem_shared>>) target(%dma_start3A_257 : memref<64x128xf32, #tpu.memory_space<hbm>>) target_semaphore(%dma_start3A_255 : memref<!tpu.dma_semaphore, #tpu.memory_space<semaphore_mem>>)
      %add3A_260 = arith.constant 64 : i32
      %add3A_261 = arith.addi %mul3A_31, %add3A_260 : i32
      %add3A_262 = arith.addi %mul3A_29, %mul3A_31 : i32
      %add3A_263 = arith.constant 64 : i32
      %add3A_264 = arith.addi %add3A_262, %add3A_263 : i32
      %dma_start3A_265 = arith.constant 1 : i32
      %dma_start3A_266 = tpu.memref_slice %arg13[%dma_start3A_265] : memref<12x!tpu.dma_semaphore, #tpu.memory_space<semaphore_mem>> -> memref<1x!tpu.dma_semaphore, #tpu.memory_space<semaphore_mem>>
      %dma_start3A_267 = tpu.memref_squeeze %dma_start3A_266 : memref<1x!tpu.dma_semaphore, #tpu.memory_space<semaphore_mem>> -> memref<!tpu.dma_semaphore, #tpu.memory_space<semaphore_mem>>
      %dma_start3A_268 = arith.constant 0 : i32
      %dma_start3A_269 = tpu.memref_slice %arg5[%add3A_264, %dma_start3A_268] : memref<50176x128xf32, #tpu.memory_space<hbm>> -> memref<64x128xf32, #tpu.memory_space<hbm>>
      %dma_start3A_270 = arith.constant 0 : i32
      %dma_start3A_271 = tpu.memref_slice %arg12[%add3A_261, %dma_start3A_270] : memref<6288x128xf32, #tpu.memory_space<vmem_shared>> -> memref<64x128xf32, #tpu.memory_space<vmem_shared>>
      tpu.enqueue_dma source(%dma_start3A_271 : memref<64x128xf32, #tpu.memory_space<vmem_shared>>) target(%dma_start3A_269 : memref<64x128xf32, #tpu.memory_space<hbm>>) target_semaphore(%dma_start3A_267 : memref<!tpu.dma_semaphore, #tpu.memory_space<semaphore_mem>>)
      %add3A_272 = arith.constant 128 : i32
      %add3A_273 = arith.addi %mul3A_31, %add3A_272 : i32
      %add3A_274 = arith.addi %mul3A_29, %mul3A_31 : i32
      %add3A_275 = arith.constant 128 : i32
      %add3A_276 = arith.addi %add3A_274, %add3A_275 : i32
      %dma_start3A_277 = arith.constant 2 : i32
      %dma_start3A_278 = tpu.memref_slice %arg13[%dma_start3A_277] : memref<12x!tpu.dma_semaphore, #tpu.memory_space<semaphore_mem>> -> memref<1x!tpu.dma_semaphore, #tpu.memory_space<semaphore_mem>>
      %dma_start3A_279 = tpu.memref_squeeze %dma_start3A_278 : memref<1x!tpu.dma_semaphore, #tpu.memory_space<semaphore_mem>> -> memref<!tpu.dma_semaphore, #tpu.memory_space<semaphore_mem>>
      %dma_start3A_280 = arith.constant 0 : i32
      %dma_start3A_281 = tpu.memref_slice %arg5[%add3A_276, %dma_start3A_280] : memref<50176x128xf32, #tpu.memory_space<hbm>> -> memref<64x128xf32, #tpu.memory_space<hbm>>
      %dma_start3A_282 = arith.constant 0 : i32
      %dma_start3A_283 = tpu.memref_slice %arg12[%add3A_273, %dma_start3A_282] : memref<6288x128xf32, #tpu.memory_space<vmem_shared>> -> memref<64x128xf32, #tpu.memory_space<vmem_shared>>
      tpu.enqueue_dma source(%dma_start3A_283 : memref<64x128xf32, #tpu.memory_space<vmem_shared>>) target(%dma_start3A_281 : memref<64x128xf32, #tpu.memory_space<hbm>>) target_semaphore(%dma_start3A_279 : memref<!tpu.dma_semaphore, #tpu.memory_space<semaphore_mem>>)
      %add3A_284 = arith.constant 192 : i32
      %add3A_285 = arith.addi %mul3A_31, %add3A_284 : i32
      %add3A_286 = arith.addi %mul3A_29, %mul3A_31 : i32
      %add3A_287 = arith.constant 192 : i32
      %add3A_288 = arith.addi %add3A_286, %add3A_287 : i32
      %dma_start3A_289 = arith.constant 3 : i32
      %dma_start3A_290 = tpu.memref_slice %arg13[%dma_start3A_289] : memref<12x!tpu.dma_semaphore, #tpu.memory_space<semaphore_mem>> -> memref<1x!tpu.dma_semaphore, #tpu.memory_space<semaphore_mem>>
      %dma_start3A_291 = tpu.memref_squeeze %dma_start3A_290 : memref<1x!tpu.dma_semaphore, #tpu.memory_space<semaphore_mem>> -> memref<!tpu.dma_semaphore, #tpu.memory_space<semaphore_mem>>
      %dma_start3A_292 = arith.constant 0 : i32
      %dma_start3A_293 = tpu.memref_slice %arg5[%add3A_288, %dma_start3A_292] : memref<50176x128xf32, #tpu.memory_space<hbm>> -> memref<64x128xf32, #tpu.memory_space<hbm>>
      %dma_start3A_294 = arith.constant 0 : i32
      %dma_start3A_295 = tpu.memref_slice %arg12[%add3A_285, %dma_start3A_294] : memref<6288x128xf32, #tpu.memory_space<vmem_shared>> -> memref<64x128xf32, #tpu.memory_space<vmem_shared>>
      tpu.enqueue_dma source(%dma_start3A_295 : memref<64x128xf32, #tpu.memory_space<vmem_shared>>) target(%dma_start3A_293 : memref<64x128xf32, #tpu.memory_space<hbm>>) target_semaphore(%dma_start3A_291 : memref<!tpu.dma_semaphore, #tpu.memory_space<semaphore_mem>>)
      %add3A_296 = arith.constant 256 : i32
      %add3A_297 = arith.addi %mul3A_31, %add3A_296 : i32
      %add3A_298 = arith.addi %mul3A_29, %mul3A_31 : i32
      %add3A_299 = arith.constant 256 : i32
      %add3A_300 = arith.addi %add3A_298, %add3A_299 : i32
      %dma_start3A_301 = arith.constant 4 : i32
      %dma_start3A_302 = tpu.memref_slice %arg13[%dma_start3A_301] : memref<12x!tpu.dma_semaphore, #tpu.memory_space<semaphore_mem>> -> memref<1x!tpu.dma_semaphore, #tpu.memory_space<semaphore_mem>>
      %dma_start3A_303 = tpu.memref_squeeze %dma_start3A_302 : memref<1x!tpu.dma_semaphore, #tpu.memory_space<semaphore_mem>> -> memref<!tpu.dma_semaphore, #tpu.memory_space<semaphore_mem>>
      %dma_start3A_304 = arith.constant 0 : i32
      %dma_start3A_305 = tpu.memref_slice %arg5[%add3A_300, %dma_start3A_304] : memref<50176x128xf32, #tpu.memory_space<hbm>> -> memref<64x128xf32, #tpu.memory_space<hbm>>
      %dma_start3A_306 = arith.constant 0 : i32
      %dma_start3A_307 = tpu.memref_slice %arg12[%add3A_297, %dma_start3A_306] : memref<6288x128xf32, #tpu.memory_space<vmem_shared>> -> memref<64x128xf32, #tpu.memory_space<vmem_shared>>
      tpu.enqueue_dma source(%dma_start3A_307 : memref<64x128xf32, #tpu.memory_space<vmem_shared>>) target(%dma_start3A_305 : memref<64x128xf32, #tpu.memory_space<hbm>>) target_semaphore(%dma_start3A_303 : memref<!tpu.dma_semaphore, #tpu.memory_space<semaphore_mem>>)
      %add3A_308 = arith.constant 320 : i32
      %add3A_309 = arith.addi %mul3A_31, %add3A_308 : i32
      %add3A_310 = arith.addi %mul3A_29, %mul3A_31 : i32
      %add3A_311 = arith.constant 320 : i32
      %add3A_312 = arith.addi %add3A_310, %add3A_311 : i32
      %dma_start3A_313 = arith.constant 5 : i32
      %dma_start3A_314 = tpu.memref_slice %arg13[%dma_start3A_313] : memref<12x!tpu.dma_semaphore, #tpu.memory_space<semaphore_mem>> -> memref<1x!tpu.dma_semaphore, #tpu.memory_space<semaphore_mem>>
      %dma_start3A_315 = tpu.memref_squeeze %dma_start3A_314 : memref<1x!tpu.dma_semaphore, #tpu.memory_space<semaphore_mem>> -> memref<!tpu.dma_semaphore, #tpu.memory_space<semaphore_mem>>
      %dma_start3A_316 = arith.constant 0 : i32
      %dma_start3A_317 = tpu.memref_slice %arg5[%add3A_312, %dma_start3A_316] : memref<50176x128xf32, #tpu.memory_space<hbm>> -> memref<64x128xf32, #tpu.memory_space<hbm>>
      %dma_start3A_318 = arith.constant 0 : i32
      %dma_start3A_319 = tpu.memref_slice %arg12[%add3A_309, %dma_start3A_318] : memref<6288x128xf32, #tpu.memory_space<vmem_shared>> -> memref<64x128xf32, #tpu.memory_space<vmem_shared>>
      tpu.enqueue_dma source(%dma_start3A_319 : memref<64x128xf32, #tpu.memory_space<vmem_shared>>) target(%dma_start3A_317 : memref<64x128xf32, #tpu.memory_space<hbm>>) target_semaphore(%dma_start3A_315 : memref<!tpu.dma_semaphore, #tpu.memory_space<semaphore_mem>>)
      %add3A_320 = arith.constant 384 : i32
      %add3A_321 = arith.addi %mul3A_31, %add3A_320 : i32
      %add3A_322 = arith.addi %mul3A_29, %mul3A_31 : i32
      %add3A_323 = arith.constant 384 : i32
      %add3A_324 = arith.addi %add3A_322, %add3A_323 : i32
      %dma_start3A_325 = arith.constant 6 : i32
      %dma_start3A_326 = tpu.memref_slice %arg13[%dma_start3A_325] : memref<12x!tpu.dma_semaphore, #tpu.memory_space<semaphore_mem>> -> memref<1x!tpu.dma_semaphore, #tpu.memory_space<semaphore_mem>>
      %dma_start3A_327 = tpu.memref_squeeze %dma_start3A_326 : memref<1x!tpu.dma_semaphore, #tpu.memory_space<semaphore_mem>> -> memref<!tpu.dma_semaphore, #tpu.memory_space<semaphore_mem>>
      %dma_start3A_328 = arith.constant 0 : i32
      %dma_start3A_329 = tpu.memref_slice %arg5[%add3A_324, %dma_start3A_328] : memref<50176x128xf32, #tpu.memory_space<hbm>> -> memref<8x128xf32, #tpu.memory_space<hbm>>
      %dma_start3A_330 = arith.constant 0 : i32
      %dma_start3A_331 = tpu.memref_slice %arg12[%add3A_321, %dma_start3A_330] : memref<6288x128xf32, #tpu.memory_space<vmem_shared>> -> memref<8x128xf32, #tpu.memory_space<vmem_shared>>
      tpu.enqueue_dma source(%dma_start3A_331 : memref<8x128xf32, #tpu.memory_space<vmem_shared>>) target(%dma_start3A_329 : memref<8x128xf32, #tpu.memory_space<hbm>>) target_semaphore(%dma_start3A_327 : memref<!tpu.dma_semaphore, #tpu.memory_space<semaphore_mem>>)
      %add3A_332 = arith.constant 0 : i32
      %add3A_333 = arith.addi %mul3A_31, %add3A_332 : i32
      %add3A_334 = arith.addi %mul3A_29, %mul3A_31 : i32
      %add3A_335 = arith.constant 0 : i32
      %add3A_336 = arith.addi %add3A_334, %add3A_335 : i32
      %dma_wait3A_337 = arith.constant 0 : i32
      %dma_wait3A_338 = tpu.memref_slice %arg13[%dma_wait3A_337] : memref<12x!tpu.dma_semaphore, #tpu.memory_space<semaphore_mem>> -> memref<1x!tpu.dma_semaphore, #tpu.memory_space<semaphore_mem>>
      %dma_wait3A_339 = tpu.memref_squeeze %dma_wait3A_338 : memref<1x!tpu.dma_semaphore, #tpu.memory_space<semaphore_mem>> -> memref<!tpu.dma_semaphore, #tpu.memory_space<semaphore_mem>>
      %dma_wait3A_340 = arith.constant 0 : i32
      %dma_wait3A_341 = tpu.memref_slice %arg5[%add3A_336, %dma_wait3A_340] : memref<50176x128xf32, #tpu.memory_space<hbm>> -> memref<64x128xf32, #tpu.memory_space<hbm>>
      %dma_wait3A_342 = arith.constant 0 : i32
      %dma_wait3A_343 = tpu.memref_slice %arg12[%add3A_333, %dma_wait3A_342] : memref<6288x128xf32, #tpu.memory_space<vmem_shared>> -> memref<64x128xf32, #tpu.memory_space<vmem_shared>>
      tpu.wait_dma2 semaphore(%dma_wait3A_339 : memref<!tpu.dma_semaphore, #tpu.memory_space<semaphore_mem>>) src(%dma_wait3A_343 : memref<64x128xf32, #tpu.memory_space<vmem_shared>>) dst(%dma_wait3A_341 : memref<64x128xf32, #tpu.memory_space<hbm>>)
      %add3A_344 = arith.constant 64 : i32
      %add3A_345 = arith.addi %mul3A_31, %add3A_344 : i32
      %add3A_346 = arith.addi %mul3A_29, %mul3A_31 : i32
      %add3A_347 = arith.constant 64 : i32
      %add3A_348 = arith.addi %add3A_346, %add3A_347 : i32
      %dma_wait3A_349 = arith.constant 1 : i32
      %dma_wait3A_350 = tpu.memref_slice %arg13[%dma_wait3A_349] : memref<12x!tpu.dma_semaphore, #tpu.memory_space<semaphore_mem>> -> memref<1x!tpu.dma_semaphore, #tpu.memory_space<semaphore_mem>>
      %dma_wait3A_351 = tpu.memref_squeeze %dma_wait3A_350 : memref<1x!tpu.dma_semaphore, #tpu.memory_space<semaphore_mem>> -> memref<!tpu.dma_semaphore, #tpu.memory_space<semaphore_mem>>
      %dma_wait3A_352 = arith.constant 0 : i32
      %dma_wait3A_353 = tpu.memref_slice %arg5[%add3A_348, %dma_wait3A_352] : memref<50176x128xf32, #tpu.memory_space<hbm>> -> memref<64x128xf32, #tpu.memory_space<hbm>>
      %dma_wait3A_354 = arith.constant 0 : i32
      %dma_wait3A_355 = tpu.memref_slice %arg12[%add3A_345, %dma_wait3A_354] : memref<6288x128xf32, #tpu.memory_space<vmem_shared>> -> memref<64x128xf32, #tpu.memory_space<vmem_shared>>
      tpu.wait_dma2 semaphore(%dma_wait3A_351 : memref<!tpu.dma_semaphore, #tpu.memory_space<semaphore_mem>>) src(%dma_wait3A_355 : memref<64x128xf32, #tpu.memory_space<vmem_shared>>) dst(%dma_wait3A_353 : memref<64x128xf32, #tpu.memory_space<hbm>>)
      %add3A_356 = arith.constant 128 : i32
      %add3A_357 = arith.addi %mul3A_31, %add3A_356 : i32
      %add3A_358 = arith.addi %mul3A_29, %mul3A_31 : i32
      %add3A_359 = arith.constant 128 : i32
      %add3A_360 = arith.addi %add3A_358, %add3A_359 : i32
      %dma_wait3A_361 = arith.constant 2 : i32
      %dma_wait3A_362 = tpu.memref_slice %arg13[%dma_wait3A_361] : memref<12x!tpu.dma_semaphore, #tpu.memory_space<semaphore_mem>> -> memref<1x!tpu.dma_semaphore, #tpu.memory_space<semaphore_mem>>
      %dma_wait3A_363 = tpu.memref_squeeze %dma_wait3A_362 : memref<1x!tpu.dma_semaphore, #tpu.memory_space<semaphore_mem>> -> memref<!tpu.dma_semaphore, #tpu.memory_space<semaphore_mem>>
      %dma_wait3A_364 = arith.constant 0 : i32
      %dma_wait3A_365 = tpu.memref_slice %arg5[%add3A_360, %dma_wait3A_364] : memref<50176x128xf32, #tpu.memory_space<hbm>> -> memref<64x128xf32, #tpu.memory_space<hbm>>
      %dma_wait3A_366 = arith.constant 0 : i32
      %dma_wait3A_367 = tpu.memref_slice %arg12[%add3A_357, %dma_wait3A_366] : memref<6288x128xf32, #tpu.memory_space<vmem_shared>> -> memref<64x128xf32, #tpu.memory_space<vmem_shared>>
      tpu.wait_dma2 semaphore(%dma_wait3A_363 : memref<!tpu.dma_semaphore, #tpu.memory_space<semaphore_mem>>) src(%dma_wait3A_367 : memref<64x128xf32, #tpu.memory_space<vmem_shared>>) dst(%dma_wait3A_365 : memref<64x128xf32, #tpu.memory_space<hbm>>)
      %add3A_368 = arith.constant 192 : i32
      %add3A_369 = arith.addi %mul3A_31, %add3A_368 : i32
      %add3A_370 = arith.addi %mul3A_29, %mul3A_31 : i32
      %add3A_371 = arith.constant 192 : i32
      %add3A_372 = arith.addi %add3A_370, %add3A_371 : i32
      %dma_wait3A_373 = arith.constant 3 : i32
      %dma_wait3A_374 = tpu.memref_slice %arg13[%dma_wait3A_373] : memref<12x!tpu.dma_semaphore, #tpu.memory_space<semaphore_mem>> -> memref<1x!tpu.dma_semaphore, #tpu.memory_space<semaphore_mem>>
      %dma_wait3A_375 = tpu.memref_squeeze %dma_wait3A_374 : memref<1x!tpu.dma_semaphore, #tpu.memory_space<semaphore_mem>> -> memref<!tpu.dma_semaphore, #tpu.memory_space<semaphore_mem>>
      %dma_wait3A_376 = arith.constant 0 : i32
      %dma_wait3A_377 = tpu.memref_slice %arg5[%add3A_372, %dma_wait3A_376] : memref<50176x128xf32, #tpu.memory_space<hbm>> -> memref<64x128xf32, #tpu.memory_space<hbm>>
      %dma_wait3A_378 = arith.constant 0 : i32
      %dma_wait3A_379 = tpu.memref_slice %arg12[%add3A_369, %dma_wait3A_378] : memref<6288x128xf32, #tpu.memory_space<vmem_shared>> -> memref<64x128xf32, #tpu.memory_space<vmem_shared>>
      tpu.wait_dma2 semaphore(%dma_wait3A_375 : memref<!tpu.dma_semaphore, #tpu.memory_space<semaphore_mem>>) src(%dma_wait3A_379 : memref<64x128xf32, #tpu.memory_space<vmem_shared>>) dst(%dma_wait3A_377 : memref<64x128xf32, #tpu.memory_space<hbm>>)
      %add3A_380 = arith.constant 256 : i32
      %add3A_381 = arith.addi %mul3A_31, %add3A_380 : i32
      %add3A_382 = arith.addi %mul3A_29, %mul3A_31 : i32
      %add3A_383 = arith.constant 256 : i32
      %add3A_384 = arith.addi %add3A_382, %add3A_383 : i32
      %dma_wait3A_385 = arith.constant 4 : i32
      %dma_wait3A_386 = tpu.memref_slice %arg13[%dma_wait3A_385] : memref<12x!tpu.dma_semaphore, #tpu.memory_space<semaphore_mem>> -> memref<1x!tpu.dma_semaphore, #tpu.memory_space<semaphore_mem>>
      %dma_wait3A_387 = tpu.memref_squeeze %dma_wait3A_386 : memref<1x!tpu.dma_semaphore, #tpu.memory_space<semaphore_mem>> -> memref<!tpu.dma_semaphore, #tpu.memory_space<semaphore_mem>>
      %dma_wait3A_388 = arith.constant 0 : i32
      %dma_wait3A_389 = tpu.memref_slice %arg5[%add3A_384, %dma_wait3A_388] : memref<50176x128xf32, #tpu.memory_space<hbm>> -> memref<64x128xf32, #tpu.memory_space<hbm>>
      %dma_wait3A_390 = arith.constant 0 : i32
      %dma_wait3A_391 = tpu.memref_slice %arg12[%add3A_381, %dma_wait3A_390] : memref<6288x128xf32, #tpu.memory_space<vmem_shared>> -> memref<64x128xf32, #tpu.memory_space<vmem_shared>>
      tpu.wait_dma2 semaphore(%dma_wait3A_387 : memref<!tpu.dma_semaphore, #tpu.memory_space<semaphore_mem>>) src(%dma_wait3A_391 : memref<64x128xf32, #tpu.memory_space<vmem_shared>>) dst(%dma_wait3A_389 : memref<64x128xf32, #tpu.memory_space<hbm>>)
      %add3A_392 = arith.constant 320 : i32
      %add3A_393 = arith.addi %mul3A_31, %add3A_392 : i32
      %add3A_394 = arith.addi %mul3A_29, %mul3A_31 : i32
      %add3A_395 = arith.constant 320 : i32
      %add3A_396 = arith.addi %add3A_394, %add3A_395 : i32
      %dma_wait3A_397 = arith.constant 5 : i32
      %dma_wait3A_398 = tpu.memref_slice %arg13[%dma_wait3A_397] : memref<12x!tpu.dma_semaphore, #tpu.memory_space<semaphore_mem>> -> memref<1x!tpu.dma_semaphore, #tpu.memory_space<semaphore_mem>>
      %dma_wait3A_399 = tpu.memref_squeeze %dma_wait3A_398 : memref<1x!tpu.dma_semaphore, #tpu.memory_space<semaphore_mem>> -> memref<!tpu.dma_semaphore, #tpu.memory_space<semaphore_mem>>
      %dma_wait3A_400 = arith.constant 0 : i32
      %dma_wait3A_401 = tpu.memref_slice %arg5[%add3A_396, %dma_wait3A_400] : memref<50176x128xf32, #tpu.memory_space<hbm>> -> memref<64x128xf32, #tpu.memory_space<hbm>>
      %dma_wait3A_402 = arith.constant 0 : i32
      %dma_wait3A_403 = tpu.memref_slice %arg12[%add3A_393, %dma_wait3A_402] : memref<6288x128xf32, #tpu.memory_space<vmem_shared>> -> memref<64x128xf32, #tpu.memory_space<vmem_shared>>
      tpu.wait_dma2 semaphore(%dma_wait3A_399 : memref<!tpu.dma_semaphore, #tpu.memory_space<semaphore_mem>>) src(%dma_wait3A_403 : memref<64x128xf32, #tpu.memory_space<vmem_shared>>) dst(%dma_wait3A_401 : memref<64x128xf32, #tpu.memory_space<hbm>>)
      %add3A_404 = arith.constant 384 : i32
      %add3A_405 = arith.addi %mul3A_31, %add3A_404 : i32
      %add3A_406 = arith.addi %mul3A_29, %mul3A_31 : i32
      %add3A_407 = arith.constant 384 : i32
      %add3A_408 = arith.addi %add3A_406, %add3A_407 : i32
      %dma_wait3A_409 = arith.constant 6 : i32
      %dma_wait3A_410 = tpu.memref_slice %arg13[%dma_wait3A_409] : memref<12x!tpu.dma_semaphore, #tpu.memory_space<semaphore_mem>> -> memref<1x!tpu.dma_semaphore, #tpu.memory_space<semaphore_mem>>
      %dma_wait3A_411 = tpu.memref_squeeze %dma_wait3A_410 : memref<1x!tpu.dma_semaphore, #tpu.memory_space<semaphore_mem>> -> memref<!tpu.dma_semaphore, #tpu.memory_space<semaphore_mem>>
      %dma_wait3A_412 = arith.constant 0 : i32
      %dma_wait3A_413 = tpu.memref_slice %arg5[%add3A_408, %dma_wait3A_412] : memref<50176x128xf32, #tpu.memory_space<hbm>> -> memref<8x128xf32, #tpu.memory_space<hbm>>
      %dma_wait3A_414 = arith.constant 0 : i32
      %dma_wait3A_415 = tpu.memref_slice %arg12[%add3A_405, %dma_wait3A_414] : memref<6288x128xf32, #tpu.memory_space<vmem_shared>> -> memref<8x128xf32, #tpu.memory_space<vmem_shared>>
      tpu.wait_dma2 semaphore(%dma_wait3A_411 : memref<!tpu.dma_semaphore, #tpu.memory_space<semaphore_mem>>) src(%dma_wait3A_415 : memref<8x128xf32, #tpu.memory_space<vmem_shared>>) dst(%dma_wait3A_413 : memref<8x128xf32, #tpu.memory_space<hbm>>)
      %barrier3A_416 = arith.constant 0 : index
      tpu.barrier barrier_id(%barrier3A_416)
      %scan3A_417 = arith.constant 0 : i32
      scf.yield %scan3A_417 : i32
    }
    %scan3A_17 = arith.constant 4 : i32
    %scan3A_18 = arith.constant 0 : i32
    %scan3A_19 = arith.constant 0 : i32
    %scan3A_20 = arith.constant 4 : i32
    %scan3A_21 = arith.addi %scan3A_19, %scan3A_20 : i32
    %scan3A_22 = arith.constant 1 : i32
    %scan3A_23 = scf.for %scan3A_25 = %scan3A_19 to %scan3A_21 step %scan3A_22 iter_args(%scan3A_26 = %scan3A_18) -> (i32)  : i32 {
      %mul3A = arith.constant 2 : i32
      %mul3A_27 = arith.muli %scan3A_25, %mul3A : i32
      %add3A = arith.addi %mul3A_27, %arg0 : i32
      %mul3A_28 = arith.constant 6272 : i32
      %mul3A_29 = arith.muli %add3A, %mul3A_28 : i32
      %mul3A_30 = arith.constant 392 : i32
      %mul3A_31 = arith.muli %arg1, %mul3A_30 : i32
      %add3A_32 = arith.constant 0 : i32
      %add3A_33 = arith.addi %mul3A_31, %add3A_32 : i32
      %dma_start3A = arith.constant 0 : i32
      %dma_start3A_34 = arith.constant 0 : i32
      %dma_start3A_35 = arith.constant 0 : i32
      %dma_start3A_36 = tpu.memref_slice %arg11[%dma_start3A_34, %dma_start3A_35] : memref<64x128xf32, #tpu.memory_space<vmem>> -> memref<64x128xf32, #tpu.memory_space<vmem>>
      %dma_start3A_37 = arith.constant 0 : i32
      %dma_start3A_38 = tpu.memref_slice %arg12[%add3A_33, %dma_start3A_37] : memref<6288x128xf32, #tpu.memory_space<vmem_shared>> -> memref<64x128xf32, #tpu.memory_space<vmem_shared>>
      %dma_start3A_39 = tpu.memref_slice %arg13[%dma_start3A] : memref<12x!tpu.dma_semaphore, #tpu.memory_space<semaphore_mem>> -> memref<1x!tpu.dma_semaphore, #tpu.memory_space<semaphore_mem>>
      %dma_start3A_40 = tpu.memref_squeeze %dma_start3A_39 : memref<1x!tpu.dma_semaphore, #tpu.memory_space<semaphore_mem>> -> memref<!tpu.dma_semaphore, #tpu.memory_space<semaphore_mem>>
      %dma_start3A_41 = arith.constant 0 : i32
      %dma_start3A_42 = tpu.memref_slice %arg12[%add3A_33, %dma_start3A_41] : memref<6288x128xf32, #tpu.memory_space<vmem_shared>> -> memref<64x128xf32, #tpu.memory_space<vmem_shared>>
      %dma_start3A_43 = arith.constant 0 : i32
      %dma_start3A_44 = arith.constant 0 : i32
      %dma_start3A_45 = tpu.memref_slice %arg11[%dma_start3A_43, %dma_start3A_44] : memref<64x128xf32, #tpu.memory_space<vmem>> -> memref<64x128xf32, #tpu.memory_space<vmem>>
      tpu.enqueue_dma source(%dma_start3A_45 : memref<64x128xf32, #tpu.memory_space<vmem>>) target(%dma_start3A_42 : memref<64x128xf32, #tpu.memory_space<vmem_shared>>) target_semaphore(%dma_start3A_40 : memref<!tpu.dma_semaphore, #tpu.memory_space<semaphore_mem>>)
      %add3A_46 = arith.constant 64 : i32
      %add3A_47 = arith.addi %mul3A_31, %add3A_46 : i32
      %dma_start3A_48 = arith.constant 1 : i32
      %dma_start3A_49 = arith.constant 0 : i32
      %dma_start3A_50 = arith.constant 0 : i32
      %dma_start3A_51 = tpu.memref_slice %arg11[%dma_start3A_49, %dma_start3A_50] : memref<64x128xf32, #tpu.memory_space<vmem>> -> memref<64x128xf32, #tpu.memory_space<vmem>>
      %dma_start3A_52 = arith.constant 0 : i32
      %dma_start3A_53 = tpu.memref_slice %arg12[%add3A_47, %dma_start3A_52] : memref<6288x128xf32, #tpu.memory_space<vmem_shared>> -> memref<64x128xf32, #tpu.memory_space<vmem_shared>>
      %dma_start3A_54 = tpu.memref_slice %arg13[%dma_start3A_48] : memref<12x!tpu.dma_semaphore, #tpu.memory_space<semaphore_mem>> -> memref<1x!tpu.dma_semaphore, #tpu.memory_space<semaphore_mem>>
      %dma_start3A_55 = tpu.memref_squeeze %dma_start3A_54 : memref<1x!tpu.dma_semaphore, #tpu.memory_space<semaphore_mem>> -> memref<!tpu.dma_semaphore, #tpu.memory_space<semaphore_mem>>
      %dma_start3A_56 = arith.constant 0 : i32
      %dma_start3A_57 = tpu.memref_slice %arg12[%add3A_47, %dma_start3A_56] : memref<6288x128xf32, #tpu.memory_space<vmem_shared>> -> memref<64x128xf32, #tpu.memory_space<vmem_shared>>
      %dma_start3A_58 = arith.constant 0 : i32
      %dma_start3A_59 = arith.constant 0 : i32
      %dma_start3A_60 = tpu.memref_slice %arg11[%dma_start3A_58, %dma_start3A_59] : memref<64x128xf32, #tpu.memory_space<vmem>> -> memref<64x128xf32, #tpu.memory_space<vmem>>
      tpu.enqueue_dma source(%dma_start3A_60 : memref<64x128xf32, #tpu.memory_space<vmem>>) target(%dma_start3A_57 : memref<64x128xf32, #tpu.memory_space<vmem_shared>>) target_semaphore(%dma_start3A_55 : memref<!tpu.dma_semaphore, #tpu.memory_space<semaphore_mem>>)
      %add3A_61 = arith.constant 128 : i32
      %add3A_62 = arith.addi %mul3A_31, %add3A_61 : i32
      %dma_start3A_63 = arith.constant 2 : i32
      %dma_start3A_64 = arith.constant 0 : i32
      %dma_start3A_65 = arith.constant 0 : i32
      %dma_start3A_66 = tpu.memref_slice %arg11[%dma_start3A_64, %dma_start3A_65] : memref<64x128xf32, #tpu.memory_space<vmem>> -> memref<64x128xf32, #tpu.memory_space<vmem>>
      %dma_start3A_67 = arith.constant 0 : i32
      %dma_start3A_68 = tpu.memref_slice %arg12[%add3A_62, %dma_start3A_67] : memref<6288x128xf32, #tpu.memory_space<vmem_shared>> -> memref<64x128xf32, #tpu.memory_space<vmem_shared>>
      %dma_start3A_69 = tpu.memref_slice %arg13[%dma_start3A_63] : memref<12x!tpu.dma_semaphore, #tpu.memory_space<semaphore_mem>> -> memref<1x!tpu.dma_semaphore, #tpu.memory_space<semaphore_mem>>
      %dma_start3A_70 = tpu.memref_squeeze %dma_start3A_69 : memref<1x!tpu.dma_semaphore, #tpu.memory_space<semaphore_mem>> -> memref<!tpu.dma_semaphore, #tpu.memory_space<semaphore_mem>>
      %dma_start3A_71 = arith.constant 0 : i32
      %dma_start3A_72 = tpu.memref_slice %arg12[%add3A_62, %dma_start3A_71] : memref<6288x128xf32, #tpu.memory_space<vmem_shared>> -> memref<64x128xf32, #tpu.memory_space<vmem_shared>>
      %dma_start3A_73 = arith.constant 0 : i32
      %dma_start3A_74 = arith.constant 0 : i32
      %dma_start3A_75 = tpu.memref_slice %arg11[%dma_start3A_73, %dma_start3A_74] : memref<64x128xf32, #tpu.memory_space<vmem>> -> memref<64x128xf32, #tpu.memory_space<vmem>>
      tpu.enqueue_dma source(%dma_start3A_75 : memref<64x128xf32, #tpu.memory_space<vmem>>) target(%dma_start3A_72 : memref<64x128xf32, #tpu.memory_space<vmem_shared>>) target_semaphore(%dma_start3A_70 : memref<!tpu.dma_semaphore, #tpu.memory_space<semaphore_mem>>)
      %add3A_76 = arith.constant 192 : i32
      %add3A_77 = arith.addi %mul3A_31, %add3A_76 : i32
      %dma_start3A_78 = arith.constant 3 : i32
      %dma_start3A_79 = arith.constant 0 : i32
      %dma_start3A_80 = arith.constant 0 : i32
      %dma_start3A_81 = tpu.memref_slice %arg11[%dma_start3A_79, %dma_start3A_80] : memref<64x128xf32, #tpu.memory_space<vmem>> -> memref<64x128xf32, #tpu.memory_space<vmem>>
      %dma_start3A_82 = arith.constant 0 : i32
      %dma_start3A_83 = tpu.memref_slice %arg12[%add3A_77, %dma_start3A_82] : memref<6288x128xf32, #tpu.memory_space<vmem_shared>> -> memref<64x128xf32, #tpu.memory_space<vmem_shared>>
      %dma_start3A_84 = tpu.memref_slice %arg13[%dma_start3A_78] : memref<12x!tpu.dma_semaphore, #tpu.memory_space<semaphore_mem>> -> memref<1x!tpu.dma_semaphore, #tpu.memory_space<semaphore_mem>>
      %dma_start3A_85 = tpu.memref_squeeze %dma_start3A_84 : memref<1x!tpu.dma_semaphore, #tpu.memory_space<semaphore_mem>> -> memref<!tpu.dma_semaphore, #tpu.memory_space<semaphore_mem>>
      %dma_start3A_86 = arith.constant 0 : i32
      %dma_start3A_87 = tpu.memref_slice %arg12[%add3A_77, %dma_start3A_86] : memref<6288x128xf32, #tpu.memory_space<vmem_shared>> -> memref<64x128xf32, #tpu.memory_space<vmem_shared>>
      %dma_start3A_88 = arith.constant 0 : i32
      %dma_start3A_89 = arith.constant 0 : i32
      %dma_start3A_90 = tpu.memref_slice %arg11[%dma_start3A_88, %dma_start3A_89] : memref<64x128xf32, #tpu.memory_space<vmem>> -> memref<64x128xf32, #tpu.memory_space<vmem>>
      tpu.enqueue_dma source(%dma_start3A_90 : memref<64x128xf32, #tpu.memory_space<vmem>>) target(%dma_start3A_87 : memref<64x128xf32, #tpu.memory_space<vmem_shared>>) target_semaphore(%dma_start3A_85 : memref<!tpu.dma_semaphore, #tpu.memory_space<semaphore_mem>>)
      %add3A_91 = arith.constant 256 : i32
      %add3A_92 = arith.addi %mul3A_31, %add3A_91 : i32
      %dma_start3A_93 = arith.constant 4 : i32
      %dma_start3A_94 = arith.constant 0 : i32
      %dma_start3A_95 = arith.constant 0 : i32
      %dma_start3A_96 = tpu.memref_slice %arg11[%dma_start3A_94, %dma_start3A_95] : memref<64x128xf32, #tpu.memory_space<vmem>> -> memref<64x128xf32, #tpu.memory_space<vmem>>
      %dma_start3A_97 = arith.constant 0 : i32
      %dma_start3A_98 = tpu.memref_slice %arg12[%add3A_92, %dma_start3A_97] : memref<6288x128xf32, #tpu.memory_space<vmem_shared>> -> memref<64x128xf32, #tpu.memory_space<vmem_shared>>
      %dma_start3A_99 = tpu.memref_slice %arg13[%dma_start3A_93] : memref<12x!tpu.dma_semaphore, #tpu.memory_space<semaphore_mem>> -> memref<1x!tpu.dma_semaphore, #tpu.memory_space<semaphore_mem>>
      %dma_start3A_100 = tpu.memref_squeeze %dma_start3A_99 : memref<1x!tpu.dma_semaphore, #tpu.memory_space<semaphore_mem>> -> memref<!tpu.dma_semaphore, #tpu.memory_space<semaphore_mem>>
      %dma_start3A_101 = arith.constant 0 : i32
      %dma_start3A_102 = tpu.memref_slice %arg12[%add3A_92, %dma_start3A_101] : memref<6288x128xf32, #tpu.memory_space<vmem_shared>> -> memref<64x128xf32, #tpu.memory_space<vmem_shared>>
      %dma_start3A_103 = arith.constant 0 : i32
      %dma_start3A_104 = arith.constant 0 : i32
      %dma_start3A_105 = tpu.memref_slice %arg11[%dma_start3A_103, %dma_start3A_104] : memref<64x128xf32, #tpu.memory_space<vmem>> -> memref<64x128xf32, #tpu.memory_space<vmem>>
      tpu.enqueue_dma source(%dma_start3A_105 : memref<64x128xf32, #tpu.memory_space<vmem>>) target(%dma_start3A_102 : memref<64x128xf32, #tpu.memory_space<vmem_shared>>) target_semaphore(%dma_start3A_100 : memref<!tpu.dma_semaphore, #tpu.memory_space<semaphore_mem>>)
      %add3A_106 = arith.constant 320 : i32
      %add3A_107 = arith.addi %mul3A_31, %add3A_106 : i32
      %dma_start3A_108 = arith.constant 5 : i32
      %dma_start3A_109 = arith.constant 0 : i32
      %dma_start3A_110 = arith.constant 0 : i32
      %dma_start3A_111 = tpu.memref_slice %arg11[%dma_start3A_109, %dma_start3A_110] : memref<64x128xf32, #tpu.memory_space<vmem>> -> memref<64x128xf32, #tpu.memory_space<vmem>>
      %dma_start3A_112 = arith.constant 0 : i32
      %dma_start3A_113 = tpu.memref_slice %arg12[%add3A_107, %dma_start3A_112] : memref<6288x128xf32, #tpu.memory_space<vmem_shared>> -> memref<64x128xf32, #tpu.memory_space<vmem_shared>>
      %dma_start3A_114 = tpu.memref_slice %arg13[%dma_start3A_108] : memref<12x!tpu.dma_semaphore, #tpu.memory_space<semaphore_mem>> -> memref<1x!tpu.dma_semaphore, #tpu.memory_space<semaphore_mem>>
      %dma_start3A_115 = tpu.memref_squeeze %dma_start3A_114 : memref<1x!tpu.dma_semaphore, #tpu.memory_space<semaphore_mem>> -> memref<!tpu.dma_semaphore, #tpu.memory_space<semaphore_mem>>
      %dma_start3A_116 = arith.constant 0 : i32
      %dma_start3A_117 = tpu.memref_slice %arg12[%add3A_107, %dma_start3A_116] : memref<6288x128xf32, #tpu.memory_space<vmem_shared>> -> memref<64x128xf32, #tpu.memory_space<vmem_shared>>
      %dma_start3A_118 = arith.constant 0 : i32
      %dma_start3A_119 = arith.constant 0 : i32
      %dma_start3A_120 = tpu.memref_slice %arg11[%dma_start3A_118, %dma_start3A_119] : memref<64x128xf32, #tpu.memory_space<vmem>> -> memref<64x128xf32, #tpu.memory_space<vmem>>
      tpu.enqueue_dma source(%dma_start3A_120 : memref<64x128xf32, #tpu.memory_space<vmem>>) target(%dma_start3A_117 : memref<64x128xf32, #tpu.memory_space<vmem_shared>>) target_semaphore(%dma_start3A_115 : memref<!tpu.dma_semaphore, #tpu.memory_space<semaphore_mem>>)
      %add3A_121 = arith.constant 384 : i32
      %add3A_122 = arith.addi %mul3A_31, %add3A_121 : i32
      %dma_start3A_123 = arith.constant 6 : i32
      %dma_start3A_124 = arith.constant 0 : i32
      %dma_start3A_125 = arith.constant 0 : i32
      %dma_start3A_126 = tpu.memref_slice %arg11[%dma_start3A_124, %dma_start3A_125] : memref<64x128xf32, #tpu.memory_space<vmem>> -> memref<8x128xf32, #tpu.memory_space<vmem>>
      %dma_start3A_127 = arith.constant 0 : i32
      %dma_start3A_128 = tpu.memref_slice %arg12[%add3A_122, %dma_start3A_127] : memref<6288x128xf32, #tpu.memory_space<vmem_shared>> -> memref<8x128xf32, #tpu.memory_space<vmem_shared>>
      %dma_start3A_129 = tpu.memref_slice %arg13[%dma_start3A_123] : memref<12x!tpu.dma_semaphore, #tpu.memory_space<semaphore_mem>> -> memref<1x!tpu.dma_semaphore, #tpu.memory_space<semaphore_mem>>
      %dma_start3A_130 = tpu.memref_squeeze %dma_start3A_129 : memref<1x!tpu.dma_semaphore, #tpu.memory_space<semaphore_mem>> -> memref<!tpu.dma_semaphore, #tpu.memory_space<semaphore_mem>>
      %dma_start3A_131 = arith.constant 0 : i32
      %dma_start3A_132 = tpu.memref_slice %arg12[%add3A_122, %dma_start3A_131] : memref<6288x128xf32, #tpu.memory_space<vmem_shared>> -> memref<8x128xf32, #tpu.memory_space<vmem_shared>>
      %dma_start3A_133 = arith.constant 0 : i32
      %dma_start3A_134 = arith.constant 0 : i32
      %dma_start3A_135 = tpu.memref_slice %arg11[%dma_start3A_133, %dma_start3A_134] : memref<64x128xf32, #tpu.memory_space<vmem>> -> memref<8x128xf32, #tpu.memory_space<vmem>>
      tpu.enqueue_dma source(%dma_start3A_135 : memref<8x128xf32, #tpu.memory_space<vmem>>) target(%dma_start3A_132 : memref<8x128xf32, #tpu.memory_space<vmem_shared>>) target_semaphore(%dma_start3A_130 : memref<!tpu.dma_semaphore, #tpu.memory_space<semaphore_mem>>)
      %add3A_136 = arith.constant 0 : i32
      %add3A_137 = arith.addi %mul3A_31, %add3A_136 : i32
      %dma_wait3A = arith.constant 0 : i32
      %dma_wait3A_138 = arith.constant 0 : i32
      %dma_wait3A_139 = arith.constant 0 : i32
      %dma_wait3A_140 = tpu.memref_slice %arg11[%dma_wait3A_138, %dma_wait3A_139] : memref<64x128xf32, #tpu.memory_space<vmem>> -> memref<64x128xf32, #tpu.memory_space<vmem>>
      %dma_wait3A_141 = arith.constant 0 : i32
      %dma_wait3A_142 = tpu.memref_slice %arg12[%add3A_137, %dma_wait3A_141] : memref<6288x128xf32, #tpu.memory_space<vmem_shared>> -> memref<64x128xf32, #tpu.memory_space<vmem_shared>>
      %dma_wait3A_143 = tpu.memref_slice %arg13[%dma_wait3A] : memref<12x!tpu.dma_semaphore, #tpu.memory_space<semaphore_mem>> -> memref<1x!tpu.dma_semaphore, #tpu.memory_space<semaphore_mem>>
      %dma_wait3A_144 = tpu.memref_squeeze %dma_wait3A_143 : memref<1x!tpu.dma_semaphore, #tpu.memory_space<semaphore_mem>> -> memref<!tpu.dma_semaphore, #tpu.memory_space<semaphore_mem>>
      %dma_wait3A_145 = arith.constant 0 : i32
      %dma_wait3A_146 = tpu.memref_slice %arg12[%add3A_137, %dma_wait3A_145] : memref<6288x128xf32, #tpu.memory_space<vmem_shared>> -> memref<64x128xf32, #tpu.memory_space<vmem_shared>>
      %dma_wait3A_147 = arith.constant 0 : i32
      %dma_wait3A_148 = arith.constant 0 : i32
      %dma_wait3A_149 = tpu.memref_slice %arg11[%dma_wait3A_147, %dma_wait3A_148] : memref<64x128xf32, #tpu.memory_space<vmem>> -> memref<64x128xf32, #tpu.memory_space<vmem>>
      tpu.wait_dma2 semaphore(%dma_wait3A_144 : memref<!tpu.dma_semaphore, #tpu.memory_space<semaphore_mem>>) src(%dma_wait3A_149 : memref<64x128xf32, #tpu.memory_space<vmem>>) dst(%dma_wait3A_146 : memref<64x128xf32, #tpu.memory_space<vmem_shared>>)
      %add3A_150 = arith.constant 64 : i32
      %add3A_151 = arith.addi %mul3A_31, %add3A_150 : i32
      %dma_wait3A_152 = arith.constant 1 : i32
      %dma_wait3A_153 = arith.constant 0 : i32
      %dma_wait3A_154 = arith.constant 0 : i32
      %dma_wait3A_155 = tpu.memref_slice %arg11[%dma_wait3A_153, %dma_wait3A_154] : memref<64x128xf32, #tpu.memory_space<vmem>> -> memref<64x128xf32, #tpu.memory_space<vmem>>
      %dma_wait3A_156 = arith.constant 0 : i32
      %dma_wait3A_157 = tpu.memref_slice %arg12[%add3A_151, %dma_wait3A_156] : memref<6288x128xf32, #tpu.memory_space<vmem_shared>> -> memref<64x128xf32, #tpu.memory_space<vmem_shared>>
      %dma_wait3A_158 = tpu.memref_slice %arg13[%dma_wait3A_152] : memref<12x!tpu.dma_semaphore, #tpu.memory_space<semaphore_mem>> -> memref<1x!tpu.dma_semaphore, #tpu.memory_space<semaphore_mem>>
      %dma_wait3A_159 = tpu.memref_squeeze %dma_wait3A_158 : memref<1x!tpu.dma_semaphore, #tpu.memory_space<semaphore_mem>> -> memref<!tpu.dma_semaphore, #tpu.memory_space<semaphore_mem>>
      %dma_wait3A_160 = arith.constant 0 : i32
      %dma_wait3A_161 = tpu.memref_slice %arg12[%add3A_151, %dma_wait3A_160] : memref<6288x128xf32, #tpu.memory_space<vmem_shared>> -> memref<64x128xf32, #tpu.memory_space<vmem_shared>>
      %dma_wait3A_162 = arith.constant 0 : i32
      %dma_wait3A_163 = arith.constant 0 : i32
      %dma_wait3A_164 = tpu.memref_slice %arg11[%dma_wait3A_162, %dma_wait3A_163] : memref<64x128xf32, #tpu.memory_space<vmem>> -> memref<64x128xf32, #tpu.memory_space<vmem>>
      tpu.wait_dma2 semaphore(%dma_wait3A_159 : memref<!tpu.dma_semaphore, #tpu.memory_space<semaphore_mem>>) src(%dma_wait3A_164 : memref<64x128xf32, #tpu.memory_space<vmem>>) dst(%dma_wait3A_161 : memref<64x128xf32, #tpu.memory_space<vmem_shared>>)
      %add3A_165 = arith.constant 128 : i32
      %add3A_166 = arith.addi %mul3A_31, %add3A_165 : i32
      %dma_wait3A_167 = arith.constant 2 : i32
      %dma_wait3A_168 = arith.constant 0 : i32
      %dma_wait3A_169 = arith.constant 0 : i32
      %dma_wait3A_170 = tpu.memref_slice %arg11[%dma_wait3A_168, %dma_wait3A_169] : memref<64x128xf32, #tpu.memory_space<vmem>> -> memref<64x128xf32, #tpu.memory_space<vmem>>
      %dma_wait3A_171 = arith.constant 0 : i32
      %dma_wait3A_172 = tpu.memref_slice %arg12[%add3A_166, %dma_wait3A_171] : memref<6288x128xf32, #tpu.memory_space<vmem_shared>> -> memref<64x128xf32, #tpu.memory_space<vmem_shared>>
      %dma_wait3A_173 = tpu.memref_slice %arg13[%dma_wait3A_167] : memref<12x!tpu.dma_semaphore, #tpu.memory_space<semaphore_mem>> -> memref<1x!tpu.dma_semaphore, #tpu.memory_space<semaphore_mem>>
      %dma_wait3A_174 = tpu.memref_squeeze %dma_wait3A_173 : memref<1x!tpu.dma_semaphore, #tpu.memory_space<semaphore_mem>> -> memref<!tpu.dma_semaphore, #tpu.memory_space<semaphore_mem>>
      %dma_wait3A_175 = arith.constant 0 : i32
      %dma_wait3A_176 = tpu.memref_slice %arg12[%add3A_166, %dma_wait3A_175] : memref<6288x128xf32, #tpu.memory_space<vmem_shared>> -> memref<64x128xf32, #tpu.memory_space<vmem_shared>>
      %dma_wait3A_177 = arith.constant 0 : i32
      %dma_wait3A_178 = arith.constant 0 : i32
      %dma_wait3A_179 = tpu.memref_slice %arg11[%dma_wait3A_177, %dma_wait3A_178] : memref<64x128xf32, #tpu.memory_space<vmem>> -> memref<64x128xf32, #tpu.memory_space<vmem>>
      tpu.wait_dma2 semaphore(%dma_wait3A_174 : memref<!tpu.dma_semaphore, #tpu.memory_space<semaphore_mem>>) src(%dma_wait3A_179 : memref<64x128xf32, #tpu.memory_space<vmem>>) dst(%dma_wait3A_176 : memref<64x128xf32, #tpu.memory_space<vmem_shared>>)
      %add3A_180 = arith.constant 192 : i32
      %add3A_181 = arith.addi %mul3A_31, %add3A_180 : i32
      %dma_wait3A_182 = arith.constant 3 : i32
      %dma_wait3A_183 = arith.constant 0 : i32
      %dma_wait3A_184 = arith.constant 0 : i32
      %dma_wait3A_185 = tpu.memref_slice %arg11[%dma_wait3A_183, %dma_wait3A_184] : memref<64x128xf32, #tpu.memory_space<vmem>> -> memref<64x128xf32, #tpu.memory_space<vmem>>
      %dma_wait3A_186 = arith.constant 0 : i32
      %dma_wait3A_187 = tpu.memref_slice %arg12[%add3A_181, %dma_wait3A_186] : memref<6288x128xf32, #tpu.memory_space<vmem_shared>> -> memref<64x128xf32, #tpu.memory_space<vmem_shared>>
      %dma_wait3A_188 = tpu.memref_slice %arg13[%dma_wait3A_182] : memref<12x!tpu.dma_semaphore, #tpu.memory_space<semaphore_mem>> -> memref<1x!tpu.dma_semaphore, #tpu.memory_space<semaphore_mem>>
      %dma_wait3A_189 = tpu.memref_squeeze %dma_wait3A_188 : memref<1x!tpu.dma_semaphore, #tpu.memory_space<semaphore_mem>> -> memref<!tpu.dma_semaphore, #tpu.memory_space<semaphore_mem>>
      %dma_wait3A_190 = arith.constant 0 : i32
      %dma_wait3A_191 = tpu.memref_slice %arg12[%add3A_181, %dma_wait3A_190] : memref<6288x128xf32, #tpu.memory_space<vmem_shared>> -> memref<64x128xf32, #tpu.memory_space<vmem_shared>>
      %dma_wait3A_192 = arith.constant 0 : i32
      %dma_wait3A_193 = arith.constant 0 : i32
      %dma_wait3A_194 = tpu.memref_slice %arg11[%dma_wait3A_192, %dma_wait3A_193] : memref<64x128xf32, #tpu.memory_space<vmem>> -> memref<64x128xf32, #tpu.memory_space<vmem>>
      tpu.wait_dma2 semaphore(%dma_wait3A_189 : memref<!tpu.dma_semaphore, #tpu.memory_space<semaphore_mem>>) src(%dma_wait3A_194 : memref<64x128xf32, #tpu.memory_space<vmem>>) dst(%dma_wait3A_191 : memref<64x128xf32, #tpu.memory_space<vmem_shared>>)
      %add3A_195 = arith.constant 256 : i32
      %add3A_196 = arith.addi %mul3A_31, %add3A_195 : i32
      %dma_wait3A_197 = arith.constant 4 : i32
      %dma_wait3A_198 = arith.constant 0 : i32
      %dma_wait3A_199 = arith.constant 0 : i32
      %dma_wait3A_200 = tpu.memref_slice %arg11[%dma_wait3A_198, %dma_wait3A_199] : memref<64x128xf32, #tpu.memory_space<vmem>> -> memref<64x128xf32, #tpu.memory_space<vmem>>
      %dma_wait3A_201 = arith.constant 0 : i32
      %dma_wait3A_202 = tpu.memref_slice %arg12[%add3A_196, %dma_wait3A_201] : memref<6288x128xf32, #tpu.memory_space<vmem_shared>> -> memref<64x128xf32, #tpu.memory_space<vmem_shared>>
      %dma_wait3A_203 = tpu.memref_slice %arg13[%dma_wait3A_197] : memref<12x!tpu.dma_semaphore, #tpu.memory_space<semaphore_mem>> -> memref<1x!tpu.dma_semaphore, #tpu.memory_space<semaphore_mem>>
      %dma_wait3A_204 = tpu.memref_squeeze %dma_wait3A_203 : memref<1x!tpu.dma_semaphore, #tpu.memory_space<semaphore_mem>> -> memref<!tpu.dma_semaphore, #tpu.memory_space<semaphore_mem>>
      %dma_wait3A_205 = arith.constant 0 : i32
      %dma_wait3A_206 = tpu.memref_slice %arg12[%add3A_196, %dma_wait3A_205] : memref<6288x128xf32, #tpu.memory_space<vmem_shared>> -> memref<64x128xf32, #tpu.memory_space<vmem_shared>>
      %dma_wait3A_207 = arith.constant 0 : i32
      %dma_wait3A_208 = arith.constant 0 : i32
      %dma_wait3A_209 = tpu.memref_slice %arg11[%dma_wait3A_207, %dma_wait3A_208] : memref<64x128xf32, #tpu.memory_space<vmem>> -> memref<64x128xf32, #tpu.memory_space<vmem>>
      tpu.wait_dma2 semaphore(%dma_wait3A_204 : memref<!tpu.dma_semaphore, #tpu.memory_space<semaphore_mem>>) src(%dma_wait3A_209 : memref<64x128xf32, #tpu.memory_space<vmem>>) dst(%dma_wait3A_206 : memref<64x128xf32, #tpu.memory_space<vmem_shared>>)
      %add3A_210 = arith.constant 320 : i32
      %add3A_211 = arith.addi %mul3A_31, %add3A_210 : i32
      %dma_wait3A_212 = arith.constant 5 : i32
      %dma_wait3A_213 = arith.constant 0 : i32
      %dma_wait3A_214 = arith.constant 0 : i32
      %dma_wait3A_215 = tpu.memref_slice %arg11[%dma_wait3A_213, %dma_wait3A_214] : memref<64x128xf32, #tpu.memory_space<vmem>> -> memref<64x128xf32, #tpu.memory_space<vmem>>
      %dma_wait3A_216 = arith.constant 0 : i32
      %dma_wait3A_217 = tpu.memref_slice %arg12[%add3A_211, %dma_wait3A_216] : memref<6288x128xf32, #tpu.memory_space<vmem_shared>> -> memref<64x128xf32, #tpu.memory_space<vmem_shared>>
      %dma_wait3A_218 = tpu.memref_slice %arg13[%dma_wait3A_212] : memref<12x!tpu.dma_semaphore, #tpu.memory_space<semaphore_mem>> -> memref<1x!tpu.dma_semaphore, #tpu.memory_space<semaphore_mem>>
      %dma_wait3A_219 = tpu.memref_squeeze %dma_wait3A_218 : memref<1x!tpu.dma_semaphore, #tpu.memory_space<semaphore_mem>> -> memref<!tpu.dma_semaphore, #tpu.memory_space<semaphore_mem>>
      %dma_wait3A_220 = arith.constant 0 : i32
      %dma_wait3A_221 = tpu.memref_slice %arg12[%add3A_211, %dma_wait3A_220] : memref<6288x128xf32, #tpu.memory_space<vmem_shared>> -> memref<64x128xf32, #tpu.memory_space<vmem_shared>>
      %dma_wait3A_222 = arith.constant 0 : i32
      %dma_wait3A_223 = arith.constant 0 : i32
      %dma_wait3A_224 = tpu.memref_slice %arg11[%dma_wait3A_222, %dma_wait3A_223] : memref<64x128xf32, #tpu.memory_space<vmem>> -> memref<64x128xf32, #tpu.memory_space<vmem>>
      tpu.wait_dma2 semaphore(%dma_wait3A_219 : memref<!tpu.dma_semaphore, #tpu.memory_space<semaphore_mem>>) src(%dma_wait3A_224 : memref<64x128xf32, #tpu.memory_space<vmem>>) dst(%dma_wait3A_221 : memref<64x128xf32, #tpu.memory_space<vmem_shared>>)
      %add3A_225 = arith.constant 384 : i32
      %add3A_226 = arith.addi %mul3A_31, %add3A_225 : i32
      %dma_wait3A_227 = arith.constant 6 : i32
      %dma_wait3A_228 = arith.constant 0 : i32
      %dma_wait3A_229 = arith.constant 0 : i32
      %dma_wait3A_230 = tpu.memref_slice %arg11[%dma_wait3A_228, %dma_wait3A_229] : memref<64x128xf32, #tpu.memory_space<vmem>> -> memref<8x128xf32, #tpu.memory_space<vmem>>
      %dma_wait3A_231 = arith.constant 0 : i32
      %dma_wait3A_232 = tpu.memref_slice %arg12[%add3A_226, %dma_wait3A_231] : memref<6288x128xf32, #tpu.memory_space<vmem_shared>> -> memref<8x128xf32, #tpu.memory_space<vmem_shared>>
      %dma_wait3A_233 = tpu.memref_slice %arg13[%dma_wait3A_227] : memref<12x!tpu.dma_semaphore, #tpu.memory_space<semaphore_mem>> -> memref<1x!tpu.dma_semaphore, #tpu.memory_space<semaphore_mem>>
      %dma_wait3A_234 = tpu.memref_squeeze %dma_wait3A_233 : memref<1x!tpu.dma_semaphore, #tpu.memory_space<semaphore_mem>> -> memref<!tpu.dma_semaphore, #tpu.memory_space<semaphore_mem>>
      %dma_wait3A_235 = arith.constant 0 : i32
      %dma_wait3A_236 = tpu.memref_slice %arg12[%add3A_226, %dma_wait3A_235] : memref<6288x128xf32, #tpu.memory_space<vmem_shared>> -> memref<8x128xf32, #tpu.memory_space<vmem_shared>>
      %dma_wait3A_237 = arith.constant 0 : i32
      %dma_wait3A_238 = arith.constant 0 : i32
      %dma_wait3A_239 = tpu.memref_slice %arg11[%dma_wait3A_237, %dma_wait3A_238] : memref<64x128xf32, #tpu.memory_space<vmem>> -> memref<8x128xf32, #tpu.memory_space<vmem>>
      tpu.wait_dma2 semaphore(%dma_wait3A_234 : memref<!tpu.dma_semaphore, #tpu.memory_space<semaphore_mem>>) src(%dma_wait3A_239 : memref<8x128xf32, #tpu.memory_space<vmem>>) dst(%dma_wait3A_236 : memref<8x128xf32, #tpu.memory_space<vmem_shared>>)
      %barrier3A = arith.constant 0 : index
      tpu.barrier barrier_id(%barrier3A)
      %scan3A_240 = arith.constant 0 : i32
      %scan3A_241 = arith.constant 0 : i32
      %scan3A_242 = arith.constant 8 : i32
      %scan3A_243 = arith.addi %scan3A_241, %scan3A_242 : i32
      %scan3A_244 = arith.constant 1 : i32
      %scan3A_245 = scf.for %scan3A_418 = %scan3A_241 to %scan3A_243 step %scan3A_244 iter_args(%scan3A_419 = %scan3A_240) -> (i32)  : i32 {
        "tpu.region"() ({
          %run_scoped3A = tpu.sem_alloc : memref<!tpu.dma_semaphore, #tpu.memory_space<semaphore_mem>>
          %dma_start3A_468 = arith.constant 0 : i32
          %dma_start3A_469 = tpu.memref_slice %arg4[%arg1, %scan3A_418, %dma_start3A_468] : memref<16x8x4096xi32, #tpu.memory_space<hbm>> -> memref<1x1x4096xi32, #tpu.memory_space<hbm>>
          %dma_start3A_470 = tpu.memref_squeeze %dma_start3A_469 : memref<1x1x4096xi32, #tpu.memory_space<hbm>> -> memref<4096xi32, #tpu.memory_space<hbm>>
          %dma_start3A_471 = arith.constant 0 : i32
          %dma_start3A_472 = tpu.memref_slice %arg4[%arg1, %scan3A_418, %dma_start3A_471] : memref<16x8x4096xi32, #tpu.memory_space<hbm>> -> memref<1x1x4096xi32, #tpu.memory_space<hbm>>
          %dma_start3A_473 = tpu.memref_squeeze %dma_start3A_472 : memref<1x1x4096xi32, #tpu.memory_space<hbm>> -> memref<4096xi32, #tpu.memory_space<hbm>>
          tpu.enqueue_dma source(%dma_start3A_473 : memref<4096xi32, #tpu.memory_space<hbm>>) target(%arg7 : memref<4096xi32, #tpu.memory_space<vmem>>) target_semaphore(%run_scoped3A : memref<!tpu.dma_semaphore, #tpu.memory_space<semaphore_mem>>)
          %dma_wait3A_474 = arith.constant 0 : i32
          %dma_wait3A_475 = tpu.memref_slice %arg4[%arg1, %scan3A_418, %dma_wait3A_474] : memref<16x8x4096xi32, #tpu.memory_space<hbm>> -> memref<1x1x4096xi32, #tpu.memory_space<hbm>>
          %dma_wait3A_476 = tpu.memref_squeeze %dma_wait3A_475 : memref<1x1x4096xi32, #tpu.memory_space<hbm>> -> memref<4096xi32, #tpu.memory_space<hbm>>
          %dma_wait3A_477 = arith.constant 0 : i32
          %dma_wait3A_478 = tpu.memref_slice %arg4[%arg1, %scan3A_418, %dma_wait3A_477] : memref<16x8x4096xi32, #tpu.memory_space<hbm>> -> memref<1x1x4096xi32, #tpu.memory_space<hbm>>
          %dma_wait3A_479 = tpu.memref_squeeze %dma_wait3A_478 : memref<1x1x4096xi32, #tpu.memory_space<hbm>> -> memref<4096xi32, #tpu.memory_space<hbm>>
          tpu.wait_dma2 semaphore(%run_scoped3A : memref<!tpu.dma_semaphore, #tpu.memory_space<semaphore_mem>>) src(%dma_wait3A_479 : memref<4096xi32, #tpu.memory_space<hbm>>) dst(%arg7 : memref<4096xi32, #tpu.memory_space<vmem>>)
          tpu.yield
        }) : () -> ()
        %scan3A_420 = arith.constant 0 : i32
        %scan3A_421 = arith.constant 0 : i32
        %scan3A_422 = arith.constant 64 : i32
        %scan3A_423 = arith.addi %scan3A_421, %scan3A_422 : i32
        %scan3A_424 = arith.constant 1 : i32
        %scan3A_425 = scf.for %scan3A_468 = %scan3A_421 to %scan3A_423 step %scan3A_424 iter_args(%scan3A_469 = %scan3A_420) -> (i32)  : i32 {
          %swap3A = arith.index_cast %scan3A_468 : i32 to index
          %swap3A_470 = arith.constant 0 : index
          %swap3A_471 = tpu.vector_load %arg8[%swap3A, %swap3A_470] {strides = array<i32>} : memref<64x32xi32, #tpu.memory_space<vmem>>, vector<16xi32>,
          tpu.vector_store %arg8[%swap3A, %swap3A_470], %broadcast_in_dim3A_4 {strides = array<i32>} : memref<64x32xi32, #tpu.memory_space<vmem>>, vector<16xi32>,
          %swap3A_472 = arith.index_cast %scan3A_468 : i32 to index
          %swap3A_473 = arith.constant 0 : index
          %swap3A_474 = tpu.vector_load %arg9[%swap3A_472, %swap3A_473] {strides = array<i32>} : memref<64x32xi32, #tpu.memory_space<vmem>>, vector<16xi32>,
          tpu.vector_store %arg9[%swap3A_472, %swap3A_473], %broadcast_in_dim3A_2 {strides = array<i32>} : memref<64x32xi32, #tpu.memory_space<vmem>>, vector<16xi32>,
          %swap3A_475 = arith.index_cast %scan3A_468 : i32 to index
          %swap3A_476 = arith.constant 16 : index
          %swap3A_477 = tpu.vector_load %arg8[%swap3A_475, %swap3A_476] {strides = array<i32>} : memref<64x32xi32, #tpu.memory_space<vmem>>, vector<16xi32>,
          tpu.vector_store %arg8[%swap3A_475, %swap3A_476], %broadcast_in_dim3A_4 {strides = array<i32>} : memref<64x32xi32, #tpu.memory_space<vmem>>, vector<16xi32>,
          %swap3A_478 = arith.index_cast %scan3A_468 : i32 to index
          %swap3A_479 = arith.constant 16 : index
          %swap3A_480 = tpu.vector_load %arg9[%swap3A_478, %swap3A_479] {strides = array<i32>} : memref<64x32xi32, #tpu.memory_space<vmem>>, vector<16xi32>,
          tpu.vector_store %arg9[%swap3A_478, %swap3A_479], %broadcast_in_dim3A_2 {strides = array<i32>} : memref<64x32xi32, #tpu.memory_space<vmem>>, vector<16xi32>,
          %scan3A_481 = arith.constant 0 : i32
          scf.yield %scan3A_481 : i32
        }
        %scan3A_426 = arith.constant 64 : i32
        %scan3A_427 = arith.constant 0 : i32
        %scan3A_428 = arith.constant 0 : i32
        %scan3A_429 = arith.constant 128 : i32
        %scan3A_430 = arith.addi %scan3A_428, %scan3A_429 : i32
        %scan3A_431 = arith.constant 1 : i32
        %scan3A_432 = scf.for %scan3A_468 = %scan3A_428 to %scan3A_430 step %scan3A_431 iter_args(%scan3A_469 = %scan3A_427) -> (i32)  : i32 {
          %mul3A_470 = arith.constant 16 : i32
          %mul3A_471 = arith.muli %scan3A_468, %mul3A_470 : i32
          %add3A_472 = arith.constant 2048 : i32
          %add3A_473 = arith.addi %add3A_472, %mul3A_471 : i32
          %get3A = arith.index_cast %add3A_473 : i32 to index
          %get3A_474 = tpu.vector_load %arg7[%get3A] {strides = array<i32>} : memref<4096xi32, #tpu.memory_space<vmem>>, vector<16xi32>,
          %ge3A = vector.broadcast %mul3A_29 : i32 to vector<16xi32>
          %ge3A_475 = arith.cmpi sge, %get3A_474, %ge3A : vector<16xi32>
          %add3A_476 = arith.constant 6272 : i32
          %add3A_477 = arith.addi %mul3A_29, %add3A_476 : i32
          %lt3A = vector.broadcast %add3A_477 : i32 to vector<16xi32>
          %lt3A_478 = arith.cmpi slt, %get3A_474, %lt3A : vector<16xi32>
          %and3A_479 = arith.andi %ge3A_475, %lt3A_478 : vector<16xi1>
          %mul3A_480 = arith.constant 16 : i32
          %mul3A_481 = arith.muli %scan3A_468, %mul3A_480 : i32
          %get3A_482 = arith.index_cast %mul3A_481 : i32 to index
          %get3A_483 = tpu.vector_load %arg7[%get3A_482] {strides = array<i32>} : memref<4096xi32, #tpu.memory_space<vmem>>, vector<16xi32>,
          %jit3A_484 = arith.constant 1 : i32
          %jit3A_485 = arith.constant 0 : i32
          %broadcast_in_dim3A_486 = vector.broadcast %jit3A_484 : i32 to vector<16xi32>
          %broadcast_in_dim3A_487 = vector.broadcast %jit3A_485 : i32 to vector<16xi32>
          %select_n3A_488 = arith.select %and3A_479, %broadcast_in_dim3A_486, %broadcast_in_dim3A_487 : vector<16xi1>, vector<16xi32>
          %broadcast_in_dim3A_489 = arith.constant true
          %broadcast_in_dim3A_490 = vector.broadcast %broadcast_in_dim3A_489 : i1 to vector<16xi1>
          %masked_cumsum3A = tpu.scan <sum>, %select_n3A_488 masked %broadcast_in_dim3A_490 : vector<16xi32>, vector<16xi1> -> vector<16xi32>
          %add3A_491 = vector.broadcast %scan3A_469 : i32 to vector<16xi32>
          %add3A_492 = arith.addi %add3A_491, %masked_cumsum3A : vector<16xi32>
          %sub3A_493 = arith.constant 1 : i32
          %sub3A_494 = vector.broadcast %sub3A_493 : i32 to vector<16xi32>
          %sub3A_495 = arith.subi %add3A_492, %sub3A_494 : vector<16xi32>
          %jit3A_496 = arith.constant 32 : i32
          %div3A_497 = vector.broadcast %jit3A_496 : i32 to vector<16xi32>
          %div3A_498 = arith.divsi %sub3A_495, %div3A_497 : vector<16xi32>
          %sign3A_499 = arith.constant 0 : i32
          %sign3A_500 = vector.broadcast %sign3A_499 : i32 to vector<16xi32>
          %sign3A_501 = arith.cmpi sgt, %sub3A_495, %sign3A_500 : vector<16xi32>
          %sign3A_502 = arith.extui %sign3A_501 : vector<16xi1> to vector<16xi32>
          %sign3A_503 = arith.constant 0 : i32
          %sign3A_504 = vector.broadcast %sign3A_503 : i32 to vector<16xi32>
          %sign3A_505 = arith.cmpi slt, %sub3A_495, %sign3A_504 : vector<16xi32>
          %sign3A_506 = arith.extui %sign3A_505 : vector<16xi1> to vector<16xi32>
          %sign3A_507 = arith.subi %sign3A_502, %sign3A_506 : vector<16xi32>
          %sign3A_508 = arith.constant 0 : i32
          %sign3A_509 = arith.cmpi sgt, %jit3A_496, %sign3A_508 : i32
          %sign3A_510 = arith.extui %sign3A_509 : i1 to i32
          %sign3A_511 = arith.constant 0 : i32
          %sign3A_512 = arith.cmpi slt, %jit3A_496, %sign3A_511 : i32
          %sign3A_513 = arith.extui %sign3A_512 : i1 to i32
          %sign3A_514 = arith.subi %sign3A_510, %sign3A_513 : i32
          %ne3A_515 = vector.broadcast %sign3A_514 : i32 to vector<16xi32>
          %ne3A_516 = arith.cmpi ne, %sign3A_507, %ne3A_515 : vector<16xi32>
          %rem3A_517 = vector.broadcast %jit3A_496 : i32 to vector<16xi32>
          %rem3A_518 = arith.remsi %sub3A_495, %rem3A_517 : vector<16xi32>
          %ne3A_519 = arith.constant 0 : i32
          %ne3A_520 = vector.broadcast %ne3A_519 : i32 to vector<16xi32>
          %ne3A_521 = arith.cmpi ne, %rem3A_518, %ne3A_520 : vector<16xi32>
          %and3A_522 = arith.andi %ne3A_516, %ne3A_521 : vector<16xi1>
          %sub3A_523 = arith.constant 1 : i32
          %sub3A_524 = vector.broadcast %sub3A_523 : i32 to vector<16xi32>
          %sub3A_525 = arith.subi %div3A_498, %sub3A_524 : vector<16xi32>
          %select_n3A_526 = arith.select %and3A_522, %sub3A_525, %div3A_498 : vector<16xi1>, vector<16xi32>
          %jit3A_527 = arith.constant 32 : i32
          %eq3A = arith.constant 0 : i32
          %eq3A_528 = arith.cmpi eq, %jit3A_527, %eq3A : i32
          %jit3A_529 = arith.constant 1 : i32
          %select_n3A_530 = arith.select %eq3A_528, %jit3A_529, %jit3A_527 : i32
          %rem3A_531 = vector.broadcast %select_n3A_530 : i32 to vector<16xi32>
          %rem3A_532 = arith.remsi %sub3A_495, %rem3A_531 : vector<16xi32>
          %ne3A_533 = arith.constant 0 : i32
          %ne3A_534 = vector.broadcast %ne3A_533 : i32 to vector<16xi32>
          %ne3A_535 = arith.cmpi ne, %rem3A_532, %ne3A_534 : vector<16xi32>
          %lt3A_536 = arith.constant 0 : i32
          %lt3A_537 = vector.broadcast %lt3A_536 : i32 to vector<16xi32>
          %lt3A_538 = arith.cmpi slt, %rem3A_532, %lt3A_537 : vector<16xi32>
          %lt3A_539 = arith.constant 0 : i32
          %lt3A_540 = arith.cmpi slt, %select_n3A_530, %lt3A_539 : i32
          %ne3A_541 = vector.broadcast %lt3A_540 : i1 to vector<16xi1>
          %ne3A_542 = vector.broadcast %ne3A_541 : vector<16xi1> to vector<16xi1>
          %ne3A_543 = arith.xori %lt3A_538, %ne3A_542 : vector<16xi1>
          %and3A_544 = arith.andi %ne3A_543, %ne3A_535 : vector<16xi1>
          %add3A_545 = vector.broadcast %select_n3A_530 : i32 to vector<16xi32>
          %add3A_546 = arith.addi %rem3A_532, %add3A_545 : vector<16xi32>
          %select_n3A_547 = arith.select %and3A_544, %add3A_546, %rem3A_532 : vector<16xi1>, vector<16xi32>
          tpu.vector_store_idx %arg8[%select_n3A_526, %select_n3A_547], %get3A_483 masked %and3A_479 : memref<64x32xi32, #tpu.memory_space<vmem>>[vector<16xi32>, vector<16xi32>], vector<16xi32>, vector<16xi1>
          %sub3A_548 = vector.broadcast %mul3A_29 : i32 to vector<16xi32>
          %sub3A_549 = arith.subi %get3A_474, %sub3A_548 : vector<16xi32>
          %jit3A_550 = arith.constant 6272 : i32
          %broadcast_in_dim3A_551 = vector.broadcast %jit3A_550 : i32 to vector<16xi32>
          %select_n3A_552 = arith.select %and3A_479, %sub3A_549, %broadcast_in_dim3A_551 : vector<16xi1>, vector<16xi32>
          %jit3A_553 = arith.constant 32 : i32
          %div3A_554 = vector.broadcast %jit3A_553 : i32 to vector<16xi32>
          %div3A_555 = arith.divsi %sub3A_495, %div3A_554 : vector<16xi32>
          %sign3A_556 = arith.constant 0 : i32
          %sign3A_557 = vector.broadcast %sign3A_556 : i32 to vector<16xi32>
          %sign3A_558 = arith.cmpi sgt, %sub3A_495, %sign3A_557 : vector<16xi32>
          %sign3A_559 = arith.extui %sign3A_558 : vector<16xi1> to vector<16xi32>
          %sign3A_560 = arith.constant 0 : i32
          %sign3A_561 = vector.broadcast %sign3A_560 : i32 to vector<16xi32>
          %sign3A_562 = arith.cmpi slt, %sub3A_495, %sign3A_561 : vector<16xi32>
          %sign3A_563 = arith.extui %sign3A_562 : vector<16xi1> to vector<16xi32>
          %sign3A_564 = arith.subi %sign3A_559, %sign3A_563 : vector<16xi32>
          %sign3A_565 = arith.constant 0 : i32
          %sign3A_566 = arith.cmpi sgt, %jit3A_553, %sign3A_565 : i32
          %sign3A_567 = arith.extui %sign3A_566 : i1 to i32
          %sign3A_568 = arith.constant 0 : i32
          %sign3A_569 = arith.cmpi slt, %jit3A_553, %sign3A_568 : i32
          %sign3A_570 = arith.extui %sign3A_569 : i1 to i32
          %sign3A_571 = arith.subi %sign3A_567, %sign3A_570 : i32
          %ne3A_572 = vector.broadcast %sign3A_571 : i32 to vector<16xi32>
          %ne3A_573 = arith.cmpi ne, %sign3A_564, %ne3A_572 : vector<16xi32>
          %rem3A_574 = vector.broadcast %jit3A_553 : i32 to vector<16xi32>
          %rem3A_575 = arith.remsi %sub3A_495, %rem3A_574 : vector<16xi32>
          %ne3A_576 = arith.constant 0 : i32
          %ne3A_577 = vector.broadcast %ne3A_576 : i32 to vector<16xi32>
          %ne3A_578 = arith.cmpi ne, %rem3A_575, %ne3A_577 : vector<16xi32>
          %and3A_579 = arith.andi %ne3A_573, %ne3A_578 : vector<16xi1>
          %sub3A_580 = arith.constant 1 : i32
          %sub3A_581 = vector.broadcast %sub3A_580 : i32 to vector<16xi32>
          %sub3A_582 = arith.subi %div3A_555, %sub3A_581 : vector<16xi32>
          %select_n3A_583 = arith.select %and3A_579, %sub3A_582, %div3A_555 : vector<16xi1>, vector<16xi32>
          %jit3A_584 = arith.constant 32 : i32
          %eq3A_585 = arith.constant 0 : i32
          %eq3A_586 = arith.cmpi eq, %jit3A_584, %eq3A_585 : i32
          %jit3A_587 = arith.constant 1 : i32
          %select_n3A_588 = arith.select %eq3A_586, %jit3A_587, %jit3A_584 : i32
          %rem3A_589 = vector.broadcast %select_n3A_588 : i32 to vector<16xi32>
          %rem3A_590 = arith.remsi %sub3A_495, %rem3A_589 : vector<16xi32>
          %ne3A_591 = arith.constant 0 : i32
          %ne3A_592 = vector.broadcast %ne3A_591 : i32 to vector<16xi32>
          %ne3A_593 = arith.cmpi ne, %rem3A_590, %ne3A_592 : vector<16xi32>
          %lt3A_594 = arith.constant 0 : i32
          %lt3A_595 = vector.broadcast %lt3A_594 : i32 to vector<16xi32>
          %lt3A_596 = arith.cmpi slt, %rem3A_590, %lt3A_595 : vector<16xi32>
          %lt3A_597 = arith.constant 0 : i32
          %lt3A_598 = arith.cmpi slt, %select_n3A_588, %lt3A_597 : i32
          %ne3A_599 = vector.broadcast %lt3A_598 : i1 to vector<16xi1>
          %ne3A_600 = vector.broadcast %ne3A_599 : vector<16xi1> to vector<16xi1>
          %ne3A_601 = arith.xori %lt3A_596, %ne3A_600 : vector<16xi1>
          %and3A_602 = arith.andi %ne3A_601, %ne3A_593 : vector<16xi1>
          %add3A_603 = vector.broadcast %select_n3A_588 : i32 to vector<16xi32>
          %add3A_604 = arith.addi %rem3A_590, %add3A_603 : vector<16xi32>
          %select_n3A_605 = arith.select %and3A_602, %add3A_604, %rem3A_590 : vector<16xi1>, vector<16xi32>
          tpu.vector_store_idx %arg9[%select_n3A_583, %select_n3A_605], %select_n3A_552 masked %and3A_479 : memref<64x32xi32, #tpu.memory_space<vmem>>[vector<16xi32>, vector<16xi32>], vector<16xi32>, vector<16xi1>
          %reduce_sum3A = arith.constant true
          %reduce_sum3A_606 = vector.broadcast %reduce_sum3A : i1 to vector<16xi1>
          %reduce_sum3A_607 = tpu.scan <sum>, %select_n3A_488 masked %reduce_sum3A_606 : vector<16xi32>, vector<16xi1> -> vector<16xi32>
          %reduce_sum3A_608 = vector.extract %reduce_sum3A_607[15] : i32 from vector<16xi32>
          %add3A_609 = arith.addi %scan3A_469, %reduce_sum3A_608 : i32
          scf.yield %add3A_609 : i32
        }
        %scan3A_433 = arith.constant 128 : i32
        %add3A_434 = arith.constant 32 : i32
        %add3A_435 = arith.addi %scan3A_432, %add3A_434 : i32
        %sub3A = arith.constant 1 : i32
        %sub3A_436 = arith.subi %add3A_435, %sub3A : i32
        %jit3A = arith.constant 32 : i32
        %div3A = arith.divsi %sub3A_436, %jit3A : i32
        %sign3A = arith.constant 0 : i32
        %sign3A_437 = arith.cmpi sgt, %sub3A_436, %sign3A : i32
        %sign3A_438 = arith.extui %sign3A_437 : i1 to i32
        %sign3A_439 = arith.constant 0 : i32
        %sign3A_440 = arith.cmpi slt, %sub3A_436, %sign3A_439 : i32
        %sign3A_441 = arith.extui %sign3A_440 : i1 to i32
        %sign3A_442 = arith.subi %sign3A_438, %sign3A_441 : i32
        %sign3A_443 = arith.constant 0 : i32
        %sign3A_444 = arith.cmpi sgt, %jit3A, %sign3A_443 : i32
        %sign3A_445 = arith.extui %sign3A_444 : i1 to i32
        %sign3A_446 = arith.constant 0 : i32
        %sign3A_447 = arith.cmpi slt, %jit3A, %sign3A_446 : i32
        %sign3A_448 = arith.extui %sign3A_447 : i1 to i32
        %sign3A_449 = arith.subi %sign3A_445, %sign3A_448 : i32
        %ne3A = arith.cmpi ne, %sign3A_442, %sign3A_449 : i32
        %rem3A = arith.remsi %sub3A_436, %jit3A : i32
        %ne3A_450 = arith.constant 0 : i32
        %ne3A_451 = arith.cmpi ne, %rem3A, %ne3A_450 : i32
        %and3A = arith.andi %ne3A, %ne3A_451 : i1
        %sub3A_452 = arith.constant 1 : i32
        %sub3A_453 = arith.subi %div3A, %sub3A_452 : i32
        %select_n3A = arith.select %and3A, %sub3A_453, %div3A : i32
        %add3A_454 = arith.constant 12 : i32
        %add3A_455 = arith.addi %select_n3A, %add3A_454 : i32
        %while3A = arith.constant 0 : i32
        %while3A_456 = arith.constant 0 : i32
        %while3A_457 = arith.subi %add3A_455, %while3A : i32
        %while3A_458 = arith.addi %while3A, %while3A_457 : i32
        %while3A_459 = arith.constant 1 : i32
        %while3A_460 = arith.divsi %while3A_457, %while3A_459 : i32
        %while3A_461 = arith.muli %while3A_460, %while3A_459 : i32
        %while3A_462 = arith.addi %while3A, %while3A_461 : i32
        %while3A_463 = arith.constant 1 : i32
        %while3A_464 = scf.for %while3A_468 = %while3A to %while3A_462 step %while3A_463 iter_args(%while3A_469 = %while3A_456) -> (i32)  : i32 {
          %rem3A_470 = arith.constant 12 : i32
          %rem3A_471 = arith.remsi %while3A_468, %rem3A_470 : i32
          %mul3A_472 = arith.constant 32 : i32
          %mul3A_473 = arith.muli %rem3A_471, %mul3A_472 : i32
          %ge3A = arith.constant 12 : i32
          %ge3A_474 = arith.cmpi sge, %while3A_468, %ge3A : i32
          %convert_element_type3A = arith.extui %ge3A_474 : i1 to i32
          %cond3A = arith.constant 0 : i32
          %cond3A_475 = arith.cmpi ne, %convert_element_type3A, %cond3A : i32
          scf.if %cond3A_475 {
            %sub3A_480 = arith.constant 12 : i32
            %sub3A_481 = arith.subi %while3A_468, %sub3A_480 : i32
            %dma_wait3A_482 = arith.constant 0 : i32
            %dma_wait3A_483 = tpu.memref_slice %arg10[%mul3A_473, %dma_wait3A_482] : memref<384x128xf32, #tpu.memory_space<vmem>> -> memref<32x128xf32, #tpu.memory_space<vmem>>
            %dma_wait3A_484 = arith.constant 0 : i32
            %dma_wait3A_485 = tpu.memref_slice %arg8[%sub3A_481, %dma_wait3A_484] : memref<64x32xi32, #tpu.memory_space<vmem>> -> memref<1x32xi32, #tpu.memory_space<vmem>>
            %dma_wait3A_486 = tpu.memref_squeeze %dma_wait3A_485 : memref<1x32xi32, #tpu.memory_space<vmem>> -> memref<32xi32, #tpu.memory_space<vmem>>
            %dma_wait3A_487 = arith.constant 0 : i32
            %dma_wait3A_488 = arith.constant 0 : i32
            %dma_wait3A_489 = tpu.memref_slice %arg2[%dma_wait3A_487, %dma_wait3A_488] : memref<50000x128xf32, #tpu.memory_space<hbm>> -> memref<50000x128xf32, #tpu.memory_space<hbm>>
            %dma_wait3A_490 = tpu.memref_slice %arg13[%rem3A_471] : memref<12x!tpu.dma_semaphore, #tpu.memory_space<semaphore_mem>> -> memref<1x!tpu.dma_semaphore, #tpu.memory_space<semaphore_mem>>
            %dma_wait3A_491 = tpu.memref_squeeze %dma_wait3A_490 : memref<1x!tpu.dma_semaphore, #tpu.memory_space<semaphore_mem>> -> memref<!tpu.dma_semaphore, #tpu.memory_space<semaphore_mem>>
            tpu.wait_indirect_dma semaphore(%dma_wait3A_491 : memref<!tpu.dma_semaphore, #tpu.memory_space<semaphore_mem>>) src(%dma_wait3A_489 : memref<50000x128xf32, #tpu.memory_space<hbm>>) dst(%dma_wait3A_483 : memref<32x128xf32, #tpu.memory_space<vmem>>)
            %sub3A_492 = arith.constant 12 : i32
            %sub3A_493 = arith.subi %while3A_468, %sub3A_492 : i32
            "tpu.region"() ({
              %run_scoped3A = tpu.sem_alloc : memref<!tpu.dma_semaphore, #tpu.memory_space<semaphore_mem>>
              %dma_start3A_494 = arith.constant 0 : i32
              %dma_start3A_495 = tpu.memref_slice %arg10[%mul3A_473, %dma_start3A_494] : memref<384x128xf32, #tpu.memory_space<vmem>> -> memref<32x128xf32, #tpu.memory_space<vmem>>
              %dma_start3A_496 = arith.constant 0 : i32
              %dma_start3A_497 = tpu.memref_slice %arg9[%sub3A_493, %dma_start3A_496] : memref<64x32xi32, #tpu.memory_space<vmem>> -> memref<1x32xi32, #tpu.memory_space<vmem>>
              %dma_start3A_498 = tpu.memref_squeeze %dma_start3A_497 : memref<1x32xi32, #tpu.memory_space<vmem>> -> memref<32xi32, #tpu.memory_space<vmem>>
              %dma_start3A_499 = arith.constant 0 : i32
              %dma_start3A_500 = arith.constant 0 : i32
              %dma_start3A_501 = tpu.memref_slice %arg12[%dma_start3A_499, %dma_start3A_500] : memref<6288x128xf32, #tpu.memory_space<vmem_shared>> -> memref<6288x128xf32, #tpu.memory_space<vmem_shared>>
              tpu.enqueue_indirect_dma source(%dma_start3A_495 : memref<32x128xf32, #tpu.memory_space<vmem>>) target(%dma_start3A_501 : memref<6288x128xf32, #tpu.memory_space<vmem_shared>>) offsets(%dma_start3A_498 : memref<32xi32, #tpu.memory_space<vmem>>) semaphore(%run_scoped3A : memref<!tpu.dma_semaphore, #tpu.memory_space<semaphore_mem>>) {add = true}
              %dma_wait3A_502 = arith.constant 0 : i32
              %dma_wait3A_503 = tpu.memref_slice %arg10[%mul3A_473, %dma_wait3A_502] : memref<384x128xf32, #tpu.memory_space<vmem>> -> memref<32x128xf32, #tpu.memory_space<vmem>>
              %dma_wait3A_504 = arith.constant 0 : i32
              %dma_wait3A_505 = tpu.memref_slice %arg9[%sub3A_493, %dma_wait3A_504] : memref<64x32xi32, #tpu.memory_space<vmem>> -> memref<1x32xi32, #tpu.memory_space<vmem>>
              %dma_wait3A_506 = tpu.memref_squeeze %dma_wait3A_505 : memref<1x32xi32, #tpu.memory_space<vmem>> -> memref<32xi32, #tpu.memory_space<vmem>>
              %dma_wait3A_507 = arith.constant 0 : i32
              %dma_wait3A_508 = arith.constant 0 : i32
              %dma_wait3A_509 = tpu.memref_slice %arg12[%dma_wait3A_507, %dma_wait3A_508] : memref<6288x128xf32, #tpu.memory_space<vmem_shared>> -> memref<6288x128xf32, #tpu.memory_space<vmem_shared>>
              tpu.wait_indirect_dma semaphore(%run_scoped3A : memref<!tpu.dma_semaphore, #tpu.memory_space<semaphore_mem>>) src(%dma_wait3A_503 : memref<32x128xf32, #tpu.memory_space<vmem>>) dst(%dma_wait3A_509 : memref<6288x128xf32, #tpu.memory_space<vmem_shared>>)
              tpu.yield
            }) : () -> ()
          } else {
          }
          %lt3A = arith.cmpi slt, %while3A_468, %select_n3A : i32
          %convert_element_type3A_476 = arith.extui %lt3A : i1 to i32
          %cond3A_477 = arith.constant 0 : i32
          %cond3A_478 = arith.cmpi ne, %convert_element_type3A_476, %cond3A_477 : i32
          scf.if %cond3A_478 {
            %dma_start3A_480 = arith.constant 0 : i32
            %dma_start3A_481 = tpu.memref_slice %arg10[%mul3A_473, %dma_start3A_480] : memref<384x128xf32, #tpu.memory_space<vmem>> -> memref<32x128xf32, #tpu.memory_space<vmem>>
            %dma_start3A_482 = arith.constant 0 : i32
            %dma_start3A_483 = tpu.memref_slice %arg8[%while3A_468, %dma_start3A_482] : memref<64x32xi32, #tpu.memory_space<vmem>> -> memref<1x32xi32, #tpu.memory_space<vmem>>
            %dma_start3A_484 = tpu.memref_squeeze %dma_start3A_483 : memref<1x32xi32, #tpu.memory_space<vmem>> -> memref<32xi32, #tpu.memory_space<vmem>>
            %dma_start3A_485 = arith.constant 0 : i32
            %dma_start3A_486 = arith.constant 0 : i32
            %dma_start3A_487 = tpu.memref_slice %arg2[%dma_start3A_485, %dma_start3A_486] : memref<50000x128xf32, #tpu.memory_space<hbm>> -> memref<50000x128xf32, #tpu.memory_space<hbm>>
            %dma_start3A_488 = tpu.memref_slice %arg13[%rem3A_471] : memref<12x!tpu.dma_semaphore, #tpu.memory_space<semaphore_mem>> -> memref<1x!tpu.dma_semaphore, #tpu.memory_space<semaphore_mem>>
            %dma_start3A_489 = tpu.memref_squeeze %dma_start3A_488 : memref<1x!tpu.dma_semaphore, #tpu.memory_space<semaphore_mem>> -> memref<!tpu.dma_semaphore, #tpu.memory_space<semaphore_mem>>
            tpu.enqueue_indirect_dma source(%dma_start3A_487 : memref<50000x128xf32, #tpu.memory_space<hbm>>) target(%dma_start3A_481 : memref<32x128xf32, #tpu.memory_space<vmem>>) offsets(%dma_start3A_484 : memref<32xi32, #tpu.memory_space<vmem>>) semaphore(%dma_start3A_489 : memref<!tpu.dma_semaphore, #tpu.memory_space<semaphore_mem>>)
          } else {
          }
          %while3A_479 = arith.constant 0 : i32
          scf.yield %while3A_479 : i32
        }
        %while3A_465 = arith.constant 1 : i32
        %while3A_466 = scf.for %while3A_468 = %while3A_462 to %while3A_458 step %while3A_465 iter_args(%while3A_469 = %while3A_464) -> (i32)  : i32 {
          %rem3A_470 = arith.constant 12 : i32
          %rem3A_471 = arith.remsi %while3A_468, %rem3A_470 : i32
          %mul3A_472 = arith.constant 32 : i32
          %mul3A_473 = arith.muli %rem3A_471, %mul3A_472 : i32
          %ge3A = arith.constant 12 : i32
          %ge3A_474 = arith.cmpi sge, %while3A_468, %ge3A : i32
          %convert_element_type3A = arith.extui %ge3A_474 : i1 to i32
          %cond3A = arith.constant 0 : i32
          %cond3A_475 = arith.cmpi ne, %convert_element_type3A, %cond3A : i32
          scf.if %cond3A_475 {
            %sub3A_480 = arith.constant 12 : i32
            %sub3A_481 = arith.subi %while3A_468, %sub3A_480 : i32
            %dma_wait3A_482 = arith.constant 0 : i32
            %dma_wait3A_483 = tpu.memref_slice %arg10[%mul3A_473, %dma_wait3A_482] : memref<384x128xf32, #tpu.memory_space<vmem>> -> memref<32x128xf32, #tpu.memory_space<vmem>>
            %dma_wait3A_484 = arith.constant 0 : i32
            %dma_wait3A_485 = tpu.memref_slice %arg8[%sub3A_481, %dma_wait3A_484] : memref<64x32xi32, #tpu.memory_space<vmem>> -> memref<1x32xi32, #tpu.memory_space<vmem>>
            %dma_wait3A_486 = tpu.memref_squeeze %dma_wait3A_485 : memref<1x32xi32, #tpu.memory_space<vmem>> -> memref<32xi32, #tpu.memory_space<vmem>>
            %dma_wait3A_487 = arith.constant 0 : i32
            %dma_wait3A_488 = arith.constant 0 : i32
            %dma_wait3A_489 = tpu.memref_slice %arg2[%dma_wait3A_487, %dma_wait3A_488] : memref<50000x128xf32, #tpu.memory_space<hbm>> -> memref<50000x128xf32, #tpu.memory_space<hbm>>
            %dma_wait3A_490 = tpu.memref_slice %arg13[%rem3A_471] : memref<12x!tpu.dma_semaphore, #tpu.memory_space<semaphore_mem>> -> memref<1x!tpu.dma_semaphore, #tpu.memory_space<semaphore_mem>>
            %dma_wait3A_491 = tpu.memref_squeeze %dma_wait3A_490 : memref<1x!tpu.dma_semaphore, #tpu.memory_space<semaphore_mem>> -> memref<!tpu.dma_semaphore, #tpu.memory_space<semaphore_mem>>
            tpu.wait_indirect_dma semaphore(%dma_wait3A_491 : memref<!tpu.dma_semaphore, #tpu.memory_space<semaphore_mem>>) src(%dma_wait3A_489 : memref<50000x128xf32, #tpu.memory_space<hbm>>) dst(%dma_wait3A_483 : memref<32x128xf32, #tpu.memory_space<vmem>>)
            %sub3A_492 = arith.constant 12 : i32
            %sub3A_493 = arith.subi %while3A_468, %sub3A_492 : i32
            "tpu.region"() ({
              %run_scoped3A = tpu.sem_alloc : memref<!tpu.dma_semaphore, #tpu.memory_space<semaphore_mem>>
              %dma_start3A_494 = arith.constant 0 : i32
              %dma_start3A_495 = tpu.memref_slice %arg10[%mul3A_473, %dma_start3A_494] : memref<384x128xf32, #tpu.memory_space<vmem>> -> memref<32x128xf32, #tpu.memory_space<vmem>>
              %dma_start3A_496 = arith.constant 0 : i32
              %dma_start3A_497 = tpu.memref_slice %arg9[%sub3A_493, %dma_start3A_496] : memref<64x32xi32, #tpu.memory_space<vmem>> -> memref<1x32xi32, #tpu.memory_space<vmem>>
              %dma_start3A_498 = tpu.memref_squeeze %dma_start3A_497 : memref<1x32xi32, #tpu.memory_space<vmem>> -> memref<32xi32, #tpu.memory_space<vmem>>
              %dma_start3A_499 = arith.constant 0 : i32
              %dma_start3A_500 = arith.constant 0 : i32
              %dma_start3A_501 = tpu.memref_slice %arg12[%dma_start3A_499, %dma_start3A_500] : memref<6288x128xf32, #tpu.memory_space<vmem_shared>> -> memref<6288x128xf32, #tpu.memory_space<vmem_shared>>
              tpu.enqueue_indirect_dma source(%dma_start3A_495 : memref<32x128xf32, #tpu.memory_space<vmem>>) target(%dma_start3A_501 : memref<6288x128xf32, #tpu.memory_space<vmem_shared>>) offsets(%dma_start3A_498 : memref<32xi32, #tpu.memory_space<vmem>>) semaphore(%run_scoped3A : memref<!tpu.dma_semaphore, #tpu.memory_space<semaphore_mem>>) {add = true}
              %dma_wait3A_502 = arith.constant 0 : i32
              %dma_wait3A_503 = tpu.memref_slice %arg10[%mul3A_473, %dma_wait3A_502] : memref<384x128xf32, #tpu.memory_space<vmem>> -> memref<32x128xf32, #tpu.memory_space<vmem>>
              %dma_wait3A_504 = arith.constant 0 : i32
              %dma_wait3A_505 = tpu.memref_slice %arg9[%sub3A_493, %dma_wait3A_504] : memref<64x32xi32, #tpu.memory_space<vmem>> -> memref<1x32xi32, #tpu.memory_space<vmem>>
              %dma_wait3A_506 = tpu.memref_squeeze %dma_wait3A_505 : memref<1x32xi32, #tpu.memory_space<vmem>> -> memref<32xi32, #tpu.memory_space<vmem>>
              %dma_wait3A_507 = arith.constant 0 : i32
              %dma_wait3A_508 = arith.constant 0 : i32
              %dma_wait3A_509 = tpu.memref_slice %arg12[%dma_wait3A_507, %dma_wait3A_508] : memref<6288x128xf32, #tpu.memory_space<vmem_shared>> -> memref<6288x128xf32, #tpu.memory_space<vmem_shared>>
              tpu.wait_indirect_dma semaphore(%run_scoped3A : memref<!tpu.dma_semaphore, #tpu.memory_space<semaphore_mem>>) src(%dma_wait3A_503 : memref<32x128xf32, #tpu.memory_space<vmem>>) dst(%dma_wait3A_509 : memref<6288x128xf32, #tpu.memory_space<vmem_shared>>)
              tpu.yield
            }) : () -> ()
          } else {
          }
          %lt3A = arith.cmpi slt, %while3A_468, %select_n3A : i32
          %convert_element_type3A_476 = arith.extui %lt3A : i1 to i32
          %cond3A_477 = arith.constant 0 : i32
          %cond3A_478 = arith.cmpi ne, %convert_element_type3A_476, %cond3A_477 : i32
          scf.if %cond3A_478 {
            %dma_start3A_480 = arith.constant 0 : i32
            %dma_start3A_481 = tpu.memref_slice %arg10[%mul3A_473, %dma_start3A_480] : memref<384x128xf32, #tpu.memory_space<vmem>> -> memref<32x128xf32, #tpu.memory_space<vmem>>
            %dma_start3A_482 = arith.constant 0 : i32
            %dma_start3A_483 = tpu.memref_slice %arg8[%while3A_468, %dma_start3A_482] : memref<64x32xi32, #tpu.memory_space<vmem>> -> memref<1x32xi32, #tpu.memory_space<vmem>>
            %dma_start3A_484 = tpu.memref_squeeze %dma_start3A_483 : memref<1x32xi32, #tpu.memory_space<vmem>> -> memref<32xi32, #tpu.memory_space<vmem>>
            %dma_start3A_485 = arith.constant 0 : i32
            %dma_start3A_486 = arith.constant 0 : i32
            %dma_start3A_487 = tpu.memref_slice %arg2[%dma_start3A_485, %dma_start3A_486] : memref<50000x128xf32, #tpu.memory_space<hbm>> -> memref<50000x128xf32, #tpu.memory_space<hbm>>
            %dma_start3A_488 = tpu.memref_slice %arg13[%rem3A_471] : memref<12x!tpu.dma_semaphore, #tpu.memory_space<semaphore_mem>> -> memref<1x!tpu.dma_semaphore, #tpu.memory_space<semaphore_mem>>
            %dma_start3A_489 = tpu.memref_squeeze %dma_start3A_488 : memref<1x!tpu.dma_semaphore, #tpu.memory_space<semaphore_mem>> -> memref<!tpu.dma_semaphore, #tpu.memory_space<semaphore_mem>>
            tpu.enqueue_indirect_dma source(%dma_start3A_487 : memref<50000x128xf32, #tpu.memory_space<hbm>>) target(%dma_start3A_481 : memref<32x128xf32, #tpu.memory_space<vmem>>) offsets(%dma_start3A_484 : memref<32xi32, #tpu.memory_space<vmem>>) semaphore(%dma_start3A_489 : memref<!tpu.dma_semaphore, #tpu.memory_space<semaphore_mem>>)
          } else {
          }
          %while3A_479 = arith.constant 0 : i32
          scf.yield %while3A_479 : i32
        }
        %scan3A_467 = arith.constant 0 : i32
        scf.yield %scan3A_467 : i32
      }
      %scan3A_246 = arith.constant 8 : i32
      %barrier3A_247 = arith.constant 0 : index
      tpu.barrier barrier_id(%barrier3A_247)
      %add3A_248 = arith.constant 0 : i32
      %add3A_249 = arith.addi %mul3A_31, %add3A_248 : i32
      %add3A_250 = arith.addi %mul3A_29, %mul3A_31 : i32
      %add3A_251 = arith.constant 0 : i32
      %add3A_252 = arith.addi %add3A_250, %add3A_251 : i32
      %dma_start3A_253 = arith.constant 0 : i32
      %dma_start3A_254 = tpu.memref_slice %arg13[%dma_start3A_253] : memref<12x!tpu.dma_semaphore, #tpu.memory_space<semaphore_mem>> -> memref<1x!tpu.dma_semaphore, #tpu.memory_space<semaphore_mem>>
      %dma_start3A_255 = tpu.memref_squeeze %dma_start3A_254 : memref<1x!tpu.dma_semaphore, #tpu.memory_space<semaphore_mem>> -> memref<!tpu.dma_semaphore, #tpu.memory_space<semaphore_mem>>
      %dma_start3A_256 = arith.constant 0 : i32
      %dma_start3A_257 = tpu.memref_slice %arg6[%add3A_252, %dma_start3A_256] : memref<50176x128xf32, #tpu.memory_space<hbm>> -> memref<64x128xf32, #tpu.memory_space<hbm>>
      %dma_start3A_258 = arith.constant 0 : i32
      %dma_start3A_259 = tpu.memref_slice %arg12[%add3A_249, %dma_start3A_258] : memref<6288x128xf32, #tpu.memory_space<vmem_shared>> -> memref<64x128xf32, #tpu.memory_space<vmem_shared>>
      tpu.enqueue_dma source(%dma_start3A_259 : memref<64x128xf32, #tpu.memory_space<vmem_shared>>) target(%dma_start3A_257 : memref<64x128xf32, #tpu.memory_space<hbm>>) target_semaphore(%dma_start3A_255 : memref<!tpu.dma_semaphore, #tpu.memory_space<semaphore_mem>>)
      %add3A_260 = arith.constant 64 : i32
      %add3A_261 = arith.addi %mul3A_31, %add3A_260 : i32
      %add3A_262 = arith.addi %mul3A_29, %mul3A_31 : i32
      %add3A_263 = arith.constant 64 : i32
      %add3A_264 = arith.addi %add3A_262, %add3A_263 : i32
      %dma_start3A_265 = arith.constant 1 : i32
      %dma_start3A_266 = tpu.memref_slice %arg13[%dma_start3A_265] : memref<12x!tpu.dma_semaphore, #tpu.memory_space<semaphore_mem>> -> memref<1x!tpu.dma_semaphore, #tpu.memory_space<semaphore_mem>>
      %dma_start3A_267 = tpu.memref_squeeze %dma_start3A_266 : memref<1x!tpu.dma_semaphore, #tpu.memory_space<semaphore_mem>> -> memref<!tpu.dma_semaphore, #tpu.memory_space<semaphore_mem>>
      %dma_start3A_268 = arith.constant 0 : i32
      %dma_start3A_269 = tpu.memref_slice %arg6[%add3A_264, %dma_start3A_268] : memref<50176x128xf32, #tpu.memory_space<hbm>> -> memref<64x128xf32, #tpu.memory_space<hbm>>
      %dma_start3A_270 = arith.constant 0 : i32
      %dma_start3A_271 = tpu.memref_slice %arg12[%add3A_261, %dma_start3A_270] : memref<6288x128xf32, #tpu.memory_space<vmem_shared>> -> memref<64x128xf32, #tpu.memory_space<vmem_shared>>
      tpu.enqueue_dma source(%dma_start3A_271 : memref<64x128xf32, #tpu.memory_space<vmem_shared>>) target(%dma_start3A_269 : memref<64x128xf32, #tpu.memory_space<hbm>>) target_semaphore(%dma_start3A_267 : memref<!tpu.dma_semaphore, #tpu.memory_space<semaphore_mem>>)
      %add3A_272 = arith.constant 128 : i32
      %add3A_273 = arith.addi %mul3A_31, %add3A_272 : i32
      %add3A_274 = arith.addi %mul3A_29, %mul3A_31 : i32
      %add3A_275 = arith.constant 128 : i32
      %add3A_276 = arith.addi %add3A_274, %add3A_275 : i32
      %dma_start3A_277 = arith.constant 2 : i32
      %dma_start3A_278 = tpu.memref_slice %arg13[%dma_start3A_277] : memref<12x!tpu.dma_semaphore, #tpu.memory_space<semaphore_mem>> -> memref<1x!tpu.dma_semaphore, #tpu.memory_space<semaphore_mem>>
      %dma_start3A_279 = tpu.memref_squeeze %dma_start3A_278 : memref<1x!tpu.dma_semaphore, #tpu.memory_space<semaphore_mem>> -> memref<!tpu.dma_semaphore, #tpu.memory_space<semaphore_mem>>
      %dma_start3A_280 = arith.constant 0 : i32
      %dma_start3A_281 = tpu.memref_slice %arg6[%add3A_276, %dma_start3A_280] : memref<50176x128xf32, #tpu.memory_space<hbm>> -> memref<64x128xf32, #tpu.memory_space<hbm>>
      %dma_start3A_282 = arith.constant 0 : i32
      %dma_start3A_283 = tpu.memref_slice %arg12[%add3A_273, %dma_start3A_282] : memref<6288x128xf32, #tpu.memory_space<vmem_shared>> -> memref<64x128xf32, #tpu.memory_space<vmem_shared>>
      tpu.enqueue_dma source(%dma_start3A_283 : memref<64x128xf32, #tpu.memory_space<vmem_shared>>) target(%dma_start3A_281 : memref<64x128xf32, #tpu.memory_space<hbm>>) target_semaphore(%dma_start3A_279 : memref<!tpu.dma_semaphore, #tpu.memory_space<semaphore_mem>>)
      %add3A_284 = arith.constant 192 : i32
      %add3A_285 = arith.addi %mul3A_31, %add3A_284 : i32
      %add3A_286 = arith.addi %mul3A_29, %mul3A_31 : i32
      %add3A_287 = arith.constant 192 : i32
      %add3A_288 = arith.addi %add3A_286, %add3A_287 : i32
      %dma_start3A_289 = arith.constant 3 : i32
      %dma_start3A_290 = tpu.memref_slice %arg13[%dma_start3A_289] : memref<12x!tpu.dma_semaphore, #tpu.memory_space<semaphore_mem>> -> memref<1x!tpu.dma_semaphore, #tpu.memory_space<semaphore_mem>>
      %dma_start3A_291 = tpu.memref_squeeze %dma_start3A_290 : memref<1x!tpu.dma_semaphore, #tpu.memory_space<semaphore_mem>> -> memref<!tpu.dma_semaphore, #tpu.memory_space<semaphore_mem>>
      %dma_start3A_292 = arith.constant 0 : i32
      %dma_start3A_293 = tpu.memref_slice %arg6[%add3A_288, %dma_start3A_292] : memref<50176x128xf32, #tpu.memory_space<hbm>> -> memref<64x128xf32, #tpu.memory_space<hbm>>
      %dma_start3A_294 = arith.constant 0 : i32
      %dma_start3A_295 = tpu.memref_slice %arg12[%add3A_285, %dma_start3A_294] : memref<6288x128xf32, #tpu.memory_space<vmem_shared>> -> memref<64x128xf32, #tpu.memory_space<vmem_shared>>
      tpu.enqueue_dma source(%dma_start3A_295 : memref<64x128xf32, #tpu.memory_space<vmem_shared>>) target(%dma_start3A_293 : memref<64x128xf32, #tpu.memory_space<hbm>>) target_semaphore(%dma_start3A_291 : memref<!tpu.dma_semaphore, #tpu.memory_space<semaphore_mem>>)
      %add3A_296 = arith.constant 256 : i32
      %add3A_297 = arith.addi %mul3A_31, %add3A_296 : i32
      %add3A_298 = arith.addi %mul3A_29, %mul3A_31 : i32
      %add3A_299 = arith.constant 256 : i32
      %add3A_300 = arith.addi %add3A_298, %add3A_299 : i32
      %dma_start3A_301 = arith.constant 4 : i32
      %dma_start3A_302 = tpu.memref_slice %arg13[%dma_start3A_301] : memref<12x!tpu.dma_semaphore, #tpu.memory_space<semaphore_mem>> -> memref<1x!tpu.dma_semaphore, #tpu.memory_space<semaphore_mem>>
      %dma_start3A_303 = tpu.memref_squeeze %dma_start3A_302 : memref<1x!tpu.dma_semaphore, #tpu.memory_space<semaphore_mem>> -> memref<!tpu.dma_semaphore, #tpu.memory_space<semaphore_mem>>
      %dma_start3A_304 = arith.constant 0 : i32
      %dma_start3A_305 = tpu.memref_slice %arg6[%add3A_300, %dma_start3A_304] : memref<50176x128xf32, #tpu.memory_space<hbm>> -> memref<64x128xf32, #tpu.memory_space<hbm>>
      %dma_start3A_306 = arith.constant 0 : i32
      %dma_start3A_307 = tpu.memref_slice %arg12[%add3A_297, %dma_start3A_306] : memref<6288x128xf32, #tpu.memory_space<vmem_shared>> -> memref<64x128xf32, #tpu.memory_space<vmem_shared>>
      tpu.enqueue_dma source(%dma_start3A_307 : memref<64x128xf32, #tpu.memory_space<vmem_shared>>) target(%dma_start3A_305 : memref<64x128xf32, #tpu.memory_space<hbm>>) target_semaphore(%dma_start3A_303 : memref<!tpu.dma_semaphore, #tpu.memory_space<semaphore_mem>>)
      %add3A_308 = arith.constant 320 : i32
      %add3A_309 = arith.addi %mul3A_31, %add3A_308 : i32
      %add3A_310 = arith.addi %mul3A_29, %mul3A_31 : i32
      %add3A_311 = arith.constant 320 : i32
      %add3A_312 = arith.addi %add3A_310, %add3A_311 : i32
      %dma_start3A_313 = arith.constant 5 : i32
      %dma_start3A_314 = tpu.memref_slice %arg13[%dma_start3A_313] : memref<12x!tpu.dma_semaphore, #tpu.memory_space<semaphore_mem>> -> memref<1x!tpu.dma_semaphore, #tpu.memory_space<semaphore_mem>>
      %dma_start3A_315 = tpu.memref_squeeze %dma_start3A_314 : memref<1x!tpu.dma_semaphore, #tpu.memory_space<semaphore_mem>> -> memref<!tpu.dma_semaphore, #tpu.memory_space<semaphore_mem>>
      %dma_start3A_316 = arith.constant 0 : i32
      %dma_start3A_317 = tpu.memref_slice %arg6[%add3A_312, %dma_start3A_316] : memref<50176x128xf32, #tpu.memory_space<hbm>> -> memref<64x128xf32, #tpu.memory_space<hbm>>
      %dma_start3A_318 = arith.constant 0 : i32
      %dma_start3A_319 = tpu.memref_slice %arg12[%add3A_309, %dma_start3A_318] : memref<6288x128xf32, #tpu.memory_space<vmem_shared>> -> memref<64x128xf32, #tpu.memory_space<vmem_shared>>
      tpu.enqueue_dma source(%dma_start3A_319 : memref<64x128xf32, #tpu.memory_space<vmem_shared>>) target(%dma_start3A_317 : memref<64x128xf32, #tpu.memory_space<hbm>>) target_semaphore(%dma_start3A_315 : memref<!tpu.dma_semaphore, #tpu.memory_space<semaphore_mem>>)
      %add3A_320 = arith.constant 384 : i32
      %add3A_321 = arith.addi %mul3A_31, %add3A_320 : i32
      %add3A_322 = arith.addi %mul3A_29, %mul3A_31 : i32
      %add3A_323 = arith.constant 384 : i32
      %add3A_324 = arith.addi %add3A_322, %add3A_323 : i32
      %dma_start3A_325 = arith.constant 6 : i32
      %dma_start3A_326 = tpu.memref_slice %arg13[%dma_start3A_325] : memref<12x!tpu.dma_semaphore, #tpu.memory_space<semaphore_mem>> -> memref<1x!tpu.dma_semaphore, #tpu.memory_space<semaphore_mem>>
      %dma_start3A_327 = tpu.memref_squeeze %dma_start3A_326 : memref<1x!tpu.dma_semaphore, #tpu.memory_space<semaphore_mem>> -> memref<!tpu.dma_semaphore, #tpu.memory_space<semaphore_mem>>
      %dma_start3A_328 = arith.constant 0 : i32
      %dma_start3A_329 = tpu.memref_slice %arg6[%add3A_324, %dma_start3A_328] : memref<50176x128xf32, #tpu.memory_space<hbm>> -> memref<8x128xf32, #tpu.memory_space<hbm>>
      %dma_start3A_330 = arith.constant 0 : i32
      %dma_start3A_331 = tpu.memref_slice %arg12[%add3A_321, %dma_start3A_330] : memref<6288x128xf32, #tpu.memory_space<vmem_shared>> -> memref<8x128xf32, #tpu.memory_space<vmem_shared>>
      tpu.enqueue_dma source(%dma_start3A_331 : memref<8x128xf32, #tpu.memory_space<vmem_shared>>) target(%dma_start3A_329 : memref<8x128xf32, #tpu.memory_space<hbm>>) target_semaphore(%dma_start3A_327 : memref<!tpu.dma_semaphore, #tpu.memory_space<semaphore_mem>>)
      %add3A_332 = arith.constant 0 : i32
      %add3A_333 = arith.addi %mul3A_31, %add3A_332 : i32
      %add3A_334 = arith.addi %mul3A_29, %mul3A_31 : i32
      %add3A_335 = arith.constant 0 : i32
      %add3A_336 = arith.addi %add3A_334, %add3A_335 : i32
      %dma_wait3A_337 = arith.constant 0 : i32
      %dma_wait3A_338 = tpu.memref_slice %arg13[%dma_wait3A_337] : memref<12x!tpu.dma_semaphore, #tpu.memory_space<semaphore_mem>> -> memref<1x!tpu.dma_semaphore, #tpu.memory_space<semaphore_mem>>
      %dma_wait3A_339 = tpu.memref_squeeze %dma_wait3A_338 : memref<1x!tpu.dma_semaphore, #tpu.memory_space<semaphore_mem>> -> memref<!tpu.dma_semaphore, #tpu.memory_space<semaphore_mem>>
      %dma_wait3A_340 = arith.constant 0 : i32
      %dma_wait3A_341 = tpu.memref_slice %arg6[%add3A_336, %dma_wait3A_340] : memref<50176x128xf32, #tpu.memory_space<hbm>> -> memref<64x128xf32, #tpu.memory_space<hbm>>
      %dma_wait3A_342 = arith.constant 0 : i32
      %dma_wait3A_343 = tpu.memref_slice %arg12[%add3A_333, %dma_wait3A_342] : memref<6288x128xf32, #tpu.memory_space<vmem_shared>> -> memref<64x128xf32, #tpu.memory_space<vmem_shared>>
      tpu.wait_dma2 semaphore(%dma_wait3A_339 : memref<!tpu.dma_semaphore, #tpu.memory_space<semaphore_mem>>) src(%dma_wait3A_343 : memref<64x128xf32, #tpu.memory_space<vmem_shared>>) dst(%dma_wait3A_341 : memref<64x128xf32, #tpu.memory_space<hbm>>)
      %add3A_344 = arith.constant 64 : i32
      %add3A_345 = arith.addi %mul3A_31, %add3A_344 : i32
      %add3A_346 = arith.addi %mul3A_29, %mul3A_31 : i32
      %add3A_347 = arith.constant 64 : i32
      %add3A_348 = arith.addi %add3A_346, %add3A_347 : i32
      %dma_wait3A_349 = arith.constant 1 : i32
      %dma_wait3A_350 = tpu.memref_slice %arg13[%dma_wait3A_349] : memref<12x!tpu.dma_semaphore, #tpu.memory_space<semaphore_mem>> -> memref<1x!tpu.dma_semaphore, #tpu.memory_space<semaphore_mem>>
      %dma_wait3A_351 = tpu.memref_squeeze %dma_wait3A_350 : memref<1x!tpu.dma_semaphore, #tpu.memory_space<semaphore_mem>> -> memref<!tpu.dma_semaphore, #tpu.memory_space<semaphore_mem>>
      %dma_wait3A_352 = arith.constant 0 : i32
      %dma_wait3A_353 = tpu.memref_slice %arg6[%add3A_348, %dma_wait3A_352] : memref<50176x128xf32, #tpu.memory_space<hbm>> -> memref<64x128xf32, #tpu.memory_space<hbm>>
      %dma_wait3A_354 = arith.constant 0 : i32
      %dma_wait3A_355 = tpu.memref_slice %arg12[%add3A_345, %dma_wait3A_354] : memref<6288x128xf32, #tpu.memory_space<vmem_shared>> -> memref<64x128xf32, #tpu.memory_space<vmem_shared>>
      tpu.wait_dma2 semaphore(%dma_wait3A_351 : memref<!tpu.dma_semaphore, #tpu.memory_space<semaphore_mem>>) src(%dma_wait3A_355 : memref<64x128xf32, #tpu.memory_space<vmem_shared>>) dst(%dma_wait3A_353 : memref<64x128xf32, #tpu.memory_space<hbm>>)
      %add3A_356 = arith.constant 128 : i32
      %add3A_357 = arith.addi %mul3A_31, %add3A_356 : i32
      %add3A_358 = arith.addi %mul3A_29, %mul3A_31 : i32
      %add3A_359 = arith.constant 128 : i32
      %add3A_360 = arith.addi %add3A_358, %add3A_359 : i32
      %dma_wait3A_361 = arith.constant 2 : i32
      %dma_wait3A_362 = tpu.memref_slice %arg13[%dma_wait3A_361] : memref<12x!tpu.dma_semaphore, #tpu.memory_space<semaphore_mem>> -> memref<1x!tpu.dma_semaphore, #tpu.memory_space<semaphore_mem>>
      %dma_wait3A_363 = tpu.memref_squeeze %dma_wait3A_362 : memref<1x!tpu.dma_semaphore, #tpu.memory_space<semaphore_mem>> -> memref<!tpu.dma_semaphore, #tpu.memory_space<semaphore_mem>>
      %dma_wait3A_364 = arith.constant 0 : i32
      %dma_wait3A_365 = tpu.memref_slice %arg6[%add3A_360, %dma_wait3A_364] : memref<50176x128xf32, #tpu.memory_space<hbm>> -> memref<64x128xf32, #tpu.memory_space<hbm>>
      %dma_wait3A_366 = arith.constant 0 : i32
      %dma_wait3A_367 = tpu.memref_slice %arg12[%add3A_357, %dma_wait3A_366] : memref<6288x128xf32, #tpu.memory_space<vmem_shared>> -> memref<64x128xf32, #tpu.memory_space<vmem_shared>>
      tpu.wait_dma2 semaphore(%dma_wait3A_363 : memref<!tpu.dma_semaphore, #tpu.memory_space<semaphore_mem>>) src(%dma_wait3A_367 : memref<64x128xf32, #tpu.memory_space<vmem_shared>>) dst(%dma_wait3A_365 : memref<64x128xf32, #tpu.memory_space<hbm>>)
      %add3A_368 = arith.constant 192 : i32
      %add3A_369 = arith.addi %mul3A_31, %add3A_368 : i32
      %add3A_370 = arith.addi %mul3A_29, %mul3A_31 : i32
      %add3A_371 = arith.constant 192 : i32
      %add3A_372 = arith.addi %add3A_370, %add3A_371 : i32
      %dma_wait3A_373 = arith.constant 3 : i32
      %dma_wait3A_374 = tpu.memref_slice %arg13[%dma_wait3A_373] : memref<12x!tpu.dma_semaphore, #tpu.memory_space<semaphore_mem>> -> memref<1x!tpu.dma_semaphore, #tpu.memory_space<semaphore_mem>>
      %dma_wait3A_375 = tpu.memref_squeeze %dma_wait3A_374 : memref<1x!tpu.dma_semaphore, #tpu.memory_space<semaphore_mem>> -> memref<!tpu.dma_semaphore, #tpu.memory_space<semaphore_mem>>
      %dma_wait3A_376 = arith.constant 0 : i32
      %dma_wait3A_377 = tpu.memref_slice %arg6[%add3A_372, %dma_wait3A_376] : memref<50176x128xf32, #tpu.memory_space<hbm>> -> memref<64x128xf32, #tpu.memory_space<hbm>>
      %dma_wait3A_378 = arith.constant 0 : i32
      %dma_wait3A_379 = tpu.memref_slice %arg12[%add3A_369, %dma_wait3A_378] : memref<6288x128xf32, #tpu.memory_space<vmem_shared>> -> memref<64x128xf32, #tpu.memory_space<vmem_shared>>
      tpu.wait_dma2 semaphore(%dma_wait3A_375 : memref<!tpu.dma_semaphore, #tpu.memory_space<semaphore_mem>>) src(%dma_wait3A_379 : memref<64x128xf32, #tpu.memory_space<vmem_shared>>) dst(%dma_wait3A_377 : memref<64x128xf32, #tpu.memory_space<hbm>>)
      %add3A_380 = arith.constant 256 : i32
      %add3A_381 = arith.addi %mul3A_31, %add3A_380 : i32
      %add3A_382 = arith.addi %mul3A_29, %mul3A_31 : i32
      %add3A_383 = arith.constant 256 : i32
      %add3A_384 = arith.addi %add3A_382, %add3A_383 : i32
      %dma_wait3A_385 = arith.constant 4 : i32
      %dma_wait3A_386 = tpu.memref_slice %arg13[%dma_wait3A_385] : memref<12x!tpu.dma_semaphore, #tpu.memory_space<semaphore_mem>> -> memref<1x!tpu.dma_semaphore, #tpu.memory_space<semaphore_mem>>
      %dma_wait3A_387 = tpu.memref_squeeze %dma_wait3A_386 : memref<1x!tpu.dma_semaphore, #tpu.memory_space<semaphore_mem>> -> memref<!tpu.dma_semaphore, #tpu.memory_space<semaphore_mem>>
      %dma_wait3A_388 = arith.constant 0 : i32
      %dma_wait3A_389 = tpu.memref_slice %arg6[%add3A_384, %dma_wait3A_388] : memref<50176x128xf32, #tpu.memory_space<hbm>> -> memref<64x128xf32, #tpu.memory_space<hbm>>
      %dma_wait3A_390 = arith.constant 0 : i32
      %dma_wait3A_391 = tpu.memref_slice %arg12[%add3A_381, %dma_wait3A_390] : memref<6288x128xf32, #tpu.memory_space<vmem_shared>> -> memref<64x128xf32, #tpu.memory_space<vmem_shared>>
      tpu.wait_dma2 semaphore(%dma_wait3A_387 : memref<!tpu.dma_semaphore, #tpu.memory_space<semaphore_mem>>) src(%dma_wait3A_391 : memref<64x128xf32, #tpu.memory_space<vmem_shared>>) dst(%dma_wait3A_389 : memref<64x128xf32, #tpu.memory_space<hbm>>)
      %add3A_392 = arith.constant 320 : i32
      %add3A_393 = arith.addi %mul3A_31, %add3A_392 : i32
      %add3A_394 = arith.addi %mul3A_29, %mul3A_31 : i32
      %add3A_395 = arith.constant 320 : i32
      %add3A_396 = arith.addi %add3A_394, %add3A_395 : i32
      %dma_wait3A_397 = arith.constant 5 : i32
      %dma_wait3A_398 = tpu.memref_slice %arg13[%dma_wait3A_397] : memref<12x!tpu.dma_semaphore, #tpu.memory_space<semaphore_mem>> -> memref<1x!tpu.dma_semaphore, #tpu.memory_space<semaphore_mem>>
      %dma_wait3A_399 = tpu.memref_squeeze %dma_wait3A_398 : memref<1x!tpu.dma_semaphore, #tpu.memory_space<semaphore_mem>> -> memref<!tpu.dma_semaphore, #tpu.memory_space<semaphore_mem>>
      %dma_wait3A_400 = arith.constant 0 : i32
      %dma_wait3A_401 = tpu.memref_slice %arg6[%add3A_396, %dma_wait3A_400] : memref<50176x128xf32, #tpu.memory_space<hbm>> -> memref<64x128xf32, #tpu.memory_space<hbm>>
      %dma_wait3A_402 = arith.constant 0 : i32
      %dma_wait3A_403 = tpu.memref_slice %arg12[%add3A_393, %dma_wait3A_402] : memref<6288x128xf32, #tpu.memory_space<vmem_shared>> -> memref<64x128xf32, #tpu.memory_space<vmem_shared>>
      tpu.wait_dma2 semaphore(%dma_wait3A_399 : memref<!tpu.dma_semaphore, #tpu.memory_space<semaphore_mem>>) src(%dma_wait3A_403 : memref<64x128xf32, #tpu.memory_space<vmem_shared>>) dst(%dma_wait3A_401 : memref<64x128xf32, #tpu.memory_space<hbm>>)
      %add3A_404 = arith.constant 384 : i32
      %add3A_405 = arith.addi %mul3A_31, %add3A_404 : i32
      %add3A_406 = arith.addi %mul3A_29, %mul3A_31 : i32
      %add3A_407 = arith.constant 384 : i32
      %add3A_408 = arith.addi %add3A_406, %add3A_407 : i32
      %dma_wait3A_409 = arith.constant 6 : i32
      %dma_wait3A_410 = tpu.memref_slice %arg13[%dma_wait3A_409] : memref<12x!tpu.dma_semaphore, #tpu.memory_space<semaphore_mem>> -> memref<1x!tpu.dma_semaphore, #tpu.memory_space<semaphore_mem>>
      %dma_wait3A_411 = tpu.memref_squeeze %dma_wait3A_410 : memref<1x!tpu.dma_semaphore, #tpu.memory_space<semaphore_mem>> -> memref<!tpu.dma_semaphore, #tpu.memory_space<semaphore_mem>>
      %dma_wait3A_412 = arith.constant 0 : i32
      %dma_wait3A_413 = tpu.memref_slice %arg6[%add3A_408, %dma_wait3A_412] : memref<50176x128xf32, #tpu.memory_space<hbm>> -> memref<8x128xf32, #tpu.memory_space<hbm>>
      %dma_wait3A_414 = arith.constant 0 : i32
      %dma_wait3A_415 = tpu.memref_slice %arg12[%add3A_405, %dma_wait3A_414] : memref<6288x128xf32, #tpu.memory_space<vmem_shared>> -> memref<8x128xf32, #tpu.memory_space<vmem_shared>>
      tpu.wait_dma2 semaphore(%dma_wait3A_411 : memref<!tpu.dma_semaphore, #tpu.memory_space<semaphore_mem>>) src(%dma_wait3A_415 : memref<8x128xf32, #tpu.memory_space<vmem_shared>>) dst(%dma_wait3A_413 : memref<8x128xf32, #tpu.memory_space<hbm>>)
      %barrier3A_416 = arith.constant 0 : index
      tpu.barrier barrier_id(%barrier3A_416)
      %scan3A_417 = arith.constant 0 : i32
      scf.yield %scan3A_417 : i32
    }
    %scan3A_24 = arith.constant 4 : i32
    return
  }
}

#map = affine_map<(d0, d1) -> (0, 0)>
module attributes {stable_mosaic.version = 14 : i64} {
  func.func @body(%arg0: i32, %arg1: i32, %arg2: memref<16x16384xi32, #tpu.memory_space<hbm>>, %arg3: memref<16x16384xi32, #tpu.memory_space<hbm>>, %arg4: memref<32x50176xf32, #tpu.memory_space<hbm>>, %arg5: memref<32x50176xf32, #tpu.memory_space<hbm>>, %arg6: memref<2048xi32, #tpu.memory_space<vmem>>, %arg7: memref<50176xf32, #tpu.memory_space<vmem>>) attributes {dimension_semantics = [#tpu.dimension_semantics<core_parallel>, #tpu.dimension_semantics<subcore_parallel>], iteration_bounds = array<i64: 2, 16>, scalar_prefetch = 0 : i64, scratch_operands = 2 : i64, tpu.core_type = #tpu.core_type<sc_vector_subcore>, window_params = [{transform_indices = #map}, {transform_indices = #map}, {transform_indices = #map}, {transform_indices = #map}]} {
    %broadcast_in_dim3A = arith.constant 0.000000e+00 : f32
    %broadcast_in_dim3A_0 = vector.broadcast %broadcast_in_dim3A : f32 to vector<16xf32>
    %broadcast_in_dim3A_1 = arith.constant 1.000000e+00 : f32
    %broadcast_in_dim3A_2 = vector.broadcast %broadcast_in_dim3A_1 : f32 to vector<16xf32>
    %scan3A = arith.constant 0 : i32
    %scan3A_3 = arith.constant 0 : i32
    %scan3A_4 = arith.constant 3136 : i32
    %scan3A_5 = arith.addi %scan3A_3, %scan3A_4 : i32
    %scan3A_6 = arith.constant 1 : i32
    %scan3A_7 = scf.for %scan3A_34 = %scan3A_3 to %scan3A_5 step %scan3A_6 iter_args(%scan3A_35 = %scan3A) -> (i32)  : i32 {
      %mul3A_36 = arith.constant 16 : i32
      %mul3A_37 = arith.muli %scan3A_34, %mul3A_36 : i32
      %swap3A = arith.index_cast %mul3A_37 : i32 to index
      %swap3A_38 = tpu.vector_load %arg7[%swap3A] {strides = array<i32>} : memref<50176xf32, #tpu.memory_space<vmem>>, vector<16xf32>,
      tpu.vector_store %arg7[%swap3A], %broadcast_in_dim3A_0 {strides = array<i32>} : memref<50176xf32, #tpu.memory_space<vmem>>, vector<16xf32>,
      %scan3A_39 = arith.constant 0 : i32
      scf.yield %scan3A_39 : i32
    }
    %scan3A_8 = arith.constant 3136 : i32
    %scan3A_9 = arith.constant 0 : i32
    %scan3A_10 = arith.constant 0 : i32
    %scan3A_11 = arith.constant 4 : i32
    %scan3A_12 = arith.addi %scan3A_10, %scan3A_11 : i32
    %scan3A_13 = arith.constant 1 : i32
    %scan3A_14 = scf.for %scan3A_34 = %scan3A_10 to %scan3A_12 step %scan3A_13 iter_args(%scan3A_35 = %scan3A_9) -> (i32)  : i32 {
      %mul3A_36 = arith.constant 8192 : i32
      %mul3A_37 = arith.muli %arg0, %mul3A_36 : i32
      %mul3A_38 = arith.constant 2048 : i32
      %mul3A_39 = arith.muli %scan3A_34, %mul3A_38 : i32
      %add3A_40 = arith.addi %mul3A_37, %mul3A_39 : i32
      "tpu.region"() ({
        %run_scoped3A = tpu.sem_alloc : memref<!tpu.dma_semaphore, #tpu.memory_space<semaphore_mem>>
        %dma_start3A = tpu.memref_slice %arg2[%arg1, %add3A_40] : memref<16x16384xi32, #tpu.memory_space<hbm>> -> memref<1x2048xi32, #tpu.memory_space<hbm>>
        %dma_start3A_49 = tpu.memref_squeeze %dma_start3A : memref<1x2048xi32, #tpu.memory_space<hbm>> -> memref<2048xi32, #tpu.memory_space<hbm>>
        %dma_start3A_50 = tpu.memref_slice %arg2[%arg1, %add3A_40] : memref<16x16384xi32, #tpu.memory_space<hbm>> -> memref<1x2048xi32, #tpu.memory_space<hbm>>
        %dma_start3A_51 = tpu.memref_squeeze %dma_start3A_50 : memref<1x2048xi32, #tpu.memory_space<hbm>> -> memref<2048xi32, #tpu.memory_space<hbm>>
        tpu.enqueue_dma source(%dma_start3A_51 : memref<2048xi32, #tpu.memory_space<hbm>>) target(%arg6 : memref<2048xi32, #tpu.memory_space<vmem>>) target_semaphore(%run_scoped3A : memref<!tpu.dma_semaphore, #tpu.memory_space<semaphore_mem>>)
        %dma_wait3A = tpu.memref_slice %arg2[%arg1, %add3A_40] : memref<16x16384xi32, #tpu.memory_space<hbm>> -> memref<1x2048xi32, #tpu.memory_space<hbm>>
        %dma_wait3A_52 = tpu.memref_squeeze %dma_wait3A : memref<1x2048xi32, #tpu.memory_space<hbm>> -> memref<2048xi32, #tpu.memory_space<hbm>>
        %dma_wait3A_53 = tpu.memref_slice %arg2[%arg1, %add3A_40] : memref<16x16384xi32, #tpu.memory_space<hbm>> -> memref<1x2048xi32, #tpu.memory_space<hbm>>
        %dma_wait3A_54 = tpu.memref_squeeze %dma_wait3A_53 : memref<1x2048xi32, #tpu.memory_space<hbm>> -> memref<2048xi32, #tpu.memory_space<hbm>>
        tpu.wait_dma2 semaphore(%run_scoped3A : memref<!tpu.dma_semaphore, #tpu.memory_space<semaphore_mem>>) src(%dma_wait3A_54 : memref<2048xi32, #tpu.memory_space<hbm>>) dst(%arg6 : memref<2048xi32, #tpu.memory_space<vmem>>)
        tpu.yield
      }) : () -> ()
      %scan3A_41 = arith.constant 0 : i32
      %scan3A_42 = arith.constant 0 : i32
      %scan3A_43 = arith.constant 128 : i32
      %scan3A_44 = arith.addi %scan3A_42, %scan3A_43 : i32
      %scan3A_45 = arith.constant 1 : i32
      %scan3A_46 = scf.for %scan3A_49 = %scan3A_42 to %scan3A_44 step %scan3A_45 iter_args(%scan3A_50 = %scan3A_41) -> (i32)  : i32 {
        %mul3A_51 = arith.constant 16 : i32
        %mul3A_52 = arith.muli %scan3A_49, %mul3A_51 : i32
        %get3A = arith.index_cast %mul3A_52 : i32 to index
        %get3A_53 = tpu.vector_load %arg6[%get3A] {strides = array<i32>} : memref<2048xi32, #tpu.memory_space<vmem>>, vector<16xi32>,
        %ge3A = arith.constant 0 : i32
        %ge3A_54 = vector.broadcast %ge3A : i32 to vector<16xi32>
        %ge3A_55 = arith.cmpi sge, %get3A_53, %ge3A_54 : vector<16xi32>
        %jit3A = arith.constant 0 : i32
        %broadcast_in_dim3A_56 = vector.broadcast %jit3A : i32 to vector<16xi32>
        %select_n3A = arith.select %ge3A_55, %get3A_53, %broadcast_in_dim3A_56 : vector<16xi1>, vector<16xi32>
        tpu.vector_store_idx %arg7[%select_n3A], %broadcast_in_dim3A_2 masked %ge3A_55 {add = true} : memref<50176xf32, #tpu.memory_space<vmem>>[vector<16xi32>], vector<16xf32>, vector<16xi1>
        %scan3A_57 = arith.constant 0 : i32
        scf.yield %scan3A_57 : i32
      }
      %scan3A_47 = arith.constant 128 : i32
      %scan3A_48 = arith.constant 0 : i32
      scf.yield %scan3A_48 : i32
    }
    %scan3A_15 = arith.constant 4 : i32
    %mul3A = arith.constant 16 : i32
    %mul3A_16 = arith.muli %arg0, %mul3A : i32
    %add3A = arith.addi %mul3A_16, %arg1 : i32
    "tpu.region"() ({
      %run_scoped3A = tpu.sem_alloc : memref<!tpu.dma_semaphore, #tpu.memory_space<semaphore_mem>>
      %dma_start3A = arith.constant 0 : i32
      %dma_start3A_34 = tpu.memref_slice %arg7[%dma_start3A] : memref<50176xf32, #tpu.memory_space<vmem>> -> memref<50176xf32, #tpu.memory_space<vmem>>
      %dma_start3A_35 = arith.constant 0 : i32
      %dma_start3A_36 = tpu.memref_slice %arg4[%add3A, %dma_start3A_35] : memref<32x50176xf32, #tpu.memory_space<hbm>> -> memref<1x50176xf32, #tpu.memory_space<hbm>>
      %dma_start3A_37 = tpu.memref_squeeze %dma_start3A_36 : memref<1x50176xf32, #tpu.memory_space<hbm>> -> memref<50176xf32, #tpu.memory_space<hbm>>
      %dma_start3A_38 = arith.constant 0 : i32
      %dma_start3A_39 = tpu.memref_slice %arg4[%add3A, %dma_start3A_38] : memref<32x50176xf32, #tpu.memory_space<hbm>> -> memref<1x50176xf32, #tpu.memory_space<hbm>>
      %dma_start3A_40 = tpu.memref_squeeze %dma_start3A_39 : memref<1x50176xf32, #tpu.memory_space<hbm>> -> memref<50176xf32, #tpu.memory_space<hbm>>
      %dma_start3A_41 = arith.constant 0 : i32
      %dma_start3A_42 = tpu.memref_slice %arg7[%dma_start3A_41] : memref<50176xf32, #tpu.memory_space<vmem>> -> memref<50176xf32, #tpu.memory_space<vmem>>
      tpu.enqueue_dma source(%dma_start3A_42 : memref<50176xf32, #tpu.memory_space<vmem>>) target(%dma_start3A_40 : memref<50176xf32, #tpu.memory_space<hbm>>) target_semaphore(%run_scoped3A : memref<!tpu.dma_semaphore, #tpu.memory_space<semaphore_mem>>)
      %dma_wait3A = arith.constant 0 : i32
      %dma_wait3A_43 = tpu.memref_slice %arg7[%dma_wait3A] : memref<50176xf32, #tpu.memory_space<vmem>> -> memref<50176xf32, #tpu.memory_space<vmem>>
      %dma_wait3A_44 = arith.constant 0 : i32
      %dma_wait3A_45 = tpu.memref_slice %arg4[%add3A, %dma_wait3A_44] : memref<32x50176xf32, #tpu.memory_space<hbm>> -> memref<1x50176xf32, #tpu.memory_space<hbm>>
      %dma_wait3A_46 = tpu.memref_squeeze %dma_wait3A_45 : memref<1x50176xf32, #tpu.memory_space<hbm>> -> memref<50176xf32, #tpu.memory_space<hbm>>
      %dma_wait3A_47 = arith.constant 0 : i32
      %dma_wait3A_48 = tpu.memref_slice %arg4[%add3A, %dma_wait3A_47] : memref<32x50176xf32, #tpu.memory_space<hbm>> -> memref<1x50176xf32, #tpu.memory_space<hbm>>
      %dma_wait3A_49 = tpu.memref_squeeze %dma_wait3A_48 : memref<1x50176xf32, #tpu.memory_space<hbm>> -> memref<50176xf32, #tpu.memory_space<hbm>>
      %dma_wait3A_50 = arith.constant 0 : i32
      %dma_wait3A_51 = tpu.memref_slice %arg7[%dma_wait3A_50] : memref<50176xf32, #tpu.memory_space<vmem>> -> memref<50176xf32, #tpu.memory_space<vmem>>
      tpu.wait_dma2 semaphore(%run_scoped3A : memref<!tpu.dma_semaphore, #tpu.memory_space<semaphore_mem>>) src(%dma_wait3A_51 : memref<50176xf32, #tpu.memory_space<vmem>>) dst(%dma_wait3A_49 : memref<50176xf32, #tpu.memory_space<hbm>>)
      tpu.yield
    }) : () -> ()
    %scan3A_17 = arith.constant 0 : i32
    %scan3A_18 = arith.constant 0 : i32
    %scan3A_19 = arith.constant 3136 : i32
    %scan3A_20 = arith.addi %scan3A_18, %scan3A_19 : i32
    %scan3A_21 = arith.constant 1 : i32
    %scan3A_22 = scf.for %scan3A_34 = %scan3A_18 to %scan3A_20 step %scan3A_21 iter_args(%scan3A_35 = %scan3A_17) -> (i32)  : i32 {
      %mul3A_36 = arith.constant 16 : i32
      %mul3A_37 = arith.muli %scan3A_34, %mul3A_36 : i32
      %swap3A = arith.index_cast %mul3A_37 : i32 to index
      %swap3A_38 = tpu.vector_load %arg7[%swap3A] {strides = array<i32>} : memref<50176xf32, #tpu.memory_space<vmem>>, vector<16xf32>,
      tpu.vector_store %arg7[%swap3A], %broadcast_in_dim3A_0 {strides = array<i32>} : memref<50176xf32, #tpu.memory_space<vmem>>, vector<16xf32>,
      %scan3A_39 = arith.constant 0 : i32
      scf.yield %scan3A_39 : i32
    }
    %scan3A_23 = arith.constant 3136 : i32
    %scan3A_24 = arith.constant 0 : i32
    %scan3A_25 = arith.constant 0 : i32
    %scan3A_26 = arith.constant 4 : i32
    %scan3A_27 = arith.addi %scan3A_25, %scan3A_26 : i32
    %scan3A_28 = arith.constant 1 : i32
    %scan3A_29 = scf.for %scan3A_34 = %scan3A_25 to %scan3A_27 step %scan3A_28 iter_args(%scan3A_35 = %scan3A_24) -> (i32)  : i32 {
      %mul3A_36 = arith.constant 8192 : i32
      %mul3A_37 = arith.muli %arg0, %mul3A_36 : i32
      %mul3A_38 = arith.constant 2048 : i32
      %mul3A_39 = arith.muli %scan3A_34, %mul3A_38 : i32
      %add3A_40 = arith.addi %mul3A_37, %mul3A_39 : i32
      "tpu.region"() ({
        %run_scoped3A = tpu.sem_alloc : memref<!tpu.dma_semaphore, #tpu.memory_space<semaphore_mem>>
        %dma_start3A = tpu.memref_slice %arg3[%arg1, %add3A_40] : memref<16x16384xi32, #tpu.memory_space<hbm>> -> memref<1x2048xi32, #tpu.memory_space<hbm>>
        %dma_start3A_49 = tpu.memref_squeeze %dma_start3A : memref<1x2048xi32, #tpu.memory_space<hbm>> -> memref<2048xi32, #tpu.memory_space<hbm>>
        %dma_start3A_50 = tpu.memref_slice %arg3[%arg1, %add3A_40] : memref<16x16384xi32, #tpu.memory_space<hbm>> -> memref<1x2048xi32, #tpu.memory_space<hbm>>
        %dma_start3A_51 = tpu.memref_squeeze %dma_start3A_50 : memref<1x2048xi32, #tpu.memory_space<hbm>> -> memref<2048xi32, #tpu.memory_space<hbm>>
        tpu.enqueue_dma source(%dma_start3A_51 : memref<2048xi32, #tpu.memory_space<hbm>>) target(%arg6 : memref<2048xi32, #tpu.memory_space<vmem>>) target_semaphore(%run_scoped3A : memref<!tpu.dma_semaphore, #tpu.memory_space<semaphore_mem>>)
        %dma_wait3A = tpu.memref_slice %arg3[%arg1, %add3A_40] : memref<16x16384xi32, #tpu.memory_space<hbm>> -> memref<1x2048xi32, #tpu.memory_space<hbm>>
        %dma_wait3A_52 = tpu.memref_squeeze %dma_wait3A : memref<1x2048xi32, #tpu.memory_space<hbm>> -> memref<2048xi32, #tpu.memory_space<hbm>>
        %dma_wait3A_53 = tpu.memref_slice %arg3[%arg1, %add3A_40] : memref<16x16384xi32, #tpu.memory_space<hbm>> -> memref<1x2048xi32, #tpu.memory_space<hbm>>
        %dma_wait3A_54 = tpu.memref_squeeze %dma_wait3A_53 : memref<1x2048xi32, #tpu.memory_space<hbm>> -> memref<2048xi32, #tpu.memory_space<hbm>>
        tpu.wait_dma2 semaphore(%run_scoped3A : memref<!tpu.dma_semaphore, #tpu.memory_space<semaphore_mem>>) src(%dma_wait3A_54 : memref<2048xi32, #tpu.memory_space<hbm>>) dst(%arg6 : memref<2048xi32, #tpu.memory_space<vmem>>)
        tpu.yield
      }) : () -> ()
      %scan3A_41 = arith.constant 0 : i32
      %scan3A_42 = arith.constant 0 : i32
      %scan3A_43 = arith.constant 128 : i32
      %scan3A_44 = arith.addi %scan3A_42, %scan3A_43 : i32
      %scan3A_45 = arith.constant 1 : i32
      %scan3A_46 = scf.for %scan3A_49 = %scan3A_42 to %scan3A_44 step %scan3A_45 iter_args(%scan3A_50 = %scan3A_41) -> (i32)  : i32 {
        %mul3A_51 = arith.constant 16 : i32
        %mul3A_52 = arith.muli %scan3A_49, %mul3A_51 : i32
        %get3A = arith.index_cast %mul3A_52 : i32 to index
        %get3A_53 = tpu.vector_load %arg6[%get3A] {strides = array<i32>} : memref<2048xi32, #tpu.memory_space<vmem>>, vector<16xi32>,
        %ge3A = arith.constant 0 : i32
        %ge3A_54 = vector.broadcast %ge3A : i32 to vector<16xi32>
        %ge3A_55 = arith.cmpi sge, %get3A_53, %ge3A_54 : vector<16xi32>
        %jit3A = arith.constant 0 : i32
        %broadcast_in_dim3A_56 = vector.broadcast %jit3A : i32 to vector<16xi32>
        %select_n3A = arith.select %ge3A_55, %get3A_53, %broadcast_in_dim3A_56 : vector<16xi1>, vector<16xi32>
        tpu.vector_store_idx %arg7[%select_n3A], %broadcast_in_dim3A_2 masked %ge3A_55 {add = true} : memref<50176xf32, #tpu.memory_space<vmem>>[vector<16xi32>], vector<16xf32>, vector<16xi1>
        %scan3A_57 = arith.constant 0 : i32
        scf.yield %scan3A_57 : i32
      }
      %scan3A_47 = arith.constant 128 : i32
      %scan3A_48 = arith.constant 0 : i32
      scf.yield %scan3A_48 : i32
    }
    %scan3A_30 = arith.constant 4 : i32
    %mul3A_31 = arith.constant 16 : i32
    %mul3A_32 = arith.muli %arg0, %mul3A_31 : i32
    %add3A_33 = arith.addi %mul3A_32, %arg1 : i32
    "tpu.region"() ({
      %run_scoped3A = tpu.sem_alloc : memref<!tpu.dma_semaphore, #tpu.memory_space<semaphore_mem>>
      %dma_start3A = arith.constant 0 : i32
      %dma_start3A_34 = tpu.memref_slice %arg7[%dma_start3A] : memref<50176xf32, #tpu.memory_space<vmem>> -> memref<50176xf32, #tpu.memory_space<vmem>>
      %dma_start3A_35 = arith.constant 0 : i32
      %dma_start3A_36 = tpu.memref_slice %arg5[%add3A_33, %dma_start3A_35] : memref<32x50176xf32, #tpu.memory_space<hbm>> -> memref<1x50176xf32, #tpu.memory_space<hbm>>
      %dma_start3A_37 = tpu.memref_squeeze %dma_start3A_36 : memref<1x50176xf32, #tpu.memory_space<hbm>> -> memref<50176xf32, #tpu.memory_space<hbm>>
      %dma_start3A_38 = arith.constant 0 : i32
      %dma_start3A_39 = tpu.memref_slice %arg5[%add3A_33, %dma_start3A_38] : memref<32x50176xf32, #tpu.memory_space<hbm>> -> memref<1x50176xf32, #tpu.memory_space<hbm>>
      %dma_start3A_40 = tpu.memref_squeeze %dma_start3A_39 : memref<1x50176xf32, #tpu.memory_space<hbm>> -> memref<50176xf32, #tpu.memory_space<hbm>>
      %dma_start3A_41 = arith.constant 0 : i32
      %dma_start3A_42 = tpu.memref_slice %arg7[%dma_start3A_41] : memref<50176xf32, #tpu.memory_space<vmem>> -> memref<50176xf32, #tpu.memory_space<vmem>>
      tpu.enqueue_dma source(%dma_start3A_42 : memref<50176xf32, #tpu.memory_space<vmem>>) target(%dma_start3A_40 : memref<50176xf32, #tpu.memory_space<hbm>>) target_semaphore(%run_scoped3A : memref<!tpu.dma_semaphore, #tpu.memory_space<semaphore_mem>>)
      %dma_wait3A = arith.constant 0 : i32
      %dma_wait3A_43 = tpu.memref_slice %arg7[%dma_wait3A] : memref<50176xf32, #tpu.memory_space<vmem>> -> memref<50176xf32, #tpu.memory_space<vmem>>
      %dma_wait3A_44 = arith.constant 0 : i32
      %dma_wait3A_45 = tpu.memref_slice %arg5[%add3A_33, %dma_wait3A_44] : memref<32x50176xf32, #tpu.memory_space<hbm>> -> memref<1x50176xf32, #tpu.memory_space<hbm>>
      %dma_wait3A_46 = tpu.memref_squeeze %dma_wait3A_45 : memref<1x50176xf32, #tpu.memory_space<hbm>> -> memref<50176xf32, #tpu.memory_space<hbm>>
      %dma_wait3A_47 = arith.constant 0 : i32
      %dma_wait3A_48 = tpu.memref_slice %arg5[%add3A_33, %dma_wait3A_47] : memref<32x50176xf32, #tpu.memory_space<hbm>> -> memref<1x50176xf32, #tpu.memory_space<hbm>>
      %dma_wait3A_49 = tpu.memref_squeeze %dma_wait3A_48 : memref<1x50176xf32, #tpu.memory_space<hbm>> -> memref<50176xf32, #tpu.memory_space<hbm>>
      %dma_wait3A_50 = arith.constant 0 : i32
      %dma_wait3A_51 = tpu.memref_slice %arg7[%dma_wait3A_50] : memref<50176xf32, #tpu.memory_space<vmem>> -> memref<50176xf32, #tpu.memory_space<vmem>>
      tpu.wait_dma2 semaphore(%run_scoped3A : memref<!tpu.dma_semaphore, #tpu.memory_space<semaphore_mem>>) src(%dma_wait3A_51 : memref<50176xf32, #tpu.memory_space<vmem>>) dst(%dma_wait3A_49 : memref<50176xf32, #tpu.memory_space<hbm>>)
      tpu.yield
    }) : () -> ()
    return
  }
}

#map = affine_map<(d0, d1) -> (0, 0)>
#map1 = affine_map<(d0, d1) -> (0, 0, 0)>
module attributes {stable_mosaic.version = 14 : i64} {
  func.func @body(%arg0: i32, %arg1: i32, %arg2: memref<50000x128xf32, #tpu.memory_space<hbm>>, %arg3: memref<16x8x4096xi32, #tpu.memory_space<hbm>>, %arg4: memref<16x8x4096xi32, #tpu.memory_space<hbm>>, %arg5: memref<50176x128xf32, #tpu.memory_space<hbm>>, %arg6: memref<50176x128xf32, #tpu.memory_space<hbm>>, %arg7: memref<4096xi32, #tpu.memory_space<vmem>>, %arg8: memref<64x32xi32, #tpu.memory_space<vmem>>, %arg9: memref<64x32xi32, #tpu.memory_space<vmem>>, %arg10: memref<384x128xf32, #tpu.memory_space<vmem>>, %arg11: memref<64x128xf32, #tpu.memory_space<vmem>>, %arg12: memref<6288x128xf32, #tpu.memory_space<vmem_shared>>, %arg13: memref<12x!tpu.dma_semaphore, #tpu.memory_space<semaphore_mem>>) attributes {dimension_semantics = [#tpu.dimension_semantics<core_parallel>, #tpu.dimension_semantics<subcore_parallel>], iteration_bounds = array<i64: 2, 16>, scalar_prefetch = 0 : i64, scratch_operands = 7 : i64, tpu.core_type = #tpu.core_type<sc_vector_subcore>, window_params = [{transform_indices = #map}, {transform_indices = #map1}, {transform_indices = #map1}, {transform_indices = #map}, {transform_indices = #map}]} {
    %broadcast_in_dim3A = arith.constant 0.000000e+00 : f32
    %broadcast_in_dim3A_0 = vector.broadcast %broadcast_in_dim3A : f32 to vector<16xf32>
    %broadcast_in_dim3A_1 = arith.constant 6272 : i32
    %broadcast_in_dim3A_2 = vector.broadcast %broadcast_in_dim3A_1 : i32 to vector<16xi32>
    %broadcast_in_dim3A_3 = arith.constant 0 : i32
    %broadcast_in_dim3A_4 = vector.broadcast %broadcast_in_dim3A_3 : i32 to vector<16xi32>
    %scan3A = arith.constant 0 : i32
    %scan3A_5 = arith.constant 0 : i32
    %scan3A_6 = arith.constant 64 : i32
    %scan3A_7 = arith.addi %scan3A_5, %scan3A_6 : i32
    %scan3A_8 = arith.constant 1 : i32
    %scan3A_9 = scf.for %scan3A_25 = %scan3A_5 to %scan3A_7 step %scan3A_8 iter_args(%scan3A_26 = %scan3A) -> (i32)  : i32 {
      %swap3A = arith.index_cast %scan3A_25 : i32 to index
      %swap3A_27 = arith.constant 0 : index
      %swap3A_28 = tpu.vector_load %arg11[%swap3A, %swap3A_27] {strides = array<i32>} : memref<64x128xf32, #tpu.memory_space<vmem>>, vector<16xf32>,
      tpu.vector_store %arg11[%swap3A, %swap3A_27], %broadcast_in_dim3A_0 {strides = array<i32>} : memref<64x128xf32, #tpu.memory_space<vmem>>, vector<16xf32>,
      %swap3A_29 = arith.index_cast %scan3A_25 : i32 to index
      %swap3A_30 = arith.constant 16 : index
      %swap3A_31 = tpu.vector_load %arg11[%swap3A_29, %swap3A_30] {strides = array<i32>} : memref<64x128xf32, #tpu.memory_space<vmem>>, vector<16xf32>,
      tpu.vector_store %arg11[%swap3A_29, %swap3A_30], %broadcast_in_dim3A_0 {strides = array<i32>} : memref<64x128xf32, #tpu.memory_space<vmem>>, vector<16xf32>,
      %swap3A_32 = arith.index_cast %scan3A_25 : i32 to index
      %swap3A_33 = arith.constant 32 : index
      %swap3A_34 = tpu.vector_load %arg11[%swap3A_32, %swap3A_33] {strides = array<i32>} : memref<64x128xf32, #tpu.memory_space<vmem>>, vector<16xf32>,
      tpu.vector_store %arg11[%swap3A_32, %swap3A_33], %broadcast_in_dim3A_0 {strides = array<i32>} : memref<64x128xf32, #tpu.memory_space<vmem>>, vector<16xf32>,
      %swap3A_35 = arith.index_cast %scan3A_25 : i32 to index
      %swap3A_36 = arith.constant 48 : index
      %swap3A_37 = tpu.vector_load %arg11[%swap3A_35, %swap3A_36] {strides = array<i32>} : memref<64x128xf32, #tpu.memory_space<vmem>>, vector<16xf32>,
      tpu.vector_store %arg11[%swap3A_35, %swap3A_36], %broadcast_in_dim3A_0 {strides = array<i32>} : memref<64x128xf32, #tpu.memory_space<vmem>>, vector<16xf32>,
      %swap3A_38 = arith.index_cast %scan3A_25 : i32 to index
      %swap3A_39 = arith.constant 64 : index
      %swap3A_40 = tpu.vector_load %arg11[%swap3A_38, %swap3A_39] {strides = array<i32>} : memref<64x128xf32, #tpu.memory_space<vmem>>, vector<16xf32>,
      tpu.vector_store %arg11[%swap3A_38, %swap3A_39], %broadcast_in_dim3A_0 {strides = array<i32>} : memref<64x128xf32, #tpu.memory_space<vmem>>, vector<16xf32>,
      %swap3A_41 = arith.index_cast %scan3A_25 : i32 to index
      %swap3A_42 = arith.constant 80 : index
      %swap3A_43 = tpu.vector_load %arg11[%swap3A_41, %swap3A_42] {strides = array<i32>} : memref<64x128xf32, #tpu.memory_space<vmem>>, vector<16xf32>,
      tpu.vector_store %arg11[%swap3A_41, %swap3A_42], %broadcast_in_dim3A_0 {strides = array<i32>} : memref<64x128xf32, #tpu.memory_space<vmem>>, vector<16xf32>,
      %swap3A_44 = arith.index_cast %scan3A_25 : i32 to index
      %swap3A_45 = arith.constant 96 : index
      %swap3A_46 = tpu.vector_load %arg11[%swap3A_44, %swap3A_45] {strides = array<i32>} : memref<64x128xf32, #tpu.memory_space<vmem>>, vector<16xf32>,
      tpu.vector_store %arg11[%swap3A_44, %swap3A_45], %broadcast_in_dim3A_0 {strides = array<i32>} : memref<64x128xf32, #tpu.memory_space<vmem>>, vector<16xf32>,
      %swap3A_47 = arith.index_cast %scan3A_25 : i32 to index
      %swap3A_48 = arith.constant 112 : index
      %swap3A_49 = tpu.vector_load %arg11[%swap3A_47, %swap3A_48] {strides = array<i32>} : memref<64x128xf32, #tpu.memory_space<vmem>>, vector<16xf32>,
      tpu.vector_store %arg11[%swap3A_47, %swap3A_48], %broadcast_in_dim3A_0 {strides = array<i32>} : memref<64x128xf32, #tpu.memory_space<vmem>>, vector<16xf32>,
      %scan3A_50 = arith.constant 0 : i32
      scf.yield %scan3A_50 : i32
    }
    %scan3A_10 = arith.constant 64 : i32
    %scan3A_11 = arith.constant 0 : i32
    %scan3A_12 = arith.constant 0 : i32
    %scan3A_13 = arith.constant 4 : i32
    %scan3A_14 = arith.addi %scan3A_12, %scan3A_13 : i32
    %scan3A_15 = arith.constant 1 : i32
    %scan3A_16 = scf.for %scan3A_25 = %scan3A_12 to %scan3A_14 step %scan3A_15 iter_args(%scan3A_26 = %scan3A_11) -> (i32)  : i32 {
      %mul3A = arith.constant 2 : i32
      %mul3A_27 = arith.muli %scan3A_25, %mul3A : i32
      %add3A = arith.addi %mul3A_27, %arg0 : i32
      %mul3A_28 = arith.constant 6272 : i32
      %mul3A_29 = arith.muli %add3A, %mul3A_28 : i32
      %mul3A_30 = arith.constant 392 : i32
      %mul3A_31 = arith.muli %arg1, %mul3A_30 : i32
      %add3A_32 = arith.constant 0 : i32
      %add3A_33 = arith.addi %mul3A_31, %add3A_32 : i32
      %dma_start3A = arith.constant 0 : i32
      %dma_start3A_34 = arith.constant 0 : i32
      %dma_start3A_35 = arith.constant 0 : i32
      %dma_start3A_36 = tpu.memref_slice %arg11[%dma_start3A_34, %dma_start3A_35] : memref<64x128xf32, #tpu.memory_space<vmem>> -> memref<64x128xf32, #tpu.memory_space<vmem>>
      %dma_start3A_37 = arith.constant 0 : i32
      %dma_start3A_38 = tpu.memref_slice %arg12[%add3A_33, %dma_start3A_37] : memref<6288x128xf32, #tpu.memory_space<vmem_shared>> -> memref<64x128xf32, #tpu.memory_space<vmem_shared>>
      %dma_start3A_39 = tpu.memref_slice %arg13[%dma_start3A] : memref<12x!tpu.dma_semaphore, #tpu.memory_space<semaphore_mem>> -> memref<1x!tpu.dma_semaphore, #tpu.memory_space<semaphore_mem>>
      %dma_start3A_40 = tpu.memref_squeeze %dma_start3A_39 : memref<1x!tpu.dma_semaphore, #tpu.memory_space<semaphore_mem>> -> memref<!tpu.dma_semaphore, #tpu.memory_space<semaphore_mem>>
      %dma_start3A_41 = arith.constant 0 : i32
      %dma_start3A_42 = tpu.memref_slice %arg12[%add3A_33, %dma_start3A_41] : memref<6288x128xf32, #tpu.memory_space<vmem_shared>> -> memref<64x128xf32, #tpu.memory_space<vmem_shared>>
      %dma_start3A_43 = arith.constant 0 : i32
      %dma_start3A_44 = arith.constant 0 : i32
      %dma_start3A_45 = tpu.memref_slice %arg11[%dma_start3A_43, %dma_start3A_44] : memref<64x128xf32, #tpu.memory_space<vmem>> -> memref<64x128xf32, #tpu.memory_space<vmem>>
      tpu.enqueue_dma source(%dma_start3A_45 : memref<64x128xf32, #tpu.memory_space<vmem>>) target(%dma_start3A_42 : memref<64x128xf32, #tpu.memory_space<vmem_shared>>) target_semaphore(%dma_start3A_40 : memref<!tpu.dma_semaphore, #tpu.memory_space<semaphore_mem>>)
      %add3A_46 = arith.constant 64 : i32
      %add3A_47 = arith.addi %mul3A_31, %add3A_46 : i32
      %dma_start3A_48 = arith.constant 1 : i32
      %dma_start3A_49 = arith.constant 0 : i32
      %dma_start3A_50 = arith.constant 0 : i32
      %dma_start3A_51 = tpu.memref_slice %arg11[%dma_start3A_49, %dma_start3A_50] : memref<64x128xf32, #tpu.memory_space<vmem>> -> memref<64x128xf32, #tpu.memory_space<vmem>>
      %dma_start3A_52 = arith.constant 0 : i32
      %dma_start3A_53 = tpu.memref_slice %arg12[%add3A_47, %dma_start3A_52] : memref<6288x128xf32, #tpu.memory_space<vmem_shared>> -> memref<64x128xf32, #tpu.memory_space<vmem_shared>>
      %dma_start3A_54 = tpu.memref_slice %arg13[%dma_start3A_48] : memref<12x!tpu.dma_semaphore, #tpu.memory_space<semaphore_mem>> -> memref<1x!tpu.dma_semaphore, #tpu.memory_space<semaphore_mem>>
      %dma_start3A_55 = tpu.memref_squeeze %dma_start3A_54 : memref<1x!tpu.dma_semaphore, #tpu.memory_space<semaphore_mem>> -> memref<!tpu.dma_semaphore, #tpu.memory_space<semaphore_mem>>
      %dma_start3A_56 = arith.constant 0 : i32
      %dma_start3A_57 = tpu.memref_slice %arg12[%add3A_47, %dma_start3A_56] : memref<6288x128xf32, #tpu.memory_space<vmem_shared>> -> memref<64x128xf32, #tpu.memory_space<vmem_shared>>
      %dma_start3A_58 = arith.constant 0 : i32
      %dma_start3A_59 = arith.constant 0 : i32
      %dma_start3A_60 = tpu.memref_slice %arg11[%dma_start3A_58, %dma_start3A_59] : memref<64x128xf32, #tpu.memory_space<vmem>> -> memref<64x128xf32, #tpu.memory_space<vmem>>
      tpu.enqueue_dma source(%dma_start3A_60 : memref<64x128xf32, #tpu.memory_space<vmem>>) target(%dma_start3A_57 : memref<64x128xf32, #tpu.memory_space<vmem_shared>>) target_semaphore(%dma_start3A_55 : memref<!tpu.dma_semaphore, #tpu.memory_space<semaphore_mem>>)
      %add3A_61 = arith.constant 128 : i32
      %add3A_62 = arith.addi %mul3A_31, %add3A_61 : i32
      %dma_start3A_63 = arith.constant 2 : i32
      %dma_start3A_64 = arith.constant 0 : i32
      %dma_start3A_65 = arith.constant 0 : i32
      %dma_start3A_66 = tpu.memref_slice %arg11[%dma_start3A_64, %dma_start3A_65] : memref<64x128xf32, #tpu.memory_space<vmem>> -> memref<64x128xf32, #tpu.memory_space<vmem>>
      %dma_start3A_67 = arith.constant 0 : i32
      %dma_start3A_68 = tpu.memref_slice %arg12[%add3A_62, %dma_start3A_67] : memref<6288x128xf32, #tpu.memory_space<vmem_shared>> -> memref<64x128xf32, #tpu.memory_space<vmem_shared>>
      %dma_start3A_69 = tpu.memref_slice %arg13[%dma_start3A_63] : memref<12x!tpu.dma_semaphore, #tpu.memory_space<semaphore_mem>> -> memref<1x!tpu.dma_semaphore, #tpu.memory_space<semaphore_mem>>
      %dma_start3A_70 = tpu.memref_squeeze %dma_start3A_69 : memref<1x!tpu.dma_semaphore, #tpu.memory_space<semaphore_mem>> -> memref<!tpu.dma_semaphore, #tpu.memory_space<semaphore_mem>>
      %dma_start3A_71 = arith.constant 0 : i32
      %dma_start3A_72 = tpu.memref_slice %arg12[%add3A_62, %dma_start3A_71] : memref<6288x128xf32, #tpu.memory_space<vmem_shared>> -> memref<64x128xf32, #tpu.memory_space<vmem_shared>>
      %dma_start3A_73 = arith.constant 0 : i32
      %dma_start3A_74 = arith.constant 0 : i32
      %dma_start3A_75 = tpu.memref_slice %arg11[%dma_start3A_73, %dma_start3A_74] : memref<64x128xf32, #tpu.memory_space<vmem>> -> memref<64x128xf32, #tpu.memory_space<vmem>>
      tpu.enqueue_dma source(%dma_start3A_75 : memref<64x128xf32, #tpu.memory_space<vmem>>) target(%dma_start3A_72 : memref<64x128xf32, #tpu.memory_space<vmem_shared>>) target_semaphore(%dma_start3A_70 : memref<!tpu.dma_semaphore, #tpu.memory_space<semaphore_mem>>)
      %add3A_76 = arith.constant 192 : i32
      %add3A_77 = arith.addi %mul3A_31, %add3A_76 : i32
      %dma_start3A_78 = arith.constant 3 : i32
      %dma_start3A_79 = arith.constant 0 : i32
      %dma_start3A_80 = arith.constant 0 : i32
      %dma_start3A_81 = tpu.memref_slice %arg11[%dma_start3A_79, %dma_start3A_80] : memref<64x128xf32, #tpu.memory_space<vmem>> -> memref<64x128xf32, #tpu.memory_space<vmem>>
      %dma_start3A_82 = arith.constant 0 : i32
      %dma_start3A_83 = tpu.memref_slice %arg12[%add3A_77, %dma_start3A_82] : memref<6288x128xf32, #tpu.memory_space<vmem_shared>> -> memref<64x128xf32, #tpu.memory_space<vmem_shared>>
      %dma_start3A_84 = tpu.memref_slice %arg13[%dma_start3A_78] : memref<12x!tpu.dma_semaphore, #tpu.memory_space<semaphore_mem>> -> memref<1x!tpu.dma_semaphore, #tpu.memory_space<semaphore_mem>>
      %dma_start3A_85 = tpu.memref_squeeze %dma_start3A_84 : memref<1x!tpu.dma_semaphore, #tpu.memory_space<semaphore_mem>> -> memref<!tpu.dma_semaphore, #tpu.memory_space<semaphore_mem>>
      %dma_start3A_86 = arith.constant 0 : i32
      %dma_start3A_87 = tpu.memref_slice %arg12[%add3A_77, %dma_start3A_86] : memref<6288x128xf32, #tpu.memory_space<vmem_shared>> -> memref<64x128xf32, #tpu.memory_space<vmem_shared>>
      %dma_start3A_88 = arith.constant 0 : i32
      %dma_start3A_89 = arith.constant 0 : i32
      %dma_start3A_90 = tpu.memref_slice %arg11[%dma_start3A_88, %dma_start3A_89] : memref<64x128xf32, #tpu.memory_space<vmem>> -> memref<64x128xf32, #tpu.memory_space<vmem>>
      tpu.enqueue_dma source(%dma_start3A_90 : memref<64x128xf32, #tpu.memory_space<vmem>>) target(%dma_start3A_87 : memref<64x128xf32, #tpu.memory_space<vmem_shared>>) target_semaphore(%dma_start3A_85 : memref<!tpu.dma_semaphore, #tpu.memory_space<semaphore_mem>>)
      %add3A_91 = arith.constant 256 : i32
      %add3A_92 = arith.addi %mul3A_31, %add3A_91 : i32
      %dma_start3A_93 = arith.constant 4 : i32
      %dma_start3A_94 = arith.constant 0 : i32
      %dma_start3A_95 = arith.constant 0 : i32
      %dma_start3A_96 = tpu.memref_slice %arg11[%dma_start3A_94, %dma_start3A_95] : memref<64x128xf32, #tpu.memory_space<vmem>> -> memref<64x128xf32, #tpu.memory_space<vmem>>
      %dma_start3A_97 = arith.constant 0 : i32
      %dma_start3A_98 = tpu.memref_slice %arg12[%add3A_92, %dma_start3A_97] : memref<6288x128xf32, #tpu.memory_space<vmem_shared>> -> memref<64x128xf32, #tpu.memory_space<vmem_shared>>
      %dma_start3A_99 = tpu.memref_slice %arg13[%dma_start3A_93] : memref<12x!tpu.dma_semaphore, #tpu.memory_space<semaphore_mem>> -> memref<1x!tpu.dma_semaphore, #tpu.memory_space<semaphore_mem>>
      %dma_start3A_100 = tpu.memref_squeeze %dma_start3A_99 : memref<1x!tpu.dma_semaphore, #tpu.memory_space<semaphore_mem>> -> memref<!tpu.dma_semaphore, #tpu.memory_space<semaphore_mem>>
      %dma_start3A_101 = arith.constant 0 : i32
      %dma_start3A_102 = tpu.memref_slice %arg12[%add3A_92, %dma_start3A_101] : memref<6288x128xf32, #tpu.memory_space<vmem_shared>> -> memref<64x128xf32, #tpu.memory_space<vmem_shared>>
      %dma_start3A_103 = arith.constant 0 : i32
      %dma_start3A_104 = arith.constant 0 : i32
      %dma_start3A_105 = tpu.memref_slice %arg11[%dma_start3A_103, %dma_start3A_104] : memref<64x128xf32, #tpu.memory_space<vmem>> -> memref<64x128xf32, #tpu.memory_space<vmem>>
      tpu.enqueue_dma source(%dma_start3A_105 : memref<64x128xf32, #tpu.memory_space<vmem>>) target(%dma_start3A_102 : memref<64x128xf32, #tpu.memory_space<vmem_shared>>) target_semaphore(%dma_start3A_100 : memref<!tpu.dma_semaphore, #tpu.memory_space<semaphore_mem>>)
      %add3A_106 = arith.constant 320 : i32
      %add3A_107 = arith.addi %mul3A_31, %add3A_106 : i32
      %dma_start3A_108 = arith.constant 5 : i32
      %dma_start3A_109 = arith.constant 0 : i32
      %dma_start3A_110 = arith.constant 0 : i32
      %dma_start3A_111 = tpu.memref_slice %arg11[%dma_start3A_109, %dma_start3A_110] : memref<64x128xf32, #tpu.memory_space<vmem>> -> memref<64x128xf32, #tpu.memory_space<vmem>>
      %dma_start3A_112 = arith.constant 0 : i32
      %dma_start3A_113 = tpu.memref_slice %arg12[%add3A_107, %dma_start3A_112] : memref<6288x128xf32, #tpu.memory_space<vmem_shared>> -> memref<64x128xf32, #tpu.memory_space<vmem_shared>>
      %dma_start3A_114 = tpu.memref_slice %arg13[%dma_start3A_108] : memref<12x!tpu.dma_semaphore, #tpu.memory_space<semaphore_mem>> -> memref<1x!tpu.dma_semaphore, #tpu.memory_space<semaphore_mem>>
      %dma_start3A_115 = tpu.memref_squeeze %dma_start3A_114 : memref<1x!tpu.dma_semaphore, #tpu.memory_space<semaphore_mem>> -> memref<!tpu.dma_semaphore, #tpu.memory_space<semaphore_mem>>
      %dma_start3A_116 = arith.constant 0 : i32
      %dma_start3A_117 = tpu.memref_slice %arg12[%add3A_107, %dma_start3A_116] : memref<6288x128xf32, #tpu.memory_space<vmem_shared>> -> memref<64x128xf32, #tpu.memory_space<vmem_shared>>
      %dma_start3A_118 = arith.constant 0 : i32
      %dma_start3A_119 = arith.constant 0 : i32
      %dma_start3A_120 = tpu.memref_slice %arg11[%dma_start3A_118, %dma_start3A_119] : memref<64x128xf32, #tpu.memory_space<vmem>> -> memref<64x128xf32, #tpu.memory_space<vmem>>
      tpu.enqueue_dma source(%dma_start3A_120 : memref<64x128xf32, #tpu.memory_space<vmem>>) target(%dma_start3A_117 : memref<64x128xf32, #tpu.memory_space<vmem_shared>>) target_semaphore(%dma_start3A_115 : memref<!tpu.dma_semaphore, #tpu.memory_space<semaphore_mem>>)
      %add3A_121 = arith.constant 384 : i32
      %add3A_122 = arith.addi %mul3A_31, %add3A_121 : i32
      %dma_start3A_123 = arith.constant 6 : i32
      %dma_start3A_124 = arith.constant 0 : i32
      %dma_start3A_125 = arith.constant 0 : i32
      %dma_start3A_126 = tpu.memref_slice %arg11[%dma_start3A_124, %dma_start3A_125] : memref<64x128xf32, #tpu.memory_space<vmem>> -> memref<8x128xf32, #tpu.memory_space<vmem>>
      %dma_start3A_127 = arith.constant 0 : i32
      %dma_start3A_128 = tpu.memref_slice %arg12[%add3A_122, %dma_start3A_127] : memref<6288x128xf32, #tpu.memory_space<vmem_shared>> -> memref<8x128xf32, #tpu.memory_space<vmem_shared>>
      %dma_start3A_129 = tpu.memref_slice %arg13[%dma_start3A_123] : memref<12x!tpu.dma_semaphore, #tpu.memory_space<semaphore_mem>> -> memref<1x!tpu.dma_semaphore, #tpu.memory_space<semaphore_mem>>
      %dma_start3A_130 = tpu.memref_squeeze %dma_start3A_129 : memref<1x!tpu.dma_semaphore, #tpu.memory_space<semaphore_mem>> -> memref<!tpu.dma_semaphore, #tpu.memory_space<semaphore_mem>>
      %dma_start3A_131 = arith.constant 0 : i32
      %dma_start3A_132 = tpu.memref_slice %arg12[%add3A_122, %dma_start3A_131] : memref<6288x128xf32, #tpu.memory_space<vmem_shared>> -> memref<8x128xf32, #tpu.memory_space<vmem_shared>>
      %dma_start3A_133 = arith.constant 0 : i32
      %dma_start3A_134 = arith.constant 0 : i32
      %dma_start3A_135 = tpu.memref_slice %arg11[%dma_start3A_133, %dma_start3A_134] : memref<64x128xf32, #tpu.memory_space<vmem>> -> memref<8x128xf32, #tpu.memory_space<vmem>>
      tpu.enqueue_dma source(%dma_start3A_135 : memref<8x128xf32, #tpu.memory_space<vmem>>) target(%dma_start3A_132 : memref<8x128xf32, #tpu.memory_space<vmem_shared>>) target_semaphore(%dma_start3A_130 : memref<!tpu.dma_semaphore, #tpu.memory_space<semaphore_mem>>)
      %add3A_136 = arith.constant 0 : i32
      %add3A_137 = arith.addi %mul3A_31, %add3A_136 : i32
      %dma_wait3A = arith.constant 0 : i32
      %dma_wait3A_138 = arith.constant 0 : i32
      %dma_wait3A_139 = arith.constant 0 : i32
      %dma_wait3A_140 = tpu.memref_slice %arg11[%dma_wait3A_138, %dma_wait3A_139] : memref<64x128xf32, #tpu.memory_space<vmem>> -> memref<64x128xf32, #tpu.memory_space<vmem>>
      %dma_wait3A_141 = arith.constant 0 : i32
      %dma_wait3A_142 = tpu.memref_slice %arg12[%add3A_137, %dma_wait3A_141] : memref<6288x128xf32, #tpu.memory_space<vmem_shared>> -> memref<64x128xf32, #tpu.memory_space<vmem_shared>>
      %dma_wait3A_143 = tpu.memref_slice %arg13[%dma_wait3A] : memref<12x!tpu.dma_semaphore, #tpu.memory_space<semaphore_mem>> -> memref<1x!tpu.dma_semaphore, #tpu.memory_space<semaphore_mem>>
      %dma_wait3A_144 = tpu.memref_squeeze %dma_wait3A_143 : memref<1x!tpu.dma_semaphore, #tpu.memory_space<semaphore_mem>> -> memref<!tpu.dma_semaphore, #tpu.memory_space<semaphore_mem>>
      %dma_wait3A_145 = arith.constant 0 : i32
      %dma_wait3A_146 = tpu.memref_slice %arg12[%add3A_137, %dma_wait3A_145] : memref<6288x128xf32, #tpu.memory_space<vmem_shared>> -> memref<64x128xf32, #tpu.memory_space<vmem_shared>>
      %dma_wait3A_147 = arith.constant 0 : i32
      %dma_wait3A_148 = arith.constant 0 : i32
      %dma_wait3A_149 = tpu.memref_slice %arg11[%dma_wait3A_147, %dma_wait3A_148] : memref<64x128xf32, #tpu.memory_space<vmem>> -> memref<64x128xf32, #tpu.memory_space<vmem>>
      tpu.wait_dma2 semaphore(%dma_wait3A_144 : memref<!tpu.dma_semaphore, #tpu.memory_space<semaphore_mem>>) src(%dma_wait3A_149 : memref<64x128xf32, #tpu.memory_space<vmem>>) dst(%dma_wait3A_146 : memref<64x128xf32, #tpu.memory_space<vmem_shared>>)
      %add3A_150 = arith.constant 64 : i32
      %add3A_151 = arith.addi %mul3A_31, %add3A_150 : i32
      %dma_wait3A_152 = arith.constant 1 : i32
      %dma_wait3A_153 = arith.constant 0 : i32
      %dma_wait3A_154 = arith.constant 0 : i32
      %dma_wait3A_155 = tpu.memref_slice %arg11[%dma_wait3A_153, %dma_wait3A_154] : memref<64x128xf32, #tpu.memory_space<vmem>> -> memref<64x128xf32, #tpu.memory_space<vmem>>
      %dma_wait3A_156 = arith.constant 0 : i32
      %dma_wait3A_157 = tpu.memref_slice %arg12[%add3A_151, %dma_wait3A_156] : memref<6288x128xf32, #tpu.memory_space<vmem_shared>> -> memref<64x128xf32, #tpu.memory_space<vmem_shared>>
      %dma_wait3A_158 = tpu.memref_slice %arg13[%dma_wait3A_152] : memref<12x!tpu.dma_semaphore, #tpu.memory_space<semaphore_mem>> -> memref<1x!tpu.dma_semaphore, #tpu.memory_space<semaphore_mem>>
      %dma_wait3A_159 = tpu.memref_squeeze %dma_wait3A_158 : memref<1x!tpu.dma_semaphore, #tpu.memory_space<semaphore_mem>> -> memref<!tpu.dma_semaphore, #tpu.memory_space<semaphore_mem>>
      %dma_wait3A_160 = arith.constant 0 : i32
      %dma_wait3A_161 = tpu.memref_slice %arg12[%add3A_151, %dma_wait3A_160] : memref<6288x128xf32, #tpu.memory_space<vmem_shared>> -> memref<64x128xf32, #tpu.memory_space<vmem_shared>>
      %dma_wait3A_162 = arith.constant 0 : i32
      %dma_wait3A_163 = arith.constant 0 : i32
      %dma_wait3A_164 = tpu.memref_slice %arg11[%dma_wait3A_162, %dma_wait3A_163] : memref<64x128xf32, #tpu.memory_space<vmem>> -> memref<64x128xf32, #tpu.memory_space<vmem>>
      tpu.wait_dma2 semaphore(%dma_wait3A_159 : memref<!tpu.dma_semaphore, #tpu.memory_space<semaphore_mem>>) src(%dma_wait3A_164 : memref<64x128xf32, #tpu.memory_space<vmem>>) dst(%dma_wait3A_161 : memref<64x128xf32, #tpu.memory_space<vmem_shared>>)
      %add3A_165 = arith.constant 128 : i32
      %add3A_166 = arith.addi %mul3A_31, %add3A_165 : i32
      %dma_wait3A_167 = arith.constant 2 : i32
      %dma_wait3A_168 = arith.constant 0 : i32
      %dma_wait3A_169 = arith.constant 0 : i32
      %dma_wait3A_170 = tpu.memref_slice %arg11[%dma_wait3A_168, %dma_wait3A_169] : memref<64x128xf32, #tpu.memory_space<vmem>> -> memref<64x128xf32, #tpu.memory_space<vmem>>
      %dma_wait3A_171 = arith.constant 0 : i32
      %dma_wait3A_172 = tpu.memref_slice %arg12[%add3A_166, %dma_wait3A_171] : memref<6288x128xf32, #tpu.memory_space<vmem_shared>> -> memref<64x128xf32, #tpu.memory_space<vmem_shared>>
      %dma_wait3A_173 = tpu.memref_slice %arg13[%dma_wait3A_167] : memref<12x!tpu.dma_semaphore, #tpu.memory_space<semaphore_mem>> -> memref<1x!tpu.dma_semaphore, #tpu.memory_space<semaphore_mem>>
      %dma_wait3A_174 = tpu.memref_squeeze %dma_wait3A_173 : memref<1x!tpu.dma_semaphore, #tpu.memory_space<semaphore_mem>> -> memref<!tpu.dma_semaphore, #tpu.memory_space<semaphore_mem>>
      %dma_wait3A_175 = arith.constant 0 : i32
      %dma_wait3A_176 = tpu.memref_slice %arg12[%add3A_166, %dma_wait3A_175] : memref<6288x128xf32, #tpu.memory_space<vmem_shared>> -> memref<64x128xf32, #tpu.memory_space<vmem_shared>>
      %dma_wait3A_177 = arith.constant 0 : i32
      %dma_wait3A_178 = arith.constant 0 : i32
      %dma_wait3A_179 = tpu.memref_slice %arg11[%dma_wait3A_177, %dma_wait3A_178] : memref<64x128xf32, #tpu.memory_space<vmem>> -> memref<64x128xf32, #tpu.memory_space<vmem>>
      tpu.wait_dma2 semaphore(%dma_wait3A_174 : memref<!tpu.dma_semaphore, #tpu.memory_space<semaphore_mem>>) src(%dma_wait3A_179 : memref<64x128xf32, #tpu.memory_space<vmem>>) dst(%dma_wait3A_176 : memref<64x128xf32, #tpu.memory_space<vmem_shared>>)
      %add3A_180 = arith.constant 192 : i32
      %add3A_181 = arith.addi %mul3A_31, %add3A_180 : i32
      %dma_wait3A_182 = arith.constant 3 : i32
      %dma_wait3A_183 = arith.constant 0 : i32
      %dma_wait3A_184 = arith.constant 0 : i32
      %dma_wait3A_185 = tpu.memref_slice %arg11[%dma_wait3A_183, %dma_wait3A_184] : memref<64x128xf32, #tpu.memory_space<vmem>> -> memref<64x128xf32, #tpu.memory_space<vmem>>
      %dma_wait3A_186 = arith.constant 0 : i32
      %dma_wait3A_187 = tpu.memref_slice %arg12[%add3A_181, %dma_wait3A_186] : memref<6288x128xf32, #tpu.memory_space<vmem_shared>> -> memref<64x128xf32, #tpu.memory_space<vmem_shared>>
      %dma_wait3A_188 = tpu.memref_slice %arg13[%dma_wait3A_182] : memref<12x!tpu.dma_semaphore, #tpu.memory_space<semaphore_mem>> -> memref<1x!tpu.dma_semaphore, #tpu.memory_space<semaphore_mem>>
      %dma_wait3A_189 = tpu.memref_squeeze %dma_wait3A_188 : memref<1x!tpu.dma_semaphore, #tpu.memory_space<semaphore_mem>> -> memref<!tpu.dma_semaphore, #tpu.memory_space<semaphore_mem>>
      %dma_wait3A_190 = arith.constant 0 : i32
      %dma_wait3A_191 = tpu.memref_slice %arg12[%add3A_181, %dma_wait3A_190] : memref<6288x128xf32, #tpu.memory_space<vmem_shared>> -> memref<64x128xf32, #tpu.memory_space<vmem_shared>>
      %dma_wait3A_192 = arith.constant 0 : i32
      %dma_wait3A_193 = arith.constant 0 : i32
      %dma_wait3A_194 = tpu.memref_slice %arg11[%dma_wait3A_192, %dma_wait3A_193] : memref<64x128xf32, #tpu.memory_space<vmem>> -> memref<64x128xf32, #tpu.memory_space<vmem>>
      tpu.wait_dma2 semaphore(%dma_wait3A_189 : memref<!tpu.dma_semaphore, #tpu.memory_space<semaphore_mem>>) src(%dma_wait3A_194 : memref<64x128xf32, #tpu.memory_space<vmem>>) dst(%dma_wait3A_191 : memref<64x128xf32, #tpu.memory_space<vmem_shared>>)
      %add3A_195 = arith.constant 256 : i32
      %add3A_196 = arith.addi %mul3A_31, %add3A_195 : i32
      %dma_wait3A_197 = arith.constant 4 : i32
      %dma_wait3A_198 = arith.constant 0 : i32
      %dma_wait3A_199 = arith.constant 0 : i32
      %dma_wait3A_200 = tpu.memref_slice %arg11[%dma_wait3A_198, %dma_wait3A_199] : memref<64x128xf32, #tpu.memory_space<vmem>> -> memref<64x128xf32, #tpu.memory_space<vmem>>
      %dma_wait3A_201 = arith.constant 0 : i32
      %dma_wait3A_202 = tpu.memref_slice %arg12[%add3A_196, %dma_wait3A_201] : memref<6288x128xf32, #tpu.memory_space<vmem_shared>> -> memref<64x128xf32, #tpu.memory_space<vmem_shared>>
      %dma_wait3A_203 = tpu.memref_slice %arg13[%dma_wait3A_197] : memref<12x!tpu.dma_semaphore, #tpu.memory_space<semaphore_mem>> -> memref<1x!tpu.dma_semaphore, #tpu.memory_space<semaphore_mem>>
      %dma_wait3A_204 = tpu.memref_squeeze %dma_wait3A_203 : memref<1x!tpu.dma_semaphore, #tpu.memory_space<semaphore_mem>> -> memref<!tpu.dma_semaphore, #tpu.memory_space<semaphore_mem>>
      %dma_wait3A_205 = arith.constant 0 : i32
      %dma_wait3A_206 = tpu.memref_slice %arg12[%add3A_196, %dma_wait3A_205] : memref<6288x128xf32, #tpu.memory_space<vmem_shared>> -> memref<64x128xf32, #tpu.memory_space<vmem_shared>>
      %dma_wait3A_207 = arith.constant 0 : i32
      %dma_wait3A_208 = arith.constant 0 : i32
      %dma_wait3A_209 = tpu.memref_slice %arg11[%dma_wait3A_207, %dma_wait3A_208] : memref<64x128xf32, #tpu.memory_space<vmem>> -> memref<64x128xf32, #tpu.memory_space<vmem>>
      tpu.wait_dma2 semaphore(%dma_wait3A_204 : memref<!tpu.dma_semaphore, #tpu.memory_space<semaphore_mem>>) src(%dma_wait3A_209 : memref<64x128xf32, #tpu.memory_space<vmem>>) dst(%dma_wait3A_206 : memref<64x128xf32, #tpu.memory_space<vmem_shared>>)
      %add3A_210 = arith.constant 320 : i32
      %add3A_211 = arith.addi %mul3A_31, %add3A_210 : i32
      %dma_wait3A_212 = arith.constant 5 : i32
      %dma_wait3A_213 = arith.constant 0 : i32
      %dma_wait3A_214 = arith.constant 0 : i32
      %dma_wait3A_215 = tpu.memref_slice %arg11[%dma_wait3A_213, %dma_wait3A_214] : memref<64x128xf32, #tpu.memory_space<vmem>> -> memref<64x128xf32, #tpu.memory_space<vmem>>
      %dma_wait3A_216 = arith.constant 0 : i32
      %dma_wait3A_217 = tpu.memref_slice %arg12[%add3A_211, %dma_wait3A_216] : memref<6288x128xf32, #tpu.memory_space<vmem_shared>> -> memref<64x128xf32, #tpu.memory_space<vmem_shared>>
      %dma_wait3A_218 = tpu.memref_slice %arg13[%dma_wait3A_212] : memref<12x!tpu.dma_semaphore, #tpu.memory_space<semaphore_mem>> -> memref<1x!tpu.dma_semaphore, #tpu.memory_space<semaphore_mem>>
      %dma_wait3A_219 = tpu.memref_squeeze %dma_wait3A_218 : memref<1x!tpu.dma_semaphore, #tpu.memory_space<semaphore_mem>> -> memref<!tpu.dma_semaphore, #tpu.memory_space<semaphore_mem>>
      %dma_wait3A_220 = arith.constant 0 : i32
      %dma_wait3A_221 = tpu.memref_slice %arg12[%add3A_211, %dma_wait3A_220] : memref<6288x128xf32, #tpu.memory_space<vmem_shared>> -> memref<64x128xf32, #tpu.memory_space<vmem_shared>>
      %dma_wait3A_222 = arith.constant 0 : i32
      %dma_wait3A_223 = arith.constant 0 : i32
      %dma_wait3A_224 = tpu.memref_slice %arg11[%dma_wait3A_222, %dma_wait3A_223] : memref<64x128xf32, #tpu.memory_space<vmem>> -> memref<64x128xf32, #tpu.memory_space<vmem>>
      tpu.wait_dma2 semaphore(%dma_wait3A_219 : memref<!tpu.dma_semaphore, #tpu.memory_space<semaphore_mem>>) src(%dma_wait3A_224 : memref<64x128xf32, #tpu.memory_space<vmem>>) dst(%dma_wait3A_221 : memref<64x128xf32, #tpu.memory_space<vmem_shared>>)
      %add3A_225 = arith.constant 384 : i32
      %add3A_226 = arith.addi %mul3A_31, %add3A_225 : i32
      %dma_wait3A_227 = arith.constant 6 : i32
      %dma_wait3A_228 = arith.constant 0 : i32
      %dma_wait3A_229 = arith.constant 0 : i32
      %dma_wait3A_230 = tpu.memref_slice %arg11[%dma_wait3A_228, %dma_wait3A_229] : memref<64x128xf32, #tpu.memory_space<vmem>> -> memref<8x128xf32, #tpu.memory_space<vmem>>
      %dma_wait3A_231 = arith.constant 0 : i32
      %dma_wait3A_232 = tpu.memref_slice %arg12[%add3A_226, %dma_wait3A_231] : memref<6288x128xf32, #tpu.memory_space<vmem_shared>> -> memref<8x128xf32, #tpu.memory_space<vmem_shared>>
      %dma_wait3A_233 = tpu.memref_slice %arg13[%dma_wait3A_227] : memref<12x!tpu.dma_semaphore, #tpu.memory_space<semaphore_mem>> -> memref<1x!tpu.dma_semaphore, #tpu.memory_space<semaphore_mem>>
      %dma_wait3A_234 = tpu.memref_squeeze %dma_wait3A_233 : memref<1x!tpu.dma_semaphore, #tpu.memory_space<semaphore_mem>> -> memref<!tpu.dma_semaphore, #tpu.memory_space<semaphore_mem>>
      %dma_wait3A_235 = arith.constant 0 : i32
      %dma_wait3A_236 = tpu.memref_slice %arg12[%add3A_226, %dma_wait3A_235] : memref<6288x128xf32, #tpu.memory_space<vmem_shared>> -> memref<8x128xf32, #tpu.memory_space<vmem_shared>>
      %dma_wait3A_237 = arith.constant 0 : i32
      %dma_wait3A_238 = arith.constant 0 : i32
      %dma_wait3A_239 = tpu.memref_slice %arg11[%dma_wait3A_237, %dma_wait3A_238] : memref<64x128xf32, #tpu.memory_space<vmem>> -> memref<8x128xf32, #tpu.memory_space<vmem>>
      tpu.wait_dma2 semaphore(%dma_wait3A_234 : memref<!tpu.dma_semaphore, #tpu.memory_space<semaphore_mem>>) src(%dma_wait3A_239 : memref<8x128xf32, #tpu.memory_space<vmem>>) dst(%dma_wait3A_236 : memref<8x128xf32, #tpu.memory_space<vmem_shared>>)
      %barrier3A = arith.constant 0 : index
      tpu.barrier barrier_id(%barrier3A)
      %scan3A_240 = arith.constant 0 : i32
      %scan3A_241 = arith.constant 0 : i32
      %scan3A_242 = arith.constant 8 : i32
      %scan3A_243 = arith.addi %scan3A_241, %scan3A_242 : i32
      %scan3A_244 = arith.constant 1 : i32
      %scan3A_245 = scf.for %scan3A_418 = %scan3A_241 to %scan3A_243 step %scan3A_244 iter_args(%scan3A_419 = %scan3A_240) -> (i32)  : i32 {
        "tpu.region"() ({
          %run_scoped3A = tpu.sem_alloc : memref<!tpu.dma_semaphore, #tpu.memory_space<semaphore_mem>>
          %dma_start3A_468 = arith.constant 0 : i32
          %dma_start3A_469 = tpu.memref_slice %arg3[%arg1, %scan3A_418, %dma_start3A_468] : memref<16x8x4096xi32, #tpu.memory_space<hbm>> -> memref<1x1x4096xi32, #tpu.memory_space<hbm>>
          %dma_start3A_470 = tpu.memref_squeeze %dma_start3A_469 : memref<1x1x4096xi32, #tpu.memory_space<hbm>> -> memref<4096xi32, #tpu.memory_space<hbm>>
          %dma_start3A_471 = arith.constant 0 : i32
          %dma_start3A_472 = tpu.memref_slice %arg3[%arg1, %scan3A_418, %dma_start3A_471] : memref<16x8x4096xi32, #tpu.memory_space<hbm>> -> memref<1x1x4096xi32, #tpu.memory_space<hbm>>
          %dma_start3A_473 = tpu.memref_squeeze %dma_start3A_472 : memref<1x1x4096xi32, #tpu.memory_space<hbm>> -> memref<4096xi32, #tpu.memory_space<hbm>>
          tpu.enqueue_dma source(%dma_start3A_473 : memref<4096xi32, #tpu.memory_space<hbm>>) target(%arg7 : memref<4096xi32, #tpu.memory_space<vmem>>) target_semaphore(%run_scoped3A : memref<!tpu.dma_semaphore, #tpu.memory_space<semaphore_mem>>)
          %dma_wait3A_474 = arith.constant 0 : i32
          %dma_wait3A_475 = tpu.memref_slice %arg3[%arg1, %scan3A_418, %dma_wait3A_474] : memref<16x8x4096xi32, #tpu.memory_space<hbm>> -> memref<1x1x4096xi32, #tpu.memory_space<hbm>>
          %dma_wait3A_476 = tpu.memref_squeeze %dma_wait3A_475 : memref<1x1x4096xi32, #tpu.memory_space<hbm>> -> memref<4096xi32, #tpu.memory_space<hbm>>
          %dma_wait3A_477 = arith.constant 0 : i32
          %dma_wait3A_478 = tpu.memref_slice %arg3[%arg1, %scan3A_418, %dma_wait3A_477] : memref<16x8x4096xi32, #tpu.memory_space<hbm>> -> memref<1x1x4096xi32, #tpu.memory_space<hbm>>
          %dma_wait3A_479 = tpu.memref_squeeze %dma_wait3A_478 : memref<1x1x4096xi32, #tpu.memory_space<hbm>> -> memref<4096xi32, #tpu.memory_space<hbm>>
          tpu.wait_dma2 semaphore(%run_scoped3A : memref<!tpu.dma_semaphore, #tpu.memory_space<semaphore_mem>>) src(%dma_wait3A_479 : memref<4096xi32, #tpu.memory_space<hbm>>) dst(%arg7 : memref<4096xi32, #tpu.memory_space<vmem>>)
          tpu.yield
        }) : () -> ()
        %scan3A_420 = arith.constant 0 : i32
        %scan3A_421 = arith.constant 0 : i32
        %scan3A_422 = arith.constant 64 : i32
        %scan3A_423 = arith.addi %scan3A_421, %scan3A_422 : i32
        %scan3A_424 = arith.constant 1 : i32
        %scan3A_425 = scf.for %scan3A_468 = %scan3A_421 to %scan3A_423 step %scan3A_424 iter_args(%scan3A_469 = %scan3A_420) -> (i32)  : i32 {
          %swap3A = arith.index_cast %scan3A_468 : i32 to index
          %swap3A_470 = arith.constant 0 : index
          %swap3A_471 = tpu.vector_load %arg8[%swap3A, %swap3A_470] {strides = array<i32>} : memref<64x32xi32, #tpu.memory_space<vmem>>, vector<16xi32>,
          tpu.vector_store %arg8[%swap3A, %swap3A_470], %broadcast_in_dim3A_4 {strides = array<i32>} : memref<64x32xi32, #tpu.memory_space<vmem>>, vector<16xi32>,
          %swap3A_472 = arith.index_cast %scan3A_468 : i32 to index
          %swap3A_473 = arith.constant 0 : index
          %swap3A_474 = tpu.vector_load %arg9[%swap3A_472, %swap3A_473] {strides = array<i32>} : memref<64x32xi32, #tpu.memory_space<vmem>>, vector<16xi32>,
          tpu.vector_store %arg9[%swap3A_472, %swap3A_473], %broadcast_in_dim3A_2 {strides = array<i32>} : memref<64x32xi32, #tpu.memory_space<vmem>>, vector<16xi32>,
          %swap3A_475 = arith.index_cast %scan3A_468 : i32 to index
          %swap3A_476 = arith.constant 16 : index
          %swap3A_477 = tpu.vector_load %arg8[%swap3A_475, %swap3A_476] {strides = array<i32>} : memref<64x32xi32, #tpu.memory_space<vmem>>, vector<16xi32>,
          tpu.vector_store %arg8[%swap3A_475, %swap3A_476], %broadcast_in_dim3A_4 {strides = array<i32>} : memref<64x32xi32, #tpu.memory_space<vmem>>, vector<16xi32>,
          %swap3A_478 = arith.index_cast %scan3A_468 : i32 to index
          %swap3A_479 = arith.constant 16 : index
          %swap3A_480 = tpu.vector_load %arg9[%swap3A_478, %swap3A_479] {strides = array<i32>} : memref<64x32xi32, #tpu.memory_space<vmem>>, vector<16xi32>,
          tpu.vector_store %arg9[%swap3A_478, %swap3A_479], %broadcast_in_dim3A_2 {strides = array<i32>} : memref<64x32xi32, #tpu.memory_space<vmem>>, vector<16xi32>,
          %scan3A_481 = arith.constant 0 : i32
          scf.yield %scan3A_481 : i32
        }
        %scan3A_426 = arith.constant 64 : i32
        %scan3A_427 = arith.constant 0 : i32
        %scan3A_428 = arith.constant 0 : i32
        %scan3A_429 = arith.constant 128 : i32
        %scan3A_430 = arith.addi %scan3A_428, %scan3A_429 : i32
        %scan3A_431 = arith.constant 1 : i32
        %scan3A_432 = scf.for %scan3A_468 = %scan3A_428 to %scan3A_430 step %scan3A_431 iter_args(%scan3A_469 = %scan3A_427) -> (i32)  : i32 {
          %mul3A_470 = arith.constant 16 : i32
          %mul3A_471 = arith.muli %scan3A_468, %mul3A_470 : i32
          %add3A_472 = arith.constant 2048 : i32
          %add3A_473 = arith.addi %add3A_472, %mul3A_471 : i32
          %get3A = arith.index_cast %add3A_473 : i32 to index
          %get3A_474 = tpu.vector_load %arg7[%get3A] {strides = array<i32>} : memref<4096xi32, #tpu.memory_space<vmem>>, vector<16xi32>,
          %ge3A = vector.broadcast %mul3A_29 : i32 to vector<16xi32>
          %ge3A_475 = arith.cmpi sge, %get3A_474, %ge3A : vector<16xi32>
          %add3A_476 = arith.constant 6272 : i32
          %add3A_477 = arith.addi %mul3A_29, %add3A_476 : i32
          %lt3A = vector.broadcast %add3A_477 : i32 to vector<16xi32>
          %lt3A_478 = arith.cmpi slt, %get3A_474, %lt3A : vector<16xi32>
          %and3A_479 = arith.andi %ge3A_475, %lt3A_478 : vector<16xi1>
          %mul3A_480 = arith.constant 16 : i32
          %mul3A_481 = arith.muli %scan3A_468, %mul3A_480 : i32
          %get3A_482 = arith.index_cast %mul3A_481 : i32 to index
          %get3A_483 = tpu.vector_load %arg7[%get3A_482] {strides = array<i32>} : memref<4096xi32, #tpu.memory_space<vmem>>, vector<16xi32>,
          %jit3A_484 = arith.constant 1 : i32
          %jit3A_485 = arith.constant 0 : i32
          %broadcast_in_dim3A_486 = vector.broadcast %jit3A_484 : i32 to vector<16xi32>
          %broadcast_in_dim3A_487 = vector.broadcast %jit3A_485 : i32 to vector<16xi32>
          %select_n3A_488 = arith.select %and3A_479, %broadcast_in_dim3A_486, %broadcast_in_dim3A_487 : vector<16xi1>, vector<16xi32>
          %broadcast_in_dim3A_489 = arith.constant true
          %broadcast_in_dim3A_490 = vector.broadcast %broadcast_in_dim3A_489 : i1 to vector<16xi1>
          %masked_cumsum3A = tpu.scan <sum>, %select_n3A_488 masked %broadcast_in_dim3A_490 : vector<16xi32>, vector<16xi1> -> vector<16xi32>
          %add3A_491 = vector.broadcast %scan3A_469 : i32 to vector<16xi32>
          %add3A_492 = arith.addi %add3A_491, %masked_cumsum3A : vector<16xi32>
          %sub3A_493 = arith.constant 1 : i32
          %sub3A_494 = vector.broadcast %sub3A_493 : i32 to vector<16xi32>
          %sub3A_495 = arith.subi %add3A_492, %sub3A_494 : vector<16xi32>
          %jit3A_496 = arith.constant 32 : i32
          %div3A_497 = vector.broadcast %jit3A_496 : i32 to vector<16xi32>
          %div3A_498 = arith.divsi %sub3A_495, %div3A_497 : vector<16xi32>
          %sign3A_499 = arith.constant 0 : i32
          %sign3A_500 = vector.broadcast %sign3A_499 : i32 to vector<16xi32>
          %sign3A_501 = arith.cmpi sgt, %sub3A_495, %sign3A_500 : vector<16xi32>
          %sign3A_502 = arith.extui %sign3A_501 : vector<16xi1> to vector<16xi32>
          %sign3A_503 = arith.constant 0 : i32
          %sign3A_504 = vector.broadcast %sign3A_503 : i32 to vector<16xi32>
          %sign3A_505 = arith.cmpi slt, %sub3A_495, %sign3A_504 : vector<16xi32>
          %sign3A_506 = arith.extui %sign3A_505 : vector<16xi1> to vector<16xi32>
          %sign3A_507 = arith.subi %sign3A_502, %sign3A_506 : vector<16xi32>
          %sign3A_508 = arith.constant 0 : i32
          %sign3A_509 = arith.cmpi sgt, %jit3A_496, %sign3A_508 : i32
          %sign3A_510 = arith.extui %sign3A_509 : i1 to i32
          %sign3A_511 = arith.constant 0 : i32
          %sign3A_512 = arith.cmpi slt, %jit3A_496, %sign3A_511 : i32
          %sign3A_513 = arith.extui %sign3A_512 : i1 to i32
          %sign3A_514 = arith.subi %sign3A_510, %sign3A_513 : i32
          %ne3A_515 = vector.broadcast %sign3A_514 : i32 to vector<16xi32>
          %ne3A_516 = arith.cmpi ne, %sign3A_507, %ne3A_515 : vector<16xi32>
          %rem3A_517 = vector.broadcast %jit3A_496 : i32 to vector<16xi32>
          %rem3A_518 = arith.remsi %sub3A_495, %rem3A_517 : vector<16xi32>
          %ne3A_519 = arith.constant 0 : i32
          %ne3A_520 = vector.broadcast %ne3A_519 : i32 to vector<16xi32>
          %ne3A_521 = arith.cmpi ne, %rem3A_518, %ne3A_520 : vector<16xi32>
          %and3A_522 = arith.andi %ne3A_516, %ne3A_521 : vector<16xi1>
          %sub3A_523 = arith.constant 1 : i32
          %sub3A_524 = vector.broadcast %sub3A_523 : i32 to vector<16xi32>
          %sub3A_525 = arith.subi %div3A_498, %sub3A_524 : vector<16xi32>
          %select_n3A_526 = arith.select %and3A_522, %sub3A_525, %div3A_498 : vector<16xi1>, vector<16xi32>
          %jit3A_527 = arith.constant 32 : i32
          %eq3A = arith.constant 0 : i32
          %eq3A_528 = arith.cmpi eq, %jit3A_527, %eq3A : i32
          %jit3A_529 = arith.constant 1 : i32
          %select_n3A_530 = arith.select %eq3A_528, %jit3A_529, %jit3A_527 : i32
          %rem3A_531 = vector.broadcast %select_n3A_530 : i32 to vector<16xi32>
          %rem3A_532 = arith.remsi %sub3A_495, %rem3A_531 : vector<16xi32>
          %ne3A_533 = arith.constant 0 : i32
          %ne3A_534 = vector.broadcast %ne3A_533 : i32 to vector<16xi32>
          %ne3A_535 = arith.cmpi ne, %rem3A_532, %ne3A_534 : vector<16xi32>
          %lt3A_536 = arith.constant 0 : i32
          %lt3A_537 = vector.broadcast %lt3A_536 : i32 to vector<16xi32>
          %lt3A_538 = arith.cmpi slt, %rem3A_532, %lt3A_537 : vector<16xi32>
          %lt3A_539 = arith.constant 0 : i32
          %lt3A_540 = arith.cmpi slt, %select_n3A_530, %lt3A_539 : i32
          %ne3A_541 = vector.broadcast %lt3A_540 : i1 to vector<16xi1>
          %ne3A_542 = vector.broadcast %ne3A_541 : vector<16xi1> to vector<16xi1>
          %ne3A_543 = arith.xori %lt3A_538, %ne3A_542 : vector<16xi1>
          %and3A_544 = arith.andi %ne3A_543, %ne3A_535 : vector<16xi1>
          %add3A_545 = vector.broadcast %select_n3A_530 : i32 to vector<16xi32>
          %add3A_546 = arith.addi %rem3A_532, %add3A_545 : vector<16xi32>
          %select_n3A_547 = arith.select %and3A_544, %add3A_546, %rem3A_532 : vector<16xi1>, vector<16xi32>
          tpu.vector_store_idx %arg8[%select_n3A_526, %select_n3A_547], %get3A_483 masked %and3A_479 : memref<64x32xi32, #tpu.memory_space<vmem>>[vector<16xi32>, vector<16xi32>], vector<16xi32>, vector<16xi1>
          %sub3A_548 = vector.broadcast %mul3A_29 : i32 to vector<16xi32>
          %sub3A_549 = arith.subi %get3A_474, %sub3A_548 : vector<16xi32>
          %jit3A_550 = arith.constant 6272 : i32
          %broadcast_in_dim3A_551 = vector.broadcast %jit3A_550 : i32 to vector<16xi32>
          %select_n3A_552 = arith.select %and3A_479, %sub3A_549, %broadcast_in_dim3A_551 : vector<16xi1>, vector<16xi32>
          %jit3A_553 = arith.constant 32 : i32
          %div3A_554 = vector.broadcast %jit3A_553 : i32 to vector<16xi32>
          %div3A_555 = arith.divsi %sub3A_495, %div3A_554 : vector<16xi32>
          %sign3A_556 = arith.constant 0 : i32
          %sign3A_557 = vector.broadcast %sign3A_556 : i32 to vector<16xi32>
          %sign3A_558 = arith.cmpi sgt, %sub3A_495, %sign3A_557 : vector<16xi32>
          %sign3A_559 = arith.extui %sign3A_558 : vector<16xi1> to vector<16xi32>
          %sign3A_560 = arith.constant 0 : i32
          %sign3A_561 = vector.broadcast %sign3A_560 : i32 to vector<16xi32>
          %sign3A_562 = arith.cmpi slt, %sub3A_495, %sign3A_561 : vector<16xi32>
          %sign3A_563 = arith.extui %sign3A_562 : vector<16xi1> to vector<16xi32>
          %sign3A_564 = arith.subi %sign3A_559, %sign3A_563 : vector<16xi32>
          %sign3A_565 = arith.constant 0 : i32
          %sign3A_566 = arith.cmpi sgt, %jit3A_553, %sign3A_565 : i32
          %sign3A_567 = arith.extui %sign3A_566 : i1 to i32
          %sign3A_568 = arith.constant 0 : i32
          %sign3A_569 = arith.cmpi slt, %jit3A_553, %sign3A_568 : i32
          %sign3A_570 = arith.extui %sign3A_569 : i1 to i32
          %sign3A_571 = arith.subi %sign3A_567, %sign3A_570 : i32
          %ne3A_572 = vector.broadcast %sign3A_571 : i32 to vector<16xi32>
          %ne3A_573 = arith.cmpi ne, %sign3A_564, %ne3A_572 : vector<16xi32>
          %rem3A_574 = vector.broadcast %jit3A_553 : i32 to vector<16xi32>
          %rem3A_575 = arith.remsi %sub3A_495, %rem3A_574 : vector<16xi32>
          %ne3A_576 = arith.constant 0 : i32
          %ne3A_577 = vector.broadcast %ne3A_576 : i32 to vector<16xi32>
          %ne3A_578 = arith.cmpi ne, %rem3A_575, %ne3A_577 : vector<16xi32>
          %and3A_579 = arith.andi %ne3A_573, %ne3A_578 : vector<16xi1>
          %sub3A_580 = arith.constant 1 : i32
          %sub3A_581 = vector.broadcast %sub3A_580 : i32 to vector<16xi32>
          %sub3A_582 = arith.subi %div3A_555, %sub3A_581 : vector<16xi32>
          %select_n3A_583 = arith.select %and3A_579, %sub3A_582, %div3A_555 : vector<16xi1>, vector<16xi32>
          %jit3A_584 = arith.constant 32 : i32
          %eq3A_585 = arith.constant 0 : i32
          %eq3A_586 = arith.cmpi eq, %jit3A_584, %eq3A_585 : i32
          %jit3A_587 = arith.constant 1 : i32
          %select_n3A_588 = arith.select %eq3A_586, %jit3A_587, %jit3A_584 : i32
          %rem3A_589 = vector.broadcast %select_n3A_588 : i32 to vector<16xi32>
          %rem3A_590 = arith.remsi %sub3A_495, %rem3A_589 : vector<16xi32>
          %ne3A_591 = arith.constant 0 : i32
          %ne3A_592 = vector.broadcast %ne3A_591 : i32 to vector<16xi32>
          %ne3A_593 = arith.cmpi ne, %rem3A_590, %ne3A_592 : vector<16xi32>
          %lt3A_594 = arith.constant 0 : i32
          %lt3A_595 = vector.broadcast %lt3A_594 : i32 to vector<16xi32>
          %lt3A_596 = arith.cmpi slt, %rem3A_590, %lt3A_595 : vector<16xi32>
          %lt3A_597 = arith.constant 0 : i32
          %lt3A_598 = arith.cmpi slt, %select_n3A_588, %lt3A_597 : i32
          %ne3A_599 = vector.broadcast %lt3A_598 : i1 to vector<16xi1>
          %ne3A_600 = vector.broadcast %ne3A_599 : vector<16xi1> to vector<16xi1>
          %ne3A_601 = arith.xori %lt3A_596, %ne3A_600 : vector<16xi1>
          %and3A_602 = arith.andi %ne3A_601, %ne3A_593 : vector<16xi1>
          %add3A_603 = vector.broadcast %select_n3A_588 : i32 to vector<16xi32>
          %add3A_604 = arith.addi %rem3A_590, %add3A_603 : vector<16xi32>
          %select_n3A_605 = arith.select %and3A_602, %add3A_604, %rem3A_590 : vector<16xi1>, vector<16xi32>
          tpu.vector_store_idx %arg9[%select_n3A_583, %select_n3A_605], %select_n3A_552 masked %and3A_479 : memref<64x32xi32, #tpu.memory_space<vmem>>[vector<16xi32>, vector<16xi32>], vector<16xi32>, vector<16xi1>
          %reduce_sum3A = arith.constant true
          %reduce_sum3A_606 = vector.broadcast %reduce_sum3A : i1 to vector<16xi1>
          %reduce_sum3A_607 = tpu.scan <sum>, %select_n3A_488 masked %reduce_sum3A_606 : vector<16xi32>, vector<16xi1> -> vector<16xi32>
          %reduce_sum3A_608 = vector.extract %reduce_sum3A_607[15] : i32 from vector<16xi32>
          %add3A_609 = arith.addi %scan3A_469, %reduce_sum3A_608 : i32
          scf.yield %add3A_609 : i32
        }
        %scan3A_433 = arith.constant 128 : i32
        %add3A_434 = arith.constant 32 : i32
        %add3A_435 = arith.addi %scan3A_432, %add3A_434 : i32
        %sub3A = arith.constant 1 : i32
        %sub3A_436 = arith.subi %add3A_435, %sub3A : i32
        %jit3A = arith.constant 32 : i32
        %div3A = arith.divsi %sub3A_436, %jit3A : i32
        %sign3A = arith.constant 0 : i32
        %sign3A_437 = arith.cmpi sgt, %sub3A_436, %sign3A : i32
        %sign3A_438 = arith.extui %sign3A_437 : i1 to i32
        %sign3A_439 = arith.constant 0 : i32
        %sign3A_440 = arith.cmpi slt, %sub3A_436, %sign3A_439 : i32
        %sign3A_441 = arith.extui %sign3A_440 : i1 to i32
        %sign3A_442 = arith.subi %sign3A_438, %sign3A_441 : i32
        %sign3A_443 = arith.constant 0 : i32
        %sign3A_444 = arith.cmpi sgt, %jit3A, %sign3A_443 : i32
        %sign3A_445 = arith.extui %sign3A_444 : i1 to i32
        %sign3A_446 = arith.constant 0 : i32
        %sign3A_447 = arith.cmpi slt, %jit3A, %sign3A_446 : i32
        %sign3A_448 = arith.extui %sign3A_447 : i1 to i32
        %sign3A_449 = arith.subi %sign3A_445, %sign3A_448 : i32
        %ne3A = arith.cmpi ne, %sign3A_442, %sign3A_449 : i32
        %rem3A = arith.remsi %sub3A_436, %jit3A : i32
        %ne3A_450 = arith.constant 0 : i32
        %ne3A_451 = arith.cmpi ne, %rem3A, %ne3A_450 : i32
        %and3A = arith.andi %ne3A, %ne3A_451 : i1
        %sub3A_452 = arith.constant 1 : i32
        %sub3A_453 = arith.subi %div3A, %sub3A_452 : i32
        %select_n3A = arith.select %and3A, %sub3A_453, %div3A : i32
        %add3A_454 = arith.constant 12 : i32
        %add3A_455 = arith.addi %select_n3A, %add3A_454 : i32
        %while3A = arith.constant 0 : i32
        %while3A_456 = arith.constant 0 : i32
        %while3A_457 = arith.subi %add3A_455, %while3A : i32
        %while3A_458 = arith.addi %while3A, %while3A_457 : i32
        %while3A_459 = arith.constant 1 : i32
        %while3A_460 = arith.divsi %while3A_457, %while3A_459 : i32
        %while3A_461 = arith.muli %while3A_460, %while3A_459 : i32
        %while3A_462 = arith.addi %while3A, %while3A_461 : i32
        %while3A_463 = arith.constant 1 : i32
        %while3A_464 = scf.for %while3A_468 = %while3A to %while3A_462 step %while3A_463 iter_args(%while3A_469 = %while3A_456) -> (i32)  : i32 {
          %rem3A_470 = arith.constant 12 : i32
          %rem3A_471 = arith.remsi %while3A_468, %rem3A_470 : i32
          %mul3A_472 = arith.constant 32 : i32
          %mul3A_473 = arith.muli %rem3A_471, %mul3A_472 : i32
          %ge3A = arith.constant 12 : i32
          %ge3A_474 = arith.cmpi sge, %while3A_468, %ge3A : i32
          %convert_element_type3A = arith.extui %ge3A_474 : i1 to i32
          %cond3A = arith.constant 0 : i32
          %cond3A_475 = arith.cmpi ne, %convert_element_type3A, %cond3A : i32
          scf.if %cond3A_475 {
            %sub3A_480 = arith.constant 12 : i32
            %sub3A_481 = arith.subi %while3A_468, %sub3A_480 : i32
            %dma_wait3A_482 = arith.constant 0 : i32
            %dma_wait3A_483 = tpu.memref_slice %arg10[%mul3A_473, %dma_wait3A_482] : memref<384x128xf32, #tpu.memory_space<vmem>> -> memref<32x128xf32, #tpu.memory_space<vmem>>
            %dma_wait3A_484 = arith.constant 0 : i32
            %dma_wait3A_485 = tpu.memref_slice %arg8[%sub3A_481, %dma_wait3A_484] : memref<64x32xi32, #tpu.memory_space<vmem>> -> memref<1x32xi32, #tpu.memory_space<vmem>>
            %dma_wait3A_486 = tpu.memref_squeeze %dma_wait3A_485 : memref<1x32xi32, #tpu.memory_space<vmem>> -> memref<32xi32, #tpu.memory_space<vmem>>
            %dma_wait3A_487 = arith.constant 0 : i32
            %dma_wait3A_488 = arith.constant 0 : i32
            %dma_wait3A_489 = tpu.memref_slice %arg2[%dma_wait3A_487, %dma_wait3A_488] : memref<50000x128xf32, #tpu.memory_space<hbm>> -> memref<50000x128xf32, #tpu.memory_space<hbm>>
            %dma_wait3A_490 = tpu.memref_slice %arg13[%rem3A_471] : memref<12x!tpu.dma_semaphore, #tpu.memory_space<semaphore_mem>> -> memref<1x!tpu.dma_semaphore, #tpu.memory_space<semaphore_mem>>
            %dma_wait3A_491 = tpu.memref_squeeze %dma_wait3A_490 : memref<1x!tpu.dma_semaphore, #tpu.memory_space<semaphore_mem>> -> memref<!tpu.dma_semaphore, #tpu.memory_space<semaphore_mem>>
            tpu.wait_indirect_dma semaphore(%dma_wait3A_491 : memref<!tpu.dma_semaphore, #tpu.memory_space<semaphore_mem>>) src(%dma_wait3A_489 : memref<50000x128xf32, #tpu.memory_space<hbm>>) dst(%dma_wait3A_483 : memref<32x128xf32, #tpu.memory_space<vmem>>)
            %sub3A_492 = arith.constant 12 : i32
            %sub3A_493 = arith.subi %while3A_468, %sub3A_492 : i32
            "tpu.region"() ({
              %run_scoped3A = tpu.sem_alloc : memref<!tpu.dma_semaphore, #tpu.memory_space<semaphore_mem>>
              %dma_start3A_494 = arith.constant 0 : i32
              %dma_start3A_495 = tpu.memref_slice %arg10[%mul3A_473, %dma_start3A_494] : memref<384x128xf32, #tpu.memory_space<vmem>> -> memref<32x128xf32, #tpu.memory_space<vmem>>
              %dma_start3A_496 = arith.constant 0 : i32
              %dma_start3A_497 = tpu.memref_slice %arg9[%sub3A_493, %dma_start3A_496] : memref<64x32xi32, #tpu.memory_space<vmem>> -> memref<1x32xi32, #tpu.memory_space<vmem>>
              %dma_start3A_498 = tpu.memref_squeeze %dma_start3A_497 : memref<1x32xi32, #tpu.memory_space<vmem>> -> memref<32xi32, #tpu.memory_space<vmem>>
              %dma_start3A_499 = arith.constant 0 : i32
              %dma_start3A_500 = arith.constant 0 : i32
              %dma_start3A_501 = tpu.memref_slice %arg12[%dma_start3A_499, %dma_start3A_500] : memref<6288x128xf32, #tpu.memory_space<vmem_shared>> -> memref<6288x128xf32, #tpu.memory_space<vmem_shared>>
              tpu.enqueue_indirect_dma source(%dma_start3A_495 : memref<32x128xf32, #tpu.memory_space<vmem>>) target(%dma_start3A_501 : memref<6288x128xf32, #tpu.memory_space<vmem_shared>>) offsets(%dma_start3A_498 : memref<32xi32, #tpu.memory_space<vmem>>) semaphore(%run_scoped3A : memref<!tpu.dma_semaphore, #tpu.memory_space<semaphore_mem>>) {add = true}
              %dma_wait3A_502 = arith.constant 0 : i32
              %dma_wait3A_503 = tpu.memref_slice %arg10[%mul3A_473, %dma_wait3A_502] : memref<384x128xf32, #tpu.memory_space<vmem>> -> memref<32x128xf32, #tpu.memory_space<vmem>>
              %dma_wait3A_504 = arith.constant 0 : i32
              %dma_wait3A_505 = tpu.memref_slice %arg9[%sub3A_493, %dma_wait3A_504] : memref<64x32xi32, #tpu.memory_space<vmem>> -> memref<1x32xi32, #tpu.memory_space<vmem>>
              %dma_wait3A_506 = tpu.memref_squeeze %dma_wait3A_505 : memref<1x32xi32, #tpu.memory_space<vmem>> -> memref<32xi32, #tpu.memory_space<vmem>>
              %dma_wait3A_507 = arith.constant 0 : i32
              %dma_wait3A_508 = arith.constant 0 : i32
              %dma_wait3A_509 = tpu.memref_slice %arg12[%dma_wait3A_507, %dma_wait3A_508] : memref<6288x128xf32, #tpu.memory_space<vmem_shared>> -> memref<6288x128xf32, #tpu.memory_space<vmem_shared>>
              tpu.wait_indirect_dma semaphore(%run_scoped3A : memref<!tpu.dma_semaphore, #tpu.memory_space<semaphore_mem>>) src(%dma_wait3A_503 : memref<32x128xf32, #tpu.memory_space<vmem>>) dst(%dma_wait3A_509 : memref<6288x128xf32, #tpu.memory_space<vmem_shared>>)
              tpu.yield
            }) : () -> ()
          } else {
          }
          %lt3A = arith.cmpi slt, %while3A_468, %select_n3A : i32
          %convert_element_type3A_476 = arith.extui %lt3A : i1 to i32
          %cond3A_477 = arith.constant 0 : i32
          %cond3A_478 = arith.cmpi ne, %convert_element_type3A_476, %cond3A_477 : i32
          scf.if %cond3A_478 {
            %dma_start3A_480 = arith.constant 0 : i32
            %dma_start3A_481 = tpu.memref_slice %arg10[%mul3A_473, %dma_start3A_480] : memref<384x128xf32, #tpu.memory_space<vmem>> -> memref<32x128xf32, #tpu.memory_space<vmem>>
            %dma_start3A_482 = arith.constant 0 : i32
            %dma_start3A_483 = tpu.memref_slice %arg8[%while3A_468, %dma_start3A_482] : memref<64x32xi32, #tpu.memory_space<vmem>> -> memref<1x32xi32, #tpu.memory_space<vmem>>
            %dma_start3A_484 = tpu.memref_squeeze %dma_start3A_483 : memref<1x32xi32, #tpu.memory_space<vmem>> -> memref<32xi32, #tpu.memory_space<vmem>>
            %dma_start3A_485 = arith.constant 0 : i32
            %dma_start3A_486 = arith.constant 0 : i32
            %dma_start3A_487 = tpu.memref_slice %arg2[%dma_start3A_485, %dma_start3A_486] : memref<50000x128xf32, #tpu.memory_space<hbm>> -> memref<50000x128xf32, #tpu.memory_space<hbm>>
            %dma_start3A_488 = tpu.memref_slice %arg13[%rem3A_471] : memref<12x!tpu.dma_semaphore, #tpu.memory_space<semaphore_mem>> -> memref<1x!tpu.dma_semaphore, #tpu.memory_space<semaphore_mem>>
            %dma_start3A_489 = tpu.memref_squeeze %dma_start3A_488 : memref<1x!tpu.dma_semaphore, #tpu.memory_space<semaphore_mem>> -> memref<!tpu.dma_semaphore, #tpu.memory_space<semaphore_mem>>
            tpu.enqueue_indirect_dma source(%dma_start3A_487 : memref<50000x128xf32, #tpu.memory_space<hbm>>) target(%dma_start3A_481 : memref<32x128xf32, #tpu.memory_space<vmem>>) offsets(%dma_start3A_484 : memref<32xi32, #tpu.memory_space<vmem>>) semaphore(%dma_start3A_489 : memref<!tpu.dma_semaphore, #tpu.memory_space<semaphore_mem>>)
          } else {
          }
          %while3A_479 = arith.constant 0 : i32
          scf.yield %while3A_479 : i32
        }
        %while3A_465 = arith.constant 1 : i32
        %while3A_466 = scf.for %while3A_468 = %while3A_462 to %while3A_458 step %while3A_465 iter_args(%while3A_469 = %while3A_464) -> (i32)  : i32 {
          %rem3A_470 = arith.constant 12 : i32
          %rem3A_471 = arith.remsi %while3A_468, %rem3A_470 : i32
          %mul3A_472 = arith.constant 32 : i32
          %mul3A_473 = arith.muli %rem3A_471, %mul3A_472 : i32
          %ge3A = arith.constant 12 : i32
          %ge3A_474 = arith.cmpi sge, %while3A_468, %ge3A : i32
          %convert_element_type3A = arith.extui %ge3A_474 : i1 to i32
          %cond3A = arith.constant 0 : i32
          %cond3A_475 = arith.cmpi ne, %convert_element_type3A, %cond3A : i32
          scf.if %cond3A_475 {
            %sub3A_480 = arith.constant 12 : i32
            %sub3A_481 = arith.subi %while3A_468, %sub3A_480 : i32
            %dma_wait3A_482 = arith.constant 0 : i32
            %dma_wait3A_483 = tpu.memref_slice %arg10[%mul3A_473, %dma_wait3A_482] : memref<384x128xf32, #tpu.memory_space<vmem>> -> memref<32x128xf32, #tpu.memory_space<vmem>>
            %dma_wait3A_484 = arith.constant 0 : i32
            %dma_wait3A_485 = tpu.memref_slice %arg8[%sub3A_481, %dma_wait3A_484] : memref<64x32xi32, #tpu.memory_space<vmem>> -> memref<1x32xi32, #tpu.memory_space<vmem>>
            %dma_wait3A_486 = tpu.memref_squeeze %dma_wait3A_485 : memref<1x32xi32, #tpu.memory_space<vmem>> -> memref<32xi32, #tpu.memory_space<vmem>>
            %dma_wait3A_487 = arith.constant 0 : i32
            %dma_wait3A_488 = arith.constant 0 : i32
            %dma_wait3A_489 = tpu.memref_slice %arg2[%dma_wait3A_487, %dma_wait3A_488] : memref<50000x128xf32, #tpu.memory_space<hbm>> -> memref<50000x128xf32, #tpu.memory_space<hbm>>
            %dma_wait3A_490 = tpu.memref_slice %arg13[%rem3A_471] : memref<12x!tpu.dma_semaphore, #tpu.memory_space<semaphore_mem>> -> memref<1x!tpu.dma_semaphore, #tpu.memory_space<semaphore_mem>>
            %dma_wait3A_491 = tpu.memref_squeeze %dma_wait3A_490 : memref<1x!tpu.dma_semaphore, #tpu.memory_space<semaphore_mem>> -> memref<!tpu.dma_semaphore, #tpu.memory_space<semaphore_mem>>
            tpu.wait_indirect_dma semaphore(%dma_wait3A_491 : memref<!tpu.dma_semaphore, #tpu.memory_space<semaphore_mem>>) src(%dma_wait3A_489 : memref<50000x128xf32, #tpu.memory_space<hbm>>) dst(%dma_wait3A_483 : memref<32x128xf32, #tpu.memory_space<vmem>>)
            %sub3A_492 = arith.constant 12 : i32
            %sub3A_493 = arith.subi %while3A_468, %sub3A_492 : i32
            "tpu.region"() ({
              %run_scoped3A = tpu.sem_alloc : memref<!tpu.dma_semaphore, #tpu.memory_space<semaphore_mem>>
              %dma_start3A_494 = arith.constant 0 : i32
              %dma_start3A_495 = tpu.memref_slice %arg10[%mul3A_473, %dma_start3A_494] : memref<384x128xf32, #tpu.memory_space<vmem>> -> memref<32x128xf32, #tpu.memory_space<vmem>>
              %dma_start3A_496 = arith.constant 0 : i32
              %dma_start3A_497 = tpu.memref_slice %arg9[%sub3A_493, %dma_start3A_496] : memref<64x32xi32, #tpu.memory_space<vmem>> -> memref<1x32xi32, #tpu.memory_space<vmem>>
              %dma_start3A_498 = tpu.memref_squeeze %dma_start3A_497 : memref<1x32xi32, #tpu.memory_space<vmem>> -> memref<32xi32, #tpu.memory_space<vmem>>
              %dma_start3A_499 = arith.constant 0 : i32
              %dma_start3A_500 = arith.constant 0 : i32
              %dma_start3A_501 = tpu.memref_slice %arg12[%dma_start3A_499, %dma_start3A_500] : memref<6288x128xf32, #tpu.memory_space<vmem_shared>> -> memref<6288x128xf32, #tpu.memory_space<vmem_shared>>
              tpu.enqueue_indirect_dma source(%dma_start3A_495 : memref<32x128xf32, #tpu.memory_space<vmem>>) target(%dma_start3A_501 : memref<6288x128xf32, #tpu.memory_space<vmem_shared>>) offsets(%dma_start3A_498 : memref<32xi32, #tpu.memory_space<vmem>>) semaphore(%run_scoped3A : memref<!tpu.dma_semaphore, #tpu.memory_space<semaphore_mem>>) {add = true}
              %dma_wait3A_502 = arith.constant 0 : i32
              %dma_wait3A_503 = tpu.memref_slice %arg10[%mul3A_473, %dma_wait3A_502] : memref<384x128xf32, #tpu.memory_space<vmem>> -> memref<32x128xf32, #tpu.memory_space<vmem>>
              %dma_wait3A_504 = arith.constant 0 : i32
              %dma_wait3A_505 = tpu.memref_slice %arg9[%sub3A_493, %dma_wait3A_504] : memref<64x32xi32, #tpu.memory_space<vmem>> -> memref<1x32xi32, #tpu.memory_space<vmem>>
              %dma_wait3A_506 = tpu.memref_squeeze %dma_wait3A_505 : memref<1x32xi32, #tpu.memory_space<vmem>> -> memref<32xi32, #tpu.memory_space<vmem>>
              %dma_wait3A_507 = arith.constant 0 : i32
              %dma_wait3A_508 = arith.constant 0 : i32
              %dma_wait3A_509 = tpu.memref_slice %arg12[%dma_wait3A_507, %dma_wait3A_508] : memref<6288x128xf32, #tpu.memory_space<vmem_shared>> -> memref<6288x128xf32, #tpu.memory_space<vmem_shared>>
              tpu.wait_indirect_dma semaphore(%run_scoped3A : memref<!tpu.dma_semaphore, #tpu.memory_space<semaphore_mem>>) src(%dma_wait3A_503 : memref<32x128xf32, #tpu.memory_space<vmem>>) dst(%dma_wait3A_509 : memref<6288x128xf32, #tpu.memory_space<vmem_shared>>)
              tpu.yield
            }) : () -> ()
          } else {
          }
          %lt3A = arith.cmpi slt, %while3A_468, %select_n3A : i32
          %convert_element_type3A_476 = arith.extui %lt3A : i1 to i32
          %cond3A_477 = arith.constant 0 : i32
          %cond3A_478 = arith.cmpi ne, %convert_element_type3A_476, %cond3A_477 : i32
          scf.if %cond3A_478 {
            %dma_start3A_480 = arith.constant 0 : i32
            %dma_start3A_481 = tpu.memref_slice %arg10[%mul3A_473, %dma_start3A_480] : memref<384x128xf32, #tpu.memory_space<vmem>> -> memref<32x128xf32, #tpu.memory_space<vmem>>
            %dma_start3A_482 = arith.constant 0 : i32
            %dma_start3A_483 = tpu.memref_slice %arg8[%while3A_468, %dma_start3A_482] : memref<64x32xi32, #tpu.memory_space<vmem>> -> memref<1x32xi32, #tpu.memory_space<vmem>>
            %dma_start3A_484 = tpu.memref_squeeze %dma_start3A_483 : memref<1x32xi32, #tpu.memory_space<vmem>> -> memref<32xi32, #tpu.memory_space<vmem>>
            %dma_start3A_485 = arith.constant 0 : i32
            %dma_start3A_486 = arith.constant 0 : i32
            %dma_start3A_487 = tpu.memref_slice %arg2[%dma_start3A_485, %dma_start3A_486] : memref<50000x128xf32, #tpu.memory_space<hbm>> -> memref<50000x128xf32, #tpu.memory_space<hbm>>
            %dma_start3A_488 = tpu.memref_slice %arg13[%rem3A_471] : memref<12x!tpu.dma_semaphore, #tpu.memory_space<semaphore_mem>> -> memref<1x!tpu.dma_semaphore, #tpu.memory_space<semaphore_mem>>
            %dma_start3A_489 = tpu.memref_squeeze %dma_start3A_488 : memref<1x!tpu.dma_semaphore, #tpu.memory_space<semaphore_mem>> -> memref<!tpu.dma_semaphore, #tpu.memory_space<semaphore_mem>>
            tpu.enqueue_indirect_dma source(%dma_start3A_487 : memref<50000x128xf32, #tpu.memory_space<hbm>>) target(%dma_start3A_481 : memref<32x128xf32, #tpu.memory_space<vmem>>) offsets(%dma_start3A_484 : memref<32xi32, #tpu.memory_space<vmem>>) semaphore(%dma_start3A_489 : memref<!tpu.dma_semaphore, #tpu.memory_space<semaphore_mem>>)
          } else {
          }
          %while3A_479 = arith.constant 0 : i32
          scf.yield %while3A_479 : i32
        }
        %scan3A_467 = arith.constant 0 : i32
        scf.yield %scan3A_467 : i32
      }
      %scan3A_246 = arith.constant 8 : i32
      %barrier3A_247 = arith.constant 0 : index
      tpu.barrier barrier_id(%barrier3A_247)
      %add3A_248 = arith.constant 0 : i32
      %add3A_249 = arith.addi %mul3A_31, %add3A_248 : i32
      %add3A_250 = arith.addi %mul3A_29, %mul3A_31 : i32
      %add3A_251 = arith.constant 0 : i32
      %add3A_252 = arith.addi %add3A_250, %add3A_251 : i32
      %dma_start3A_253 = arith.constant 0 : i32
      %dma_start3A_254 = tpu.memref_slice %arg13[%dma_start3A_253] : memref<12x!tpu.dma_semaphore, #tpu.memory_space<semaphore_mem>> -> memref<1x!tpu.dma_semaphore, #tpu.memory_space<semaphore_mem>>
      %dma_start3A_255 = tpu.memref_squeeze %dma_start3A_254 : memref<1x!tpu.dma_semaphore, #tpu.memory_space<semaphore_mem>> -> memref<!tpu.dma_semaphore, #tpu.memory_space<semaphore_mem>>
      %dma_start3A_256 = arith.constant 0 : i32
      %dma_start3A_257 = tpu.memref_slice %arg5[%add3A_252, %dma_start3A_256] : memref<50176x128xf32, #tpu.memory_space<hbm>> -> memref<64x128xf32, #tpu.memory_space<hbm>>
      %dma_start3A_258 = arith.constant 0 : i32
      %dma_start3A_259 = tpu.memref_slice %arg12[%add3A_249, %dma_start3A_258] : memref<6288x128xf32, #tpu.memory_space<vmem_shared>> -> memref<64x128xf32, #tpu.memory_space<vmem_shared>>
      tpu.enqueue_dma source(%dma_start3A_259 : memref<64x128xf32, #tpu.memory_space<vmem_shared>>) target(%dma_start3A_257 : memref<64x128xf32, #tpu.memory_space<hbm>>) target_semaphore(%dma_start3A_255 : memref<!tpu.dma_semaphore, #tpu.memory_space<semaphore_mem>>)
      %add3A_260 = arith.constant 64 : i32
      %add3A_261 = arith.addi %mul3A_31, %add3A_260 : i32
      %add3A_262 = arith.addi %mul3A_29, %mul3A_31 : i32
      %add3A_263 = arith.constant 64 : i32
      %add3A_264 = arith.addi %add3A_262, %add3A_263 : i32
      %dma_start3A_265 = arith.constant 1 : i32
      %dma_start3A_266 = tpu.memref_slice %arg13[%dma_start3A_265] : memref<12x!tpu.dma_semaphore, #tpu.memory_space<semaphore_mem>> -> memref<1x!tpu.dma_semaphore, #tpu.memory_space<semaphore_mem>>
      %dma_start3A_267 = tpu.memref_squeeze %dma_start3A_266 : memref<1x!tpu.dma_semaphore, #tpu.memory_space<semaphore_mem>> -> memref<!tpu.dma_semaphore, #tpu.memory_space<semaphore_mem>>
      %dma_start3A_268 = arith.constant 0 : i32
      %dma_start3A_269 = tpu.memref_slice %arg5[%add3A_264, %dma_start3A_268] : memref<50176x128xf32, #tpu.memory_space<hbm>> -> memref<64x128xf32, #tpu.memory_space<hbm>>
      %dma_start3A_270 = arith.constant 0 : i32
      %dma_start3A_271 = tpu.memref_slice %arg12[%add3A_261, %dma_start3A_270] : memref<6288x128xf32, #tpu.memory_space<vmem_shared>> -> memref<64x128xf32, #tpu.memory_space<vmem_shared>>
      tpu.enqueue_dma source(%dma_start3A_271 : memref<64x128xf32, #tpu.memory_space<vmem_shared>>) target(%dma_start3A_269 : memref<64x128xf32, #tpu.memory_space<hbm>>) target_semaphore(%dma_start3A_267 : memref<!tpu.dma_semaphore, #tpu.memory_space<semaphore_mem>>)
      %add3A_272 = arith.constant 128 : i32
      %add3A_273 = arith.addi %mul3A_31, %add3A_272 : i32
      %add3A_274 = arith.addi %mul3A_29, %mul3A_31 : i32
      %add3A_275 = arith.constant 128 : i32
      %add3A_276 = arith.addi %add3A_274, %add3A_275 : i32
      %dma_start3A_277 = arith.constant 2 : i32
      %dma_start3A_278 = tpu.memref_slice %arg13[%dma_start3A_277] : memref<12x!tpu.dma_semaphore, #tpu.memory_space<semaphore_mem>> -> memref<1x!tpu.dma_semaphore, #tpu.memory_space<semaphore_mem>>
      %dma_start3A_279 = tpu.memref_squeeze %dma_start3A_278 : memref<1x!tpu.dma_semaphore, #tpu.memory_space<semaphore_mem>> -> memref<!tpu.dma_semaphore, #tpu.memory_space<semaphore_mem>>
      %dma_start3A_280 = arith.constant 0 : i32
      %dma_start3A_281 = tpu.memref_slice %arg5[%add3A_276, %dma_start3A_280] : memref<50176x128xf32, #tpu.memory_space<hbm>> -> memref<64x128xf32, #tpu.memory_space<hbm>>
      %dma_start3A_282 = arith.constant 0 : i32
      %dma_start3A_283 = tpu.memref_slice %arg12[%add3A_273, %dma_start3A_282] : memref<6288x128xf32, #tpu.memory_space<vmem_shared>> -> memref<64x128xf32, #tpu.memory_space<vmem_shared>>
      tpu.enqueue_dma source(%dma_start3A_283 : memref<64x128xf32, #tpu.memory_space<vmem_shared>>) target(%dma_start3A_281 : memref<64x128xf32, #tpu.memory_space<hbm>>) target_semaphore(%dma_start3A_279 : memref<!tpu.dma_semaphore, #tpu.memory_space<semaphore_mem>>)
      %add3A_284 = arith.constant 192 : i32
      %add3A_285 = arith.addi %mul3A_31, %add3A_284 : i32
      %add3A_286 = arith.addi %mul3A_29, %mul3A_31 : i32
      %add3A_287 = arith.constant 192 : i32
      %add3A_288 = arith.addi %add3A_286, %add3A_287 : i32
      %dma_start3A_289 = arith.constant 3 : i32
      %dma_start3A_290 = tpu.memref_slice %arg13[%dma_start3A_289] : memref<12x!tpu.dma_semaphore, #tpu.memory_space<semaphore_mem>> -> memref<1x!tpu.dma_semaphore, #tpu.memory_space<semaphore_mem>>
      %dma_start3A_291 = tpu.memref_squeeze %dma_start3A_290 : memref<1x!tpu.dma_semaphore, #tpu.memory_space<semaphore_mem>> -> memref<!tpu.dma_semaphore, #tpu.memory_space<semaphore_mem>>
      %dma_start3A_292 = arith.constant 0 : i32
      %dma_start3A_293 = tpu.memref_slice %arg5[%add3A_288, %dma_start3A_292] : memref<50176x128xf32, #tpu.memory_space<hbm>> -> memref<64x128xf32, #tpu.memory_space<hbm>>
      %dma_start3A_294 = arith.constant 0 : i32
      %dma_start3A_295 = tpu.memref_slice %arg12[%add3A_285, %dma_start3A_294] : memref<6288x128xf32, #tpu.memory_space<vmem_shared>> -> memref<64x128xf32, #tpu.memory_space<vmem_shared>>
      tpu.enqueue_dma source(%dma_start3A_295 : memref<64x128xf32, #tpu.memory_space<vmem_shared>>) target(%dma_start3A_293 : memref<64x128xf32, #tpu.memory_space<hbm>>) target_semaphore(%dma_start3A_291 : memref<!tpu.dma_semaphore, #tpu.memory_space<semaphore_mem>>)
      %add3A_296 = arith.constant 256 : i32
      %add3A_297 = arith.addi %mul3A_31, %add3A_296 : i32
      %add3A_298 = arith.addi %mul3A_29, %mul3A_31 : i32
      %add3A_299 = arith.constant 256 : i32
      %add3A_300 = arith.addi %add3A_298, %add3A_299 : i32
      %dma_start3A_301 = arith.constant 4 : i32
      %dma_start3A_302 = tpu.memref_slice %arg13[%dma_start3A_301] : memref<12x!tpu.dma_semaphore, #tpu.memory_space<semaphore_mem>> -> memref<1x!tpu.dma_semaphore, #tpu.memory_space<semaphore_mem>>
      %dma_start3A_303 = tpu.memref_squeeze %dma_start3A_302 : memref<1x!tpu.dma_semaphore, #tpu.memory_space<semaphore_mem>> -> memref<!tpu.dma_semaphore, #tpu.memory_space<semaphore_mem>>
      %dma_start3A_304 = arith.constant 0 : i32
      %dma_start3A_305 = tpu.memref_slice %arg5[%add3A_300, %dma_start3A_304] : memref<50176x128xf32, #tpu.memory_space<hbm>> -> memref<64x128xf32, #tpu.memory_space<hbm>>
      %dma_start3A_306 = arith.constant 0 : i32
      %dma_start3A_307 = tpu.memref_slice %arg12[%add3A_297, %dma_start3A_306] : memref<6288x128xf32, #tpu.memory_space<vmem_shared>> -> memref<64x128xf32, #tpu.memory_space<vmem_shared>>
      tpu.enqueue_dma source(%dma_start3A_307 : memref<64x128xf32, #tpu.memory_space<vmem_shared>>) target(%dma_start3A_305 : memref<64x128xf32, #tpu.memory_space<hbm>>) target_semaphore(%dma_start3A_303 : memref<!tpu.dma_semaphore, #tpu.memory_space<semaphore_mem>>)
      %add3A_308 = arith.constant 320 : i32
      %add3A_309 = arith.addi %mul3A_31, %add3A_308 : i32
      %add3A_310 = arith.addi %mul3A_29, %mul3A_31 : i32
      %add3A_311 = arith.constant 320 : i32
      %add3A_312 = arith.addi %add3A_310, %add3A_311 : i32
      %dma_start3A_313 = arith.constant 5 : i32
      %dma_start3A_314 = tpu.memref_slice %arg13[%dma_start3A_313] : memref<12x!tpu.dma_semaphore, #tpu.memory_space<semaphore_mem>> -> memref<1x!tpu.dma_semaphore, #tpu.memory_space<semaphore_mem>>
      %dma_start3A_315 = tpu.memref_squeeze %dma_start3A_314 : memref<1x!tpu.dma_semaphore, #tpu.memory_space<semaphore_mem>> -> memref<!tpu.dma_semaphore, #tpu.memory_space<semaphore_mem>>
      %dma_start3A_316 = arith.constant 0 : i32
      %dma_start3A_317 = tpu.memref_slice %arg5[%add3A_312, %dma_start3A_316] : memref<50176x128xf32, #tpu.memory_space<hbm>> -> memref<64x128xf32, #tpu.memory_space<hbm>>
      %dma_start3A_318 = arith.constant 0 : i32
      %dma_start3A_319 = tpu.memref_slice %arg12[%add3A_309, %dma_start3A_318] : memref<6288x128xf32, #tpu.memory_space<vmem_shared>> -> memref<64x128xf32, #tpu.memory_space<vmem_shared>>
      tpu.enqueue_dma source(%dma_start3A_319 : memref<64x128xf32, #tpu.memory_space<vmem_shared>>) target(%dma_start3A_317 : memref<64x128xf32, #tpu.memory_space<hbm>>) target_semaphore(%dma_start3A_315 : memref<!tpu.dma_semaphore, #tpu.memory_space<semaphore_mem>>)
      %add3A_320 = arith.constant 384 : i32
      %add3A_321 = arith.addi %mul3A_31, %add3A_320 : i32
      %add3A_322 = arith.addi %mul3A_29, %mul3A_31 : i32
      %add3A_323 = arith.constant 384 : i32
      %add3A_324 = arith.addi %add3A_322, %add3A_323 : i32
      %dma_start3A_325 = arith.constant 6 : i32
      %dma_start3A_326 = tpu.memref_slice %arg13[%dma_start3A_325] : memref<12x!tpu.dma_semaphore, #tpu.memory_space<semaphore_mem>> -> memref<1x!tpu.dma_semaphore, #tpu.memory_space<semaphore_mem>>
      %dma_start3A_327 = tpu.memref_squeeze %dma_start3A_326 : memref<1x!tpu.dma_semaphore, #tpu.memory_space<semaphore_mem>> -> memref<!tpu.dma_semaphore, #tpu.memory_space<semaphore_mem>>
      %dma_start3A_328 = arith.constant 0 : i32
      %dma_start3A_329 = tpu.memref_slice %arg5[%add3A_324, %dma_start3A_328] : memref<50176x128xf32, #tpu.memory_space<hbm>> -> memref<8x128xf32, #tpu.memory_space<hbm>>
      %dma_start3A_330 = arith.constant 0 : i32
      %dma_start3A_331 = tpu.memref_slice %arg12[%add3A_321, %dma_start3A_330] : memref<6288x128xf32, #tpu.memory_space<vmem_shared>> -> memref<8x128xf32, #tpu.memory_space<vmem_shared>>
      tpu.enqueue_dma source(%dma_start3A_331 : memref<8x128xf32, #tpu.memory_space<vmem_shared>>) target(%dma_start3A_329 : memref<8x128xf32, #tpu.memory_space<hbm>>) target_semaphore(%dma_start3A_327 : memref<!tpu.dma_semaphore, #tpu.memory_space<semaphore_mem>>)
      %add3A_332 = arith.constant 0 : i32
      %add3A_333 = arith.addi %mul3A_31, %add3A_332 : i32
      %add3A_334 = arith.addi %mul3A_29, %mul3A_31 : i32
      %add3A_335 = arith.constant 0 : i32
      %add3A_336 = arith.addi %add3A_334, %add3A_335 : i32
      %dma_wait3A_337 = arith.constant 0 : i32
      %dma_wait3A_338 = tpu.memref_slice %arg13[%dma_wait3A_337] : memref<12x!tpu.dma_semaphore, #tpu.memory_space<semaphore_mem>> -> memref<1x!tpu.dma_semaphore, #tpu.memory_space<semaphore_mem>>
      %dma_wait3A_339 = tpu.memref_squeeze %dma_wait3A_338 : memref<1x!tpu.dma_semaphore, #tpu.memory_space<semaphore_mem>> -> memref<!tpu.dma_semaphore, #tpu.memory_space<semaphore_mem>>
      %dma_wait3A_340 = arith.constant 0 : i32
      %dma_wait3A_341 = tpu.memref_slice %arg5[%add3A_336, %dma_wait3A_340] : memref<50176x128xf32, #tpu.memory_space<hbm>> -> memref<64x128xf32, #tpu.memory_space<hbm>>
      %dma_wait3A_342 = arith.constant 0 : i32
      %dma_wait3A_343 = tpu.memref_slice %arg12[%add3A_333, %dma_wait3A_342] : memref<6288x128xf32, #tpu.memory_space<vmem_shared>> -> memref<64x128xf32, #tpu.memory_space<vmem_shared>>
      tpu.wait_dma2 semaphore(%dma_wait3A_339 : memref<!tpu.dma_semaphore, #tpu.memory_space<semaphore_mem>>) src(%dma_wait3A_343 : memref<64x128xf32, #tpu.memory_space<vmem_shared>>) dst(%dma_wait3A_341 : memref<64x128xf32, #tpu.memory_space<hbm>>)
      %add3A_344 = arith.constant 64 : i32
      %add3A_345 = arith.addi %mul3A_31, %add3A_344 : i32
      %add3A_346 = arith.addi %mul3A_29, %mul3A_31 : i32
      %add3A_347 = arith.constant 64 : i32
      %add3A_348 = arith.addi %add3A_346, %add3A_347 : i32
      %dma_wait3A_349 = arith.constant 1 : i32
      %dma_wait3A_350 = tpu.memref_slice %arg13[%dma_wait3A_349] : memref<12x!tpu.dma_semaphore, #tpu.memory_space<semaphore_mem>> -> memref<1x!tpu.dma_semaphore, #tpu.memory_space<semaphore_mem>>
      %dma_wait3A_351 = tpu.memref_squeeze %dma_wait3A_350 : memref<1x!tpu.dma_semaphore, #tpu.memory_space<semaphore_mem>> -> memref<!tpu.dma_semaphore, #tpu.memory_space<semaphore_mem>>
      %dma_wait3A_352 = arith.constant 0 : i32
      %dma_wait3A_353 = tpu.memref_slice %arg5[%add3A_348, %dma_wait3A_352] : memref<50176x128xf32, #tpu.memory_space<hbm>> -> memref<64x128xf32, #tpu.memory_space<hbm>>
      %dma_wait3A_354 = arith.constant 0 : i32
      %dma_wait3A_355 = tpu.memref_slice %arg12[%add3A_345, %dma_wait3A_354] : memref<6288x128xf32, #tpu.memory_space<vmem_shared>> -> memref<64x128xf32, #tpu.memory_space<vmem_shared>>
      tpu.wait_dma2 semaphore(%dma_wait3A_351 : memref<!tpu.dma_semaphore, #tpu.memory_space<semaphore_mem>>) src(%dma_wait3A_355 : memref<64x128xf32, #tpu.memory_space<vmem_shared>>) dst(%dma_wait3A_353 : memref<64x128xf32, #tpu.memory_space<hbm>>)
      %add3A_356 = arith.constant 128 : i32
      %add3A_357 = arith.addi %mul3A_31, %add3A_356 : i32
      %add3A_358 = arith.addi %mul3A_29, %mul3A_31 : i32
      %add3A_359 = arith.constant 128 : i32
      %add3A_360 = arith.addi %add3A_358, %add3A_359 : i32
      %dma_wait3A_361 = arith.constant 2 : i32
      %dma_wait3A_362 = tpu.memref_slice %arg13[%dma_wait3A_361] : memref<12x!tpu.dma_semaphore, #tpu.memory_space<semaphore_mem>> -> memref<1x!tpu.dma_semaphore, #tpu.memory_space<semaphore_mem>>
      %dma_wait3A_363 = tpu.memref_squeeze %dma_wait3A_362 : memref<1x!tpu.dma_semaphore, #tpu.memory_space<semaphore_mem>> -> memref<!tpu.dma_semaphore, #tpu.memory_space<semaphore_mem>>
      %dma_wait3A_364 = arith.constant 0 : i32
      %dma_wait3A_365 = tpu.memref_slice %arg5[%add3A_360, %dma_wait3A_364] : memref<50176x128xf32, #tpu.memory_space<hbm>> -> memref<64x128xf32, #tpu.memory_space<hbm>>
      %dma_wait3A_366 = arith.constant 0 : i32
      %dma_wait3A_367 = tpu.memref_slice %arg12[%add3A_357, %dma_wait3A_366] : memref<6288x128xf32, #tpu.memory_space<vmem_shared>> -> memref<64x128xf32, #tpu.memory_space<vmem_shared>>
      tpu.wait_dma2 semaphore(%dma_wait3A_363 : memref<!tpu.dma_semaphore, #tpu.memory_space<semaphore_mem>>) src(%dma_wait3A_367 : memref<64x128xf32, #tpu.memory_space<vmem_shared>>) dst(%dma_wait3A_365 : memref<64x128xf32, #tpu.memory_space<hbm>>)
      %add3A_368 = arith.constant 192 : i32
      %add3A_369 = arith.addi %mul3A_31, %add3A_368 : i32
      %add3A_370 = arith.addi %mul3A_29, %mul3A_31 : i32
      %add3A_371 = arith.constant 192 : i32
      %add3A_372 = arith.addi %add3A_370, %add3A_371 : i32
      %dma_wait3A_373 = arith.constant 3 : i32
      %dma_wait3A_374 = tpu.memref_slice %arg13[%dma_wait3A_373] : memref<12x!tpu.dma_semaphore, #tpu.memory_space<semaphore_mem>> -> memref<1x!tpu.dma_semaphore, #tpu.memory_space<semaphore_mem>>
      %dma_wait3A_375 = tpu.memref_squeeze %dma_wait3A_374 : memref<1x!tpu.dma_semaphore, #tpu.memory_space<semaphore_mem>> -> memref<!tpu.dma_semaphore, #tpu.memory_space<semaphore_mem>>
      %dma_wait3A_376 = arith.constant 0 : i32
      %dma_wait3A_377 = tpu.memref_slice %arg5[%add3A_372, %dma_wait3A_376] : memref<50176x128xf32, #tpu.memory_space<hbm>> -> memref<64x128xf32, #tpu.memory_space<hbm>>
      %dma_wait3A_378 = arith.constant 0 : i32
      %dma_wait3A_379 = tpu.memref_slice %arg12[%add3A_369, %dma_wait3A_378] : memref<6288x128xf32, #tpu.memory_space<vmem_shared>> -> memref<64x128xf32, #tpu.memory_space<vmem_shared>>
      tpu.wait_dma2 semaphore(%dma_wait3A_375 : memref<!tpu.dma_semaphore, #tpu.memory_space<semaphore_mem>>) src(%dma_wait3A_379 : memref<64x128xf32, #tpu.memory_space<vmem_shared>>) dst(%dma_wait3A_377 : memref<64x128xf32, #tpu.memory_space<hbm>>)
      %add3A_380 = arith.constant 256 : i32
      %add3A_381 = arith.addi %mul3A_31, %add3A_380 : i32
      %add3A_382 = arith.addi %mul3A_29, %mul3A_31 : i32
      %add3A_383 = arith.constant 256 : i32
      %add3A_384 = arith.addi %add3A_382, %add3A_383 : i32
      %dma_wait3A_385 = arith.constant 4 : i32
      %dma_wait3A_386 = tpu.memref_slice %arg13[%dma_wait3A_385] : memref<12x!tpu.dma_semaphore, #tpu.memory_space<semaphore_mem>> -> memref<1x!tpu.dma_semaphore, #tpu.memory_space<semaphore_mem>>
      %dma_wait3A_387 = tpu.memref_squeeze %dma_wait3A_386 : memref<1x!tpu.dma_semaphore, #tpu.memory_space<semaphore_mem>> -> memref<!tpu.dma_semaphore, #tpu.memory_space<semaphore_mem>>
      %dma_wait3A_388 = arith.constant 0 : i32
      %dma_wait3A_389 = tpu.memref_slice %arg5[%add3A_384, %dma_wait3A_388] : memref<50176x128xf32, #tpu.memory_space<hbm>> -> memref<64x128xf32, #tpu.memory_space<hbm>>
      %dma_wait3A_390 = arith.constant 0 : i32
      %dma_wait3A_391 = tpu.memref_slice %arg12[%add3A_381, %dma_wait3A_390] : memref<6288x128xf32, #tpu.memory_space<vmem_shared>> -> memref<64x128xf32, #tpu.memory_space<vmem_shared>>
      tpu.wait_dma2 semaphore(%dma_wait3A_387 : memref<!tpu.dma_semaphore, #tpu.memory_space<semaphore_mem>>) src(%dma_wait3A_391 : memref<64x128xf32, #tpu.memory_space<vmem_shared>>) dst(%dma_wait3A_389 : memref<64x128xf32, #tpu.memory_space<hbm>>)
      %add3A_392 = arith.constant 320 : i32
      %add3A_393 = arith.addi %mul3A_31, %add3A_392 : i32
      %add3A_394 = arith.addi %mul3A_29, %mul3A_31 : i32
      %add3A_395 = arith.constant 320 : i32
      %add3A_396 = arith.addi %add3A_394, %add3A_395 : i32
      %dma_wait3A_397 = arith.constant 5 : i32
      %dma_wait3A_398 = tpu.memref_slice %arg13[%dma_wait3A_397] : memref<12x!tpu.dma_semaphore, #tpu.memory_space<semaphore_mem>> -> memref<1x!tpu.dma_semaphore, #tpu.memory_space<semaphore_mem>>
      %dma_wait3A_399 = tpu.memref_squeeze %dma_wait3A_398 : memref<1x!tpu.dma_semaphore, #tpu.memory_space<semaphore_mem>> -> memref<!tpu.dma_semaphore, #tpu.memory_space<semaphore_mem>>
      %dma_wait3A_400 = arith.constant 0 : i32
      %dma_wait3A_401 = tpu.memref_slice %arg5[%add3A_396, %dma_wait3A_400] : memref<50176x128xf32, #tpu.memory_space<hbm>> -> memref<64x128xf32, #tpu.memory_space<hbm>>
      %dma_wait3A_402 = arith.constant 0 : i32
      %dma_wait3A_403 = tpu.memref_slice %arg12[%add3A_393, %dma_wait3A_402] : memref<6288x128xf32, #tpu.memory_space<vmem_shared>> -> memref<64x128xf32, #tpu.memory_space<vmem_shared>>
      tpu.wait_dma2 semaphore(%dma_wait3A_399 : memref<!tpu.dma_semaphore, #tpu.memory_space<semaphore_mem>>) src(%dma_wait3A_403 : memref<64x128xf32, #tpu.memory_space<vmem_shared>>) dst(%dma_wait3A_401 : memref<64x128xf32, #tpu.memory_space<hbm>>)
      %add3A_404 = arith.constant 384 : i32
      %add3A_405 = arith.addi %mul3A_31, %add3A_404 : i32
      %add3A_406 = arith.addi %mul3A_29, %mul3A_31 : i32
      %add3A_407 = arith.constant 384 : i32
      %add3A_408 = arith.addi %add3A_406, %add3A_407 : i32
      %dma_wait3A_409 = arith.constant 6 : i32
      %dma_wait3A_410 = tpu.memref_slice %arg13[%dma_wait3A_409] : memref<12x!tpu.dma_semaphore, #tpu.memory_space<semaphore_mem>> -> memref<1x!tpu.dma_semaphore, #tpu.memory_space<semaphore_mem>>
      %dma_wait3A_411 = tpu.memref_squeeze %dma_wait3A_410 : memref<1x!tpu.dma_semaphore, #tpu.memory_space<semaphore_mem>> -> memref<!tpu.dma_semaphore, #tpu.memory_space<semaphore_mem>>
      %dma_wait3A_412 = arith.constant 0 : i32
      %dma_wait3A_413 = tpu.memref_slice %arg5[%add3A_408, %dma_wait3A_412] : memref<50176x128xf32, #tpu.memory_space<hbm>> -> memref<8x128xf32, #tpu.memory_space<hbm>>
      %dma_wait3A_414 = arith.constant 0 : i32
      %dma_wait3A_415 = tpu.memref_slice %arg12[%add3A_405, %dma_wait3A_414] : memref<6288x128xf32, #tpu.memory_space<vmem_shared>> -> memref<8x128xf32, #tpu.memory_space<vmem_shared>>
      tpu.wait_dma2 semaphore(%dma_wait3A_411 : memref<!tpu.dma_semaphore, #tpu.memory_space<semaphore_mem>>) src(%dma_wait3A_415 : memref<8x128xf32, #tpu.memory_space<vmem_shared>>) dst(%dma_wait3A_413 : memref<8x128xf32, #tpu.memory_space<hbm>>)
      %barrier3A_416 = arith.constant 0 : index
      tpu.barrier barrier_id(%barrier3A_416)
      %scan3A_417 = arith.constant 0 : i32
      scf.yield %scan3A_417 : i32
    }
    %scan3A_17 = arith.constant 4 : i32
    %scan3A_18 = arith.constant 0 : i32
    %scan3A_19 = arith.constant 0 : i32
    %scan3A_20 = arith.constant 4 : i32
    %scan3A_21 = arith.addi %scan3A_19, %scan3A_20 : i32
    %scan3A_22 = arith.constant 1 : i32
    %scan3A_23 = scf.for %scan3A_25 = %scan3A_19 to %scan3A_21 step %scan3A_22 iter_args(%scan3A_26 = %scan3A_18) -> (i32)  : i32 {
      %mul3A = arith.constant 2 : i32
      %mul3A_27 = arith.muli %scan3A_25, %mul3A : i32
      %add3A = arith.addi %mul3A_27, %arg0 : i32
      %mul3A_28 = arith.constant 6272 : i32
      %mul3A_29 = arith.muli %add3A, %mul3A_28 : i32
      %mul3A_30 = arith.constant 392 : i32
      %mul3A_31 = arith.muli %arg1, %mul3A_30 : i32
      %add3A_32 = arith.constant 0 : i32
      %add3A_33 = arith.addi %mul3A_31, %add3A_32 : i32
      %dma_start3A = arith.constant 0 : i32
      %dma_start3A_34 = arith.constant 0 : i32
      %dma_start3A_35 = arith.constant 0 : i32
      %dma_start3A_36 = tpu.memref_slice %arg11[%dma_start3A_34, %dma_start3A_35] : memref<64x128xf32, #tpu.memory_space<vmem>> -> memref<64x128xf32, #tpu.memory_space<vmem>>
      %dma_start3A_37 = arith.constant 0 : i32
      %dma_start3A_38 = tpu.memref_slice %arg12[%add3A_33, %dma_start3A_37] : memref<6288x128xf32, #tpu.memory_space<vmem_shared>> -> memref<64x128xf32, #tpu.memory_space<vmem_shared>>
      %dma_start3A_39 = tpu.memref_slice %arg13[%dma_start3A] : memref<12x!tpu.dma_semaphore, #tpu.memory_space<semaphore_mem>> -> memref<1x!tpu.dma_semaphore, #tpu.memory_space<semaphore_mem>>
      %dma_start3A_40 = tpu.memref_squeeze %dma_start3A_39 : memref<1x!tpu.dma_semaphore, #tpu.memory_space<semaphore_mem>> -> memref<!tpu.dma_semaphore, #tpu.memory_space<semaphore_mem>>
      %dma_start3A_41 = arith.constant 0 : i32
      %dma_start3A_42 = tpu.memref_slice %arg12[%add3A_33, %dma_start3A_41] : memref<6288x128xf32, #tpu.memory_space<vmem_shared>> -> memref<64x128xf32, #tpu.memory_space<vmem_shared>>
      %dma_start3A_43 = arith.constant 0 : i32
      %dma_start3A_44 = arith.constant 0 : i32
      %dma_start3A_45 = tpu.memref_slice %arg11[%dma_start3A_43, %dma_start3A_44] : memref<64x128xf32, #tpu.memory_space<vmem>> -> memref<64x128xf32, #tpu.memory_space<vmem>>
      tpu.enqueue_dma source(%dma_start3A_45 : memref<64x128xf32, #tpu.memory_space<vmem>>) target(%dma_start3A_42 : memref<64x128xf32, #tpu.memory_space<vmem_shared>>) target_semaphore(%dma_start3A_40 : memref<!tpu.dma_semaphore, #tpu.memory_space<semaphore_mem>>)
      %add3A_46 = arith.constant 64 : i32
      %add3A_47 = arith.addi %mul3A_31, %add3A_46 : i32
      %dma_start3A_48 = arith.constant 1 : i32
      %dma_start3A_49 = arith.constant 0 : i32
      %dma_start3A_50 = arith.constant 0 : i32
      %dma_start3A_51 = tpu.memref_slice %arg11[%dma_start3A_49, %dma_start3A_50] : memref<64x128xf32, #tpu.memory_space<vmem>> -> memref<64x128xf32, #tpu.memory_space<vmem>>
      %dma_start3A_52 = arith.constant 0 : i32
      %dma_start3A_53 = tpu.memref_slice %arg12[%add3A_47, %dma_start3A_52] : memref<6288x128xf32, #tpu.memory_space<vmem_shared>> -> memref<64x128xf32, #tpu.memory_space<vmem_shared>>
      %dma_start3A_54 = tpu.memref_slice %arg13[%dma_start3A_48] : memref<12x!tpu.dma_semaphore, #tpu.memory_space<semaphore_mem>> -> memref<1x!tpu.dma_semaphore, #tpu.memory_space<semaphore_mem>>
      %dma_start3A_55 = tpu.memref_squeeze %dma_start3A_54 : memref<1x!tpu.dma_semaphore, #tpu.memory_space<semaphore_mem>> -> memref<!tpu.dma_semaphore, #tpu.memory_space<semaphore_mem>>
      %dma_start3A_56 = arith.constant 0 : i32
      %dma_start3A_57 = tpu.memref_slice %arg12[%add3A_47, %dma_start3A_56] : memref<6288x128xf32, #tpu.memory_space<vmem_shared>> -> memref<64x128xf32, #tpu.memory_space<vmem_shared>>
      %dma_start3A_58 = arith.constant 0 : i32
      %dma_start3A_59 = arith.constant 0 : i32
      %dma_start3A_60 = tpu.memref_slice %arg11[%dma_start3A_58, %dma_start3A_59] : memref<64x128xf32, #tpu.memory_space<vmem>> -> memref<64x128xf32, #tpu.memory_space<vmem>>
      tpu.enqueue_dma source(%dma_start3A_60 : memref<64x128xf32, #tpu.memory_space<vmem>>) target(%dma_start3A_57 : memref<64x128xf32, #tpu.memory_space<vmem_shared>>) target_semaphore(%dma_start3A_55 : memref<!tpu.dma_semaphore, #tpu.memory_space<semaphore_mem>>)
      %add3A_61 = arith.constant 128 : i32
      %add3A_62 = arith.addi %mul3A_31, %add3A_61 : i32
      %dma_start3A_63 = arith.constant 2 : i32
      %dma_start3A_64 = arith.constant 0 : i32
      %dma_start3A_65 = arith.constant 0 : i32
      %dma_start3A_66 = tpu.memref_slice %arg11[%dma_start3A_64, %dma_start3A_65] : memref<64x128xf32, #tpu.memory_space<vmem>> -> memref<64x128xf32, #tpu.memory_space<vmem>>
      %dma_start3A_67 = arith.constant 0 : i32
      %dma_start3A_68 = tpu.memref_slice %arg12[%add3A_62, %dma_start3A_67] : memref<6288x128xf32, #tpu.memory_space<vmem_shared>> -> memref<64x128xf32, #tpu.memory_space<vmem_shared>>
      %dma_start3A_69 = tpu.memref_slice %arg13[%dma_start3A_63] : memref<12x!tpu.dma_semaphore, #tpu.memory_space<semaphore_mem>> -> memref<1x!tpu.dma_semaphore, #tpu.memory_space<semaphore_mem>>
      %dma_start3A_70 = tpu.memref_squeeze %dma_start3A_69 : memref<1x!tpu.dma_semaphore, #tpu.memory_space<semaphore_mem>> -> memref<!tpu.dma_semaphore, #tpu.memory_space<semaphore_mem>>
      %dma_start3A_71 = arith.constant 0 : i32
      %dma_start3A_72 = tpu.memref_slice %arg12[%add3A_62, %dma_start3A_71] : memref<6288x128xf32, #tpu.memory_space<vmem_shared>> -> memref<64x128xf32, #tpu.memory_space<vmem_shared>>
      %dma_start3A_73 = arith.constant 0 : i32
      %dma_start3A_74 = arith.constant 0 : i32
      %dma_start3A_75 = tpu.memref_slice %arg11[%dma_start3A_73, %dma_start3A_74] : memref<64x128xf32, #tpu.memory_space<vmem>> -> memref<64x128xf32, #tpu.memory_space<vmem>>
      tpu.enqueue_dma source(%dma_start3A_75 : memref<64x128xf32, #tpu.memory_space<vmem>>) target(%dma_start3A_72 : memref<64x128xf32, #tpu.memory_space<vmem_shared>>) target_semaphore(%dma_start3A_70 : memref<!tpu.dma_semaphore, #tpu.memory_space<semaphore_mem>>)
      %add3A_76 = arith.constant 192 : i32
      %add3A_77 = arith.addi %mul3A_31, %add3A_76 : i32
      %dma_start3A_78 = arith.constant 3 : i32
      %dma_start3A_79 = arith.constant 0 : i32
      %dma_start3A_80 = arith.constant 0 : i32
      %dma_start3A_81 = tpu.memref_slice %arg11[%dma_start3A_79, %dma_start3A_80] : memref<64x128xf32, #tpu.memory_space<vmem>> -> memref<64x128xf32, #tpu.memory_space<vmem>>
      %dma_start3A_82 = arith.constant 0 : i32
      %dma_start3A_83 = tpu.memref_slice %arg12[%add3A_77, %dma_start3A_82] : memref<6288x128xf32, #tpu.memory_space<vmem_shared>> -> memref<64x128xf32, #tpu.memory_space<vmem_shared>>
      %dma_start3A_84 = tpu.memref_slice %arg13[%dma_start3A_78] : memref<12x!tpu.dma_semaphore, #tpu.memory_space<semaphore_mem>> -> memref<1x!tpu.dma_semaphore, #tpu.memory_space<semaphore_mem>>
      %dma_start3A_85 = tpu.memref_squeeze %dma_start3A_84 : memref<1x!tpu.dma_semaphore, #tpu.memory_space<semaphore_mem>> -> memref<!tpu.dma_semaphore, #tpu.memory_space<semaphore_mem>>
      %dma_start3A_86 = arith.constant 0 : i32
      %dma_start3A_87 = tpu.memref_slice %arg12[%add3A_77, %dma_start3A_86] : memref<6288x128xf32, #tpu.memory_space<vmem_shared>> -> memref<64x128xf32, #tpu.memory_space<vmem_shared>>
      %dma_start3A_88 = arith.constant 0 : i32
      %dma_start3A_89 = arith.constant 0 : i32
      %dma_start3A_90 = tpu.memref_slice %arg11[%dma_start3A_88, %dma_start3A_89] : memref<64x128xf32, #tpu.memory_space<vmem>> -> memref<64x128xf32, #tpu.memory_space<vmem>>
      tpu.enqueue_dma source(%dma_start3A_90 : memref<64x128xf32, #tpu.memory_space<vmem>>) target(%dma_start3A_87 : memref<64x128xf32, #tpu.memory_space<vmem_shared>>) target_semaphore(%dma_start3A_85 : memref<!tpu.dma_semaphore, #tpu.memory_space<semaphore_mem>>)
      %add3A_91 = arith.constant 256 : i32
      %add3A_92 = arith.addi %mul3A_31, %add3A_91 : i32
      %dma_start3A_93 = arith.constant 4 : i32
      %dma_start3A_94 = arith.constant 0 : i32
      %dma_start3A_95 = arith.constant 0 : i32
      %dma_start3A_96 = tpu.memref_slice %arg11[%dma_start3A_94, %dma_start3A_95] : memref<64x128xf32, #tpu.memory_space<vmem>> -> memref<64x128xf32, #tpu.memory_space<vmem>>
      %dma_start3A_97 = arith.constant 0 : i32
      %dma_start3A_98 = tpu.memref_slice %arg12[%add3A_92, %dma_start3A_97] : memref<6288x128xf32, #tpu.memory_space<vmem_shared>> -> memref<64x128xf32, #tpu.memory_space<vmem_shared>>
      %dma_start3A_99 = tpu.memref_slice %arg13[%dma_start3A_93] : memref<12x!tpu.dma_semaphore, #tpu.memory_space<semaphore_mem>> -> memref<1x!tpu.dma_semaphore, #tpu.memory_space<semaphore_mem>>
      %dma_start3A_100 = tpu.memref_squeeze %dma_start3A_99 : memref<1x!tpu.dma_semaphore, #tpu.memory_space<semaphore_mem>> -> memref<!tpu.dma_semaphore, #tpu.memory_space<semaphore_mem>>
      %dma_start3A_101 = arith.constant 0 : i32
      %dma_start3A_102 = tpu.memref_slice %arg12[%add3A_92, %dma_start3A_101] : memref<6288x128xf32, #tpu.memory_space<vmem_shared>> -> memref<64x128xf32, #tpu.memory_space<vmem_shared>>
      %dma_start3A_103 = arith.constant 0 : i32
      %dma_start3A_104 = arith.constant 0 : i32
      %dma_start3A_105 = tpu.memref_slice %arg11[%dma_start3A_103, %dma_start3A_104] : memref<64x128xf32, #tpu.memory_space<vmem>> -> memref<64x128xf32, #tpu.memory_space<vmem>>
      tpu.enqueue_dma source(%dma_start3A_105 : memref<64x128xf32, #tpu.memory_space<vmem>>) target(%dma_start3A_102 : memref<64x128xf32, #tpu.memory_space<vmem_shared>>) target_semaphore(%dma_start3A_100 : memref<!tpu.dma_semaphore, #tpu.memory_space<semaphore_mem>>)
      %add3A_106 = arith.constant 320 : i32
      %add3A_107 = arith.addi %mul3A_31, %add3A_106 : i32
      %dma_start3A_108 = arith.constant 5 : i32
      %dma_start3A_109 = arith.constant 0 : i32
      %dma_start3A_110 = arith.constant 0 : i32
      %dma_start3A_111 = tpu.memref_slice %arg11[%dma_start3A_109, %dma_start3A_110] : memref<64x128xf32, #tpu.memory_space<vmem>> -> memref<64x128xf32, #tpu.memory_space<vmem>>
      %dma_start3A_112 = arith.constant 0 : i32
      %dma_start3A_113 = tpu.memref_slice %arg12[%add3A_107, %dma_start3A_112] : memref<6288x128xf32, #tpu.memory_space<vmem_shared>> -> memref<64x128xf32, #tpu.memory_space<vmem_shared>>
      %dma_start3A_114 = tpu.memref_slice %arg13[%dma_start3A_108] : memref<12x!tpu.dma_semaphore, #tpu.memory_space<semaphore_mem>> -> memref<1x!tpu.dma_semaphore, #tpu.memory_space<semaphore_mem>>
      %dma_start3A_115 = tpu.memref_squeeze %dma_start3A_114 : memref<1x!tpu.dma_semaphore, #tpu.memory_space<semaphore_mem>> -> memref<!tpu.dma_semaphore, #tpu.memory_space<semaphore_mem>>
      %dma_start3A_116 = arith.constant 0 : i32
      %dma_start3A_117 = tpu.memref_slice %arg12[%add3A_107, %dma_start3A_116] : memref<6288x128xf32, #tpu.memory_space<vmem_shared>> -> memref<64x128xf32, #tpu.memory_space<vmem_shared>>
      %dma_start3A_118 = arith.constant 0 : i32
      %dma_start3A_119 = arith.constant 0 : i32
      %dma_start3A_120 = tpu.memref_slice %arg11[%dma_start3A_118, %dma_start3A_119] : memref<64x128xf32, #tpu.memory_space<vmem>> -> memref<64x128xf32, #tpu.memory_space<vmem>>
      tpu.enqueue_dma source(%dma_start3A_120 : memref<64x128xf32, #tpu.memory_space<vmem>>) target(%dma_start3A_117 : memref<64x128xf32, #tpu.memory_space<vmem_shared>>) target_semaphore(%dma_start3A_115 : memref<!tpu.dma_semaphore, #tpu.memory_space<semaphore_mem>>)
      %add3A_121 = arith.constant 384 : i32
      %add3A_122 = arith.addi %mul3A_31, %add3A_121 : i32
      %dma_start3A_123 = arith.constant 6 : i32
      %dma_start3A_124 = arith.constant 0 : i32
      %dma_start3A_125 = arith.constant 0 : i32
      %dma_start3A_126 = tpu.memref_slice %arg11[%dma_start3A_124, %dma_start3A_125] : memref<64x128xf32, #tpu.memory_space<vmem>> -> memref<8x128xf32, #tpu.memory_space<vmem>>
      %dma_start3A_127 = arith.constant 0 : i32
      %dma_start3A_128 = tpu.memref_slice %arg12[%add3A_122, %dma_start3A_127] : memref<6288x128xf32, #tpu.memory_space<vmem_shared>> -> memref<8x128xf32, #tpu.memory_space<vmem_shared>>
      %dma_start3A_129 = tpu.memref_slice %arg13[%dma_start3A_123] : memref<12x!tpu.dma_semaphore, #tpu.memory_space<semaphore_mem>> -> memref<1x!tpu.dma_semaphore, #tpu.memory_space<semaphore_mem>>
      %dma_start3A_130 = tpu.memref_squeeze %dma_start3A_129 : memref<1x!tpu.dma_semaphore, #tpu.memory_space<semaphore_mem>> -> memref<!tpu.dma_semaphore, #tpu.memory_space<semaphore_mem>>
      %dma_start3A_131 = arith.constant 0 : i32
      %dma_start3A_132 = tpu.memref_slice %arg12[%add3A_122, %dma_start3A_131] : memref<6288x128xf32, #tpu.memory_space<vmem_shared>> -> memref<8x128xf32, #tpu.memory_space<vmem_shared>>
      %dma_start3A_133 = arith.constant 0 : i32
      %dma_start3A_134 = arith.constant 0 : i32
      %dma_start3A_135 = tpu.memref_slice %arg11[%dma_start3A_133, %dma_start3A_134] : memref<64x128xf32, #tpu.memory_space<vmem>> -> memref<8x128xf32, #tpu.memory_space<vmem>>
      tpu.enqueue_dma source(%dma_start3A_135 : memref<8x128xf32, #tpu.memory_space<vmem>>) target(%dma_start3A_132 : memref<8x128xf32, #tpu.memory_space<vmem_shared>>) target_semaphore(%dma_start3A_130 : memref<!tpu.dma_semaphore, #tpu.memory_space<semaphore_mem>>)
      %add3A_136 = arith.constant 0 : i32
      %add3A_137 = arith.addi %mul3A_31, %add3A_136 : i32
      %dma_wait3A = arith.constant 0 : i32
      %dma_wait3A_138 = arith.constant 0 : i32
      %dma_wait3A_139 = arith.constant 0 : i32
      %dma_wait3A_140 = tpu.memref_slice %arg11[%dma_wait3A_138, %dma_wait3A_139] : memref<64x128xf32, #tpu.memory_space<vmem>> -> memref<64x128xf32, #tpu.memory_space<vmem>>
      %dma_wait3A_141 = arith.constant 0 : i32
      %dma_wait3A_142 = tpu.memref_slice %arg12[%add3A_137, %dma_wait3A_141] : memref<6288x128xf32, #tpu.memory_space<vmem_shared>> -> memref<64x128xf32, #tpu.memory_space<vmem_shared>>
      %dma_wait3A_143 = tpu.memref_slice %arg13[%dma_wait3A] : memref<12x!tpu.dma_semaphore, #tpu.memory_space<semaphore_mem>> -> memref<1x!tpu.dma_semaphore, #tpu.memory_space<semaphore_mem>>
      %dma_wait3A_144 = tpu.memref_squeeze %dma_wait3A_143 : memref<1x!tpu.dma_semaphore, #tpu.memory_space<semaphore_mem>> -> memref<!tpu.dma_semaphore, #tpu.memory_space<semaphore_mem>>
      %dma_wait3A_145 = arith.constant 0 : i32
      %dma_wait3A_146 = tpu.memref_slice %arg12[%add3A_137, %dma_wait3A_145] : memref<6288x128xf32, #tpu.memory_space<vmem_shared>> -> memref<64x128xf32, #tpu.memory_space<vmem_shared>>
      %dma_wait3A_147 = arith.constant 0 : i32
      %dma_wait3A_148 = arith.constant 0 : i32
      %dma_wait3A_149 = tpu.memref_slice %arg11[%dma_wait3A_147, %dma_wait3A_148] : memref<64x128xf32, #tpu.memory_space<vmem>> -> memref<64x128xf32, #tpu.memory_space<vmem>>
      tpu.wait_dma2 semaphore(%dma_wait3A_144 : memref<!tpu.dma_semaphore, #tpu.memory_space<semaphore_mem>>) src(%dma_wait3A_149 : memref<64x128xf32, #tpu.memory_space<vmem>>) dst(%dma_wait3A_146 : memref<64x128xf32, #tpu.memory_space<vmem_shared>>)
      %add3A_150 = arith.constant 64 : i32
      %add3A_151 = arith.addi %mul3A_31, %add3A_150 : i32
      %dma_wait3A_152 = arith.constant 1 : i32
      %dma_wait3A_153 = arith.constant 0 : i32
      %dma_wait3A_154 = arith.constant 0 : i32
      %dma_wait3A_155 = tpu.memref_slice %arg11[%dma_wait3A_153, %dma_wait3A_154] : memref<64x128xf32, #tpu.memory_space<vmem>> -> memref<64x128xf32, #tpu.memory_space<vmem>>
      %dma_wait3A_156 = arith.constant 0 : i32
      %dma_wait3A_157 = tpu.memref_slice %arg12[%add3A_151, %dma_wait3A_156] : memref<6288x128xf32, #tpu.memory_space<vmem_shared>> -> memref<64x128xf32, #tpu.memory_space<vmem_shared>>
      %dma_wait3A_158 = tpu.memref_slice %arg13[%dma_wait3A_152] : memref<12x!tpu.dma_semaphore, #tpu.memory_space<semaphore_mem>> -> memref<1x!tpu.dma_semaphore, #tpu.memory_space<semaphore_mem>>
      %dma_wait3A_159 = tpu.memref_squeeze %dma_wait3A_158 : memref<1x!tpu.dma_semaphore, #tpu.memory_space<semaphore_mem>> -> memref<!tpu.dma_semaphore, #tpu.memory_space<semaphore_mem>>
      %dma_wait3A_160 = arith.constant 0 : i32
      %dma_wait3A_161 = tpu.memref_slice %arg12[%add3A_151, %dma_wait3A_160] : memref<6288x128xf32, #tpu.memory_space<vmem_shared>> -> memref<64x128xf32, #tpu.memory_space<vmem_shared>>
      %dma_wait3A_162 = arith.constant 0 : i32
      %dma_wait3A_163 = arith.constant 0 : i32
      %dma_wait3A_164 = tpu.memref_slice %arg11[%dma_wait3A_162, %dma_wait3A_163] : memref<64x128xf32, #tpu.memory_space<vmem>> -> memref<64x128xf32, #tpu.memory_space<vmem>>
      tpu.wait_dma2 semaphore(%dma_wait3A_159 : memref<!tpu.dma_semaphore, #tpu.memory_space<semaphore_mem>>) src(%dma_wait3A_164 : memref<64x128xf32, #tpu.memory_space<vmem>>) dst(%dma_wait3A_161 : memref<64x128xf32, #tpu.memory_space<vmem_shared>>)
      %add3A_165 = arith.constant 128 : i32
      %add3A_166 = arith.addi %mul3A_31, %add3A_165 : i32
      %dma_wait3A_167 = arith.constant 2 : i32
      %dma_wait3A_168 = arith.constant 0 : i32
      %dma_wait3A_169 = arith.constant 0 : i32
      %dma_wait3A_170 = tpu.memref_slice %arg11[%dma_wait3A_168, %dma_wait3A_169] : memref<64x128xf32, #tpu.memory_space<vmem>> -> memref<64x128xf32, #tpu.memory_space<vmem>>
      %dma_wait3A_171 = arith.constant 0 : i32
      %dma_wait3A_172 = tpu.memref_slice %arg12[%add3A_166, %dma_wait3A_171] : memref<6288x128xf32, #tpu.memory_space<vmem_shared>> -> memref<64x128xf32, #tpu.memory_space<vmem_shared>>
      %dma_wait3A_173 = tpu.memref_slice %arg13[%dma_wait3A_167] : memref<12x!tpu.dma_semaphore, #tpu.memory_space<semaphore_mem>> -> memref<1x!tpu.dma_semaphore, #tpu.memory_space<semaphore_mem>>
      %dma_wait3A_174 = tpu.memref_squeeze %dma_wait3A_173 : memref<1x!tpu.dma_semaphore, #tpu.memory_space<semaphore_mem>> -> memref<!tpu.dma_semaphore, #tpu.memory_space<semaphore_mem>>
      %dma_wait3A_175 = arith.constant 0 : i32
      %dma_wait3A_176 = tpu.memref_slice %arg12[%add3A_166, %dma_wait3A_175] : memref<6288x128xf32, #tpu.memory_space<vmem_shared>> -> memref<64x128xf32, #tpu.memory_space<vmem_shared>>
      %dma_wait3A_177 = arith.constant 0 : i32
      %dma_wait3A_178 = arith.constant 0 : i32
      %dma_wait3A_179 = tpu.memref_slice %arg11[%dma_wait3A_177, %dma_wait3A_178] : memref<64x128xf32, #tpu.memory_space<vmem>> -> memref<64x128xf32, #tpu.memory_space<vmem>>
      tpu.wait_dma2 semaphore(%dma_wait3A_174 : memref<!tpu.dma_semaphore, #tpu.memory_space<semaphore_mem>>) src(%dma_wait3A_179 : memref<64x128xf32, #tpu.memory_space<vmem>>) dst(%dma_wait3A_176 : memref<64x128xf32, #tpu.memory_space<vmem_shared>>)
      %add3A_180 = arith.constant 192 : i32
      %add3A_181 = arith.addi %mul3A_31, %add3A_180 : i32
      %dma_wait3A_182 = arith.constant 3 : i32
      %dma_wait3A_183 = arith.constant 0 : i32
      %dma_wait3A_184 = arith.constant 0 : i32
      %dma_wait3A_185 = tpu.memref_slice %arg11[%dma_wait3A_183, %dma_wait3A_184] : memref<64x128xf32, #tpu.memory_space<vmem>> -> memref<64x128xf32, #tpu.memory_space<vmem>>
      %dma_wait3A_186 = arith.constant 0 : i32
      %dma_wait3A_187 = tpu.memref_slice %arg12[%add3A_181, %dma_wait3A_186] : memref<6288x128xf32, #tpu.memory_space<vmem_shared>> -> memref<64x128xf32, #tpu.memory_space<vmem_shared>>
      %dma_wait3A_188 = tpu.memref_slice %arg13[%dma_wait3A_182] : memref<12x!tpu.dma_semaphore, #tpu.memory_space<semaphore_mem>> -> memref<1x!tpu.dma_semaphore, #tpu.memory_space<semaphore_mem>>
      %dma_wait3A_189 = tpu.memref_squeeze %dma_wait3A_188 : memref<1x!tpu.dma_semaphore, #tpu.memory_space<semaphore_mem>> -> memref<!tpu.dma_semaphore, #tpu.memory_space<semaphore_mem>>
      %dma_wait3A_190 = arith.constant 0 : i32
      %dma_wait3A_191 = tpu.memref_slice %arg12[%add3A_181, %dma_wait3A_190] : memref<6288x128xf32, #tpu.memory_space<vmem_shared>> -> memref<64x128xf32, #tpu.memory_space<vmem_shared>>
      %dma_wait3A_192 = arith.constant 0 : i32
      %dma_wait3A_193 = arith.constant 0 : i32
      %dma_wait3A_194 = tpu.memref_slice %arg11[%dma_wait3A_192, %dma_wait3A_193] : memref<64x128xf32, #tpu.memory_space<vmem>> -> memref<64x128xf32, #tpu.memory_space<vmem>>
      tpu.wait_dma2 semaphore(%dma_wait3A_189 : memref<!tpu.dma_semaphore, #tpu.memory_space<semaphore_mem>>) src(%dma_wait3A_194 : memref<64x128xf32, #tpu.memory_space<vmem>>) dst(%dma_wait3A_191 : memref<64x128xf32, #tpu.memory_space<vmem_shared>>)
      %add3A_195 = arith.constant 256 : i32
      %add3A_196 = arith.addi %mul3A_31, %add3A_195 : i32
      %dma_wait3A_197 = arith.constant 4 : i32
      %dma_wait3A_198 = arith.constant 0 : i32
      %dma_wait3A_199 = arith.constant 0 : i32
      %dma_wait3A_200 = tpu.memref_slice %arg11[%dma_wait3A_198, %dma_wait3A_199] : memref<64x128xf32, #tpu.memory_space<vmem>> -> memref<64x128xf32, #tpu.memory_space<vmem>>
      %dma_wait3A_201 = arith.constant 0 : i32
      %dma_wait3A_202 = tpu.memref_slice %arg12[%add3A_196, %dma_wait3A_201] : memref<6288x128xf32, #tpu.memory_space<vmem_shared>> -> memref<64x128xf32, #tpu.memory_space<vmem_shared>>
      %dma_wait3A_203 = tpu.memref_slice %arg13[%dma_wait3A_197] : memref<12x!tpu.dma_semaphore, #tpu.memory_space<semaphore_mem>> -> memref<1x!tpu.dma_semaphore, #tpu.memory_space<semaphore_mem>>
      %dma_wait3A_204 = tpu.memref_squeeze %dma_wait3A_203 : memref<1x!tpu.dma_semaphore, #tpu.memory_space<semaphore_mem>> -> memref<!tpu.dma_semaphore, #tpu.memory_space<semaphore_mem>>
      %dma_wait3A_205 = arith.constant 0 : i32
      %dma_wait3A_206 = tpu.memref_slice %arg12[%add3A_196, %dma_wait3A_205] : memref<6288x128xf32, #tpu.memory_space<vmem_shared>> -> memref<64x128xf32, #tpu.memory_space<vmem_shared>>
      %dma_wait3A_207 = arith.constant 0 : i32
      %dma_wait3A_208 = arith.constant 0 : i32
      %dma_wait3A_209 = tpu.memref_slice %arg11[%dma_wait3A_207, %dma_wait3A_208] : memref<64x128xf32, #tpu.memory_space<vmem>> -> memref<64x128xf32, #tpu.memory_space<vmem>>
      tpu.wait_dma2 semaphore(%dma_wait3A_204 : memref<!tpu.dma_semaphore, #tpu.memory_space<semaphore_mem>>) src(%dma_wait3A_209 : memref<64x128xf32, #tpu.memory_space<vmem>>) dst(%dma_wait3A_206 : memref<64x128xf32, #tpu.memory_space<vmem_shared>>)
      %add3A_210 = arith.constant 320 : i32
      %add3A_211 = arith.addi %mul3A_31, %add3A_210 : i32
      %dma_wait3A_212 = arith.constant 5 : i32
      %dma_wait3A_213 = arith.constant 0 : i32
      %dma_wait3A_214 = arith.constant 0 : i32
      %dma_wait3A_215 = tpu.memref_slice %arg11[%dma_wait3A_213, %dma_wait3A_214] : memref<64x128xf32, #tpu.memory_space<vmem>> -> memref<64x128xf32, #tpu.memory_space<vmem>>
      %dma_wait3A_216 = arith.constant 0 : i32
      %dma_wait3A_217 = tpu.memref_slice %arg12[%add3A_211, %dma_wait3A_216] : memref<6288x128xf32, #tpu.memory_space<vmem_shared>> -> memref<64x128xf32, #tpu.memory_space<vmem_shared>>
      %dma_wait3A_218 = tpu.memref_slice %arg13[%dma_wait3A_212] : memref<12x!tpu.dma_semaphore, #tpu.memory_space<semaphore_mem>> -> memref<1x!tpu.dma_semaphore, #tpu.memory_space<semaphore_mem>>
      %dma_wait3A_219 = tpu.memref_squeeze %dma_wait3A_218 : memref<1x!tpu.dma_semaphore, #tpu.memory_space<semaphore_mem>> -> memref<!tpu.dma_semaphore, #tpu.memory_space<semaphore_mem>>
      %dma_wait3A_220 = arith.constant 0 : i32
      %dma_wait3A_221 = tpu.memref_slice %arg12[%add3A_211, %dma_wait3A_220] : memref<6288x128xf32, #tpu.memory_space<vmem_shared>> -> memref<64x128xf32, #tpu.memory_space<vmem_shared>>
      %dma_wait3A_222 = arith.constant 0 : i32
      %dma_wait3A_223 = arith.constant 0 : i32
      %dma_wait3A_224 = tpu.memref_slice %arg11[%dma_wait3A_222, %dma_wait3A_223] : memref<64x128xf32, #tpu.memory_space<vmem>> -> memref<64x128xf32, #tpu.memory_space<vmem>>
      tpu.wait_dma2 semaphore(%dma_wait3A_219 : memref<!tpu.dma_semaphore, #tpu.memory_space<semaphore_mem>>) src(%dma_wait3A_224 : memref<64x128xf32, #tpu.memory_space<vmem>>) dst(%dma_wait3A_221 : memref<64x128xf32, #tpu.memory_space<vmem_shared>>)
      %add3A_225 = arith.constant 384 : i32
      %add3A_226 = arith.addi %mul3A_31, %add3A_225 : i32
      %dma_wait3A_227 = arith.constant 6 : i32
      %dma_wait3A_228 = arith.constant 0 : i32
      %dma_wait3A_229 = arith.constant 0 : i32
      %dma_wait3A_230 = tpu.memref_slice %arg11[%dma_wait3A_228, %dma_wait3A_229] : memref<64x128xf32, #tpu.memory_space<vmem>> -> memref<8x128xf32, #tpu.memory_space<vmem>>
      %dma_wait3A_231 = arith.constant 0 : i32
      %dma_wait3A_232 = tpu.memref_slice %arg12[%add3A_226, %dma_wait3A_231] : memref<6288x128xf32, #tpu.memory_space<vmem_shared>> -> memref<8x128xf32, #tpu.memory_space<vmem_shared>>
      %dma_wait3A_233 = tpu.memref_slice %arg13[%dma_wait3A_227] : memref<12x!tpu.dma_semaphore, #tpu.memory_space<semaphore_mem>> -> memref<1x!tpu.dma_semaphore, #tpu.memory_space<semaphore_mem>>
      %dma_wait3A_234 = tpu.memref_squeeze %dma_wait3A_233 : memref<1x!tpu.dma_semaphore, #tpu.memory_space<semaphore_mem>> -> memref<!tpu.dma_semaphore, #tpu.memory_space<semaphore_mem>>
      %dma_wait3A_235 = arith.constant 0 : i32
      %dma_wait3A_236 = tpu.memref_slice %arg12[%add3A_226, %dma_wait3A_235] : memref<6288x128xf32, #tpu.memory_space<vmem_shared>> -> memref<8x128xf32, #tpu.memory_space<vmem_shared>>
      %dma_wait3A_237 = arith.constant 0 : i32
      %dma_wait3A_238 = arith.constant 0 : i32
      %dma_wait3A_239 = tpu.memref_slice %arg11[%dma_wait3A_237, %dma_wait3A_238] : memref<64x128xf32, #tpu.memory_space<vmem>> -> memref<8x128xf32, #tpu.memory_space<vmem>>
      tpu.wait_dma2 semaphore(%dma_wait3A_234 : memref<!tpu.dma_semaphore, #tpu.memory_space<semaphore_mem>>) src(%dma_wait3A_239 : memref<8x128xf32, #tpu.memory_space<vmem>>) dst(%dma_wait3A_236 : memref<8x128xf32, #tpu.memory_space<vmem_shared>>)
      %barrier3A = arith.constant 0 : index
      tpu.barrier barrier_id(%barrier3A)
      %scan3A_240 = arith.constant 0 : i32
      %scan3A_241 = arith.constant 0 : i32
      %scan3A_242 = arith.constant 8 : i32
      %scan3A_243 = arith.addi %scan3A_241, %scan3A_242 : i32
      %scan3A_244 = arith.constant 1 : i32
      %scan3A_245 = scf.for %scan3A_418 = %scan3A_241 to %scan3A_243 step %scan3A_244 iter_args(%scan3A_419 = %scan3A_240) -> (i32)  : i32 {
        "tpu.region"() ({
          %run_scoped3A = tpu.sem_alloc : memref<!tpu.dma_semaphore, #tpu.memory_space<semaphore_mem>>
          %dma_start3A_468 = arith.constant 0 : i32
          %dma_start3A_469 = tpu.memref_slice %arg4[%arg1, %scan3A_418, %dma_start3A_468] : memref<16x8x4096xi32, #tpu.memory_space<hbm>> -> memref<1x1x4096xi32, #tpu.memory_space<hbm>>
          %dma_start3A_470 = tpu.memref_squeeze %dma_start3A_469 : memref<1x1x4096xi32, #tpu.memory_space<hbm>> -> memref<4096xi32, #tpu.memory_space<hbm>>
          %dma_start3A_471 = arith.constant 0 : i32
          %dma_start3A_472 = tpu.memref_slice %arg4[%arg1, %scan3A_418, %dma_start3A_471] : memref<16x8x4096xi32, #tpu.memory_space<hbm>> -> memref<1x1x4096xi32, #tpu.memory_space<hbm>>
          %dma_start3A_473 = tpu.memref_squeeze %dma_start3A_472 : memref<1x1x4096xi32, #tpu.memory_space<hbm>> -> memref<4096xi32, #tpu.memory_space<hbm>>
          tpu.enqueue_dma source(%dma_start3A_473 : memref<4096xi32, #tpu.memory_space<hbm>>) target(%arg7 : memref<4096xi32, #tpu.memory_space<vmem>>) target_semaphore(%run_scoped3A : memref<!tpu.dma_semaphore, #tpu.memory_space<semaphore_mem>>)
          %dma_wait3A_474 = arith.constant 0 : i32
          %dma_wait3A_475 = tpu.memref_slice %arg4[%arg1, %scan3A_418, %dma_wait3A_474] : memref<16x8x4096xi32, #tpu.memory_space<hbm>> -> memref<1x1x4096xi32, #tpu.memory_space<hbm>>
          %dma_wait3A_476 = tpu.memref_squeeze %dma_wait3A_475 : memref<1x1x4096xi32, #tpu.memory_space<hbm>> -> memref<4096xi32, #tpu.memory_space<hbm>>
          %dma_wait3A_477 = arith.constant 0 : i32
          %dma_wait3A_478 = tpu.memref_slice %arg4[%arg1, %scan3A_418, %dma_wait3A_477] : memref<16x8x4096xi32, #tpu.memory_space<hbm>> -> memref<1x1x4096xi32, #tpu.memory_space<hbm>>
          %dma_wait3A_479 = tpu.memref_squeeze %dma_wait3A_478 : memref<1x1x4096xi32, #tpu.memory_space<hbm>> -> memref<4096xi32, #tpu.memory_space<hbm>>
          tpu.wait_dma2 semaphore(%run_scoped3A : memref<!tpu.dma_semaphore, #tpu.memory_space<semaphore_mem>>) src(%dma_wait3A_479 : memref<4096xi32, #tpu.memory_space<hbm>>) dst(%arg7 : memref<4096xi32, #tpu.memory_space<vmem>>)
          tpu.yield
        }) : () -> ()
        %scan3A_420 = arith.constant 0 : i32
        %scan3A_421 = arith.constant 0 : i32
        %scan3A_422 = arith.constant 64 : i32
        %scan3A_423 = arith.addi %scan3A_421, %scan3A_422 : i32
        %scan3A_424 = arith.constant 1 : i32
        %scan3A_425 = scf.for %scan3A_468 = %scan3A_421 to %scan3A_423 step %scan3A_424 iter_args(%scan3A_469 = %scan3A_420) -> (i32)  : i32 {
          %swap3A = arith.index_cast %scan3A_468 : i32 to index
          %swap3A_470 = arith.constant 0 : index
          %swap3A_471 = tpu.vector_load %arg8[%swap3A, %swap3A_470] {strides = array<i32>} : memref<64x32xi32, #tpu.memory_space<vmem>>, vector<16xi32>,
          tpu.vector_store %arg8[%swap3A, %swap3A_470], %broadcast_in_dim3A_4 {strides = array<i32>} : memref<64x32xi32, #tpu.memory_space<vmem>>, vector<16xi32>,
          %swap3A_472 = arith.index_cast %scan3A_468 : i32 to index
          %swap3A_473 = arith.constant 0 : index
          %swap3A_474 = tpu.vector_load %arg9[%swap3A_472, %swap3A_473] {strides = array<i32>} : memref<64x32xi32, #tpu.memory_space<vmem>>, vector<16xi32>,
          tpu.vector_store %arg9[%swap3A_472, %swap3A_473], %broadcast_in_dim3A_2 {strides = array<i32>} : memref<64x32xi32, #tpu.memory_space<vmem>>, vector<16xi32>,
          %swap3A_475 = arith.index_cast %scan3A_468 : i32 to index
          %swap3A_476 = arith.constant 16 : index
          %swap3A_477 = tpu.vector_load %arg8[%swap3A_475, %swap3A_476] {strides = array<i32>} : memref<64x32xi32, #tpu.memory_space<vmem>>, vector<16xi32>,
          tpu.vector_store %arg8[%swap3A_475, %swap3A_476], %broadcast_in_dim3A_4 {strides = array<i32>} : memref<64x32xi32, #tpu.memory_space<vmem>>, vector<16xi32>,
          %swap3A_478 = arith.index_cast %scan3A_468 : i32 to index
          %swap3A_479 = arith.constant 16 : index
          %swap3A_480 = tpu.vector_load %arg9[%swap3A_478, %swap3A_479] {strides = array<i32>} : memref<64x32xi32, #tpu.memory_space<vmem>>, vector<16xi32>,
          tpu.vector_store %arg9[%swap3A_478, %swap3A_479], %broadcast_in_dim3A_2 {strides = array<i32>} : memref<64x32xi32, #tpu.memory_space<vmem>>, vector<16xi32>,
          %scan3A_481 = arith.constant 0 : i32
          scf.yield %scan3A_481 : i32
        }
        %scan3A_426 = arith.constant 64 : i32
        %scan3A_427 = arith.constant 0 : i32
        %scan3A_428 = arith.constant 0 : i32
        %scan3A_429 = arith.constant 128 : i32
        %scan3A_430 = arith.addi %scan3A_428, %scan3A_429 : i32
        %scan3A_431 = arith.constant 1 : i32
        %scan3A_432 = scf.for %scan3A_468 = %scan3A_428 to %scan3A_430 step %scan3A_431 iter_args(%scan3A_469 = %scan3A_427) -> (i32)  : i32 {
          %mul3A_470 = arith.constant 16 : i32
          %mul3A_471 = arith.muli %scan3A_468, %mul3A_470 : i32
          %add3A_472 = arith.constant 2048 : i32
          %add3A_473 = arith.addi %add3A_472, %mul3A_471 : i32
          %get3A = arith.index_cast %add3A_473 : i32 to index
          %get3A_474 = tpu.vector_load %arg7[%get3A] {strides = array<i32>} : memref<4096xi32, #tpu.memory_space<vmem>>, vector<16xi32>,
          %ge3A = vector.broadcast %mul3A_29 : i32 to vector<16xi32>
          %ge3A_475 = arith.cmpi sge, %get3A_474, %ge3A : vector<16xi32>
          %add3A_476 = arith.constant 6272 : i32
          %add3A_477 = arith.addi %mul3A_29, %add3A_476 : i32
          %lt3A = vector.broadcast %add3A_477 : i32 to vector<16xi32>
          %lt3A_478 = arith.cmpi slt, %get3A_474, %lt3A : vector<16xi32>
          %and3A_479 = arith.andi %ge3A_475, %lt3A_478 : vector<16xi1>
          %mul3A_480 = arith.constant 16 : i32
          %mul3A_481 = arith.muli %scan3A_468, %mul3A_480 : i32
          %get3A_482 = arith.index_cast %mul3A_481 : i32 to index
          %get3A_483 = tpu.vector_load %arg7[%get3A_482] {strides = array<i32>} : memref<4096xi32, #tpu.memory_space<vmem>>, vector<16xi32>,
          %jit3A_484 = arith.constant 1 : i32
          %jit3A_485 = arith.constant 0 : i32
          %broadcast_in_dim3A_486 = vector.broadcast %jit3A_484 : i32 to vector<16xi32>
          %broadcast_in_dim3A_487 = vector.broadcast %jit3A_485 : i32 to vector<16xi32>
          %select_n3A_488 = arith.select %and3A_479, %broadcast_in_dim3A_486, %broadcast_in_dim3A_487 : vector<16xi1>, vector<16xi32>
          %broadcast_in_dim3A_489 = arith.constant true
          %broadcast_in_dim3A_490 = vector.broadcast %broadcast_in_dim3A_489 : i1 to vector<16xi1>
          %masked_cumsum3A = tpu.scan <sum>, %select_n3A_488 masked %broadcast_in_dim3A_490 : vector<16xi32>, vector<16xi1> -> vector<16xi32>
          %add3A_491 = vector.broadcast %scan3A_469 : i32 to vector<16xi32>
          %add3A_492 = arith.addi %add3A_491, %masked_cumsum3A : vector<16xi32>
          %sub3A_493 = arith.constant 1 : i32
          %sub3A_494 = vector.broadcast %sub3A_493 : i32 to vector<16xi32>
          %sub3A_495 = arith.subi %add3A_492, %sub3A_494 : vector<16xi32>
          %jit3A_496 = arith.constant 32 : i32
          %div3A_497 = vector.broadcast %jit3A_496 : i32 to vector<16xi32>
          %div3A_498 = arith.divsi %sub3A_495, %div3A_497 : vector<16xi32>
          %sign3A_499 = arith.constant 0 : i32
          %sign3A_500 = vector.broadcast %sign3A_499 : i32 to vector<16xi32>
          %sign3A_501 = arith.cmpi sgt, %sub3A_495, %sign3A_500 : vector<16xi32>
          %sign3A_502 = arith.extui %sign3A_501 : vector<16xi1> to vector<16xi32>
          %sign3A_503 = arith.constant 0 : i32
          %sign3A_504 = vector.broadcast %sign3A_503 : i32 to vector<16xi32>
          %sign3A_505 = arith.cmpi slt, %sub3A_495, %sign3A_504 : vector<16xi32>
          %sign3A_506 = arith.extui %sign3A_505 : vector<16xi1> to vector<16xi32>
          %sign3A_507 = arith.subi %sign3A_502, %sign3A_506 : vector<16xi32>
          %sign3A_508 = arith.constant 0 : i32
          %sign3A_509 = arith.cmpi sgt, %jit3A_496, %sign3A_508 : i32
          %sign3A_510 = arith.extui %sign3A_509 : i1 to i32
          %sign3A_511 = arith.constant 0 : i32
          %sign3A_512 = arith.cmpi slt, %jit3A_496, %sign3A_511 : i32
          %sign3A_513 = arith.extui %sign3A_512 : i1 to i32
          %sign3A_514 = arith.subi %sign3A_510, %sign3A_513 : i32
          %ne3A_515 = vector.broadcast %sign3A_514 : i32 to vector<16xi32>
          %ne3A_516 = arith.cmpi ne, %sign3A_507, %ne3A_515 : vector<16xi32>
          %rem3A_517 = vector.broadcast %jit3A_496 : i32 to vector<16xi32>
          %rem3A_518 = arith.remsi %sub3A_495, %rem3A_517 : vector<16xi32>
          %ne3A_519 = arith.constant 0 : i32
          %ne3A_520 = vector.broadcast %ne3A_519 : i32 to vector<16xi32>
          %ne3A_521 = arith.cmpi ne, %rem3A_518, %ne3A_520 : vector<16xi32>
          %and3A_522 = arith.andi %ne3A_516, %ne3A_521 : vector<16xi1>
          %sub3A_523 = arith.constant 1 : i32
          %sub3A_524 = vector.broadcast %sub3A_523 : i32 to vector<16xi32>
          %sub3A_525 = arith.subi %div3A_498, %sub3A_524 : vector<16xi32>
          %select_n3A_526 = arith.select %and3A_522, %sub3A_525, %div3A_498 : vector<16xi1>, vector<16xi32>
          %jit3A_527 = arith.constant 32 : i32
          %eq3A = arith.constant 0 : i32
          %eq3A_528 = arith.cmpi eq, %jit3A_527, %eq3A : i32
          %jit3A_529 = arith.constant 1 : i32
          %select_n3A_530 = arith.select %eq3A_528, %jit3A_529, %jit3A_527 : i32
          %rem3A_531 = vector.broadcast %select_n3A_530 : i32 to vector<16xi32>
          %rem3A_532 = arith.remsi %sub3A_495, %rem3A_531 : vector<16xi32>
          %ne3A_533 = arith.constant 0 : i32
          %ne3A_534 = vector.broadcast %ne3A_533 : i32 to vector<16xi32>
          %ne3A_535 = arith.cmpi ne, %rem3A_532, %ne3A_534 : vector<16xi32>
          %lt3A_536 = arith.constant 0 : i32
          %lt3A_537 = vector.broadcast %lt3A_536 : i32 to vector<16xi32>
          %lt3A_538 = arith.cmpi slt, %rem3A_532, %lt3A_537 : vector<16xi32>
          %lt3A_539 = arith.constant 0 : i32
          %lt3A_540 = arith.cmpi slt, %select_n3A_530, %lt3A_539 : i32
          %ne3A_541 = vector.broadcast %lt3A_540 : i1 to vector<16xi1>
          %ne3A_542 = vector.broadcast %ne3A_541 : vector<16xi1> to vector<16xi1>
          %ne3A_543 = arith.xori %lt3A_538, %ne3A_542 : vector<16xi1>
          %and3A_544 = arith.andi %ne3A_543, %ne3A_535 : vector<16xi1>
          %add3A_545 = vector.broadcast %select_n3A_530 : i32 to vector<16xi32>
          %add3A_546 = arith.addi %rem3A_532, %add3A_545 : vector<16xi32>
          %select_n3A_547 = arith.select %and3A_544, %add3A_546, %rem3A_532 : vector<16xi1>, vector<16xi32>
          tpu.vector_store_idx %arg8[%select_n3A_526, %select_n3A_547], %get3A_483 masked %and3A_479 : memref<64x32xi32, #tpu.memory_space<vmem>>[vector<16xi32>, vector<16xi32>], vector<16xi32>, vector<16xi1>
          %sub3A_548 = vector.broadcast %mul3A_29 : i32 to vector<16xi32>
          %sub3A_549 = arith.subi %get3A_474, %sub3A_548 : vector<16xi32>
          %jit3A_550 = arith.constant 6272 : i32
          %broadcast_in_dim3A_551 = vector.broadcast %jit3A_550 : i32 to vector<16xi32>
          %select_n3A_552 = arith.select %and3A_479, %sub3A_549, %broadcast_in_dim3A_551 : vector<16xi1>, vector<16xi32>
          %jit3A_553 = arith.constant 32 : i32
          %div3A_554 = vector.broadcast %jit3A_553 : i32 to vector<16xi32>
          %div3A_555 = arith.divsi %sub3A_495, %div3A_554 : vector<16xi32>
          %sign3A_556 = arith.constant 0 : i32
          %sign3A_557 = vector.broadcast %sign3A_556 : i32 to vector<16xi32>
          %sign3A_558 = arith.cmpi sgt, %sub3A_495, %sign3A_557 : vector<16xi32>
          %sign3A_559 = arith.extui %sign3A_558 : vector<16xi1> to vector<16xi32>
          %sign3A_560 = arith.constant 0 : i32
          %sign3A_561 = vector.broadcast %sign3A_560 : i32 to vector<16xi32>
          %sign3A_562 = arith.cmpi slt, %sub3A_495, %sign3A_561 : vector<16xi32>
          %sign3A_563 = arith.extui %sign3A_562 : vector<16xi1> to vector<16xi32>
          %sign3A_564 = arith.subi %sign3A_559, %sign3A_563 : vector<16xi32>
          %sign3A_565 = arith.constant 0 : i32
          %sign3A_566 = arith.cmpi sgt, %jit3A_553, %sign3A_565 : i32
          %sign3A_567 = arith.extui %sign3A_566 : i1 to i32
          %sign3A_568 = arith.constant 0 : i32
          %sign3A_569 = arith.cmpi slt, %jit3A_553, %sign3A_568 : i32
          %sign3A_570 = arith.extui %sign3A_569 : i1 to i32
          %sign3A_571 = arith.subi %sign3A_567, %sign3A_570 : i32
          %ne3A_572 = vector.broadcast %sign3A_571 : i32 to vector<16xi32>
          %ne3A_573 = arith.cmpi ne, %sign3A_564, %ne3A_572 : vector<16xi32>
          %rem3A_574 = vector.broadcast %jit3A_553 : i32 to vector<16xi32>
          %rem3A_575 = arith.remsi %sub3A_495, %rem3A_574 : vector<16xi32>
          %ne3A_576 = arith.constant 0 : i32
          %ne3A_577 = vector.broadcast %ne3A_576 : i32 to vector<16xi32>
          %ne3A_578 = arith.cmpi ne, %rem3A_575, %ne3A_577 : vector<16xi32>
          %and3A_579 = arith.andi %ne3A_573, %ne3A_578 : vector<16xi1>
          %sub3A_580 = arith.constant 1 : i32
          %sub3A_581 = vector.broadcast %sub3A_580 : i32 to vector<16xi32>
          %sub3A_582 = arith.subi %div3A_555, %sub3A_581 : vector<16xi32>
          %select_n3A_583 = arith.select %and3A_579, %sub3A_582, %div3A_555 : vector<16xi1>, vector<16xi32>
          %jit3A_584 = arith.constant 32 : i32
          %eq3A_585 = arith.constant 0 : i32
          %eq3A_586 = arith.cmpi eq, %jit3A_584, %eq3A_585 : i32
          %jit3A_587 = arith.constant 1 : i32
          %select_n3A_588 = arith.select %eq3A_586, %jit3A_587, %jit3A_584 : i32
          %rem3A_589 = vector.broadcast %select_n3A_588 : i32 to vector<16xi32>
          %rem3A_590 = arith.remsi %sub3A_495, %rem3A_589 : vector<16xi32>
          %ne3A_591 = arith.constant 0 : i32
          %ne3A_592 = vector.broadcast %ne3A_591 : i32 to vector<16xi32>
          %ne3A_593 = arith.cmpi ne, %rem3A_590, %ne3A_592 : vector<16xi32>
          %lt3A_594 = arith.constant 0 : i32
          %lt3A_595 = vector.broadcast %lt3A_594 : i32 to vector<16xi32>
          %lt3A_596 = arith.cmpi slt, %rem3A_590, %lt3A_595 : vector<16xi32>
          %lt3A_597 = arith.constant 0 : i32
          %lt3A_598 = arith.cmpi slt, %select_n3A_588, %lt3A_597 : i32
          %ne3A_599 = vector.broadcast %lt3A_598 : i1 to vector<16xi1>
          %ne3A_600 = vector.broadcast %ne3A_599 : vector<16xi1> to vector<16xi1>
          %ne3A_601 = arith.xori %lt3A_596, %ne3A_600 : vector<16xi1>
          %and3A_602 = arith.andi %ne3A_601, %ne3A_593 : vector<16xi1>
          %add3A_603 = vector.broadcast %select_n3A_588 : i32 to vector<16xi32>
          %add3A_604 = arith.addi %rem3A_590, %add3A_603 : vector<16xi32>
          %select_n3A_605 = arith.select %and3A_602, %add3A_604, %rem3A_590 : vector<16xi1>, vector<16xi32>
          tpu.vector_store_idx %arg9[%select_n3A_583, %select_n3A_605], %select_n3A_552 masked %and3A_479 : memref<64x32xi32, #tpu.memory_space<vmem>>[vector<16xi32>, vector<16xi32>], vector<16xi32>, vector<16xi1>
          %reduce_sum3A = arith.constant true
          %reduce_sum3A_606 = vector.broadcast %reduce_sum3A : i1 to vector<16xi1>
          %reduce_sum3A_607 = tpu.scan <sum>, %select_n3A_488 masked %reduce_sum3A_606 : vector<16xi32>, vector<16xi1> -> vector<16xi32>
          %reduce_sum3A_608 = vector.extract %reduce_sum3A_607[15] : i32 from vector<16xi32>
          %add3A_609 = arith.addi %scan3A_469, %reduce_sum3A_608 : i32
          scf.yield %add3A_609 : i32
        }
        %scan3A_433 = arith.constant 128 : i32
        %add3A_434 = arith.constant 32 : i32
        %add3A_435 = arith.addi %scan3A_432, %add3A_434 : i32
        %sub3A = arith.constant 1 : i32
        %sub3A_436 = arith.subi %add3A_435, %sub3A : i32
        %jit3A = arith.constant 32 : i32
        %div3A = arith.divsi %sub3A_436, %jit3A : i32
        %sign3A = arith.constant 0 : i32
        %sign3A_437 = arith.cmpi sgt, %sub3A_436, %sign3A : i32
        %sign3A_438 = arith.extui %sign3A_437 : i1 to i32
        %sign3A_439 = arith.constant 0 : i32
        %sign3A_440 = arith.cmpi slt, %sub3A_436, %sign3A_439 : i32
        %sign3A_441 = arith.extui %sign3A_440 : i1 to i32
        %sign3A_442 = arith.subi %sign3A_438, %sign3A_441 : i32
        %sign3A_443 = arith.constant 0 : i32
        %sign3A_444 = arith.cmpi sgt, %jit3A, %sign3A_443 : i32
        %sign3A_445 = arith.extui %sign3A_444 : i1 to i32
        %sign3A_446 = arith.constant 0 : i32
        %sign3A_447 = arith.cmpi slt, %jit3A, %sign3A_446 : i32
        %sign3A_448 = arith.extui %sign3A_447 : i1 to i32
        %sign3A_449 = arith.subi %sign3A_445, %sign3A_448 : i32
        %ne3A = arith.cmpi ne, %sign3A_442, %sign3A_449 : i32
        %rem3A = arith.remsi %sub3A_436, %jit3A : i32
        %ne3A_450 = arith.constant 0 : i32
        %ne3A_451 = arith.cmpi ne, %rem3A, %ne3A_450 : i32
        %and3A = arith.andi %ne3A, %ne3A_451 : i1
        %sub3A_452 = arith.constant 1 : i32
        %sub3A_453 = arith.subi %div3A, %sub3A_452 : i32
        %select_n3A = arith.select %and3A, %sub3A_453, %div3A : i32
        %add3A_454 = arith.constant 12 : i32
        %add3A_455 = arith.addi %select_n3A, %add3A_454 : i32
        %while3A = arith.constant 0 : i32
        %while3A_456 = arith.constant 0 : i32
        %while3A_457 = arith.subi %add3A_455, %while3A : i32
        %while3A_458 = arith.addi %while3A, %while3A_457 : i32
        %while3A_459 = arith.constant 1 : i32
        %while3A_460 = arith.divsi %while3A_457, %while3A_459 : i32
        %while3A_461 = arith.muli %while3A_460, %while3A_459 : i32
        %while3A_462 = arith.addi %while3A, %while3A_461 : i32
        %while3A_463 = arith.constant 1 : i32
        %while3A_464 = scf.for %while3A_468 = %while3A to %while3A_462 step %while3A_463 iter_args(%while3A_469 = %while3A_456) -> (i32)  : i32 {
          %rem3A_470 = arith.constant 12 : i32
          %rem3A_471 = arith.remsi %while3A_468, %rem3A_470 : i32
          %mul3A_472 = arith.constant 32 : i32
          %mul3A_473 = arith.muli %rem3A_471, %mul3A_472 : i32
          %ge3A = arith.constant 12 : i32
          %ge3A_474 = arith.cmpi sge, %while3A_468, %ge3A : i32
          %convert_element_type3A = arith.extui %ge3A_474 : i1 to i32
          %cond3A = arith.constant 0 : i32
          %cond3A_475 = arith.cmpi ne, %convert_element_type3A, %cond3A : i32
          scf.if %cond3A_475 {
            %sub3A_480 = arith.constant 12 : i32
            %sub3A_481 = arith.subi %while3A_468, %sub3A_480 : i32
            %dma_wait3A_482 = arith.constant 0 : i32
            %dma_wait3A_483 = tpu.memref_slice %arg10[%mul3A_473, %dma_wait3A_482] : memref<384x128xf32, #tpu.memory_space<vmem>> -> memref<32x128xf32, #tpu.memory_space<vmem>>
            %dma_wait3A_484 = arith.constant 0 : i32
            %dma_wait3A_485 = tpu.memref_slice %arg8[%sub3A_481, %dma_wait3A_484] : memref<64x32xi32, #tpu.memory_space<vmem>> -> memref<1x32xi32, #tpu.memory_space<vmem>>
            %dma_wait3A_486 = tpu.memref_squeeze %dma_wait3A_485 : memref<1x32xi32, #tpu.memory_space<vmem>> -> memref<32xi32, #tpu.memory_space<vmem>>
            %dma_wait3A_487 = arith.constant 0 : i32
            %dma_wait3A_488 = arith.constant 0 : i32
            %dma_wait3A_489 = tpu.memref_slice %arg2[%dma_wait3A_487, %dma_wait3A_488] : memref<50000x128xf32, #tpu.memory_space<hbm>> -> memref<50000x128xf32, #tpu.memory_space<hbm>>
            %dma_wait3A_490 = tpu.memref_slice %arg13[%rem3A_471] : memref<12x!tpu.dma_semaphore, #tpu.memory_space<semaphore_mem>> -> memref<1x!tpu.dma_semaphore, #tpu.memory_space<semaphore_mem>>
            %dma_wait3A_491 = tpu.memref_squeeze %dma_wait3A_490 : memref<1x!tpu.dma_semaphore, #tpu.memory_space<semaphore_mem>> -> memref<!tpu.dma_semaphore, #tpu.memory_space<semaphore_mem>>
            tpu.wait_indirect_dma semaphore(%dma_wait3A_491 : memref<!tpu.dma_semaphore, #tpu.memory_space<semaphore_mem>>) src(%dma_wait3A_489 : memref<50000x128xf32, #tpu.memory_space<hbm>>) dst(%dma_wait3A_483 : memref<32x128xf32, #tpu.memory_space<vmem>>)
            %sub3A_492 = arith.constant 12 : i32
            %sub3A_493 = arith.subi %while3A_468, %sub3A_492 : i32
            "tpu.region"() ({
              %run_scoped3A = tpu.sem_alloc : memref<!tpu.dma_semaphore, #tpu.memory_space<semaphore_mem>>
              %dma_start3A_494 = arith.constant 0 : i32
              %dma_start3A_495 = tpu.memref_slice %arg10[%mul3A_473, %dma_start3A_494] : memref<384x128xf32, #tpu.memory_space<vmem>> -> memref<32x128xf32, #tpu.memory_space<vmem>>
              %dma_start3A_496 = arith.constant 0 : i32
              %dma_start3A_497 = tpu.memref_slice %arg9[%sub3A_493, %dma_start3A_496] : memref<64x32xi32, #tpu.memory_space<vmem>> -> memref<1x32xi32, #tpu.memory_space<vmem>>
              %dma_start3A_498 = tpu.memref_squeeze %dma_start3A_497 : memref<1x32xi32, #tpu.memory_space<vmem>> -> memref<32xi32, #tpu.memory_space<vmem>>
              %dma_start3A_499 = arith.constant 0 : i32
              %dma_start3A_500 = arith.constant 0 : i32
              %dma_start3A_501 = tpu.memref_slice %arg12[%dma_start3A_499, %dma_start3A_500] : memref<6288x128xf32, #tpu.memory_space<vmem_shared>> -> memref<6288x128xf32, #tpu.memory_space<vmem_shared>>
              tpu.enqueue_indirect_dma source(%dma_start3A_495 : memref<32x128xf32, #tpu.memory_space<vmem>>) target(%dma_start3A_501 : memref<6288x128xf32, #tpu.memory_space<vmem_shared>>) offsets(%dma_start3A_498 : memref<32xi32, #tpu.memory_space<vmem>>) semaphore(%run_scoped3A : memref<!tpu.dma_semaphore, #tpu.memory_space<semaphore_mem>>) {add = true}
              %dma_wait3A_502 = arith.constant 0 : i32
              %dma_wait3A_503 = tpu.memref_slice %arg10[%mul3A_473, %dma_wait3A_502] : memref<384x128xf32, #tpu.memory_space<vmem>> -> memref<32x128xf32, #tpu.memory_space<vmem>>
              %dma_wait3A_504 = arith.constant 0 : i32
              %dma_wait3A_505 = tpu.memref_slice %arg9[%sub3A_493, %dma_wait3A_504] : memref<64x32xi32, #tpu.memory_space<vmem>> -> memref<1x32xi32, #tpu.memory_space<vmem>>
              %dma_wait3A_506 = tpu.memref_squeeze %dma_wait3A_505 : memref<1x32xi32, #tpu.memory_space<vmem>> -> memref<32xi32, #tpu.memory_space<vmem>>
              %dma_wait3A_507 = arith.constant 0 : i32
              %dma_wait3A_508 = arith.constant 0 : i32
              %dma_wait3A_509 = tpu.memref_slice %arg12[%dma_wait3A_507, %dma_wait3A_508] : memref<6288x128xf32, #tpu.memory_space<vmem_shared>> -> memref<6288x128xf32, #tpu.memory_space<vmem_shared>>
              tpu.wait_indirect_dma semaphore(%run_scoped3A : memref<!tpu.dma_semaphore, #tpu.memory_space<semaphore_mem>>) src(%dma_wait3A_503 : memref<32x128xf32, #tpu.memory_space<vmem>>) dst(%dma_wait3A_509 : memref<6288x128xf32, #tpu.memory_space<vmem_shared>>)
              tpu.yield
            }) : () -> ()
          } else {
          }
          %lt3A = arith.cmpi slt, %while3A_468, %select_n3A : i32
          %convert_element_type3A_476 = arith.extui %lt3A : i1 to i32
          %cond3A_477 = arith.constant 0 : i32
          %cond3A_478 = arith.cmpi ne, %convert_element_type3A_476, %cond3A_477 : i32
          scf.if %cond3A_478 {
            %dma_start3A_480 = arith.constant 0 : i32
            %dma_start3A_481 = tpu.memref_slice %arg10[%mul3A_473, %dma_start3A_480] : memref<384x128xf32, #tpu.memory_space<vmem>> -> memref<32x128xf32, #tpu.memory_space<vmem>>
            %dma_start3A_482 = arith.constant 0 : i32
            %dma_start3A_483 = tpu.memref_slice %arg8[%while3A_468, %dma_start3A_482] : memref<64x32xi32, #tpu.memory_space<vmem>> -> memref<1x32xi32, #tpu.memory_space<vmem>>
            %dma_start3A_484 = tpu.memref_squeeze %dma_start3A_483 : memref<1x32xi32, #tpu.memory_space<vmem>> -> memref<32xi32, #tpu.memory_space<vmem>>
            %dma_start3A_485 = arith.constant 0 : i32
            %dma_start3A_486 = arith.constant 0 : i32
            %dma_start3A_487 = tpu.memref_slice %arg2[%dma_start3A_485, %dma_start3A_486] : memref<50000x128xf32, #tpu.memory_space<hbm>> -> memref<50000x128xf32, #tpu.memory_space<hbm>>
            %dma_start3A_488 = tpu.memref_slice %arg13[%rem3A_471] : memref<12x!tpu.dma_semaphore, #tpu.memory_space<semaphore_mem>> -> memref<1x!tpu.dma_semaphore, #tpu.memory_space<semaphore_mem>>
            %dma_start3A_489 = tpu.memref_squeeze %dma_start3A_488 : memref<1x!tpu.dma_semaphore, #tpu.memory_space<semaphore_mem>> -> memref<!tpu.dma_semaphore, #tpu.memory_space<semaphore_mem>>
            tpu.enqueue_indirect_dma source(%dma_start3A_487 : memref<50000x128xf32, #tpu.memory_space<hbm>>) target(%dma_start3A_481 : memref<32x128xf32, #tpu.memory_space<vmem>>) offsets(%dma_start3A_484 : memref<32xi32, #tpu.memory_space<vmem>>) semaphore(%dma_start3A_489 : memref<!tpu.dma_semaphore, #tpu.memory_space<semaphore_mem>>)
          } else {
          }
          %while3A_479 = arith.constant 0 : i32
          scf.yield %while3A_479 : i32
        }
        %while3A_465 = arith.constant 1 : i32
        %while3A_466 = scf.for %while3A_468 = %while3A_462 to %while3A_458 step %while3A_465 iter_args(%while3A_469 = %while3A_464) -> (i32)  : i32 {
          %rem3A_470 = arith.constant 12 : i32
          %rem3A_471 = arith.remsi %while3A_468, %rem3A_470 : i32
          %mul3A_472 = arith.constant 32 : i32
          %mul3A_473 = arith.muli %rem3A_471, %mul3A_472 : i32
          %ge3A = arith.constant 12 : i32
          %ge3A_474 = arith.cmpi sge, %while3A_468, %ge3A : i32
          %convert_element_type3A = arith.extui %ge3A_474 : i1 to i32
          %cond3A = arith.constant 0 : i32
          %cond3A_475 = arith.cmpi ne, %convert_element_type3A, %cond3A : i32
          scf.if %cond3A_475 {
            %sub3A_480 = arith.constant 12 : i32
            %sub3A_481 = arith.subi %while3A_468, %sub3A_480 : i32
            %dma_wait3A_482 = arith.constant 0 : i32
            %dma_wait3A_483 = tpu.memref_slice %arg10[%mul3A_473, %dma_wait3A_482] : memref<384x128xf32, #tpu.memory_space<vmem>> -> memref<32x128xf32, #tpu.memory_space<vmem>>
            %dma_wait3A_484 = arith.constant 0 : i32
            %dma_wait3A_485 = tpu.memref_slice %arg8[%sub3A_481, %dma_wait3A_484] : memref<64x32xi32, #tpu.memory_space<vmem>> -> memref<1x32xi32, #tpu.memory_space<vmem>>
            %dma_wait3A_486 = tpu.memref_squeeze %dma_wait3A_485 : memref<1x32xi32, #tpu.memory_space<vmem>> -> memref<32xi32, #tpu.memory_space<vmem>>
            %dma_wait3A_487 = arith.constant 0 : i32
            %dma_wait3A_488 = arith.constant 0 : i32
            %dma_wait3A_489 = tpu.memref_slice %arg2[%dma_wait3A_487, %dma_wait3A_488] : memref<50000x128xf32, #tpu.memory_space<hbm>> -> memref<50000x128xf32, #tpu.memory_space<hbm>>
            %dma_wait3A_490 = tpu.memref_slice %arg13[%rem3A_471] : memref<12x!tpu.dma_semaphore, #tpu.memory_space<semaphore_mem>> -> memref<1x!tpu.dma_semaphore, #tpu.memory_space<semaphore_mem>>
            %dma_wait3A_491 = tpu.memref_squeeze %dma_wait3A_490 : memref<1x!tpu.dma_semaphore, #tpu.memory_space<semaphore_mem>> -> memref<!tpu.dma_semaphore, #tpu.memory_space<semaphore_mem>>
            tpu.wait_indirect_dma semaphore(%dma_wait3A_491 : memref<!tpu.dma_semaphore, #tpu.memory_space<semaphore_mem>>) src(%dma_wait3A_489 : memref<50000x128xf32, #tpu.memory_space<hbm>>) dst(%dma_wait3A_483 : memref<32x128xf32, #tpu.memory_space<vmem>>)
            %sub3A_492 = arith.constant 12 : i32
            %sub3A_493 = arith.subi %while3A_468, %sub3A_492 : i32
            "tpu.region"() ({
              %run_scoped3A = tpu.sem_alloc : memref<!tpu.dma_semaphore, #tpu.memory_space<semaphore_mem>>
              %dma_start3A_494 = arith.constant 0 : i32
              %dma_start3A_495 = tpu.memref_slice %arg10[%mul3A_473, %dma_start3A_494] : memref<384x128xf32, #tpu.memory_space<vmem>> -> memref<32x128xf32, #tpu.memory_space<vmem>>
              %dma_start3A_496 = arith.constant 0 : i32
              %dma_start3A_497 = tpu.memref_slice %arg9[%sub3A_493, %dma_start3A_496] : memref<64x32xi32, #tpu.memory_space<vmem>> -> memref<1x32xi32, #tpu.memory_space<vmem>>
              %dma_start3A_498 = tpu.memref_squeeze %dma_start3A_497 : memref<1x32xi32, #tpu.memory_space<vmem>> -> memref<32xi32, #tpu.memory_space<vmem>>
              %dma_start3A_499 = arith.constant 0 : i32
              %dma_start3A_500 = arith.constant 0 : i32
              %dma_start3A_501 = tpu.memref_slice %arg12[%dma_start3A_499, %dma_start3A_500] : memref<6288x128xf32, #tpu.memory_space<vmem_shared>> -> memref<6288x128xf32, #tpu.memory_space<vmem_shared>>
              tpu.enqueue_indirect_dma source(%dma_start3A_495 : memref<32x128xf32, #tpu.memory_space<vmem>>) target(%dma_start3A_501 : memref<6288x128xf32, #tpu.memory_space<vmem_shared>>) offsets(%dma_start3A_498 : memref<32xi32, #tpu.memory_space<vmem>>) semaphore(%run_scoped3A : memref<!tpu.dma_semaphore, #tpu.memory_space<semaphore_mem>>) {add = true}
              %dma_wait3A_502 = arith.constant 0 : i32
              %dma_wait3A_503 = tpu.memref_slice %arg10[%mul3A_473, %dma_wait3A_502] : memref<384x128xf32, #tpu.memory_space<vmem>> -> memref<32x128xf32, #tpu.memory_space<vmem>>
              %dma_wait3A_504 = arith.constant 0 : i32
              %dma_wait3A_505 = tpu.memref_slice %arg9[%sub3A_493, %dma_wait3A_504] : memref<64x32xi32, #tpu.memory_space<vmem>> -> memref<1x32xi32, #tpu.memory_space<vmem>>
              %dma_wait3A_506 = tpu.memref_squeeze %dma_wait3A_505 : memref<1x32xi32, #tpu.memory_space<vmem>> -> memref<32xi32, #tpu.memory_space<vmem>>
              %dma_wait3A_507 = arith.constant 0 : i32
              %dma_wait3A_508 = arith.constant 0 : i32
              %dma_wait3A_509 = tpu.memref_slice %arg12[%dma_wait3A_507, %dma_wait3A_508] : memref<6288x128xf32, #tpu.memory_space<vmem_shared>> -> memref<6288x128xf32, #tpu.memory_space<vmem_shared>>
              tpu.wait_indirect_dma semaphore(%run_scoped3A : memref<!tpu.dma_semaphore, #tpu.memory_space<semaphore_mem>>) src(%dma_wait3A_503 : memref<32x128xf32, #tpu.memory_space<vmem>>) dst(%dma_wait3A_509 : memref<6288x128xf32, #tpu.memory_space<vmem_shared>>)
              tpu.yield
            }) : () -> ()
          } else {
          }
          %lt3A = arith.cmpi slt, %while3A_468, %select_n3A : i32
          %convert_element_type3A_476 = arith.extui %lt3A : i1 to i32
          %cond3A_477 = arith.constant 0 : i32
          %cond3A_478 = arith.cmpi ne, %convert_element_type3A_476, %cond3A_477 : i32
          scf.if %cond3A_478 {
            %dma_start3A_480 = arith.constant 0 : i32
            %dma_start3A_481 = tpu.memref_slice %arg10[%mul3A_473, %dma_start3A_480] : memref<384x128xf32, #tpu.memory_space<vmem>> -> memref<32x128xf32, #tpu.memory_space<vmem>>
            %dma_start3A_482 = arith.constant 0 : i32
            %dma_start3A_483 = tpu.memref_slice %arg8[%while3A_468, %dma_start3A_482] : memref<64x32xi32, #tpu.memory_space<vmem>> -> memref<1x32xi32, #tpu.memory_space<vmem>>
            %dma_start3A_484 = tpu.memref_squeeze %dma_start3A_483 : memref<1x32xi32, #tpu.memory_space<vmem>> -> memref<32xi32, #tpu.memory_space<vmem>>
            %dma_start3A_485 = arith.constant 0 : i32
            %dma_start3A_486 = arith.constant 0 : i32
            %dma_start3A_487 = tpu.memref_slice %arg2[%dma_start3A_485, %dma_start3A_486] : memref<50000x128xf32, #tpu.memory_space<hbm>> -> memref<50000x128xf32, #tpu.memory_space<hbm>>
            %dma_start3A_488 = tpu.memref_slice %arg13[%rem3A_471] : memref<12x!tpu.dma_semaphore, #tpu.memory_space<semaphore_mem>> -> memref<1x!tpu.dma_semaphore, #tpu.memory_space<semaphore_mem>>
            %dma_start3A_489 = tpu.memref_squeeze %dma_start3A_488 : memref<1x!tpu.dma_semaphore, #tpu.memory_space<semaphore_mem>> -> memref<!tpu.dma_semaphore, #tpu.memory_space<semaphore_mem>>
            tpu.enqueue_indirect_dma source(%dma_start3A_487 : memref<50000x128xf32, #tpu.memory_space<hbm>>) target(%dma_start3A_481 : memref<32x128xf32, #tpu.memory_space<vmem>>) offsets(%dma_start3A_484 : memref<32xi32, #tpu.memory_space<vmem>>) semaphore(%dma_start3A_489 : memref<!tpu.dma_semaphore, #tpu.memory_space<semaphore_mem>>)
          } else {
          }
          %while3A_479 = arith.constant 0 : i32
          scf.yield %while3A_479 : i32
        }
        %scan3A_467 = arith.constant 0 : i32
        scf.yield %scan3A_467 : i32
      }
      %scan3A_246 = arith.constant 8 : i32
      %barrier3A_247 = arith.constant 0 : index
      tpu.barrier barrier_id(%barrier3A_247)
      %add3A_248 = arith.constant 0 : i32
      %add3A_249 = arith.addi %mul3A_31, %add3A_248 : i32
      %add3A_250 = arith.addi %mul3A_29, %mul3A_31 : i32
      %add3A_251 = arith.constant 0 : i32
      %add3A_252 = arith.addi %add3A_250, %add3A_251 : i32
      %dma_start3A_253 = arith.constant 0 : i32
      %dma_start3A_254 = tpu.memref_slice %arg13[%dma_start3A_253] : memref<12x!tpu.dma_semaphore, #tpu.memory_space<semaphore_mem>> -> memref<1x!tpu.dma_semaphore, #tpu.memory_space<semaphore_mem>>
      %dma_start3A_255 = tpu.memref_squeeze %dma_start3A_254 : memref<1x!tpu.dma_semaphore, #tpu.memory_space<semaphore_mem>> -> memref<!tpu.dma_semaphore, #tpu.memory_space<semaphore_mem>>
      %dma_start3A_256 = arith.constant 0 : i32
      %dma_start3A_257 = tpu.memref_slice %arg6[%add3A_252, %dma_start3A_256] : memref<50176x128xf32, #tpu.memory_space<hbm>> -> memref<64x128xf32, #tpu.memory_space<hbm>>
      %dma_start3A_258 = arith.constant 0 : i32
      %dma_start3A_259 = tpu.memref_slice %arg12[%add3A_249, %dma_start3A_258] : memref<6288x128xf32, #tpu.memory_space<vmem_shared>> -> memref<64x128xf32, #tpu.memory_space<vmem_shared>>
      tpu.enqueue_dma source(%dma_start3A_259 : memref<64x128xf32, #tpu.memory_space<vmem_shared>>) target(%dma_start3A_257 : memref<64x128xf32, #tpu.memory_space<hbm>>) target_semaphore(%dma_start3A_255 : memref<!tpu.dma_semaphore, #tpu.memory_space<semaphore_mem>>)
      %add3A_260 = arith.constant 64 : i32
      %add3A_261 = arith.addi %mul3A_31, %add3A_260 : i32
      %add3A_262 = arith.addi %mul3A_29, %mul3A_31 : i32
      %add3A_263 = arith.constant 64 : i32
      %add3A_264 = arith.addi %add3A_262, %add3A_263 : i32
      %dma_start3A_265 = arith.constant 1 : i32
      %dma_start3A_266 = tpu.memref_slice %arg13[%dma_start3A_265] : memref<12x!tpu.dma_semaphore, #tpu.memory_space<semaphore_mem>> -> memref<1x!tpu.dma_semaphore, #tpu.memory_space<semaphore_mem>>
      %dma_start3A_267 = tpu.memref_squeeze %dma_start3A_266 : memref<1x!tpu.dma_semaphore, #tpu.memory_space<semaphore_mem>> -> memref<!tpu.dma_semaphore, #tpu.memory_space<semaphore_mem>>
      %dma_start3A_268 = arith.constant 0 : i32
      %dma_start3A_269 = tpu.memref_slice %arg6[%add3A_264, %dma_start3A_268] : memref<50176x128xf32, #tpu.memory_space<hbm>> -> memref<64x128xf32, #tpu.memory_space<hbm>>
      %dma_start3A_270 = arith.constant 0 : i32
      %dma_start3A_271 = tpu.memref_slice %arg12[%add3A_261, %dma_start3A_270] : memref<6288x128xf32, #tpu.memory_space<vmem_shared>> -> memref<64x128xf32, #tpu.memory_space<vmem_shared>>
      tpu.enqueue_dma source(%dma_start3A_271 : memref<64x128xf32, #tpu.memory_space<vmem_shared>>) target(%dma_start3A_269 : memref<64x128xf32, #tpu.memory_space<hbm>>) target_semaphore(%dma_start3A_267 : memref<!tpu.dma_semaphore, #tpu.memory_space<semaphore_mem>>)
      %add3A_272 = arith.constant 128 : i32
      %add3A_273 = arith.addi %mul3A_31, %add3A_272 : i32
      %add3A_274 = arith.addi %mul3A_29, %mul3A_31 : i32
      %add3A_275 = arith.constant 128 : i32
      %add3A_276 = arith.addi %add3A_274, %add3A_275 : i32
      %dma_start3A_277 = arith.constant 2 : i32
      %dma_start3A_278 = tpu.memref_slice %arg13[%dma_start3A_277] : memref<12x!tpu.dma_semaphore, #tpu.memory_space<semaphore_mem>> -> memref<1x!tpu.dma_semaphore, #tpu.memory_space<semaphore_mem>>
      %dma_start3A_279 = tpu.memref_squeeze %dma_start3A_278 : memref<1x!tpu.dma_semaphore, #tpu.memory_space<semaphore_mem>> -> memref<!tpu.dma_semaphore, #tpu.memory_space<semaphore_mem>>
      %dma_start3A_280 = arith.constant 0 : i32
      %dma_start3A_281 = tpu.memref_slice %arg6[%add3A_276, %dma_start3A_280] : memref<50176x128xf32, #tpu.memory_space<hbm>> -> memref<64x128xf32, #tpu.memory_space<hbm>>
      %dma_start3A_282 = arith.constant 0 : i32
      %dma_start3A_283 = tpu.memref_slice %arg12[%add3A_273, %dma_start3A_282] : memref<6288x128xf32, #tpu.memory_space<vmem_shared>> -> memref<64x128xf32, #tpu.memory_space<vmem_shared>>
      tpu.enqueue_dma source(%dma_start3A_283 : memref<64x128xf32, #tpu.memory_space<vmem_shared>>) target(%dma_start3A_281 : memref<64x128xf32, #tpu.memory_space<hbm>>) target_semaphore(%dma_start3A_279 : memref<!tpu.dma_semaphore, #tpu.memory_space<semaphore_mem>>)
      %add3A_284 = arith.constant 192 : i32
      %add3A_285 = arith.addi %mul3A_31, %add3A_284 : i32
      %add3A_286 = arith.addi %mul3A_29, %mul3A_31 : i32
      %add3A_287 = arith.constant 192 : i32
      %add3A_288 = arith.addi %add3A_286, %add3A_287 : i32
      %dma_start3A_289 = arith.constant 3 : i32
      %dma_start3A_290 = tpu.memref_slice %arg13[%dma_start3A_289] : memref<12x!tpu.dma_semaphore, #tpu.memory_space<semaphore_mem>> -> memref<1x!tpu.dma_semaphore, #tpu.memory_space<semaphore_mem>>
      %dma_start3A_291 = tpu.memref_squeeze %dma_start3A_290 : memref<1x!tpu.dma_semaphore, #tpu.memory_space<semaphore_mem>> -> memref<!tpu.dma_semaphore, #tpu.memory_space<semaphore_mem>>
      %dma_start3A_292 = arith.constant 0 : i32
      %dma_start3A_293 = tpu.memref_slice %arg6[%add3A_288, %dma_start3A_292] : memref<50176x128xf32, #tpu.memory_space<hbm>> -> memref<64x128xf32, #tpu.memory_space<hbm>>
      %dma_start3A_294 = arith.constant 0 : i32
      %dma_start3A_295 = tpu.memref_slice %arg12[%add3A_285, %dma_start3A_294] : memref<6288x128xf32, #tpu.memory_space<vmem_shared>> -> memref<64x128xf32, #tpu.memory_space<vmem_shared>>
      tpu.enqueue_dma source(%dma_start3A_295 : memref<64x128xf32, #tpu.memory_space<vmem_shared>>) target(%dma_start3A_293 : memref<64x128xf32, #tpu.memory_space<hbm>>) target_semaphore(%dma_start3A_291 : memref<!tpu.dma_semaphore, #tpu.memory_space<semaphore_mem>>)
      %add3A_296 = arith.constant 256 : i32
      %add3A_297 = arith.addi %mul3A_31, %add3A_296 : i32
      %add3A_298 = arith.addi %mul3A_29, %mul3A_31 : i32
      %add3A_299 = arith.constant 256 : i32
      %add3A_300 = arith.addi %add3A_298, %add3A_299 : i32
      %dma_start3A_301 = arith.constant 4 : i32
      %dma_start3A_302 = tpu.memref_slice %arg13[%dma_start3A_301] : memref<12x!tpu.dma_semaphore, #tpu.memory_space<semaphore_mem>> -> memref<1x!tpu.dma_semaphore, #tpu.memory_space<semaphore_mem>>
      %dma_start3A_303 = tpu.memref_squeeze %dma_start3A_302 : memref<1x!tpu.dma_semaphore, #tpu.memory_space<semaphore_mem>> -> memref<!tpu.dma_semaphore, #tpu.memory_space<semaphore_mem>>
      %dma_start3A_304 = arith.constant 0 : i32
      %dma_start3A_305 = tpu.memref_slice %arg6[%add3A_300, %dma_start3A_304] : memref<50176x128xf32, #tpu.memory_space<hbm>> -> memref<64x128xf32, #tpu.memory_space<hbm>>
      %dma_start3A_306 = arith.constant 0 : i32
      %dma_start3A_307 = tpu.memref_slice %arg12[%add3A_297, %dma_start3A_306] : memref<6288x128xf32, #tpu.memory_space<vmem_shared>> -> memref<64x128xf32, #tpu.memory_space<vmem_shared>>
      tpu.enqueue_dma source(%dma_start3A_307 : memref<64x128xf32, #tpu.memory_space<vmem_shared>>) target(%dma_start3A_305 : memref<64x128xf32, #tpu.memory_space<hbm>>) target_semaphore(%dma_start3A_303 : memref<!tpu.dma_semaphore, #tpu.memory_space<semaphore_mem>>)
      %add3A_308 = arith.constant 320 : i32
      %add3A_309 = arith.addi %mul3A_31, %add3A_308 : i32
      %add3A_310 = arith.addi %mul3A_29, %mul3A_31 : i32
      %add3A_311 = arith.constant 320 : i32
      %add3A_312 = arith.addi %add3A_310, %add3A_311 : i32
      %dma_start3A_313 = arith.constant 5 : i32
      %dma_start3A_314 = tpu.memref_slice %arg13[%dma_start3A_313] : memref<12x!tpu.dma_semaphore, #tpu.memory_space<semaphore_mem>> -> memref<1x!tpu.dma_semaphore, #tpu.memory_space<semaphore_mem>>
      %dma_start3A_315 = tpu.memref_squeeze %dma_start3A_314 : memref<1x!tpu.dma_semaphore, #tpu.memory_space<semaphore_mem>> -> memref<!tpu.dma_semaphore, #tpu.memory_space<semaphore_mem>>
      %dma_start3A_316 = arith.constant 0 : i32
      %dma_start3A_317 = tpu.memref_slice %arg6[%add3A_312, %dma_start3A_316] : memref<50176x128xf32, #tpu.memory_space<hbm>> -> memref<64x128xf32, #tpu.memory_space<hbm>>
      %dma_start3A_318 = arith.constant 0 : i32
      %dma_start3A_319 = tpu.memref_slice %arg12[%add3A_309, %dma_start3A_318] : memref<6288x128xf32, #tpu.memory_space<vmem_shared>> -> memref<64x128xf32, #tpu.memory_space<vmem_shared>>
      tpu.enqueue_dma source(%dma_start3A_319 : memref<64x128xf32, #tpu.memory_space<vmem_shared>>) target(%dma_start3A_317 : memref<64x128xf32, #tpu.memory_space<hbm>>) target_semaphore(%dma_start3A_315 : memref<!tpu.dma_semaphore, #tpu.memory_space<semaphore_mem>>)
      %add3A_320 = arith.constant 384 : i32
      %add3A_321 = arith.addi %mul3A_31, %add3A_320 : i32
      %add3A_322 = arith.addi %mul3A_29, %mul3A_31 : i32
      %add3A_323 = arith.constant 384 : i32
      %add3A_324 = arith.addi %add3A_322, %add3A_323 : i32
      %dma_start3A_325 = arith.constant 6 : i32
      %dma_start3A_326 = tpu.memref_slice %arg13[%dma_start3A_325] : memref<12x!tpu.dma_semaphore, #tpu.memory_space<semaphore_mem>> -> memref<1x!tpu.dma_semaphore, #tpu.memory_space<semaphore_mem>>
      %dma_start3A_327 = tpu.memref_squeeze %dma_start3A_326 : memref<1x!tpu.dma_semaphore, #tpu.memory_space<semaphore_mem>> -> memref<!tpu.dma_semaphore, #tpu.memory_space<semaphore_mem>>
      %dma_start3A_328 = arith.constant 0 : i32
      %dma_start3A_329 = tpu.memref_slice %arg6[%add3A_324, %dma_start3A_328] : memref<50176x128xf32, #tpu.memory_space<hbm>> -> memref<8x128xf32, #tpu.memory_space<hbm>>
      %dma_start3A_330 = arith.constant 0 : i32
      %dma_start3A_331 = tpu.memref_slice %arg12[%add3A_321, %dma_start3A_330] : memref<6288x128xf32, #tpu.memory_space<vmem_shared>> -> memref<8x128xf32, #tpu.memory_space<vmem_shared>>
      tpu.enqueue_dma source(%dma_start3A_331 : memref<8x128xf32, #tpu.memory_space<vmem_shared>>) target(%dma_start3A_329 : memref<8x128xf32, #tpu.memory_space<hbm>>) target_semaphore(%dma_start3A_327 : memref<!tpu.dma_semaphore, #tpu.memory_space<semaphore_mem>>)
      %add3A_332 = arith.constant 0 : i32
      %add3A_333 = arith.addi %mul3A_31, %add3A_332 : i32
      %add3A_334 = arith.addi %mul3A_29, %mul3A_31 : i32
      %add3A_335 = arith.constant 0 : i32
      %add3A_336 = arith.addi %add3A_334, %add3A_335 : i32
      %dma_wait3A_337 = arith.constant 0 : i32
      %dma_wait3A_338 = tpu.memref_slice %arg13[%dma_wait3A_337] : memref<12x!tpu.dma_semaphore, #tpu.memory_space<semaphore_mem>> -> memref<1x!tpu.dma_semaphore, #tpu.memory_space<semaphore_mem>>
      %dma_wait3A_339 = tpu.memref_squeeze %dma_wait3A_338 : memref<1x!tpu.dma_semaphore, #tpu.memory_space<semaphore_mem>> -> memref<!tpu.dma_semaphore, #tpu.memory_space<semaphore_mem>>
      %dma_wait3A_340 = arith.constant 0 : i32
      %dma_wait3A_341 = tpu.memref_slice %arg6[%add3A_336, %dma_wait3A_340] : memref<50176x128xf32, #tpu.memory_space<hbm>> -> memref<64x128xf32, #tpu.memory_space<hbm>>
      %dma_wait3A_342 = arith.constant 0 : i32
      %dma_wait3A_343 = tpu.memref_slice %arg12[%add3A_333, %dma_wait3A_342] : memref<6288x128xf32, #tpu.memory_space<vmem_shared>> -> memref<64x128xf32, #tpu.memory_space<vmem_shared>>
      tpu.wait_dma2 semaphore(%dma_wait3A_339 : memref<!tpu.dma_semaphore, #tpu.memory_space<semaphore_mem>>) src(%dma_wait3A_343 : memref<64x128xf32, #tpu.memory_space<vmem_shared>>) dst(%dma_wait3A_341 : memref<64x128xf32, #tpu.memory_space<hbm>>)
      %add3A_344 = arith.constant 64 : i32
      %add3A_345 = arith.addi %mul3A_31, %add3A_344 : i32
      %add3A_346 = arith.addi %mul3A_29, %mul3A_31 : i32
      %add3A_347 = arith.constant 64 : i32
      %add3A_348 = arith.addi %add3A_346, %add3A_347 : i32
      %dma_wait3A_349 = arith.constant 1 : i32
      %dma_wait3A_350 = tpu.memref_slice %arg13[%dma_wait3A_349] : memref<12x!tpu.dma_semaphore, #tpu.memory_space<semaphore_mem>> -> memref<1x!tpu.dma_semaphore, #tpu.memory_space<semaphore_mem>>
      %dma_wait3A_351 = tpu.memref_squeeze %dma_wait3A_350 : memref<1x!tpu.dma_semaphore, #tpu.memory_space<semaphore_mem>> -> memref<!tpu.dma_semaphore, #tpu.memory_space<semaphore_mem>>
      %dma_wait3A_352 = arith.constant 0 : i32
      %dma_wait3A_353 = tpu.memref_slice %arg6[%add3A_348, %dma_wait3A_352] : memref<50176x128xf32, #tpu.memory_space<hbm>> -> memref<64x128xf32, #tpu.memory_space<hbm>>
      %dma_wait3A_354 = arith.constant 0 : i32
      %dma_wait3A_355 = tpu.memref_slice %arg12[%add3A_345, %dma_wait3A_354] : memref<6288x128xf32, #tpu.memory_space<vmem_shared>> -> memref<64x128xf32, #tpu.memory_space<vmem_shared>>
      tpu.wait_dma2 semaphore(%dma_wait3A_351 : memref<!tpu.dma_semaphore, #tpu.memory_space<semaphore_mem>>) src(%dma_wait3A_355 : memref<64x128xf32, #tpu.memory_space<vmem_shared>>) dst(%dma_wait3A_353 : memref<64x128xf32, #tpu.memory_space<hbm>>)
      %add3A_356 = arith.constant 128 : i32
      %add3A_357 = arith.addi %mul3A_31, %add3A_356 : i32
      %add3A_358 = arith.addi %mul3A_29, %mul3A_31 : i32
      %add3A_359 = arith.constant 128 : i32
      %add3A_360 = arith.addi %add3A_358, %add3A_359 : i32
      %dma_wait3A_361 = arith.constant 2 : i32
      %dma_wait3A_362 = tpu.memref_slice %arg13[%dma_wait3A_361] : memref<12x!tpu.dma_semaphore, #tpu.memory_space<semaphore_mem>> -> memref<1x!tpu.dma_semaphore, #tpu.memory_space<semaphore_mem>>
      %dma_wait3A_363 = tpu.memref_squeeze %dma_wait3A_362 : memref<1x!tpu.dma_semaphore, #tpu.memory_space<semaphore_mem>> -> memref<!tpu.dma_semaphore, #tpu.memory_space<semaphore_mem>>
      %dma_wait3A_364 = arith.constant 0 : i32
      %dma_wait3A_365 = tpu.memref_slice %arg6[%add3A_360, %dma_wait3A_364] : memref<50176x128xf32, #tpu.memory_space<hbm>> -> memref<64x128xf32, #tpu.memory_space<hbm>>
      %dma_wait3A_366 = arith.constant 0 : i32
      %dma_wait3A_367 = tpu.memref_slice %arg12[%add3A_357, %dma_wait3A_366] : memref<6288x128xf32, #tpu.memory_space<vmem_shared>> -> memref<64x128xf32, #tpu.memory_space<vmem_shared>>
      tpu.wait_dma2 semaphore(%dma_wait3A_363 : memref<!tpu.dma_semaphore, #tpu.memory_space<semaphore_mem>>) src(%dma_wait3A_367 : memref<64x128xf32, #tpu.memory_space<vmem_shared>>) dst(%dma_wait3A_365 : memref<64x128xf32, #tpu.memory_space<hbm>>)
      %add3A_368 = arith.constant 192 : i32
      %add3A_369 = arith.addi %mul3A_31, %add3A_368 : i32
      %add3A_370 = arith.addi %mul3A_29, %mul3A_31 : i32
      %add3A_371 = arith.constant 192 : i32
      %add3A_372 = arith.addi %add3A_370, %add3A_371 : i32
      %dma_wait3A_373 = arith.constant 3 : i32
      %dma_wait3A_374 = tpu.memref_slice %arg13[%dma_wait3A_373] : memref<12x!tpu.dma_semaphore, #tpu.memory_space<semaphore_mem>> -> memref<1x!tpu.dma_semaphore, #tpu.memory_space<semaphore_mem>>
      %dma_wait3A_375 = tpu.memref_squeeze %dma_wait3A_374 : memref<1x!tpu.dma_semaphore, #tpu.memory_space<semaphore_mem>> -> memref<!tpu.dma_semaphore, #tpu.memory_space<semaphore_mem>>
      %dma_wait3A_376 = arith.constant 0 : i32
      %dma_wait3A_377 = tpu.memref_slice %arg6[%add3A_372, %dma_wait3A_376] : memref<50176x128xf32, #tpu.memory_space<hbm>> -> memref<64x128xf32, #tpu.memory_space<hbm>>
      %dma_wait3A_378 = arith.constant 0 : i32
      %dma_wait3A_379 = tpu.memref_slice %arg12[%add3A_369, %dma_wait3A_378] : memref<6288x128xf32, #tpu.memory_space<vmem_shared>> -> memref<64x128xf32, #tpu.memory_space<vmem_shared>>
      tpu.wait_dma2 semaphore(%dma_wait3A_375 : memref<!tpu.dma_semaphore, #tpu.memory_space<semaphore_mem>>) src(%dma_wait3A_379 : memref<64x128xf32, #tpu.memory_space<vmem_shared>>) dst(%dma_wait3A_377 : memref<64x128xf32, #tpu.memory_space<hbm>>)
      %add3A_380 = arith.constant 256 : i32
      %add3A_381 = arith.addi %mul3A_31, %add3A_380 : i32
      %add3A_382 = arith.addi %mul3A_29, %mul3A_31 : i32
      %add3A_383 = arith.constant 256 : i32
      %add3A_384 = arith.addi %add3A_382, %add3A_383 : i32
      %dma_wait3A_385 = arith.constant 4 : i32
      %dma_wait3A_386 = tpu.memref_slice %arg13[%dma_wait3A_385] : memref<12x!tpu.dma_semaphore, #tpu.memory_space<semaphore_mem>> -> memref<1x!tpu.dma_semaphore, #tpu.memory_space<semaphore_mem>>
      %dma_wait3A_387 = tpu.memref_squeeze %dma_wait3A_386 : memref<1x!tpu.dma_semaphore, #tpu.memory_space<semaphore_mem>> -> memref<!tpu.dma_semaphore, #tpu.memory_space<semaphore_mem>>
      %dma_wait3A_388 = arith.constant 0 : i32
      %dma_wait3A_389 = tpu.memref_slice %arg6[%add3A_384, %dma_wait3A_388] : memref<50176x128xf32, #tpu.memory_space<hbm>> -> memref<64x128xf32, #tpu.memory_space<hbm>>
      %dma_wait3A_390 = arith.constant 0 : i32
      %dma_wait3A_391 = tpu.memref_slice %arg12[%add3A_381, %dma_wait3A_390] : memref<6288x128xf32, #tpu.memory_space<vmem_shared>> -> memref<64x128xf32, #tpu.memory_space<vmem_shared>>
      tpu.wait_dma2 semaphore(%dma_wait3A_387 : memref<!tpu.dma_semaphore, #tpu.memory_space<semaphore_mem>>) src(%dma_wait3A_391 : memref<64x128xf32, #tpu.memory_space<vmem_shared>>) dst(%dma_wait3A_389 : memref<64x128xf32, #tpu.memory_space<hbm>>)
      %add3A_392 = arith.constant 320 : i32
      %add3A_393 = arith.addi %mul3A_31, %add3A_392 : i32
      %add3A_394 = arith.addi %mul3A_29, %mul3A_31 : i32
      %add3A_395 = arith.constant 320 : i32
      %add3A_396 = arith.addi %add3A_394, %add3A_395 : i32
      %dma_wait3A_397 = arith.constant 5 : i32
      %dma_wait3A_398 = tpu.memref_slice %arg13[%dma_wait3A_397] : memref<12x!tpu.dma_semaphore, #tpu.memory_space<semaphore_mem>> -> memref<1x!tpu.dma_semaphore, #tpu.memory_space<semaphore_mem>>
      %dma_wait3A_399 = tpu.memref_squeeze %dma_wait3A_398 : memref<1x!tpu.dma_semaphore, #tpu.memory_space<semaphore_mem>> -> memref<!tpu.dma_semaphore, #tpu.memory_space<semaphore_mem>>
      %dma_wait3A_400 = arith.constant 0 : i32
      %dma_wait3A_401 = tpu.memref_slice %arg6[%add3A_396, %dma_wait3A_400] : memref<50176x128xf32, #tpu.memory_space<hbm>> -> memref<64x128xf32, #tpu.memory_space<hbm>>
      %dma_wait3A_402 = arith.constant 0 : i32
      %dma_wait3A_403 = tpu.memref_slice %arg12[%add3A_393, %dma_wait3A_402] : memref<6288x128xf32, #tpu.memory_space<vmem_shared>> -> memref<64x128xf32, #tpu.memory_space<vmem_shared>>
      tpu.wait_dma2 semaphore(%dma_wait3A_399 : memref<!tpu.dma_semaphore, #tpu.memory_space<semaphore_mem>>) src(%dma_wait3A_403 : memref<64x128xf32, #tpu.memory_space<vmem_shared>>) dst(%dma_wait3A_401 : memref<64x128xf32, #tpu.memory_space<hbm>>)
      %add3A_404 = arith.constant 384 : i32
      %add3A_405 = arith.addi %mul3A_31, %add3A_404 : i32
      %add3A_406 = arith.addi %mul3A_29, %mul3A_31 : i32
      %add3A_407 = arith.constant 384 : i32
      %add3A_408 = arith.addi %add3A_406, %add3A_407 : i32
      %dma_wait3A_409 = arith.constant 6 : i32
      %dma_wait3A_410 = tpu.memref_slice %arg13[%dma_wait3A_409] : memref<12x!tpu.dma_semaphore, #tpu.memory_space<semaphore_mem>> -> memref<1x!tpu.dma_semaphore, #tpu.memory_space<semaphore_mem>>
      %dma_wait3A_411 = tpu.memref_squeeze %dma_wait3A_410 : memref<1x!tpu.dma_semaphore, #tpu.memory_space<semaphore_mem>> -> memref<!tpu.dma_semaphore, #tpu.memory_space<semaphore_mem>>
      %dma_wait3A_412 = arith.constant 0 : i32
      %dma_wait3A_413 = tpu.memref_slice %arg6[%add3A_408, %dma_wait3A_412] : memref<50176x128xf32, #tpu.memory_space<hbm>> -> memref<8x128xf32, #tpu.memory_space<hbm>>
      %dma_wait3A_414 = arith.constant 0 : i32
      %dma_wait3A_415 = tpu.memref_slice %arg12[%add3A_405, %dma_wait3A_414] : memref<6288x128xf32, #tpu.memory_space<vmem_shared>> -> memref<8x128xf32, #tpu.memory_space<vmem_shared>>
      tpu.wait_dma2 semaphore(%dma_wait3A_411 : memref<!tpu.dma_semaphore, #tpu.memory_space<semaphore_mem>>) src(%dma_wait3A_415 : memref<8x128xf32, #tpu.memory_space<vmem_shared>>) dst(%dma_wait3A_413 : memref<8x128xf32, #tpu.memory_space<hbm>>)
      %barrier3A_416 = arith.constant 0 : index
      tpu.barrier barrier_id(%barrier3A_416)
      %scan3A_417 = arith.constant 0 : i32
      scf.yield %scan3A_417 : i32
    }
    %scan3A_24 = arith.constant 4 : i32
    return
  }
}

module attributes {stable_mosaic.version = 14 : i64} {
  func.func @body(%arg0: i32, %arg1: memref<1024x128xf32, #tpu.memory_space<vmem>>, %arg2: memref<128x128xf32, #tpu.memory_space<vmem>>, %arg3: memref<1x128xf32, #tpu.memory_space<vmem>>, %arg4: memref<1024x128xf32, #tpu.memory_space<vmem>>) attributes {dimension_semantics = [#tpu.dimension_semantics<arbitrary>], iteration_bounds = array<i64: 49>, scalar_prefetch = 0 : i64, scratch_operands = 0 : i64, tpu.core_type = #tpu.core_type<tc>, window_params = [{transform_indices = @transform_0, window_bounds = array<i64: 1024, 128>}, {pipeline_mode = #tpu.pipeline_mode<synchronous>, transform_indices = @transform_1, window_bounds = array<i64: 128, 128>}, {pipeline_mode = #tpu.pipeline_mode<synchronous>, transform_indices = @transform_2, window_bounds = array<i64: 1, 128>}, {transform_indices = @transform_3, window_bounds = array<i64: 1024, 128>}]} {
    %get3A = arith.constant 0 : index
    %get3A_0 = arith.constant 0 : index
    %get3A_1 = vector.load %arg1[%get3A, %get3A_0] : memref<1024x128xf32, #tpu.memory_space<vmem>>, vector<1024x128xf32>
    %get3A_2 = arith.constant 0 : index
    %get3A_3 = arith.constant 0 : index
    %get3A_4 = vector.load %arg2[%get3A_2, %get3A_3] : memref<128x128xf32, #tpu.memory_space<vmem>>, vector<128x128xf32>
    %dot_general3A = arith.constant dense<0.000000e+00> : vector<1024x128xf32>
    %dot_general3A_5 = tpu.matmul %get3A_1, %get3A_4, %dot_general3A {dimension_numbers = #tpu.dot_dimension_numbers<[1], [0], [0], [1], [0, 0, 1, 1], [], []>, transpose_lhs_hint = false} : vector<1024x128xf32>, vector<128x128xf32>, vector<1024x128xf32> -> vector<1024x128xf32>
    %get3A_6 = arith.constant 0 : index
    %get3A_7 = arith.constant 0 : index
    %get3A_8 = vector.load %arg3[%get3A_6, %get3A_7] : memref<1x128xf32, #tpu.memory_space<vmem>>, vector<1x128xf32>
    %add3A = vector.broadcast %get3A_8 : vector<1x128xf32> to vector<1024x128xf32>
    %add3A_9 = arith.addf %dot_general3A_5, %add3A : vector<1024x128xf32>
    %swap3A = arith.constant 0 : index
    %swap3A_10 = arith.constant 0 : index
    %swap3A_11 = vector.load %arg4[%swap3A, %swap3A_10] : memref<1024x128xf32, #tpu.memory_space<vmem>>, vector<1024x128xf32>
    tpu.vector_store %arg4[%swap3A, %swap3A_10], %add3A_9 {strides = array<i32>} : memref<1024x128xf32, #tpu.memory_space<vmem>>, vector<1024x128xf32>,
    return
  }
  func.func @transform_0(%arg0: i32) -> (i32, i32) {
    %c0_i32 = arith.constant 0 : i32
    %c0_i32_0 = arith.constant 0 : i32
    return %arg0, %c0_i32 : i32, i32
  }
  func.func @transform_1(%arg0: i32) -> (i32, i32) {
    %c0_i32 = arith.constant 0 : i32
    %c0_i32_0 = arith.constant 0 : i32
    %c0_i32_1 = arith.constant 0 : i32
    return %c0_i32, %c0_i32_0 : i32, i32
  }
  func.func @transform_2(%arg0: i32) -> (i32, i32) {
    %c0_i32 = arith.constant 0 : i32
    %c0_i32_0 = arith.constant 0 : i32
    %c0_i32_1 = arith.constant 0 : i32
    return %c0_i32, %c0_i32_0 : i32, i32
  }
  func.func @transform_3(%arg0: i32) -> (i32, i32) {
    %c0_i32 = arith.constant 0 : i32
    %c0_i32_0 = arith.constant 0 : i32
    return %arg0, %c0_i32 : i32, i32
  }
}

module attributes {stable_mosaic.version = 14 : i64} {
  func.func @body(%arg0: i32, %arg1: memref<1024x128xf32, #tpu.memory_space<vmem>>, %arg2: memref<1024x128xf32, #tpu.memory_space<vmem>>, %arg3: memref<1024x128xf32, #tpu.memory_space<vmem>>, %arg4: memref<1024x32xf32, #tpu.memory_space<vmem>>, %arg5: memref<1024x32xf32, #tpu.memory_space<vmem>>, %arg6: memref<128x128xf32, #tpu.memory_space<vmem>>, %arg7: memref<128x128xf32, #tpu.memory_space<vmem>>, %arg8: memref<1x128xf32, #tpu.memory_space<vmem>>, %arg9: memref<128x128xf32, #tpu.memory_space<vmem>>, %arg10: memref<128x128xf32, #tpu.memory_space<vmem>>, %arg11: memref<1x128xf32, #tpu.memory_space<vmem>>, %arg12: memref<1024x128xf32, #tpu.memory_space<vmem>>) attributes {dimension_semantics = [#tpu.dimension_semantics<arbitrary>], iteration_bounds = array<i64: 49>, scalar_prefetch = 0 : i64, scratch_operands = 0 : i64, tpu.core_type = #tpu.core_type<tc>, window_params = [{transform_indices = @transform_0, window_bounds = array<i64: 1024, 128>}, {transform_indices = @transform_1, window_bounds = array<i64: 1024, 128>}, {transform_indices = @transform_2, window_bounds = array<i64: 1024, 128>}, {transform_indices = @transform_3, window_bounds = array<i64: 1024, 32>}, {transform_indices = @transform_4, window_bounds = array<i64: 1024, 32>}, {pipeline_mode = #tpu.pipeline_mode<synchronous>, transform_indices = @transform_5, window_bounds = array<i64: 128, 128>}, {pipeline_mode = #tpu.pipeline_mode<synchronous>, transform_indices = @transform_6, window_bounds = array<i64: 128, 128>}, {pipeline_mode = #tpu.pipeline_mode<synchronous>, transform_indices = @transform_7, window_bounds = array<i64: 1, 128>}, {pipeline_mode = #tpu.pipeline_mode<synchronous>, transform_indices = @transform_8, window_bounds = array<i64: 128, 128>}, {pipeline_mode = #tpu.pipeline_mode<synchronous>, transform_indices = @transform_9, window_bounds = array<i64: 128, 128>}, {pipeline_mode = #tpu.pipeline_mode<synchronous>, transform_indices = @transform_10, window_bounds = array<i64: 1, 128>}, {transform_indices = @transform_11, window_bounds = array<i64: 1024, 128>}]} {
    %get3A = arith.constant 0 : index
    %get3A_0 = arith.constant 0 : index
    %get3A_1 = vector.load %arg1[%get3A, %get3A_0] : memref<1024x128xf32, #tpu.memory_space<vmem>>, vector<1024x128xf32>
    %get3A_2 = arith.constant 0 : index
    %get3A_3 = arith.constant 0 : index
    %get3A_4 = vector.load %arg4[%get3A_2, %get3A_3] : memref<1024x32xf32, #tpu.memory_space<vmem>>, vector<1024x32xf32>
    %reduce_sum3A = arith.constant dense<0.000000e+00> : vector<1024xf32>
    %reduce_sum3A_5 = vector.multi_reduction <add>, %get3A_4, %reduce_sum3A [1] : vector<1024x32xf32> to vector<1024xf32>
    %broadcast_in_dim3A = vector.shape_cast %reduce_sum3A_5 : vector<1024xf32> to vector<1024x1xf32>
    %get3A_6 = arith.constant 0 : index
    %get3A_7 = arith.constant 0 : index
    %get3A_8 = vector.load %arg5[%get3A_6, %get3A_7] : memref<1024x32xf32, #tpu.memory_space<vmem>>, vector<1024x32xf32>
    %reduce_sum3A_9 = arith.constant dense<0.000000e+00> : vector<1024xf32>
    %reduce_sum3A_10 = vector.multi_reduction <add>, %get3A_8, %reduce_sum3A_9 [1] : vector<1024x32xf32> to vector<1024xf32>
    %broadcast_in_dim3A_11 = vector.shape_cast %reduce_sum3A_10 : vector<1024xf32> to vector<1024x1xf32>
    %get3A_12 = arith.constant 0 : index
    %get3A_13 = arith.constant 0 : index
    %get3A_14 = vector.load %arg2[%get3A_12, %get3A_13] : memref<1024x128xf32, #tpu.memory_space<vmem>>, vector<1024x128xf32>
    %max3A = arith.constant 1.000000e+00 : f32
    %max3A_15 = vector.broadcast %max3A : f32 to vector<1024x1xf32>
    %max3A_16 = arith.maximumf %broadcast_in_dim3A, %max3A_15 : vector<1024x1xf32>
    %div3A = vector.broadcast %max3A_16 : vector<1024x1xf32> to vector<1024x128xf32>
    %div3A_17 = arith.divf %get3A_14, %div3A : vector<1024x128xf32>
    %get3A_18 = arith.constant 0 : index
    %get3A_19 = arith.constant 0 : index
    %get3A_20 = vector.load %arg3[%get3A_18, %get3A_19] : memref<1024x128xf32, #tpu.memory_space<vmem>>, vector<1024x128xf32>
    %max3A_21 = arith.constant 1.000000e+00 : f32
    %max3A_22 = vector.broadcast %max3A_21 : f32 to vector<1024x1xf32>
    %max3A_23 = arith.maximumf %broadcast_in_dim3A_11, %max3A_22 : vector<1024x1xf32>
    %div3A_24 = vector.broadcast %max3A_23 : vector<1024x1xf32> to vector<1024x128xf32>
    %div3A_25 = arith.divf %get3A_20, %div3A_24 : vector<1024x128xf32>
    %get3A_26 = arith.constant 0 : index
    %get3A_27 = arith.constant 0 : index
    %get3A_28 = vector.load %arg6[%get3A_26, %get3A_27] : memref<128x128xf32, #tpu.memory_space<vmem>>, vector<128x128xf32>
    %dot_general3A = arith.constant dense<0.000000e+00> : vector<1024x128xf32>
    %dot_general3A_29 = tpu.matmul %get3A_1, %get3A_28, %dot_general3A {dimension_numbers = #tpu.dot_dimension_numbers<[1], [0], [0], [1], [0, 0, 1, 1], [], []>, transpose_lhs_hint = false} : vector<1024x128xf32>, vector<128x128xf32>, vector<1024x128xf32> -> vector<1024x128xf32>
    %get3A_30 = arith.constant 0 : index
    %get3A_31 = arith.constant 0 : index
    %get3A_32 = vector.load %arg7[%get3A_30, %get3A_31] : memref<128x128xf32, #tpu.memory_space<vmem>>, vector<128x128xf32>
    %dot_general3A_33 = arith.constant dense<0.000000e+00> : vector<1024x128xf32>
    %dot_general3A_34 = tpu.matmul %div3A_17, %get3A_32, %dot_general3A_33 {dimension_numbers = #tpu.dot_dimension_numbers<[1], [0], [0], [1], [0, 0, 1, 1], [], []>, transpose_lhs_hint = false} : vector<1024x128xf32>, vector<128x128xf32>, vector<1024x128xf32> -> vector<1024x128xf32>
    %add3A = arith.addf %dot_general3A_29, %dot_general3A_34 : vector<1024x128xf32>
    %get3A_35 = arith.constant 0 : index
    %get3A_36 = arith.constant 0 : index
    %get3A_37 = vector.load %arg8[%get3A_35, %get3A_36] : memref<1x128xf32, #tpu.memory_space<vmem>>, vector<1x128xf32>
    %add3A_38 = vector.broadcast %get3A_37 : vector<1x128xf32> to vector<1024x128xf32>
    %add3A_39 = arith.addf %add3A, %add3A_38 : vector<1024x128xf32>
    %integer_pow3A = arith.mulf %add3A_39, %add3A_39 : vector<1024x128xf32>
    %integer_pow3A_40 = arith.mulf %add3A_39, %integer_pow3A : vector<1024x128xf32>
    %mul3A = arith.constant 4.471500e-02 : f32
    %mul3A_41 = vector.broadcast %mul3A : f32 to vector<1024x128xf32>
    %mul3A_42 = arith.mulf %mul3A_41, %integer_pow3A_40 : vector<1024x128xf32>
    %add3A_43 = arith.addf %add3A_39, %mul3A_42 : vector<1024x128xf32>
    %mul3A_44 = arith.constant 0.797884583 : f32
    %mul3A_45 = vector.broadcast %mul3A_44 : f32 to vector<1024x128xf32>
    %mul3A_46 = arith.mulf %mul3A_45, %add3A_43 : vector<1024x128xf32>
    %tanh3A = math.tanh %mul3A_46 : vector<1024x128xf32>
    %add3A_47 = arith.constant 1.000000e+00 : f32
    %add3A_48 = vector.broadcast %add3A_47 : f32 to vector<1024x128xf32>
    %add3A_49 = arith.addf %add3A_48, %tanh3A : vector<1024x128xf32>
    %mul3A_50 = arith.constant 5.000000e-01 : f32
    %mul3A_51 = vector.broadcast %mul3A_50 : f32 to vector<1024x128xf32>
    %mul3A_52 = arith.mulf %mul3A_51, %add3A_49 : vector<1024x128xf32>
    %mul3A_53 = arith.mulf %add3A_39, %mul3A_52 : vector<1024x128xf32>
    %get3A_54 = arith.constant 0 : index
    %get3A_55 = arith.constant 0 : index
    %get3A_56 = vector.load %arg9[%get3A_54, %get3A_55] : memref<128x128xf32, #tpu.memory_space<vmem>>, vector<128x128xf32>
    %dot_general3A_57 = arith.constant dense<0.000000e+00> : vector<1024x128xf32>
    %dot_general3A_58 = tpu.matmul %get3A_1, %get3A_56, %dot_general3A_57 {dimension_numbers = #tpu.dot_dimension_numbers<[1], [0], [0], [1], [0, 0, 1, 1], [], []>, transpose_lhs_hint = false} : vector<1024x128xf32>, vector<128x128xf32>, vector<1024x128xf32> -> vector<1024x128xf32>
    %get3A_59 = arith.constant 0 : index
    %get3A_60 = arith.constant 0 : index
    %get3A_61 = vector.load %arg10[%get3A_59, %get3A_60] : memref<128x128xf32, #tpu.memory_space<vmem>>, vector<128x128xf32>
    %dot_general3A_62 = arith.constant dense<0.000000e+00> : vector<1024x128xf32>
    %dot_general3A_63 = tpu.matmul %div3A_25, %get3A_61, %dot_general3A_62 {dimension_numbers = #tpu.dot_dimension_numbers<[1], [0], [0], [1], [0, 0, 1, 1], [], []>, transpose_lhs_hint = false} : vector<1024x128xf32>, vector<128x128xf32>, vector<1024x128xf32> -> vector<1024x128xf32>
    %add3A_64 = arith.addf %dot_general3A_58, %dot_general3A_63 : vector<1024x128xf32>
    %get3A_65 = arith.constant 0 : index
    %get3A_66 = arith.constant 0 : index
    %get3A_67 = vector.load %arg11[%get3A_65, %get3A_66] : memref<1x128xf32, #tpu.memory_space<vmem>>, vector<1x128xf32>
    %add3A_68 = vector.broadcast %get3A_67 : vector<1x128xf32> to vector<1024x128xf32>
    %add3A_69 = arith.addf %add3A_64, %add3A_68 : vector<1024x128xf32>
    %integer_pow3A_70 = arith.mulf %add3A_69, %add3A_69 : vector<1024x128xf32>
    %integer_pow3A_71 = arith.mulf %add3A_69, %integer_pow3A_70 : vector<1024x128xf32>
    %mul3A_72 = arith.constant 4.471500e-02 : f32
    %mul3A_73 = vector.broadcast %mul3A_72 : f32 to vector<1024x128xf32>
    %mul3A_74 = arith.mulf %mul3A_73, %integer_pow3A_71 : vector<1024x128xf32>
    %add3A_75 = arith.addf %add3A_69, %mul3A_74 : vector<1024x128xf32>
    %mul3A_76 = arith.constant 0.797884583 : f32
    %mul3A_77 = vector.broadcast %mul3A_76 : f32 to vector<1024x128xf32>
    %mul3A_78 = arith.mulf %mul3A_77, %add3A_75 : vector<1024x128xf32>
    %tanh3A_79 = math.tanh %mul3A_78 : vector<1024x128xf32>
    %add3A_80 = arith.constant 1.000000e+00 : f32
    %add3A_81 = vector.broadcast %add3A_80 : f32 to vector<1024x128xf32>
    %add3A_82 = arith.addf %add3A_81, %tanh3A_79 : vector<1024x128xf32>
    %mul3A_83 = arith.constant 5.000000e-01 : f32
    %mul3A_84 = vector.broadcast %mul3A_83 : f32 to vector<1024x128xf32>
    %mul3A_85 = arith.mulf %mul3A_84, %add3A_82 : vector<1024x128xf32>
    %mul3A_86 = arith.mulf %add3A_69, %mul3A_85 : vector<1024x128xf32>
    %add3A_87 = arith.addf %mul3A_53, %mul3A_86 : vector<1024x128xf32>
    %mul3A_88 = arith.constant 5.000000e-01 : f32
    %mul3A_89 = vector.broadcast %mul3A_88 : f32 to vector<1024x128xf32>
    %mul3A_90 = arith.mulf %add3A_87, %mul3A_89 : vector<1024x128xf32>
    %integer_pow3A_91 = arith.mulf %mul3A_90, %mul3A_90 : vector<1024x128xf32>
    %integer_pow3A_92 = arith.mulf %mul3A_90, %integer_pow3A_91 : vector<1024x128xf32>
    %mul3A_93 = arith.constant 4.471500e-02 : f32
    %mul3A_94 = vector.broadcast %mul3A_93 : f32 to vector<1024x128xf32>
    %mul3A_95 = arith.mulf %mul3A_94, %integer_pow3A_92 : vector<1024x128xf32>
    %add3A_96 = arith.addf %mul3A_90, %mul3A_95 : vector<1024x128xf32>
    %mul3A_97 = arith.constant 0.797884583 : f32
    %mul3A_98 = vector.broadcast %mul3A_97 : f32 to vector<1024x128xf32>
    %mul3A_99 = arith.mulf %mul3A_98, %add3A_96 : vector<1024x128xf32>
    %tanh3A_100 = math.tanh %mul3A_99 : vector<1024x128xf32>
    %add3A_101 = arith.constant 1.000000e+00 : f32
    %add3A_102 = vector.broadcast %add3A_101 : f32 to vector<1024x128xf32>
    %add3A_103 = arith.addf %add3A_102, %tanh3A_100 : vector<1024x128xf32>
    %mul3A_104 = arith.constant 5.000000e-01 : f32
    %mul3A_105 = vector.broadcast %mul3A_104 : f32 to vector<1024x128xf32>
    %mul3A_106 = arith.mulf %mul3A_105, %add3A_103 : vector<1024x128xf32>
    %mul3A_107 = arith.mulf %mul3A_90, %mul3A_106 : vector<1024x128xf32>
    %swap3A = arith.constant 0 : index
    %swap3A_108 = arith.constant 0 : index
    %swap3A_109 = vector.load %arg12[%swap3A, %swap3A_108] : memref<1024x128xf32, #tpu.memory_space<vmem>>, vector<1024x128xf32>
    tpu.vector_store %arg12[%swap3A, %swap3A_108], %mul3A_107 {strides = array<i32>} : memref<1024x128xf32, #tpu.memory_space<vmem>>, vector<1024x128xf32>,
    return
  }
  func.func @transform_0(%arg0: i32) -> (i32, i32) {
    %c0_i32 = arith.constant 0 : i32
    %c0_i32_0 = arith.constant 0 : i32
    return %arg0, %c0_i32 : i32, i32
  }
  func.func @transform_1(%arg0: i32) -> (i32, i32) {
    %c0_i32 = arith.constant 0 : i32
    %c0_i32_0 = arith.constant 0 : i32
    return %arg0, %c0_i32 : i32, i32
  }
  func.func @transform_2(%arg0: i32) -> (i32, i32) {
    %c0_i32 = arith.constant 0 : i32
    %c0_i32_0 = arith.constant 0 : i32
    return %arg0, %c0_i32 : i32, i32
  }
  func.func @transform_3(%arg0: i32) -> (i32, i32) {
    %c0_i32 = arith.constant 0 : i32
    %c0_i32_0 = arith.constant 0 : i32
    return %arg0, %c0_i32 : i32, i32
  }
  func.func @transform_4(%arg0: i32) -> (i32, i32) {
    %c0_i32 = arith.constant 0 : i32
    %c0_i32_0 = arith.constant 0 : i32
    return %arg0, %c0_i32 : i32, i32
  }
  func.func @transform_5(%arg0: i32) -> (i32, i32) {
    %c0_i32 = arith.constant 0 : i32
    %c0_i32_0 = arith.constant 0 : i32
    %c0_i32_1 = arith.constant 0 : i32
    return %c0_i32, %c0_i32_0 : i32, i32
  }
  func.func @transform_6(%arg0: i32) -> (i32, i32) {
    %c0_i32 = arith.constant 0 : i32
    %c0_i32_0 = arith.constant 0 : i32
    %c0_i32_1 = arith.constant 0 : i32
    return %c0_i32, %c0_i32_0 : i32, i32
  }
  func.func @transform_7(%arg0: i32) -> (i32, i32) {
    %c0_i32 = arith.constant 0 : i32
    %c0_i32_0 = arith.constant 0 : i32
    %c0_i32_1 = arith.constant 0 : i32
    return %c0_i32, %c0_i32_0 : i32, i32
  }
  func.func @transform_8(%arg0: i32) -> (i32, i32) {
    %c0_i32 = arith.constant 0 : i32
    %c0_i32_0 = arith.constant 0 : i32
    %c0_i32_1 = arith.constant 0 : i32
    return %c0_i32, %c0_i32_0 : i32, i32
  }
  func.func @transform_9(%arg0: i32) -> (i32, i32) {
    %c0_i32 = arith.constant 0 : i32
    %c0_i32_0 = arith.constant 0 : i32
    %c0_i32_1 = arith.constant 0 : i32
    return %c0_i32, %c0_i32_0 : i32, i32
  }
  func.func @transform_10(%arg0: i32) -> (i32, i32) {
    %c0_i32 = arith.constant 0 : i32
    %c0_i32_0 = arith.constant 0 : i32
    %c0_i32_1 = arith.constant 0 : i32
    return %c0_i32, %c0_i32_0 : i32, i32
  }
  func.func @transform_11(%arg0: i32) -> (i32, i32) {
    %c0_i32 = arith.constant 0 : i32
    %c0_i32_0 = arith.constant 0 : i32
    return %arg0, %c0_i32 : i32, i32
  }
}

module attributes {stable_mosaic.version = 14 : i64} {
  func.func @body(%arg0: i32, %arg1: memref<1024x128xf32, #tpu.memory_space<vmem>>, %arg2: memref<1024x128xf32, #tpu.memory_space<vmem>>, %arg3: memref<1024x128xf32, #tpu.memory_space<vmem>>, %arg4: memref<1024x32xf32, #tpu.memory_space<vmem>>, %arg5: memref<1024x32xf32, #tpu.memory_space<vmem>>, %arg6: memref<128x128xf32, #tpu.memory_space<vmem>>, %arg7: memref<128x128xf32, #tpu.memory_space<vmem>>, %arg8: memref<1x128xf32, #tpu.memory_space<vmem>>, %arg9: memref<128x128xf32, #tpu.memory_space<vmem>>, %arg10: memref<128x128xf32, #tpu.memory_space<vmem>>, %arg11: memref<1x128xf32, #tpu.memory_space<vmem>>, %arg12: memref<1x128xf32, #tpu.memory_space<vmem>>) attributes {dimension_semantics = [#tpu.dimension_semantics<arbitrary>], iteration_bounds = array<i64: 49>, scalar_prefetch = 0 : i64, scratch_operands = 0 : i64, tpu.core_type = #tpu.core_type<tc>, window_params = [{transform_indices = @transform_0, window_bounds = array<i64: 1024, 128>}, {transform_indices = @transform_1, window_bounds = array<i64: 1024, 128>}, {transform_indices = @transform_2, window_bounds = array<i64: 1024, 128>}, {transform_indices = @transform_3, window_bounds = array<i64: 1024, 32>}, {transform_indices = @transform_4, window_bounds = array<i64: 1024, 32>}, {pipeline_mode = #tpu.pipeline_mode<synchronous>, transform_indices = @transform_5, window_bounds = array<i64: 128, 128>}, {pipeline_mode = #tpu.pipeline_mode<synchronous>, transform_indices = @transform_6, window_bounds = array<i64: 128, 128>}, {pipeline_mode = #tpu.pipeline_mode<synchronous>, transform_indices = @transform_7, window_bounds = array<i64: 1, 128>}, {pipeline_mode = #tpu.pipeline_mode<synchronous>, transform_indices = @transform_8, window_bounds = array<i64: 128, 128>}, {pipeline_mode = #tpu.pipeline_mode<synchronous>, transform_indices = @transform_9, window_bounds = array<i64: 128, 128>}, {pipeline_mode = #tpu.pipeline_mode<synchronous>, transform_indices = @transform_10, window_bounds = array<i64: 1, 128>}, {pipeline_mode = #tpu.pipeline_mode<synchronous>, transform_indices = @transform_11, window_bounds = array<i64: 1, 128>}]} {
    %get3A = arith.constant 0 : index
    %get3A_0 = arith.constant 0 : index
    %get3A_1 = vector.load %arg1[%get3A, %get3A_0] : memref<1024x128xf32, #tpu.memory_space<vmem>>, vector<1024x128xf32>
    %get3A_2 = arith.constant 0 : index
    %get3A_3 = arith.constant 0 : index
    %get3A_4 = vector.load %arg4[%get3A_2, %get3A_3] : memref<1024x32xf32, #tpu.memory_space<vmem>>, vector<1024x32xf32>
    %reduce_sum3A = arith.constant dense<0.000000e+00> : vector<1024xf32>
    %reduce_sum3A_5 = vector.multi_reduction <add>, %get3A_4, %reduce_sum3A [1] : vector<1024x32xf32> to vector<1024xf32>
    %broadcast_in_dim3A = vector.shape_cast %reduce_sum3A_5 : vector<1024xf32> to vector<1024x1xf32>
    %get3A_6 = arith.constant 0 : index
    %get3A_7 = arith.constant 0 : index
    %get3A_8 = vector.load %arg5[%get3A_6, %get3A_7] : memref<1024x32xf32, #tpu.memory_space<vmem>>, vector<1024x32xf32>
    %reduce_sum3A_9 = arith.constant dense<0.000000e+00> : vector<1024xf32>
    %reduce_sum3A_10 = vector.multi_reduction <add>, %get3A_8, %reduce_sum3A_9 [1] : vector<1024x32xf32> to vector<1024xf32>
    %broadcast_in_dim3A_11 = vector.shape_cast %reduce_sum3A_10 : vector<1024xf32> to vector<1024x1xf32>
    %get3A_12 = arith.constant 0 : index
    %get3A_13 = arith.constant 0 : index
    %get3A_14 = vector.load %arg2[%get3A_12, %get3A_13] : memref<1024x128xf32, #tpu.memory_space<vmem>>, vector<1024x128xf32>
    %max3A = arith.constant 1.000000e+00 : f32
    %max3A_15 = vector.broadcast %max3A : f32 to vector<1024x1xf32>
    %max3A_16 = arith.maximumf %broadcast_in_dim3A, %max3A_15 : vector<1024x1xf32>
    %div3A = vector.broadcast %max3A_16 : vector<1024x1xf32> to vector<1024x128xf32>
    %div3A_17 = arith.divf %get3A_14, %div3A : vector<1024x128xf32>
    %get3A_18 = arith.constant 0 : index
    %get3A_19 = arith.constant 0 : index
    %get3A_20 = vector.load %arg3[%get3A_18, %get3A_19] : memref<1024x128xf32, #tpu.memory_space<vmem>>, vector<1024x128xf32>
    %max3A_21 = arith.constant 1.000000e+00 : f32
    %max3A_22 = vector.broadcast %max3A_21 : f32 to vector<1024x1xf32>
    %max3A_23 = arith.maximumf %broadcast_in_dim3A_11, %max3A_22 : vector<1024x1xf32>
    %div3A_24 = vector.broadcast %max3A_23 : vector<1024x1xf32> to vector<1024x128xf32>
    %div3A_25 = arith.divf %get3A_20, %div3A_24 : vector<1024x128xf32>
    %get3A_26 = arith.constant 0 : index
    %get3A_27 = arith.constant 0 : index
    %get3A_28 = vector.load %arg6[%get3A_26, %get3A_27] : memref<128x128xf32, #tpu.memory_space<vmem>>, vector<128x128xf32>
    %dot_general3A = arith.constant dense<0.000000e+00> : vector<1024x128xf32>
    %dot_general3A_29 = tpu.matmul %get3A_1, %get3A_28, %dot_general3A {dimension_numbers = #tpu.dot_dimension_numbers<[1], [0], [0], [1], [0, 0, 1, 1], [], []>, transpose_lhs_hint = false} : vector<1024x128xf32>, vector<128x128xf32>, vector<1024x128xf32> -> vector<1024x128xf32>
    %get3A_30 = arith.constant 0 : index
    %get3A_31 = arith.constant 0 : index
    %get3A_32 = vector.load %arg7[%get3A_30, %get3A_31] : memref<128x128xf32, #tpu.memory_space<vmem>>, vector<128x128xf32>
    %dot_general3A_33 = arith.constant dense<0.000000e+00> : vector<1024x128xf32>
    %dot_general3A_34 = tpu.matmul %div3A_17, %get3A_32, %dot_general3A_33 {dimension_numbers = #tpu.dot_dimension_numbers<[1], [0], [0], [1], [0, 0, 1, 1], [], []>, transpose_lhs_hint = false} : vector<1024x128xf32>, vector<128x128xf32>, vector<1024x128xf32> -> vector<1024x128xf32>
    %add3A = arith.addf %dot_general3A_29, %dot_general3A_34 : vector<1024x128xf32>
    %get3A_35 = arith.constant 0 : index
    %get3A_36 = arith.constant 0 : index
    %get3A_37 = vector.load %arg8[%get3A_35, %get3A_36] : memref<1x128xf32, #tpu.memory_space<vmem>>, vector<1x128xf32>
    %add3A_38 = vector.broadcast %get3A_37 : vector<1x128xf32> to vector<1024x128xf32>
    %add3A_39 = arith.addf %add3A, %add3A_38 : vector<1024x128xf32>
    %integer_pow3A = arith.mulf %add3A_39, %add3A_39 : vector<1024x128xf32>
    %integer_pow3A_40 = arith.mulf %add3A_39, %integer_pow3A : vector<1024x128xf32>
    %mul3A = arith.constant 4.471500e-02 : f32
    %mul3A_41 = vector.broadcast %mul3A : f32 to vector<1024x128xf32>
    %mul3A_42 = arith.mulf %mul3A_41, %integer_pow3A_40 : vector<1024x128xf32>
    %add3A_43 = arith.addf %add3A_39, %mul3A_42 : vector<1024x128xf32>
    %mul3A_44 = arith.constant 0.797884583 : f32
    %mul3A_45 = vector.broadcast %mul3A_44 : f32 to vector<1024x128xf32>
    %mul3A_46 = arith.mulf %mul3A_45, %add3A_43 : vector<1024x128xf32>
    %tanh3A = math.tanh %mul3A_46 : vector<1024x128xf32>
    %add3A_47 = arith.constant 1.000000e+00 : f32
    %add3A_48 = vector.broadcast %add3A_47 : f32 to vector<1024x128xf32>
    %add3A_49 = arith.addf %add3A_48, %tanh3A : vector<1024x128xf32>
    %mul3A_50 = arith.constant 5.000000e-01 : f32
    %mul3A_51 = vector.broadcast %mul3A_50 : f32 to vector<1024x128xf32>
    %mul3A_52 = arith.mulf %mul3A_51, %add3A_49 : vector<1024x128xf32>
    %mul3A_53 = arith.mulf %add3A_39, %mul3A_52 : vector<1024x128xf32>
    %get3A_54 = arith.constant 0 : index
    %get3A_55 = arith.constant 0 : index
    %get3A_56 = vector.load %arg9[%get3A_54, %get3A_55] : memref<128x128xf32, #tpu.memory_space<vmem>>, vector<128x128xf32>
    %dot_general3A_57 = arith.constant dense<0.000000e+00> : vector<1024x128xf32>
    %dot_general3A_58 = tpu.matmul %get3A_1, %get3A_56, %dot_general3A_57 {dimension_numbers = #tpu.dot_dimension_numbers<[1], [0], [0], [1], [0, 0, 1, 1], [], []>, transpose_lhs_hint = false} : vector<1024x128xf32>, vector<128x128xf32>, vector<1024x128xf32> -> vector<1024x128xf32>
    %get3A_59 = arith.constant 0 : index
    %get3A_60 = arith.constant 0 : index
    %get3A_61 = vector.load %arg10[%get3A_59, %get3A_60] : memref<128x128xf32, #tpu.memory_space<vmem>>, vector<128x128xf32>
    %dot_general3A_62 = arith.constant dense<0.000000e+00> : vector<1024x128xf32>
    %dot_general3A_63 = tpu.matmul %div3A_25, %get3A_61, %dot_general3A_62 {dimension_numbers = #tpu.dot_dimension_numbers<[1], [0], [0], [1], [0, 0, 1, 1], [], []>, transpose_lhs_hint = false} : vector<1024x128xf32>, vector<128x128xf32>, vector<1024x128xf32> -> vector<1024x128xf32>
    %add3A_64 = arith.addf %dot_general3A_58, %dot_general3A_63 : vector<1024x128xf32>
    %get3A_65 = arith.constant 0 : index
    %get3A_66 = arith.constant 0 : index
    %get3A_67 = vector.load %arg11[%get3A_65, %get3A_66] : memref<1x128xf32, #tpu.memory_space<vmem>>, vector<1x128xf32>
    %add3A_68 = vector.broadcast %get3A_67 : vector<1x128xf32> to vector<1024x128xf32>
    %add3A_69 = arith.addf %add3A_64, %add3A_68 : vector<1024x128xf32>
    %integer_pow3A_70 = arith.mulf %add3A_69, %add3A_69 : vector<1024x128xf32>
    %integer_pow3A_71 = arith.mulf %add3A_69, %integer_pow3A_70 : vector<1024x128xf32>
    %mul3A_72 = arith.constant 4.471500e-02 : f32
    %mul3A_73 = vector.broadcast %mul3A_72 : f32 to vector<1024x128xf32>
    %mul3A_74 = arith.mulf %mul3A_73, %integer_pow3A_71 : vector<1024x128xf32>
    %add3A_75 = arith.addf %add3A_69, %mul3A_74 : vector<1024x128xf32>
    %mul3A_76 = arith.constant 0.797884583 : f32
    %mul3A_77 = vector.broadcast %mul3A_76 : f32 to vector<1024x128xf32>
    %mul3A_78 = arith.mulf %mul3A_77, %add3A_75 : vector<1024x128xf32>
    %tanh3A_79 = math.tanh %mul3A_78 : vector<1024x128xf32>
    %add3A_80 = arith.constant 1.000000e+00 : f32
    %add3A_81 = vector.broadcast %add3A_80 : f32 to vector<1024x128xf32>
    %add3A_82 = arith.addf %add3A_81, %tanh3A_79 : vector<1024x128xf32>
    %mul3A_83 = arith.constant 5.000000e-01 : f32
    %mul3A_84 = vector.broadcast %mul3A_83 : f32 to vector<1024x128xf32>
    %mul3A_85 = arith.mulf %mul3A_84, %add3A_82 : vector<1024x128xf32>
    %mul3A_86 = arith.mulf %add3A_69, %mul3A_85 : vector<1024x128xf32>
    %add3A_87 = arith.addf %mul3A_53, %mul3A_86 : vector<1024x128xf32>
    %mul3A_88 = arith.constant 5.000000e-01 : f32
    %mul3A_89 = vector.broadcast %mul3A_88 : f32 to vector<1024x128xf32>
    %mul3A_90 = arith.mulf %add3A_87, %mul3A_89 : vector<1024x128xf32>
    %integer_pow3A_91 = arith.mulf %mul3A_90, %mul3A_90 : vector<1024x128xf32>
    %integer_pow3A_92 = arith.mulf %mul3A_90, %integer_pow3A_91 : vector<1024x128xf32>
    %mul3A_93 = arith.constant 4.471500e-02 : f32
    %mul3A_94 = vector.broadcast %mul3A_93 : f32 to vector<1024x128xf32>
    %mul3A_95 = arith.mulf %mul3A_94, %integer_pow3A_92 : vector<1024x128xf32>
    %add3A_96 = arith.addf %mul3A_90, %mul3A_95 : vector<1024x128xf32>
    %mul3A_97 = arith.constant 0.797884583 : f32
    %mul3A_98 = vector.broadcast %mul3A_97 : f32 to vector<1024x128xf32>
    %mul3A_99 = arith.mulf %mul3A_98, %add3A_96 : vector<1024x128xf32>
    %tanh3A_100 = math.tanh %mul3A_99 : vector<1024x128xf32>
    %add3A_101 = arith.constant 1.000000e+00 : f32
    %add3A_102 = vector.broadcast %add3A_101 : f32 to vector<1024x128xf32>
    %add3A_103 = arith.addf %add3A_102, %tanh3A_100 : vector<1024x128xf32>
    %mul3A_104 = arith.constant 5.000000e-01 : f32
    %mul3A_105 = vector.broadcast %mul3A_104 : f32 to vector<1024x128xf32>
    %mul3A_106 = arith.mulf %mul3A_105, %add3A_103 : vector<1024x128xf32>
    %mul3A_107 = arith.mulf %mul3A_90, %mul3A_106 : vector<1024x128xf32>
    %mul3A_108 = arith.constant 1024 : i32
    %mul3A_109 = arith.muli %arg0, %mul3A_108 : i32
    %iota3A = tpu.iota {dimensions = array<i32: 0>} : vector<1024x1xi32>
    %add3A_110 = vector.broadcast %mul3A_109 : i32 to vector<1024x1xi32>
    %add3A_111 = arith.addi %add3A_110, %iota3A : vector<1024x1xi32>
    %lt3A = arith.constant 50000 : i32
    %lt3A_112 = vector.broadcast %lt3A : i32 to vector<1024x1xi32>
    %lt3A_113 = arith.cmpi slt, %add3A_111, %lt3A_112 : vector<1024x1xi32>
    %jit3A = arith.constant 0.000000e+00 : f32
    %broadcast_in_dim3A_114 = vector.shape_cast %lt3A_113 : vector<1024x1xi1> to vector<1024x1xi1>
    %broadcast_in_dim3A_115 = vector.broadcast %broadcast_in_dim3A_114 : vector<1024x1xi1> to vector<1024x128xi1>
    %broadcast_in_dim3A_116 = vector.broadcast %jit3A : f32 to vector<1024x128xf32>
    %select_n3A = arith.select %broadcast_in_dim3A_115, %mul3A_107, %broadcast_in_dim3A_116 : vector<1024x128xi1>, vector<1024x128xf32>
    %eq3A = arith.constant 0 : i32
    %eq3A_117 = arith.cmpi eq, %arg0, %eq3A : i32
    %convert_element_type3A = arith.extui %eq3A_117 : i1 to i32
    %cond3A = arith.constant 0 : i32
    %cond3A_118 = arith.cmpi ne, %convert_element_type3A, %cond3A : i32
    scf.if %cond3A_118 {
      %broadcast_in_dim3A_128 = arith.constant 0.000000e+00 : f32
      %broadcast_in_dim3A_129 = vector.broadcast %broadcast_in_dim3A_128 : f32 to vector<1x128xf32>
      %swap3A_130 = arith.constant 0 : index
      %swap3A_131 = arith.constant 0 : index
      %swap3A_132 = vector.load %arg12[%swap3A_130, %swap3A_131] : memref<1x128xf32, #tpu.memory_space<vmem>>, vector<1x128xf32>
      tpu.vector_store %arg12[%swap3A_130, %swap3A_131], %broadcast_in_dim3A_129 {strides = array<i32>} : memref<1x128xf32, #tpu.memory_space<vmem>>, vector<1x128xf32>,
    } else {
    }
    %get3A_119 = arith.constant 0 : index
    %get3A_120 = arith.constant 0 : index
    %get3A_121 = vector.load %arg12[%get3A_119, %get3A_120] : memref<1x128xf32, #tpu.memory_space<vmem>>, vector<1x128xf32>
    %reduce_sum3A_122 = arith.constant dense<0.000000e+00> : vector<128xf32>
    %reduce_sum3A_123 = vector.multi_reduction <add>, %select_n3A, %reduce_sum3A_122 [0] : vector<1024x128xf32> to vector<128xf32>
    %broadcast_in_dim3A_124 = vector.shape_cast %reduce_sum3A_123 : vector<128xf32> to vector<1x128xf32>
    %add3A_125 = arith.addf %get3A_121, %broadcast_in_dim3A_124 : vector<1x128xf32>
    %swap3A = arith.constant 0 : index
    %swap3A_126 = arith.constant 0 : index
    %swap3A_127 = vector.load %arg12[%swap3A, %swap3A_126] : memref<1x128xf32, #tpu.memory_space<vmem>>, vector<1x128xf32>
    tpu.vector_store %arg12[%swap3A, %swap3A_126], %add3A_125 {strides = array<i32>} : memref<1x128xf32, #tpu.memory_space<vmem>>, vector<1x128xf32>,
    return
  }
  func.func @transform_0(%arg0: i32) -> (i32, i32) {
    %c0_i32 = arith.constant 0 : i32
    %c0_i32_0 = arith.constant 0 : i32
    return %arg0, %c0_i32 : i32, i32
  }
  func.func @transform_1(%arg0: i32) -> (i32, i32) {
    %c0_i32 = arith.constant 0 : i32
    %c0_i32_0 = arith.constant 0 : i32
    return %arg0, %c0_i32 : i32, i32
  }
  func.func @transform_2(%arg0: i32) -> (i32, i32) {
    %c0_i32 = arith.constant 0 : i32
    %c0_i32_0 = arith.constant 0 : i32
    return %arg0, %c0_i32 : i32, i32
  }
  func.func @transform_3(%arg0: i32) -> (i32, i32) {
    %c0_i32 = arith.constant 0 : i32
    %c0_i32_0 = arith.constant 0 : i32
    return %arg0, %c0_i32 : i32, i32
  }
  func.func @transform_4(%arg0: i32) -> (i32, i32) {
    %c0_i32 = arith.constant 0 : i32
    %c0_i32_0 = arith.constant 0 : i32
    return %arg0, %c0_i32 : i32, i32
  }
  func.func @transform_5(%arg0: i32) -> (i32, i32) {
    %c0_i32 = arith.constant 0 : i32
    %c0_i32_0 = arith.constant 0 : i32
    %c0_i32_1 = arith.constant 0 : i32
    return %c0_i32, %c0_i32_0 : i32, i32
  }
  func.func @transform_6(%arg0: i32) -> (i32, i32) {
    %c0_i32 = arith.constant 0 : i32
    %c0_i32_0 = arith.constant 0 : i32
    %c0_i32_1 = arith.constant 0 : i32
    return %c0_i32, %c0_i32_0 : i32, i32
  }
  func.func @transform_7(%arg0: i32) -> (i32, i32) {
    %c0_i32 = arith.constant 0 : i32
    %c0_i32_0 = arith.constant 0 : i32
    %c0_i32_1 = arith.constant 0 : i32
    return %c0_i32, %c0_i32_0 : i32, i32
  }
  func.func @transform_8(%arg0: i32) -> (i32, i32) {
    %c0_i32 = arith.constant 0 : i32
    %c0_i32_0 = arith.constant 0 : i32
    %c0_i32_1 = arith.constant 0 : i32
    return %c0_i32, %c0_i32_0 : i32, i32
  }
  func.func @transform_9(%arg0: i32) -> (i32, i32) {
    %c0_i32 = arith.constant 0 : i32
    %c0_i32_0 = arith.constant 0 : i32
    %c0_i32_1 = arith.constant 0 : i32
    return %c0_i32, %c0_i32_0 : i32, i32
  }
  func.func @transform_10(%arg0: i32) -> (i32, i32) {
    %c0_i32 = arith.constant 0 : i32
    %c0_i32_0 = arith.constant 0 : i32
    %c0_i32_1 = arith.constant 0 : i32
    return %c0_i32, %c0_i32_0 : i32, i32
  }
  func.func @transform_11(%arg0: i32) -> (i32, i32) {
    %c0_i32 = arith.constant 0 : i32
    %c0_i32_0 = arith.constant 0 : i32
    %c0_i32_1 = arith.constant 0 : i32
    return %c0_i32, %c0_i32_0 : i32, i32
  }
}

module attributes {stable_mosaic.version = 14 : i64} {
  func.func @body(%arg0: memref<1x128xf32, #tpu.memory_space<vmem>>, %arg1: memref<128x256xf32, #tpu.memory_space<vmem>>, %arg2: memref<1x256xf32, #tpu.memory_space<vmem>>, %arg3: memref<256x8xf32, #tpu.memory_space<vmem>>, %arg4: memref<1x8xf32, #tpu.memory_space<vmem>>, %arg5: memref<1x8xf32, #tpu.memory_space<vmem>>) attributes {dimension_semantics = [], scalar_prefetch = 0 : i64, scratch_operands = 0 : i64, tpu.core_type = #tpu.core_type<tc>} {
    %get3A = arith.constant 0 : index
    %get3A_0 = arith.constant 0 : index
    %get3A_1 = vector.load %arg0[%get3A, %get3A_0] : memref<1x128xf32, #tpu.memory_space<vmem>>, vector<1x128xf32>
    %mul3A = arith.constant 2.000000e-05 : f32
    %mul3A_2 = vector.broadcast %mul3A : f32 to vector<1x128xf32>
    %mul3A_3 = arith.mulf %get3A_1, %mul3A_2 : vector<1x128xf32>
    %get3A_4 = arith.constant 0 : index
    %get3A_5 = arith.constant 0 : index
    %get3A_6 = vector.load %arg1[%get3A_4, %get3A_5] : memref<128x256xf32, #tpu.memory_space<vmem>>, vector<128x256xf32>
    %dot_general3A = arith.constant dense<0.000000e+00> : vector<1x256xf32>
    %dot_general3A_7 = tpu.matmul %mul3A_3, %get3A_6, %dot_general3A {dimension_numbers = #tpu.dot_dimension_numbers<[1], [0], [0], [1], [0, 0, 1, 1], [], []>, transpose_lhs_hint = false} : vector<1x128xf32>, vector<128x256xf32>, vector<1x256xf32> -> vector<1x256xf32>
    %get3A_8 = arith.constant 0 : index
    %get3A_9 = arith.constant 0 : index
    %get3A_10 = vector.load %arg2[%get3A_8, %get3A_9] : memref<1x256xf32, #tpu.memory_space<vmem>>, vector<1x256xf32>
    %add3A = arith.addf %dot_general3A_7, %get3A_10 : vector<1x256xf32>
    %max3A = arith.constant 0.000000e+00 : f32
    %max3A_11 = vector.broadcast %max3A : f32 to vector<1x256xf32>
    %max3A_12 = arith.maximumf %add3A, %max3A_11 : vector<1x256xf32>
    %get3A_13 = arith.constant 0 : index
    %get3A_14 = arith.constant 0 : index
    %get3A_15 = vector.load %arg3[%get3A_13, %get3A_14] : memref<256x8xf32, #tpu.memory_space<vmem>>, vector<256x8xf32>
    %dot_general3A_16 = arith.constant dense<0.000000e+00> : vector<1x8xf32>
    %dot_general3A_17 = tpu.matmul %max3A_12, %get3A_15, %dot_general3A_16 {dimension_numbers = #tpu.dot_dimension_numbers<[1], [0], [0], [1], [0, 0, 1, 1], [], []>, transpose_lhs_hint = false} : vector<1x256xf32>, vector<256x8xf32>, vector<1x8xf32> -> vector<1x8xf32>
    %get3A_18 = arith.constant 0 : index
    %get3A_19 = arith.constant 0 : index
    %get3A_20 = vector.load %arg4[%get3A_18, %get3A_19] : memref<1x8xf32, #tpu.memory_space<vmem>>, vector<1x8xf32>
    %add3A_21 = arith.addf %dot_general3A_17, %get3A_20 : vector<1x8xf32>
    %swap3A = arith.constant 0 : index
    %swap3A_22 = arith.constant 0 : index
    %swap3A_23 = vector.load %arg5[%swap3A, %swap3A_22] : memref<1x8xf32, #tpu.memory_space<vmem>>, vector<1x8xf32>
    tpu.vector_store %arg5[%swap3A, %swap3A_22], %add3A_21 {strides = array<i32>} : memref<1x8xf32, #tpu.memory_space<vmem>>, vector<1x8xf32>,
    return
  }
}

</mosaic_0001>

<sc_bundles>
// kernel: kernel.12.cloned.1.call-start
scs
__scs_entry_jumppad:
0x0: {  	(pc) =	sbr.rel $0x88, $3  }
0x1: {  	(tag) =	ssettag $0x0;
	lr =	simm.s32 $0x1  }
0x2: {  	[smem:$0x3F8C] =	sst lr;
	_ =	strace $0xD0000000  }
0x3: {  	_ = 	snop  }
0x4: {  	_ = 	snop  }
0x5: {  	_ = 	snop  }
0x6: {  	_ = 	snop  }
0x7: {  	_ = 	snop  }
__scs_overlays_trampoline_lowered:
0x8: {  	[smem:$0x3F9B] =	sst s0  }
0x9: {  	[smem:$0x3F9C] =	sst s1  }
0xa: {  	[smem:$0x3F9D] =	sst s2  }
0xb: {  	[smem:$0x3F9E] =	sst s3  }
0xc: {  	[smem:$0x3F9F] =	sst s4  }
0xd: {  	[smem:$0x3FA0] =	sst s5  }
0xe: {  	[smem:$0x3FA1] =	sst s6  }
0xf: {  	[smem:$0x3FA2] =	sst s7  }
0x10: {  	[smem:$0x3FA3] =	sst s8  }
0x11: {  	[smem:$0x3FA4] =	sst s9;
	s0 =	simm.s32 @!p0 $0x0  }
0x12: {  	s1 =	sld [smem:$0x3F8A];
	s0 =	simm.s32 @p0 $0x1  }
0x13: {  	[smem:$0x3FA5] =	sst s0;
	s0 =	simm.s32 @!p1 $0x0  }
0x14: {  	s2 =	sld [smem:$0x3F89];
	s0 =	simm.s32 @p1 $0x1  }
0x15: {  	[smem:$0x3FA6] =	sst s0;
	s0 =	simm.s32 @!p2 $0x0  }
0x16: {  	s3 =	sld [smem:$0x3FDB];
	s0 =	simm.s32 @p2 $0x1  }
0x17: {  	s4 =	simm.s32 $0x1BF5;
	[smem:$0x3FA8] =	sst s0  }
0x18: {  	s0 =	sld [smem:$0x3F8B];
	_ =	swait.ge [sflag:s4], $0x0  }
0x19: {  	s7 =	sld [smem:$0x3F8C]  }
0x1a: {  	s8 =	sadd.s32 $0xFFFFE003, lr  }
0x1b: {  	s9 =	sadd.s32 $0xFFFFFEF7, lr;
	s5 =	simm.s32 $0xFFFFFFFF;
	p2 =	slt.u32 s8, $0xFFFFF086  }
0x1c: {  	p1 =	slt.u32 s9, $0xF7A;
	s5 =	simm.s32 @!p2 $0x0  }
0x1d: {  	s5 =	simm.s32 @p1 $0x1;
	p0 =	seq.s32 s7, s2  }
0x1e: {  	s7 =	smul.u32 @!p0 $0xF7A, s2;
	p2 =	seq.s32 @!p0 s5, $0x0  }
0x1f: {  	s9 =	smul.u32 $0xF7A, s1;
	s8 =	simm.s32 @!p0 $0x1BF5;
	p2 =	por !p2, p0  }
0x20: {  	[sflag:s8] =	ssyncset.s32 @!p0 $0xFFFFF086;
	s6 =	sadd.s32 @!p0 s3, s7;
	s7 =	simm.s32 @!p0 $0x108  }
0x21: {  	s3 =	sadd.s32 s3, s9;
	s6 =	sadd.s32 @!p0 $0x88, s6;
	s7 =	simm.s32 @p2 $0x1082  }
0x22: {  	[simem:s7], [sflag:s8] =	dma.local @!p0 [hbm:s6], $0xF7A  }
0x23: {  	s9 =	sor.u32 $0xD0000000, s2;
	s6 =	simm.s32 $0x108;
	_ =	swait.ge @!p0 [sflag:s8], $0x0  }
0x24: {  	s3 =	sadd.s32 $0x88, s3;
	s6 =	simm.s32 @!p1 $0x1082;
	[sflag:s4] =	ssyncset.s32 $0xFFFFF086  }
0x25: {  	[simem:s6], [sflag:s4] =	dma.local [hbm:s3], $0xF7A  }
0x26: {  	[smem:$0x3F8C] =	sst s1;
	(tag) =	ssettag s2;
	_ =	strace s9  }
0x27: {  	s1 =	sld [smem:$0x3F9C]  }
0x28: {  	s2 =	sld [smem:$0x3F9D]  }
0x29: {  	s4 =	sld [smem:$0x3F9F]  }
0x2a: {  	p0 =	seq.s32 s5, $0x0;
	s5 =	sld [smem:$0x3FA0]  }
0x2b: {  	s6 =	sld [smem:$0x3FA1]  }
0x2c: {  	s7 =	sld [smem:$0x3FA2]  }
0x2d: {  	s3 =	simm.s32 $0x108;
	s8 =	sld [smem:$0x3FA3]  }
0x2e: {  	s3 =	simm.s32 @!p0 $0x1082;
	s9 =	sld [smem:$0x3FA4]  }
0x2f: {  	lr =	sadd.s32 s0, s3;
	s0 =	sld [smem:$0x3F9B]  }
0x30: {  	s3 =	sld [smem:$0x3F9E]  }
0x31: {  	[smem:$0x3FA7] =	sst s10  }
0x32: {  	s10 =	sld [smem:$0x3FA5];
	_ =	sdelay $0x3  }
0x33: {  	p0 =	seq.s32 s10, $0x1;
	s10 =	sld [smem:$0x3FA7];
	_ =	sdelay $0x3  }
0x34: {  	[smem:$0x3FA7] =	sst s10  }
0x35: {  	s10 =	sld [smem:$0x3FA6];
	_ =	sdelay $0x3  }
0x36: {  	p1 =	seq.s32 s10, $0x1;
	s10 =	sld [smem:$0x3FA7];
	_ =	sdelay $0x3  }
0x37: {  	[smem:$0x3FA7] =	sst s10  }
0x38: {  	s10 =	sld [smem:$0x3FA8]  }
0x39: {  	_ = 	snop;
	(pc) =	sbr.ind lr, $3  }
0x3a: {  	_ = 	snop  }
0x3b: {  	_ = 	snop  }
0x3c: {  	p2 =	seq.s32 s10, $0x1;
	s10 =	sld [smem:$0x3FA7]  }
0x3d: {  	_ =	shalt  }
0x3e: {  	_ =	shalt  }
0x3f: {  	_ =	shalt  }
0x40: {  	_ =	shalt  }
0x41: {  	_ =	shalt  }
0x42: {  	_ =	shalt  }
0x43: {  	_ =	shalt  }
0x44: {  	_ =	shalt  }
0x45: {  	_ =	shalt  }
0x46: {  	_ =	shalt  }
0x47: {  	_ =	shalt  }
0x48: {  	_ =	shalt  }
0x49: {  	_ =	shalt  }
0x4a: {  	_ =	shalt  }
0x4b: {  	_ =	shalt  }
0x4c: {  	_ =	shalt  }
0x4d: {  	_ =	shalt  }
0x4e: {  	_ =	shalt  }
0x4f: {  	_ =	shalt  }
0x50: {  	_ =	shalt  }
0x51: {  	_ =	shalt  }
0x52: {  	_ =	shalt  }
0x53: {  	_ =	shalt  }
0x54: {  	_ =	shalt  }
0x55: {  	_ =	shalt  }
0x56: {  	_ =	shalt  }
0x57: {  	_ =	shalt  }
0x58: {  	_ =	shalt  }
0x59: {  	_ =	shalt  }
0x5a: {  	_ =	shalt  }
0x5b: {  	_ =	shalt  }
0x5c: {  	_ =	shalt  }
0x5d: {  	_ =	shalt  }
0x5e: {  	_ =	shalt  }
0x5f: {  	_ =	shalt  }
0x60: {  	_ =	shalt  }
0x61: {  	_ =	shalt  }
0x62: {  	_ =	shalt  }
0x63: {  	_ =	shalt  }
0x64: {  	_ =	shalt  }
0x65: {  	_ =	shalt  }
0x66: {  	_ =	shalt  }
0x67: {  	_ =	shalt  }
0x68: {  	_ =	shalt  }
0x69: {  	_ =	shalt  }
0x6a: {  	_ =	shalt  }
0x6b: {  	_ =	shalt  }
0x6c: {  	_ =	shalt  }
0x6d: {  	_ =	shalt  }
0x6e: {  	_ =	shalt  }
0x6f: {  	_ =	shalt  }
0x70: {  	_ =	shalt  }
0x71: {  	_ =	shalt  }
0x72: {  	_ =	shalt  }
0x73: {  	_ =	shalt  }
0x74: {  	_ =	shalt  }
0x75: {  	_ =	shalt  }
0x76: {  	_ =	shalt  }
0x77: {  	_ =	shalt  }
0x78: {  	_ =	shalt  }
0x79: {  	_ =	shalt  }
0x7a: {  	_ =	shalt  }
0x7b: {  	_ =	shalt  }
0x7c: {  	_ =	shalt  }
0x7d: {  	_ =	shalt  }
0x7e: {  	_ =	shalt  }
0x7f: {  	_ =	shalt  }
0x80: {  	_ =	shalt  }
0x81: {  	_ =	shalt  }
0x82: {  	_ =	shalt  }
0x83: {  	_ =	shalt  }
0x84: {  	_ =	shalt  }
0x85: {  	_ =	shalt  }
0x86: {  	_ =	shalt  }
0x87: {  	_ =	shalt  }
.Lfunc_end0:
.L_simem_size_0:
called_computation.1_lowered:
.L_overlay_start_0:
0x88: {  	s2 =	sld [smem:$0x3FD9]  }
0x89: {  	s3 =	sld [smem:$0x3FFE];
	_ =	sdelay $0x1  }
0x8a: {  	s1 =	srdreg.scid  }
0x8b: {  	s0 =	sand.u32 $0x1, s1  }
0x8c: {  	s17 =	sshll.u32 s0, $0xA;
	s2 =	sadd.s32 s3, s2  }
0x8d: {  	s2 =	sadd.s32 s2, s17  }
0x8e: {  	[smem:$0x3FB3] =	sst s2  }
0x8f: {  	_ = 	snop  }
0x90: {  	(tm) =	ssettm $0x1  }
0x91: {  	s18 =	sld [smem:$0x3FFB];
	_ =	sdelay $0x3  }
0x92: {  	_ =	strace s18  }
0x93: {  	s2 =	sld [smem:$0x3FFC];
	_ =	sdelay $0x3  }
0x94: {  	_ =	strace s2  }
0x95: {  	s2 =	sld [smem:$0x3FFD];
	_ =	sdelay $0x3  }
0x96: {  	_ =	strace s2  }
0x97: {  	_ =	strace $0x8FFFFFFF  }
0x98: {  	s19 =	sld [smem:$0x3FDB];
	_ =	sdelay $0x1  }
0x99: {  	s20 =	simm.s32 $_scs_section_size  }
0x9a: {  	s4 =	simm.s32 $_size__tile_overlayer_lowered;
	s5 =	simm.s32 $_tile_overlayer_lowered  }
0x9b: {  	s6 =	simm.s32 $0x1BFF;
	s21 =	sshll.u32 s5, $0x1;
	s3 =	sadd.s32 s20, s19  }
0x9c: {  	s22 =	simm.s32 $0x0;
	s4 =	sshll.u32 s4, $0x1;
	s5 =	sadd.s32 s21, s3  }
0x9d: {  	[timem:s22], [sflag:s6] =	dma.local [hbm:s5], s4  }
0x9e: {  	_ =	swait.ge [sflag:s6], s4  }
0x9f: {  	s4 =	ssub.s32 $0x0, s4;
	[sflag:s6] =	ssyncset.done $0x0  }
0xa0: {  	[sflag:s6] =	ssyncadd.s32 s4;
	_ =	sdelay $0x1  }
0xa1: {  	s23 =	simm.s32 $0x1B8B  }
0xa2: {  	_ =	swait.ge [sflag:s23], $0x1  }
0xa3: {  	[sflag:s23] =	ssyncset.done $0x0  }
0xa4: {  	[sflag:s23] =	ssyncadd.s32 $0xFFFFFFFF  }
0xa5: {  	s4 =	sld [smem:$0x0]  }
0xa6: {  	s5 =	sand.u32 $0xFFFFFFFE, s1  }
0xa7: {  	p0 =	sne.s32 s1, s5  }
0xa8: {  	s5 =	sshll.u32 @p0 s5, $0xE  }
0xa9: {  	s5 =	sadd.s32 @p0 $0x11B8D, s5;
	s6 =	sshll.u32 @p0 s4, $0x11  }
0xaa: {  	s5 =	sor.u32 @p0 s6, s5  }
0xab: {  	[sflag:s5] =	ssyncadd.remote.s32 @p0 $0x1;
	_ =	sdelay $0x1  }
0xac: {  	s5 =	simm.s32 @p0 $0x1B8D  }
0xad: {  	_ =	swait.eq @p0 [sflag:s5], $0x1  }
0xae: {  	[sflag:s5] =	ssyncadd.s32 @p0 $0xFFFFFFFF  }
0xaf: {  	s6 =	sshll.u32 @!p0 s1, $0xE  }
0xb0: {  	s6 =	sor.u32 @!p0 $0x4000, s6;
	s5 =	simm.s32 @!p0 $0x1B8D  }
0xb1: {  	s4 =	sshll.u32 @!p0 s4, $0x11;
	s6 =	sadd.s32 @!p0 $0x11B8D, s6;
	_ =	swait.eq @!p0 [sflag:s5], $0x1  }
0xb2: {  	s4 =	sor.u32 @!p0 s4, s6;
	[sflag:s5] =	ssyncadd.s32 @!p0 $0xFFFFFFFF  }
0xb3: {  	s25 =	simm.s32 $0x1B8E;
	s24 =	sld [smem:$0x3FFE];
	[sflag:s4] =	ssyncadd.remote.s32 @!p0 $0x1  }
0xb4: {  	s26 =	simm.s32 $execute0_lowered;
	[smem:$0x3FD2] =	sst s25  }
0xb5: {  	s5 =	sshll.u32 s26, $0x1;
	_ =	strace $0x80000049;
	[dreg:$0x1] =	wrdreg $0xFFFFFFFF  }
0xb6: {  	s28 =	simm.s32 $_size_execute0_lowered;
	s3 =	sadd.s32 s3, s5;
	[dreg:$0x0] =	wrdreg $0x0  }
0xb7: {  	s5 =	sshll.u32 s28, $0x1;
	[dreg:$0x2] =	wrdreg s3  }
0xb8: {  	[dreg:$0x3] =	wrdreg s5  }
0xb9: {  	[dreg:$0x4] =	wrdreg $0xC0  }
0xba: {  	_ =	task [dreg:s22], $0x5FFFF  }
0xbb: {  	[dreg:$0x1] =	wrdreg $0xFFFFFFFF  }
0xbc: {  	[dreg:$0x0] =	wrdreg $0x60  }
0xbd: {  	[dreg:$0x2] =	wrdreg s24  }
0xbe: {  	[dreg:$0x3] =	wrdreg $0x130000  }
0xbf: {  	[dreg:$0x4] =	wrdreg $0xA  }
0xc0: {  	_ =	task.clear_ibuf [dreg:s22], $0x5FFFF;
	_ =	strace $0x90000049  }
0xc1: {  	s29 =	simm.s32 $0xA;
	_ =	strace $0x8000004B  }
0xc2: {  	_ =	swait.ge [sflag:s29], $0x1  }
0xc3: {  	[sflag:s29] =	ssyncadd.s32 $0xFFFFFFFF  }
0xc4: {  	_ =	strace $0x9000004B  }
0xc5: {  	_ =	sfence  }
0xc6: {  	s30 =	sld [smem:$0x0];
	_ =	sdelay $0x2  }
0xc7: {  	s31 =	sshll.u32 s1, $0xD;
	s1 =	sshrl.u32 s1, $0x2  }
0xc8: {  	s4 =	sand.u32 $0x4000, s31;
	s1 =	sadd.s32 s1, s30  }
0xc9: {  	s0 =	sor.u32 s4, s0;
	s1 =	sshll.u32 s1, $0x11  }
0xca: {  	s0 =	sor.u32 s1, s0  }
0xcb: {  	s0 =	sadd.s32 $0x8F2B, s0  }
0xcc: {  	[sflag:s0] =	ssyncadd.remote.s32 $0x1  }
0xcd: {  	_ =	sfence.sel $0xFFFF  }
0xce: {  	[dreg:$0x0] =	wrdreg $0xFFFFFFFF;
	(pc) =	sbr.abs _section_cstart, $3  }
0xcf: {  	[dreg:$0x1] =	wrdreg $0xFFFFFFFF  }
0xd0: {  	_ =	task.clear_ibuf [dreg:s22], $0x2FFFF;
	_ =	strace $0x9FFFFFFF  }
0xd1: {  	(tm) =	ssettm $0x7FFFFFFF  }
tec
execute0_lowered:
.L_overlay_start_1:
0x0: {  	(tag) =	ssettag $0x1  }
0x1: {  	s0 =	rddreg [dreg:$0x0]  }
0x2: {  	s2 =	rddreg [dreg:$0x1];
	s7 =	simm.s32 $0x0  }
0x3: {  	[smem:$0x7FF] =	sst s7;
	s5 =	sadd.s32 $0x158400, s0  }
0x4: {  	s8 =	sadd.s32 $0x21C400, s0;
	_ =	strace $0x8000004A;
	[dreg:$0x4] =	wrdreg s5  }
0x5: {  	s14 =	sadd.s32 $0x158800, s0;
	[dreg:$0x5] =	wrdreg s8  }
0x6: {  	s9 =	srdreg.scid;
	s15 =	sadd.s32 $0x158C00, s0;
	[dreg:$0xa] =	wrdreg s14  }
0x7: {  	s13 =	sand.u32 $0x1, s9;
	[dreg:$0xb] =	wrdreg s15  }
0x8: {  	s16 =	sadd.s32 $0x159400, s0;
	[dreg:$0x9] =	wrdreg s13  }
0x9: {  	s17 =	sadd.s32 $0x159800, s0;
	[dreg:$0xc] =	wrdreg s16  }
0xa: {  	s9 =	sadd.s32 $0x159C00, s0;
	[dreg:$0xd] =	wrdreg s17  }
0xb: {  	s19 =	sadd.s32 $0x21C800, s0;
	[dreg:$0xe] =	wrdreg s9  }
0xc: {  	s20 =	sadd.s32 $0x21CC00, s0;
	[dreg:$0xf] =	wrdreg s19  }
0xd: {  	s21 =	sadd.s32 $0x159000, s0;
	[dreg:$0x10] =	wrdreg s20  }
0xe: {  	s6 =	stileid.u32;
	s22 =	sadd.s32 $0x21D000, s0;
	[dreg:$0x11] =	wrdreg s21  }
0xf: {  	s1 =	smul.u32 $0x31000, s6;
	s23 =	sadd.s32 $0x21D400, s0;
	[dreg:$0x12] =	wrdreg s22  }
0x10: {  	s11 =	smul.u32 $0x188, s6;
	s24 =	sadd.s32 $0x21D800, s0;
	[dreg:$0x13] =	wrdreg s23  }
0x11: {  	s4 =	sadd.s32 $0x74E00, s0;
	s3 =	sshll.u32 s6, $0xC;
	[dreg:$0x14] =	wrdreg s24  }
0x12: {  	s3 =	sadd.s32 s3, s0;
	s0 =	sadd.s32 $0x21DC00, s0;
	[dreg:$0x7] =	wrdreg s11  }
0x13: {  	s1 =	sshrl.u32 s1, $0x2;
	s12 =	sadd.s32 $0x138400, s3;
	[dreg:$0x15] =	wrdreg s0  }
0x14: {  	s3 =	sadd.s32 $0x148400, s3;
	s8 =	sadd.s32 s1, s2;
	[dreg:$0x1c] =	wrdreg s12  }
0x15: {  	[dreg:$0x1d] =	wrdreg s3;
	s26 =	sadd.s32 $0x4000, s8  }
0x16: {  	s28 =	sadd.s32 $0x6000, s8;
	[dreg:$0x17] =	wrdreg s26  }
0x17: {  	s29 =	sadd.s32 $0x8000, s8;
	[dreg:$0x18] =	wrdreg s28  }
0x18: {  	s1 =	ssub.s32 $0x2, s13;
	s5 =	smov.u32 s8;
	[dreg:$0x19] =	wrdreg s29  }
.Ltmp0:
0x19: {  	s10 =	sadd.s32 $0x2000, s8;
	[dreg:$0x6] =	wrdreg s5;
	(pc) =	sbr.rel .LBB2_1-.Ltmp0, $4  }
0x1a: {  	s18 =	sshrl.u32 s1, $0x1;
	s30 =	sadd.s32 $0xA000, s8;
	[dreg:$0x8] =	wrdreg s10  }
0x1b: {  	s31 =	sadd.s32 $0xC000, s8;
	s1 =	ssub.s32 s1, s18;
	[dreg:$0x1a] =	wrdreg s30  }
0x1c: {  	[dreg:$0x1b] =	wrdreg s31;
	s25 =	smax.u32 s1, $0x1  }
0x1d: {  	v0 =	vimm.f32 $0.0e+00;
	v1 =	vimm.s32 $0x0;
	v2 =	vimm.s32 $0x1880;
	s19 =	simm.s32 $0x3000;
	s18 =	simm.s32 $0x1000;
	[dreg:$0x16] =	wrdreg s25  }
.LBB2_35:
0x1e: {  	s7 =	rddreg [dreg:$0x3]  }
0x1f: {  	s0 =	rddreg [dreg:$0x16];
	s7 =	sadd.s32 $0x1, s7  }
0x20: {  	p0 =	sne.s32 s7, s0  }
.Ltmp1:
0x21: {  	_ = 	snop;
	(pc) =	sbr.rel @!p0 .LBB2_36-.Ltmp1, $1  }
0x22: {  	_ =	sdelay $0x3  }
.LBB2_1:
0x23: {  	[dreg:$0x3] =	wrdreg s7;
	s0 =	simm.s32 $0x0;
	s1 =	simm.s32 $0x200  }
.LBB2_2:
0x24: {  	p0 =	sne.s32 s1, $0x7E00;
	[tilespmem:s0+$0x11070] =	vst v0  }
0x25: {  	[tilespmem:s0+$0x11000] =	vst v0  }
0x26: {  	[tilespmem:s0+$0x11010] =	vst v0  }
.Ltmp2:
0x27: {  	[tilespmem:s0+$0x11020] =	vst v0;
	(pc) =	sbr.rel @p0 .LBB2_2-.Ltmp2, $4  }
0x28: {  	[tilespmem:s0+$0x11030] =	vst v0  }
0x29: {  	[tilespmem:s0+$0x11040] =	vst v0  }
0x2a: {  	[tilespmem:s0+$0x11050] =	vst v0  }
0x2b: {  	[tilespmem:s0+$0x11060] =	vst v0;
	s0 =	sshra.s32 s1, $0x2;
	s1 =	sadd.s32 $0x200, s1  }
0x2c: {  	[tilespmem:s0+$0x11070] =	vst v0  }
0x2d: {  	[tilespmem:s0+$0x11000] =	vst v0;
	s8 =	rddreg [dreg:$0x17]  }
0x2e: {  	[tilespmem:s0+$0x11010] =	vst v0;
	s9 =	rddreg [dreg:$0x18]  }
.Ltmp3:
0x2f: {  	[tilespmem:s0+$0x11020] =	vst v0;
	s7 =	rddreg [dreg:$0x19];
	(pc) =	sbr.rel .LBB2_4-.Ltmp3, $4  }
0x30: {  	[tilespmem:s0+$0x11030] =	vst v0;
	s6 =	rddreg [dreg:$0x1a]  }
0x31: {  	[tilespmem:s0+$0x11040] =	vst v0;
	s28 =	simm.s32 $0x0;
	s1 =	rddreg [dreg:$0x1b];
	s12 =	simm.s32 $0x1  }
0x32: {  	[tilespmem:s0+$0x11050] =	vst v0;
	s13 =	simm.s32 $0x2;
	s20 =	simm.s32 $0x3;
	s21 =	simm.s32 $0x4  }
0x33: {  	[tilespmem:s0+$0x11060] =	vst v0;
	s22 =	simm.s32 $0x5;
	s23 =	simm.s32 $0x6;
	s24 =	simm.s32 $0x7  }
.LBB2_18:
0x34: {  	s0 =	rddreg [dreg:$0x7];
	[bflag:$0x0] =	sbarrier.arrive $0xFFFF  }
0x35: {  	s1 =	stileid.u32;
	s0 =	sadd.s32 s0, s3;
	s23 =	rddreg [dreg:$0x4]  }
0x36: {  	s1 =	sshll.u32 s1, $0x6;
	s5 =	rddreg [dreg:$0x6];
	s0 =	sshll.u32 s0, $0x4  }
0x37: {  	s31 =	sor.u32 $0x1C01, s1;
	s29 =	sshrl.u32 s5, $0x3;
	s3 =	sadd.s32 s23, s0  }
0x38: {  	[hbm:s3], [sflag:s31] =	dma.local [spmem:s29], $0x400  }
0x39: {  	s3 =	rddreg [dreg:$0xa]  }
0x3a: {  	s6 =	sor.u32 $0x1C02, s1;
	s10 =	rddreg [dreg:$0x8]  }
0x3b: {  	[smem:$0x7FD] =	sst s6;
	s3 =	sadd.s32 s0, s3;
	s25 =	sshrl.u32 s10, $0x3  }
0x3c: {  	[hbm:s3], [sflag:s6] =	dma.local [spmem:s25], $0x400  }
0x3d: {  	s8 =	smov.u32 s17;
	s3 =	rddreg [dreg:$0xb]  }
0x3e: {  	s17 =	sshrl.u32 s17, $0x3;
	s26 =	sor.u32 $0x1C03, s1;
	s3 =	sadd.s32 s0, s3  }
0x3f: {  	[hbm:s3], [sflag:s26] =	dma.local [spmem:s17], $0x400  }
0x40: {  	s3 =	rddreg [dreg:$0x11]  }
0x41: {  	s15 =	sshrl.u32 s30, $0x3;
	s14 =	sor.u32 $0x1C04, s1;
	s3 =	sadd.s32 s0, s3  }
0x42: {  	[hbm:s3], [sflag:s14] =	dma.local [spmem:s15], $0x400  }
0x43: {  	s7 =	rddreg [dreg:$0x19]  }
0x44: {  	s3 =	rddreg [dreg:$0xc];
	s24 =	sshrl.u32 s7, $0x3  }
0x45: {  	s16 =	sor.u32 $0x1C05, s1;
	s3 =	sadd.s32 s0, s3;
	[dreg:$0x1e] =	wrdreg s24  }
0x46: {  	[hbm:s3], [sflag:s16] =	dma.local [spmem:s24], $0x400  }
0x47: {  	s3 =	rddreg [dreg:$0xd]  }
0x48: {  	s9 =	smov.u32 s30;
	s11 =	sor.u32 $0x1C06, s1;
	s6 =	rddreg [dreg:$0x1a]  }
0x49: {  	[dreg:$0x1f] =	wrdreg s11;
	s3 =	sadd.s32 s0, s3;
	s30 =	sshrl.u32 s6, $0x3  }
0x4a: {  	[hbm:s3], [sflag:s11] =	dma.local [spmem:s30], $0x400  }
0x4b: {  	s3 =	rddreg [dreg:$0xe]  }
0x4c: {  	s0 =	sadd.s32 s0, s3;
	s3 =	sor.u32 $0x1C07, s1;
	s1 =	rddreg [dreg:$0x1b]  }
0x4d: {  	s12 =	sshrl.u32 s1, $0x3  }
0x4e: {  	[hbm:s0], [sflag:s3] =	dma.local [spmem:s12], $0x80  }
0x4f: {  	s0 =	smov.u32 s12;
	s12 =	simm.s32 $0x1  }
0x50: {  	_ =	swait.ge [sflag:s12], $0x400  }
0x51: {  	[sflag:s12] =	ssyncset.done $0x0  }
0x52: {  	s13 =	simm.s32 $0x2;
	[sflag:s12] =	ssyncadd.s32 $0xFFFFFC00  }
0x53: {  	_ =	swait.ge [sflag:s13], $0x400  }
0x54: {  	[sflag:s13] =	ssyncset.done $0x0  }
0x55: {  	s20 =	simm.s32 $0x3;
	[sflag:s13] =	ssyncadd.s32 $0xFFFFFC00  }
0x56: {  	_ =	swait.ge [sflag:s20], $0x400  }
0x57: {  	[sflag:s20] =	ssyncset.done $0x0  }
0x58: {  	s21 =	simm.s32 $0x4;
	[sflag:s20] =	ssyncadd.s32 $0xFFFFFC00  }
0x59: {  	_ =	swait.ge [sflag:s21], $0x400  }
0x5a: {  	[sflag:s21] =	ssyncset.done $0x0  }
0x5b: {  	s22 =	simm.s32 $0x5;
	[sflag:s21] =	ssyncadd.s32 $0xFFFFFC00  }
0x5c: {  	_ =	swait.ge [sflag:s22], $0x400  }
0x5d: {  	[sflag:s22] =	ssyncset.done $0x0  }
0x5e: {  	s23 =	simm.s32 $0x6;
	[sflag:s22] =	ssyncadd.s32 $0xFFFFFC00  }
0x5f: {  	_ =	swait.ge [sflag:s23], $0x400  }
0x60: {  	s28 =	sadd.s32 $0x1, s28;
	[sflag:s23] =	ssyncset.done $0x0  }
0x61: {  	p0 =	sne.s32 s28, $0x4;
	s24 =	simm.s32 $0x7;
	[sflag:s23] =	ssyncadd.s32 $0xFFFFFC00  }
.Ltmp4:
0x62: {  	_ =	swait.ge [sflag:s24], $0x80;
	(pc) =	sbr.rel @!p0 .LBB2_19-.Ltmp4, $4  }
0x63: {  	[sflag:s24] =	ssyncset.done $0x0  }
0x64: {  	[sflag:s24] =	ssyncadd.s32 $0xFFFFFF80  }
0x65: {  	[bflag:$0x0] =	sbarrier.arrive $0xFFFF  }
0x66: {  	s11 =	simm.s32 $0x0  }
.LBB2_4:
0x67: {  	s0 =	simm.s32 $0x11000  }
0x68: {  	[spmem:s5] =	stream.linear.scatter [tilespmem:s0], [sflag:$0x1], $0x2000, $0x38;
	[tilespmem:$0x1F480] =	vst v63  }
0x69: {  	_ = 	snop  }
0x6a: {  	[spmem:s10] =	stream.linear.scatter [tilespmem:s0], [sflag:$0x2], $0x2000, $0x38;
	[tilespmem:$0x1F480] =	vst v63  }
0x6b: {  	_ = 	snop  }
0x6c: {  	[spmem:s8] =	stream.linear.scatter [tilespmem:s0], [sflag:$0x3], $0x2000, $0x38;
	[tilespmem:$0x1F480] =	vst v63  }
0x6d: {  	_ = 	snop  }
0x6e: {  	[spmem:s9] =	stream.linear.scatter [tilespmem:s0], [sflag:$0x4], $0x2000, $0x38;
	[tilespmem:$0x1F480] =	vst v63  }
0x6f: {  	_ = 	snop  }
0x70: {  	[spmem:s7] =	stream.linear.scatter [tilespmem:s0], [sflag:$0x5], $0x2000, $0x38;
	[tilespmem:$0x1F480] =	vst v63  }
0x71: {  	_ = 	snop  }
0x72: {  	[spmem:s6] =	stream.linear.scatter [tilespmem:s0], [sflag:$0x6], $0x2000, $0x38;
	[tilespmem:$0x1F480] =	vst v63  }
0x73: {  	_ = 	snop  }
0x74: {  	[spmem:s1] =	stream.linear.scatter [tilespmem:s0], [sflag:$0x7], $0x400, $0x38;
	[tilespmem:$0x1F480] =	vst v63  }
0x75: {  	_ =	swait.ge [sflag:s12], $0x2000  }
0x76: {  	[sflag:s12] =	ssyncset.done $0x0  }
0x77: {  	[sflag:s12] =	ssyncadd.s32 $0xFFFFE000  }
0x78: {  	_ =	swait.ge [sflag:s13], $0x2000  }
0x79: {  	[sflag:s13] =	ssyncset.done $0x0  }
0x7a: {  	[sflag:s13] =	ssyncadd.s32 $0xFFFFE000  }
0x7b: {  	_ =	swait.ge [sflag:s20], $0x2000  }
0x7c: {  	[sflag:s20] =	ssyncset.done $0x0  }
0x7d: {  	[sflag:s20] =	ssyncadd.s32 $0xFFFFE000  }
0x7e: {  	_ =	swait.ge [sflag:s21], $0x2000  }
0x7f: {  	[sflag:s21] =	ssyncset.done $0x0  }
0x80: {  	[sflag:s21] =	ssyncadd.s32 $0xFFFFE000  }
0x81: {  	_ =	swait.ge [sflag:s22], $0x2000  }
0x82: {  	[sflag:s22] =	ssyncset.done $0x0  }
0x83: {  	[sflag:s22] =	ssyncadd.s32 $0xFFFFE000  }
0x84: {  	_ =	swait.ge [sflag:s23], $0x2000  }
0x85: {  	[sflag:s23] =	ssyncset.done $0x0  }
0x86: {  	s29 =	sshll.u32 s28, $0x1;
	s31 =	rddreg [dreg:$0x9];
	[sflag:s23] =	ssyncadd.s32 $0xFFFFE000  }
.Ltmp5:
0x87: {  	s0 =	sor.u32 s31, s29;
	_ =	swait.ge [sflag:s24], $0x400;
	(pc) =	sbr.rel .LBB2_5-.Ltmp5, $4  }
0x88: {  	s17 =	smov.u32 s8;
	s3 =	smul.u32 $0x1880, s0;
	[sflag:s24] =	ssyncset.done $0x0  }
0x89: {  	s30 =	smov.u32 s9;
	s14 =	simm.s32 $0x80;
	[sflag:s24] =	ssyncadd.s32 $0xFFFFFC00  }
0x8a: {  	s15 =	simm.s32 $0x400;
	s0 =	sadd.s32 $0x1880, s3;
	[bflag:$0x0] =	sbarrier.arrive $0xFFFF  }
0x8b: {  	s16 =	simm.s32 $0xD;
	s7 =	simm.s32 $0x0;
	v3 =	vmov s3;
	v4 =	vmov s0;
	s10 =	rddreg [dreg:$0x1c]  }
.LBB2_11:
0x8c: {  	s13 =	simm.s32 $0x1000  }
.LBB2_16:
0x8d: {  	s9 =	smul.u32 $0xFFFFFFD0, s22;
	p1 =	por p1, !p0  }
0x8e: {  	[tilespmem:s21], [sflag:s11] =	stream.indirect.gather @!p1 [hbm4b:s4+s24], $0x80, s23, s24, $0xb8;
	[tilespmem:$0x1F480] =	vst v63  }
0x8f: {  	s9 =	sshra.s32 s9, $0x2  }
0x90: {  	s31 =	smul.u32 $0xFFFD0000, s22;
	p1 =	slt.u32 s20, $0xC;
	s0 =	sadd.s32 s9, s0  }
0x91: {  	_ =	swait.ge @!p1 [sflag:s0], $0x1000  }
0x92: {  	s11 =	simm.s32 @!p1 $0xD;
	s9 =	sshra.s32 s31, $0x2;
	[sflag:s0] =	ssyncset.done @!p1 $0x0  }
0x93: {  	s12 =	simm.s32 @!p1 $0x20;
	s8 =	sadd.s32 s9, s8;
	[sflag:s0] =	ssyncadd.s32 @!p1 $0xFFFFF000  }
0x94: {  	[spmem:s2] =	stream.indirect.scatter.add.f32 @!p1 [tilespmem:s8], [sflag:$0xD], $0x80, s6, s12, $0xb8;
	[tilespmem:$0x1F480] =	vst v63  }
0x95: {  	_ =	swait.ge @!p1 [sflag:s11], $0x1000  }
0x96: {  	p2 =	sge.s32 s20, s1;
	s6 =	sadd.s32 @p0 $0x80, s13;
	[sflag:s11] =	ssyncset.done @!p1 $0x0  }
0x97: {  	s1 =	simm.s32 @!p2 $0x20;
	s5 =	smov.u32 @p0 s6;
	[sflag:s11] =	ssyncadd.s32 @!p1 $0xFFFFF000  }
0x98: {  	[tilespmem:s8], [sflag:s0] =	stream.indirect.gather @!p2 [hbm4b:s4+s1], $0x80, s5, s1, $0xb8;
	[tilespmem:$0x1F480] =	vst v63  }
.LBB2_17:
0x99: {  	s7 =	sadd.s32 $0x1, s7  }
0x9a: {  	p0 =	sne.s32 s7, $0x8  }
.Ltmp6:
0x9b: {  	_ = 	snop;
	(pc) =	sbr.rel @!p0 .LBB2_18-.Ltmp6, $1  }
0x9c: {  	_ =	sdelay $0x3  }
.LBB2_5:
0x9d: {  	s0 =	sshll.u32 s7, $0x4  }
0x9e: {  	s1 =	simm.s32 $0x0;
	s0 =	sadd.s32 s0, s10  }
0x9f: {  	[tilespmem:s1], [sflag:$0xD] =	stream.strided.gather [hbm4b:s0+s14], $0x1000, s15, s14, $0x38;
	[tilespmem:$0x1F480] =	vst v63  }
0xa0: {  	_ =	swait.ge [sflag:s16], $0x1000  }
0xa1: {  	[sflag:s16] =	ssyncset.done $0x0  }
0xa2: {  	s5 =	simm.s32 $0x200;
	s0 =	simm.s32 $0x0;
	[sflag:s16] =	ssyncadd.s32 $0xFFFFF000  }
.LBB2_6:
0xa3: {  	p0 =	sne.s32 s5, $0x7E00;
	[tilespmem:s0+$0x3010] =	vst v2;
	s6 =	smov.u32 s5;
	s5 =	sadd.s32 $0x200, s5  }
.Ltmp7:
0xa4: {  	[tilespmem:s0+$0x1010] =	vst v1;
	(pc) =	sbr.rel @p0 .LBB2_6-.Ltmp7, $3  }
0xa5: {  	[tilespmem:s0+$0x1000] =	vst v1  }
0xa6: {  	[tilespmem:s0+$0x3000] =	vst v2;
	_ =	sdelay $0x1  }
0xa7: {  	s0 =	sshra.s32 s6, $0x2  }
0xa8: {  	[tilespmem:s0+$0x3010] =	vst v2  }
0xa9: {  	[tilespmem:s0+$0x1010] =	vst v1  }
0xaa: {  	[tilespmem:s0+$0x1000] =	vst v1  }
0xab: {  	[tilespmem:s0+$0x3000] =	vst v2;
	s29 =	sand.u32 $0x7F0, s1  }
0xac: {  	v5 =	vld [tilespmem:s29+$0x800];
	_ =	sdelay $0x4  }
0xad: {  	vm0 =	vge.s32 v5, v3;
	vm1 =	vlt.s32 v5, v4  }
0xae: {  	vm0 =	vmand vm0, vm1  }
0xaf: {  	v6 =	vsel vm0, $0x1, v1  }
0xb0: {  	(xrf0) =	vadd.scan.msk.s32 $0xffff, v6;
	_ =	sdelay $0x2  }
0xb1: {  	v6 =	vmov s1  }
0xb2: {  	v6 =	vadd.s32 $0xFFFFFFFF, v6  }
0xb3: {  	v6 =	vbroadcast v6, $0x0  }
0xb4: {  	v7, _, _ =	vpop (xrf0)  }
0xb5: {  	v6 =	vadd.s32 v7, v6;
	(v2sf) =	vpush v7, $0xF  }
0xb6: {  	v7 =	vshra.s32 v6, $0x1F  }
0xb7: {  	v7 =	vshrl.u32 v7, $0x1B  }
0xb8: {  	v7 =	vadd.s32 v7, v6  }
0xb9: {  	v7 =	vshra.s32 v7, $0x5  }
0xba: {  	v8 =	vshll.u32 v7, $0x5  }
0xbb: {  	vm15 =	vlt.s32 v6, $0x1;
	vm2 =	vne.s32 v6, v8  }
0xbc: {  	vm1 =	vmand vm15, vm2  }
0xbd: {  	v62 =	vsel vm1, $0xFFFFFFFF, v1  }
0xbe: {  	v7 =	vadd.s32 v62, v7  }
0xbf: {  	v6 =	vand.u32 $0x1F, v6;
	v7 =	vshll.u32 v7, $0x7  }
0xc0: {  	v63 =	vld [tilespmem:s1+$0x0];
	v6 =	vor.u32 v6, v7;
	_ =	sdelay $0x3  }
0xc1: {  	v5 =	vsub.s32 v5, v3;
	s31 =	spop (v2sf)  }
0xc2: {  	s6 =	simm.s32 $0x10;
	v7 =	vnsel vm0, $0x1880, v5;
	[tilespmem:v6+s18+$0x0] =	vst.idx.msk vm0, v63;
	s5 =	sadd.s32 $0x0, s31  }
0xc3: {  	s0 =	simm.s32 $0x20;
	s6 =	sand.u32 $0x7F0, s6;
	v5 =	vmov s5;
	[tilespmem:v6+s19+$0x0] =	vst.idx.msk vm0, v7  }
.LBB2_8:
0xc4: {  	p0 =	sne.s32 s0, $0x7F0;
	v6 =	vld [tilespmem:s6+$0x800];
	v5 =	vadd.s32 $0xFFFFFFFF, v5  }
0xc5: {  	v5 =	vbroadcast v5, $0x0;
	_ =	sdelay $0x3  }
0xc6: {  	vm0 =	vge.s32 v6, v3;
	vm1 =	vlt.s32 v6, v4;
	v6 =	vsub.s32 v6, v3  }
0xc7: {  	vm0 =	vmand vm0, vm1  }
0xc8: {  	v7 =	vsel vm0, $0x1, v1;
	v6 =	vnsel vm0, $0x1880, v6  }
0xc9: {  	(xrf0) =	vadd.scan.msk.s32 $0xffff, v7;
	_ =	sdelay $0x5  }
0xca: {  	v7, _, _ =	vpop (xrf0)  }
0xcb: {  	v5 =	vadd.s32 v7, v5;
	(v2sf) =	vpush v7, $0xF  }
0xcc: {  	v7 =	vshra.s32 v5, $0x1F;
	vm1 =	vlt.s32 v5, $0x1;
	v8 =	vand.u32 $0x1F, v5  }
0xcd: {  	v7 =	vshrl.u32 v7, $0x1B  }
0xce: {  	v7 =	vadd.s32 v7, v5  }
0xcf: {  	v7 =	vshra.s32 v7, $0x5  }
0xd0: {  	v9 =	vshll.u32 v7, $0x5  }
0xd1: {  	vm2 =	vne.s32 v5, v9  }
0xd2: {  	vm1 =	vmand vm1, vm2  }
0xd3: {  	v5 =	vsel vm1, $0xFFFFFFFF, v1  }
0xd4: {  	v5 =	vadd.s32 v5, v7  }
0xd5: {  	s1 =	sadd.s32 $0x10, s1;
	v5 =	vshll.u32 v5, $0x7  }
0xd6: {  	v7 =	vld [tilespmem:s1+$0x0];
	v8 =	vor.u32 v8, v5;
	_ =	sdelay $0x1  }
.Ltmp8:
0xd7: {  	(pc) =	sbr.rel @p0 .LBB2_8-.Ltmp8, $4  }
0xd8: {  	_ = 	snop  }
0xd9: {  	s6 =	spop (v2sf)  }
0xda: {  	[tilespmem:v8+s18+$0x0] =	vst.idx.msk vm0, v7;
	s5 =	sadd.s32 s5, s6  }
0xdb: {  	s6 =	sand.u32 $0x7F0, s0;
	s0 =	sadd.s32 $0x10, s0;
	v5 =	vmov s5;
	[tilespmem:v8+s19+$0x0] =	vst.idx.msk vm0, v6  }
0xdc: {  	v6 =	vld [tilespmem:s6+$0x800];
	_ =	sdelay $0x4  }
0xdd: {  	vm0 =	vge.s32 v6, v3;
	vm1 =	vlt.s32 v6, v4  }
0xde: {  	vm0 =	vmand vm0, vm1  }
0xdf: {  	v7 =	vsel vm0, $0x1, v1  }
0xe0: {  	(xrf0) =	vadd.scan.msk.s32 $0xffff, v7;
	_ =	sdelay $0x5  }
0xe1: {  	v7, _, _ =	vpop (xrf0)  }
0xe2: {  	(v2sf) =	vpush v7, $0xF;
	_ =	sdelay $0x8  }
0xe3: {  	v5 =	vadd.s32 $0xFFFFFFFF, v5  }
0xe4: {  	v5 =	vbroadcast v5, $0x0;
	_ =	sdelay $0x1  }
0xe5: {  	v5 =	vadd.s32 v7, v5  }
0xe6: {  	v7 =	vshra.s32 v5, $0x1F  }
0xe7: {  	v7 =	vshrl.u32 v7, $0x1B  }
0xe8: {  	v7 =	vadd.s32 v7, v5;
	s0 =	spop (v2sf)  }
0xe9: {  	v7 =	vshra.s32 v7, $0x5;
	s0 =	sadd.s32 s5, s0  }
0xea: {  	v8 =	vshll.u32 v7, $0x5;
	s0 =	sadd.s32 $0x1F, s0  }
0xeb: {  	s1 =	sadd.s32 $0x10, s1;
	vm15 =	vlt.s32 v5, $0x1;
	vm2 =	vne.s32 v5, v8;
	s29 =	sand.u32 $0x1F, s0  }
0xec: {  	vm1 =	vmand vm15, vm2;
	s31 =	sshra.s32 s0, $0x1F;
	p0 =	slt.s32 s0, $0x1;
	p1 =	sne.s32 s29, $0x0  }
0xed: {  	v63 =	vld [tilespmem:s1+$0x0];
	v62 =	vsel vm1, $0xFFFFFFFF, v1;
	s1 =	sshrl.u32 s31, $0x1B;
	p0 =	por !p0, !p1  }
0xee: {  	v7 =	vadd.s32 v62, v7;
	s0 =	sadd.s32 s1, s0;
	s1 =	simm.s32 $0x1;
	p0 =	por !p0, !p0  }
0xef: {  	v5 =	vand.u32 $0x1F, v5;
	v7 =	vshll.u32 v7, $0x7;
	s0 =	sshra.s32 s0, $0x5;
	s1 =	simm.s32 @!p0 $0x0  }
0xf0: {  	v5 =	vor.u32 v5, v7;
	s1 =	ssub.s32 s0, s1  }
0xf1: {  	p1 =	slt.s32 s1, $0xFFFFFFF5  }
.Ltmp9:
0xf2: {  	_ = 	snop;
	(pc) =	sbr.rel @p1 .LBB2_17-.Ltmp9, $4  }
0xf3: {  	_ = 	snop  }
0xf4: {  	v6 =	vsub.s32 v6, v3  }
0xf5: {  	v6 =	vnsel vm0, $0x1880, v6;
	[tilespmem:v5+s18+$0x0] =	vst.idx.msk vm0, v63  }
0xf6: {  	[tilespmem:v5+s19+$0x0] =	vst.idx.msk vm0, v6  }
0xf7: {  	s5 =	simm.s32 $0xFFFFFFFF  }
0xf8: {  	s5 =	simm.s32 @!p0 $0x0  }
0xf9: {  	s0 =	sadd.s32 s5, s0  }
0xfa: {  	s9 =	sadd.s32 $0xC, s0  }
0xfb: {  	p1 =	sne.s32 s9, $0x1  }
.Ltmp10:
0xfc: {  	_ = 	snop;
	(pc) =	sbr.rel @!p1 .LBB2_11-.Ltmp10, $4  }
0xfd: {  	s20 =	simm.s32 $0x0  }
0xfe: {  	s6 =	simm.s32 $0x2A00;
	s11 =	smulhi.u32 $0xAAAAAAAB, s20  }
0xff: {  	s8 =	simm.s32 $0x5000;
	s12 =	simm.s32 $0x1;
	p0 =	por $0x0, $0x0  }
0x100: {  	s5 =	simm.s32 $0x1000;
	s0 =	simm.s32 $0x1;
	s22 =	sshrl.u32 s11, $0x3  }
0x101: {  	s25 =	smov.u32 s28;
	s0 =	smul.u32 $0xFFFFFFD0, s22  }
0x102: {  	s20 =	simm.s32 $0x2;
	s29 =	smul.u32 $0xFFFD0000, s22;
	p0 =	por $0x1, $0x1  }
0x103: {  	p2 =	sne.s32 s9, $0x2;
	s8 =	simm.s32 $0x6000;
	s0 =	sshra.s32 s0, $0x2  }
0x104: {  	s31 =	smulhi.u32 $0xAAAAAAAB, s12;
	p1 =	sle.s32 s1, $0x0;
	s11 =	sadd.s32 $0x1, s0  }
0x105: {  	s23 =	simm.s32 $0x1000;
	s13 =	simm.s32 @!p0 $0xD;
	_ =	swait.ge @!p0 [sflag:s11], $0x1000  }
0x106: {  	s22 =	simm.s32 @!p0 $0x20;
	s0 =	sshra.s32 s29, $0x2;
	[sflag:s11] =	ssyncset.done @!p0 $0x0  }
.Ltmp11:
0x107: {  	s21 =	sadd.s32 $0x5000, s0;
	[sflag:s11] =	ssyncadd.s32 @!p0 $0xFFFFF000;
	(pc) =	sbr.rel @!p2 .LBB2_13-.Ltmp11, $4  }
0x108: {  	[spmem:s2] =	stream.indirect.scatter.add.f32 @!p0 [tilespmem:s21], [sflag:$0xD], $0x80, s6, s22, $0xb8;
	[tilespmem:$0x1F480] =	vst v63  }
0x109: {  	s24 =	simm.s32 @!p1 $0x20;
	s0 =	simm.s32 $0x2;
	_ =	swait.ge @!p0 [sflag:s13], $0x1000  }
0x10a: {  	s6 =	simm.s32 $0x2A80;
	s22 =	sshrl.u32 s31, $0x3;
	[sflag:s13] =	ssyncset.done @!p0 $0x0  }
0x10b: {  	[sflag:s13] =	ssyncadd.s32 @!p0 $0xFFFFF000;
	p0 =	por $0x1, $0x1;
	s13 =	simm.s32 $0x1000  }
.LBB2_14:
0x10c: {  	s26 =	smul.u32 $0xFFFFFFD0, s22;
	s13 =	sadd.s32 $0x80, s13;
	s28 =	smov.u32 s12  }
0x10d: {  	s12 =	smov.u32 s20;
	s20 =	sadd.s32 $0x1, s20;
	s29 =	smov.u32 s8  }
0x10e: {  	[tilespmem:s21], [sflag:s11] =	stream.indirect.gather @!p1 [hbm4b:s4+s24], $0x80, s23, s24, $0xb8;
	[tilespmem:$0x1F480] =	vst v63  }
0x10f: {  	p2 =	sne.s32 s9, s20;
	s23 =	smov.u32 s13;
	s11 =	sshra.s32 s26, $0x2  }
0x110: {  	s21 =	smul.u32 $0xFFFD0000, s22;
	p3 =	slt.u32 s28, $0xC;
	s11 =	sadd.s32 s11, s0  }
0x111: {  	s8 =	sadd.s32 $0x1000, s8;
	s24 =	simm.s32 @!p3 $0xD;
	_ =	swait.ge @!p3 [sflag:s11], $0x1000  }
0x112: {  	s22 =	simm.s32 @!p3 $0x20;
	s21 =	sshra.s32 s21, $0x2;
	[sflag:s11] =	ssyncset.done @!p3 $0x0  }
.Ltmp12:
0x113: {  	s21 =	sadd.s32 s21, s29;
	[sflag:s11] =	ssyncadd.s32 @!p3 $0xFFFFF000;
	(pc) =	sbr.rel @p2 .LBB2_14-.Ltmp12, $4  }
0x114: {  	[spmem:s2] =	stream.indirect.scatter.add.f32 @!p3 [tilespmem:s21], [sflag:$0xD], $0x80, s6, s22, $0xb8;
	[tilespmem:$0x1F480] =	vst v63  }
0x115: {  	s0 =	sadd.s32 $0x1, s0;
	s22 =	smulhi.u32 $0xAAAAAAAB, s12;
	_ =	swait.ge @!p3 [sflag:s24], $0x1000  }
0x116: {  	p1 =	sge.s32 s28, s1;
	s6 =	sadd.s32 $0x80, s6;
	[sflag:s24] =	ssyncset.done @!p3 $0x0  }
0x117: {  	s22 =	sshrl.u32 s22, $0x3;
	[sflag:s24] =	ssyncadd.s32 @!p3 $0xFFFFF000;
	s24 =	simm.s32 @!p1 $0x20  }
.Ltmp13:
0x118: {  	(pc) =	sbr.rel .LBB2_16-.Ltmp13, $2  }
0x119: {  	_ =	sdelay $0x2  }
0x11a: {  	s20 =	smov.u32 s12;
	s28 =	smov.u32 s25  }
.LBB2_13:
.Ltmp14:
0x11b: {  	(pc) =	sbr.rel .LBB2_16-.Ltmp14, $3  }
0x11c: {  	_ =	sdelay $0x1  }
0x11d: {  	s13 =	simm.s32 $0x1000  }
0x11e: {  	s20 =	simm.s32 $0x1;
	s23 =	simm.s32 $0x1000;
	s28 =	smov.u32 s25  }
.LBB2_19:
0x11f: {  	[smem:$0x7F8] =	sst s31  }
0x120: {  	[smem:$0x7F9] =	sst s3  }
0x121: {  	[smem:$0x7FA] =	sst s30  }
0x122: {  	s8 =	simm.s32 $0x1;
	s9 =	simm.s32 $0x2;
	s12 =	simm.s32 $0x3  }
0x123: {  	s13 =	simm.s32 $0x4;
	s20 =	simm.s32 $0x5;
	s21 =	simm.s32 $0x6  }
.Ltmp15:
0x124: {  	[smem:$0x7FB] =	sst s25;
	s3 =	smov.u32 s26;
	(pc) =	sbr.rel .LBB2_20-.Ltmp15, $4  }
0x125: {  	s25 =	smov.u32 s17;
	s17 =	smov.u32 s14;
	s22 =	rddreg [dreg:$0x1e]  }
0x126: {  	s14 =	simm.s32 $0x80;
	s28 =	smov.u32 s15;
	s23 =	rddreg [dreg:$0x1f]  }
0x127: {  	s15 =	simm.s32 $0x400;
	s26 =	smov.u32 s29;
	s31 =	sld [smem:$0x7FD]  }
0x128: {  	s29 =	smov.u32 s16;
	s16 =	simm.s32 $0xD;
	[smem:$0x7FC] =	sst s0  }
.LBB2_34:
0x129: {  	s1 =	sld [smem:$0x7F6];
	_ =	sdelay $0x1  }
0x12a: {  	s0 =	rddreg [dreg:$0x7]  }
0x12b: {  	[bflag:$0x0] =	sbarrier.arrive $0xFFFF;
	s0 =	sadd.s32 s0, s1  }
0x12c: {  	s24 =	rddreg [dreg:$0x5];
	s0 =	sshll.u32 s0, $0x4  }
0x12d: {  	s1 =	sadd.s32 s24, s0  }
0x12e: {  	[hbm:s1], [sflag:s9] =	dma.local [spmem:s26], $0x400  }
0x12f: {  	s1 =	rddreg [dreg:$0xf]  }
0x130: {  	s1 =	sadd.s32 s0, s1  }
0x131: {  	[hbm:s1], [sflag:s31] =	dma.local [spmem:s10], $0x400  }
0x132: {  	s1 =	rddreg [dreg:$0x10]  }
0x133: {  	s1 =	sadd.s32 s0, s1  }
0x134: {  	[hbm:s1], [sflag:s3] =	dma.local [spmem:s25], $0x400  }
0x135: {  	s1 =	rddreg [dreg:$0x12]  }
0x136: {  	s1 =	sadd.s32 s0, s1  }
0x137: {  	[hbm:s1], [sflag:s17] =	dma.local [spmem:s28], $0x400  }
0x138: {  	s1 =	rddreg [dreg:$0x13]  }
0x139: {  	s1 =	sadd.s32 s0, s1  }
0x13a: {  	[hbm:s1], [sflag:s29] =	dma.local [spmem:s22], $0x400  }
0x13b: {  	s1 =	rddreg [dreg:$0x14]  }
0x13c: {  	s1 =	sadd.s32 s0, s1  }
0x13d: {  	[hbm:s1], [sflag:s23] =	dma.local [spmem:s8], $0x400  }
0x13e: {  	s30 =	sld [smem:$0x7F9]  }
0x13f: {  	s5 =	sld [smem:$0x7FC]  }
0x140: {  	s1 =	rddreg [dreg:$0x15]  }
0x141: {  	s8 =	simm.s32 $0x1;
	s0 =	sadd.s32 s0, s1  }
0x142: {  	[hbm:s0], [sflag:s30] =	dma.local [spmem:s5], $0x80  }
0x143: {  	_ =	swait.ge [sflag:s8], $0x400  }
0x144: {  	[sflag:s8] =	ssyncset.done $0x0  }
0x145: {  	s9 =	simm.s32 $0x2;
	[sflag:s8] =	ssyncadd.s32 $0xFFFFFC00  }
0x146: {  	_ =	swait.ge [sflag:s9], $0x400  }
0x147: {  	[sflag:s9] =	ssyncset.done $0x0  }
0x148: {  	s12 =	simm.s32 $0x3;
	[sflag:s9] =	ssyncadd.s32 $0xFFFFFC00  }
0x149: {  	_ =	swait.ge [sflag:s12], $0x400  }
0x14a: {  	[sflag:s12] =	ssyncset.done $0x0  }
0x14b: {  	s13 =	simm.s32 $0x4;
	[sflag:s12] =	ssyncadd.s32 $0xFFFFFC00  }
0x14c: {  	_ =	swait.ge [sflag:s13], $0x400  }
0x14d: {  	[sflag:s13] =	ssyncset.done $0x0  }
0x14e: {  	s20 =	simm.s32 $0x5;
	[sflag:s13] =	ssyncadd.s32 $0xFFFFFC00  }
0x14f: {  	_ =	swait.ge [sflag:s20], $0x400  }
0x150: {  	[sflag:s20] =	ssyncset.done $0x0  }
0x151: {  	s21 =	simm.s32 $0x6;
	[sflag:s20] =	ssyncadd.s32 $0xFFFFFC00  }
0x152: {  	_ =	swait.ge [sflag:s21], $0x400  }
0x153: {  	[sflag:s21] =	ssyncset.done $0x0  }
0x154: {  	s24 =	simm.s32 $0x7;
	[sflag:s21] =	ssyncadd.s32 $0xFFFFFC00  }
0x155: {  	_ =	swait.ge [sflag:s24], $0x80  }
0x156: {  	s11 =	sadd.s32 $0x1, s11;
	[sflag:s24] =	ssyncset.done $0x0  }
0x157: {  	p0 =	sne.s32 s11, $0x4;
	[sflag:s24] =	ssyncadd.s32 $0xFFFFFF80  }
.Ltmp16:
0x158: {  	[bflag:$0x0] =	sbarrier.arrive $0xFFFF;
	(pc) =	sbr.rel @!p0 .LBB2_35-.Ltmp16, $4  }
0x159: {  	s5 =	rddreg [dreg:$0x6]  }
0x15a: {  	s10 =	rddreg [dreg:$0x8]  }
0x15b: {  	s6 =	rddreg [dreg:$0x1a]  }
0x15c: {  	s1 =	rddreg [dreg:$0x1b]  }
.LBB2_20:
0x15d: {  	s7 =	simm.s32 $0x11000  }
0x15e: {  	[spmem:s5] =	stream.linear.scatter [tilespmem:s7], [sflag:$0x1], $0x2000, $0x38;
	[tilespmem:$0x1F480] =	vst v63  }
0x15f: {  	_ = 	snop  }
0x160: {  	[spmem:s10] =	stream.linear.scatter [tilespmem:s7], [sflag:$0x2], $0x2000, $0x38;
	[tilespmem:$0x1F480] =	vst v63  }
0x161: {  	s0 =	rddreg [dreg:$0x17]  }
0x162: {  	[spmem:s0] =	stream.linear.scatter [tilespmem:s7], [sflag:$0x3], $0x2000, $0x38;
	[tilespmem:$0x1F480] =	vst v63  }
0x163: {  	s5 =	rddreg [dreg:$0x18]  }
0x164: {  	[spmem:s5] =	stream.linear.scatter [tilespmem:s7], [sflag:$0x4], $0x2000, $0x38;
	[tilespmem:$0x1F480] =	vst v63  }
0x165: {  	s10 =	rddreg [dreg:$0x19]  }
0x166: {  	[spmem:s10] =	stream.linear.scatter [tilespmem:s7], [sflag:$0x5], $0x2000, $0x38;
	[tilespmem:$0x1F480] =	vst v63  }
0x167: {  	_ = 	snop  }
0x168: {  	[spmem:s6] =	stream.linear.scatter [tilespmem:s7], [sflag:$0x6], $0x2000, $0x38;
	[tilespmem:$0x1F480] =	vst v63  }
0x169: {  	_ = 	snop  }
0x16a: {  	[spmem:s1] =	stream.linear.scatter [tilespmem:s7], [sflag:$0x7], $0x400, $0x38;
	[tilespmem:$0x1F480] =	vst v63  }
0x16b: {  	_ =	swait.ge [sflag:s8], $0x2000  }
0x16c: {  	[sflag:s8] =	ssyncset.done $0x0  }
0x16d: {  	[sflag:s8] =	ssyncadd.s32 $0xFFFFE000  }
0x16e: {  	_ =	swait.ge [sflag:s9], $0x2000  }
0x16f: {  	[sflag:s9] =	ssyncset.done $0x0  }
0x170: {  	[sflag:s9] =	ssyncadd.s32 $0xFFFFE000  }
0x171: {  	_ =	swait.ge [sflag:s12], $0x2000  }
0x172: {  	[sflag:s12] =	ssyncset.done $0x0  }
0x173: {  	[sflag:s12] =	ssyncadd.s32 $0xFFFFE000  }
0x174: {  	_ =	swait.ge [sflag:s13], $0x2000  }
0x175: {  	[sflag:s13] =	ssyncset.done $0x0  }
0x176: {  	[sflag:s13] =	ssyncadd.s32 $0xFFFFE000  }
0x177: {  	_ =	swait.ge [sflag:s20], $0x2000  }
0x178: {  	[sflag:s20] =	ssyncset.done $0x0  }
0x179: {  	[sflag:s20] =	ssyncadd.s32 $0xFFFFE000  }
0x17a: {  	_ =	swait.ge [sflag:s21], $0x2000  }
0x17b: {  	[sflag:s21] =	ssyncset.done $0x0  }
0x17c: {  	[sflag:s21] =	ssyncadd.s32 $0xFFFFE000  }
0x17d: {  	s20 =	sshll.u32 s11, $0x1;
	s30 =	rddreg [dreg:$0x9];
	_ =	swait.ge [sflag:s24], $0x400  }
0x17e: {  	s0 =	sor.u32 s30, s20;
	[sflag:s24] =	ssyncset.done $0x0  }
0x17f: {  	s1 =	smul.u32 $0x1880, s0;
	[sflag:s24] =	ssyncadd.s32 $0xFFFFFC00  }
0x180: {  	[bflag:$0x0] =	sbarrier.arrive $0xFFFF  }
.Ltmp17:
0x181: {  	[smem:$0x7F6] =	sst s1;
	(pc) =	sbr.rel .LBB2_21-.Ltmp17, $4  }
0x182: {  	s8 =	sld [smem:$0x7FA]  }
0x183: {  	s9 =	sld [smem:$0x7F8]  }
0x184: {  	s0 =	sadd.s32 $0x1880, s1;
	s10 =	sld [smem:$0x7FB]  }
0x185: {  	v3 =	vmov s1;
	v4 =	vmov s0;
	s1 =	simm.s32 $0x0;
	[smem:$0x7F7] =	sst s11  }
.LBB2_27:
0x186: {  	s30 =	smov.u32 s9;
	s23 =	simm.s32 $0x1000;
	s22 =	rddreg [dreg:$0x1e]  }
.LBB2_32:
0x187: {  	s0 =	smul.u32 $0xFFFFFFD0, s11;
	p1 =	por p1, !p0  }
0x188: {  	[tilespmem:s8], [sflag:s21] =	stream.indirect.gather @!p1 [hbm4b:s4+s9], $0x80, s7, s9, $0xb8;
	[tilespmem:$0x1F480] =	vst v63  }
0x189: {  	s0 =	sshra.s32 s0, $0x2  }
0x18a: {  	s21 =	smul.u32 $0xFFFD0000, s11;
	p1 =	slt.u32 s24, $0xC;
	s0 =	sadd.s32 s0, s20  }
0x18b: {  	_ =	swait.ge @!p1 [sflag:s0], $0x1000  }
0x18c: {  	s8 =	simm.s32 @!p1 $0xD;
	s7 =	sshra.s32 s21, $0x2;
	[sflag:s0] =	ssyncset.done @!p1 $0x0  }
0x18d: {  	s9 =	simm.s32 @!p1 $0x20;
	s7 =	sadd.s32 s7, s13;
	[sflag:s0] =	ssyncadd.s32 @!p1 $0xFFFFF000  }
0x18e: {  	[spmem:s2] =	stream.indirect.scatter.add.f32 @!p1 [tilespmem:s7], [sflag:$0xD], $0x80, s12, s9, $0xb8;
	[tilespmem:$0x1F480] =	vst v63  }
0x18f: {  	p2 =	sge.s32 s24, s5;
	_ =	swait.ge @!p1 [sflag:s8], $0x1000  }
0x190: {  	s5 =	simm.s32 @!p2 $0x20;
	s9 =	sadd.s32 @p0 $0x80, s23;
	s23 =	rddreg [dreg:$0x1f]  }
0x191: {  	s6 =	smov.u32 @p0 s9;
	[sflag:s8] =	ssyncset.done @!p1 $0x0;
	s11 =	sld [smem:$0x7F7]  }
0x192: {  	s9 =	smov.u32 s30;
	[sflag:s8] =	ssyncadd.s32 @!p1 $0xFFFFF000;
	s8 =	sld [smem:$0x7FA]  }
0x193: {  	[tilespmem:s7], [sflag:s0] =	stream.indirect.gather @!p2 [hbm4b:s4+s5], $0x80, s6, s5, $0xb8;
	[tilespmem:$0x1F480] =	vst v63  }
.LBB2_33:
0x194: {  	s1 =	sadd.s32 $0x1, s1  }
0x195: {  	p0 =	sne.s32 s1, $0x8  }
.Ltmp18:
0x196: {  	_ = 	snop;
	(pc) =	sbr.rel @!p0 .LBB2_34-.Ltmp18, $1  }
0x197: {  	_ =	sdelay $0x3  }
.LBB2_21:
0x198: {  	s0 =	sshll.u32 s1, $0x4;
	s5 =	rddreg [dreg:$0x1d]  }
0x199: {  	s0 =	sadd.s32 s0, s5;
	s5 =	simm.s32 $0x0  }
0x19a: {  	[tilespmem:s5], [sflag:$0xD] =	stream.strided.gather [hbm4b:s0+s14], $0x1000, s15, s14, $0x38;
	[tilespmem:$0x1F480] =	vst v63  }
0x19b: {  	_ =	swait.ge [sflag:s16], $0x1000  }
0x19c: {  	[sflag:s16] =	ssyncset.done $0x0  }
0x19d: {  	s6 =	simm.s32 $0x200;
	s0 =	simm.s32 $0x0;
	[sflag:s16] =	ssyncadd.s32 $0xFFFFF000  }
.LBB2_22:
0x19e: {  	p0 =	sne.s32 s6, $0x7E00;
	[tilespmem:s0+$0x3010] =	vst v2;
	s7 =	smov.u32 s6;
	s6 =	sadd.s32 $0x200, s6  }
.Ltmp19:
0x19f: {  	[tilespmem:s0+$0x1010] =	vst v1;
	(pc) =	sbr.rel @p0 .LBB2_22-.Ltmp19, $3  }
0x1a0: {  	[tilespmem:s0+$0x1000] =	vst v1  }
0x1a1: {  	[tilespmem:s0+$0x3000] =	vst v2;
	_ =	sdelay $0x1  }
0x1a2: {  	s0 =	sshra.s32 s7, $0x2  }
0x1a3: {  	[tilespmem:s0+$0x3010] =	vst v2  }
0x1a4: {  	[tilespmem:s0+$0x1010] =	vst v1  }
0x1a5: {  	[tilespmem:s0+$0x1000] =	vst v1  }
0x1a6: {  	[tilespmem:s0+$0x3000] =	vst v2;
	s24 =	sand.u32 $0x7F0, s5  }
0x1a7: {  	v5 =	vld [tilespmem:s24+$0x800];
	_ =	sdelay $0x4  }
0x1a8: {  	vm0 =	vge.s32 v5, v3;
	vm1 =	vlt.s32 v5, v4  }
0x1a9: {  	vm0 =	vmand vm0, vm1  }
0x1aa: {  	v6 =	vsel vm0, $0x1, v1  }
0x1ab: {  	(xrf0) =	vadd.scan.msk.s32 $0xffff, v6;
	_ =	sdelay $0x2  }
0x1ac: {  	v6 =	vmov s5  }
0x1ad: {  	v6 =	vadd.s32 $0xFFFFFFFF, v6  }
0x1ae: {  	v6 =	vbroadcast v6, $0x0  }
0x1af: {  	v7, _, _ =	vpop (xrf0)  }
0x1b0: {  	v6 =	vadd.s32 v7, v6;
	(v2sf) =	vpush v7, $0xF  }
0x1b1: {  	v7 =	vshra.s32 v6, $0x1F  }
0x1b2: {  	v7 =	vshrl.u32 v7, $0x1B  }
0x1b3: {  	v7 =	vadd.s32 v7, v6  }
0x1b4: {  	v7 =	vshra.s32 v7, $0x5  }
0x1b5: {  	v8 =	vshll.u32 v7, $0x5  }
0x1b6: {  	vm15 =	vlt.s32 v6, $0x1;
	vm2 =	vne.s32 v6, v8  }
0x1b7: {  	vm1 =	vmand vm15, vm2  }
0x1b8: {  	v62 =	vsel vm1, $0xFFFFFFFF, v1  }
0x1b9: {  	v7 =	vadd.s32 v62, v7  }
0x1ba: {  	v6 =	vand.u32 $0x1F, v6;
	v7 =	vshll.u32 v7, $0x7  }
0x1bb: {  	v63 =	vld [tilespmem:s5+$0x0];
	v6 =	vor.u32 v6, v7;
	_ =	sdelay $0x3  }
0x1bc: {  	v5 =	vsub.s32 v5, v3;
	s30 =	spop (v2sf)  }
0x1bd: {  	s7 =	simm.s32 $0x10;
	v7 =	vnsel vm0, $0x1880, v5;
	[tilespmem:v6+s18+$0x0] =	vst.idx.msk vm0, v63;
	s6 =	sadd.s32 $0x0, s30  }
0x1be: {  	s0 =	simm.s32 $0x20;
	s7 =	sand.u32 $0x7F0, s7;
	v5 =	vmov s6;
	[tilespmem:v6+s19+$0x0] =	vst.idx.msk vm0, v7  }
.LBB2_24:
0x1bf: {  	p0 =	sne.s32 s0, $0x7F0;
	v6 =	vld [tilespmem:s7+$0x800];
	v5 =	vadd.s32 $0xFFFFFFFF, v5  }
0x1c0: {  	v5 =	vbroadcast v5, $0x0;
	_ =	sdelay $0x3  }
0x1c1: {  	vm0 =	vge.s32 v6, v3;
	vm1 =	vlt.s32 v6, v4;
	v6 =	vsub.s32 v6, v3  }
0x1c2: {  	vm0 =	vmand vm0, vm1  }
0x1c3: {  	v7 =	vsel vm0, $0x1, v1;
	v6 =	vnsel vm0, $0x1880, v6  }
0x1c4: {  	(xrf0) =	vadd.scan.msk.s32 $0xffff, v7;
	_ =	sdelay $0x5  }
0x1c5: {  	v7, _, _ =	vpop (xrf0)  }
0x1c6: {  	v5 =	vadd.s32 v7, v5;
	(v2sf) =	vpush v7, $0xF  }
0x1c7: {  	v7 =	vshra.s32 v5, $0x1F;
	vm1 =	vlt.s32 v5, $0x1;
	v8 =	vand.u32 $0x1F, v5  }
0x1c8: {  	v7 =	vshrl.u32 v7, $0x1B  }
0x1c9: {  	v7 =	vadd.s32 v7, v5  }
0x1ca: {  	v7 =	vshra.s32 v7, $0x5  }
0x1cb: {  	v9 =	vshll.u32 v7, $0x5  }
0x1cc: {  	vm2 =	vne.s32 v5, v9  }
0x1cd: {  	vm1 =	vmand vm1, vm2  }
0x1ce: {  	v5 =	vsel vm1, $0xFFFFFFFF, v1  }
0x1cf: {  	v5 =	vadd.s32 v5, v7  }
0x1d0: {  	s5 =	sadd.s32 $0x10, s5;
	v5 =	vshll.u32 v5, $0x7  }
0x1d1: {  	v7 =	vld [tilespmem:s5+$0x0];
	v8 =	vor.u32 v8, v5;
	_ =	sdelay $0x1  }
.Ltmp20:
0x1d2: {  	(pc) =	sbr.rel @p0 .LBB2_24-.Ltmp20, $4  }
0x1d3: {  	_ = 	snop  }
0x1d4: {  	s7 =	spop (v2sf)  }
0x1d5: {  	[tilespmem:v8+s18+$0x0] =	vst.idx.msk vm0, v7;
	s6 =	sadd.s32 s6, s7  }
0x1d6: {  	s7 =	sand.u32 $0x7F0, s0;
	s0 =	sadd.s32 $0x10, s0;
	v5 =	vmov s6;
	[tilespmem:v8+s19+$0x0] =	vst.idx.msk vm0, v6  }
0x1d7: {  	v6 =	vld [tilespmem:s7+$0x800];
	_ =	sdelay $0x4  }
0x1d8: {  	vm0 =	vge.s32 v6, v3;
	vm1 =	vlt.s32 v6, v4  }
0x1d9: {  	vm0 =	vmand vm0, vm1  }
0x1da: {  	v7 =	vsel vm0, $0x1, v1  }
0x1db: {  	(xrf0) =	vadd.scan.msk.s32 $0xffff, v7;
	_ =	sdelay $0x5  }
0x1dc: {  	v7, _, _ =	vpop (xrf0)  }
0x1dd: {  	(v2sf) =	vpush v7, $0xF;
	_ =	sdelay $0x8  }
0x1de: {  	v5 =	vadd.s32 $0xFFFFFFFF, v5  }
0x1df: {  	v5 =	vbroadcast v5, $0x0;
	_ =	sdelay $0x1  }
0x1e0: {  	v5 =	vadd.s32 v7, v5  }
0x1e1: {  	v7 =	vshra.s32 v5, $0x1F  }
0x1e2: {  	v7 =	vshrl.u32 v7, $0x1B  }
0x1e3: {  	v7 =	vadd.s32 v7, v5;
	s0 =	spop (v2sf)  }
0x1e4: {  	v7 =	vshra.s32 v7, $0x5;
	s0 =	sadd.s32 s6, s0  }
0x1e5: {  	v8 =	vshll.u32 v7, $0x5;
	s0 =	sadd.s32 $0x1F, s0  }
0x1e6: {  	s5 =	sadd.s32 $0x10, s5;
	vm15 =	vlt.s32 v5, $0x1;
	vm2 =	vne.s32 v5, v8;
	s24 =	sand.u32 $0x1F, s0  }
0x1e7: {  	vm1 =	vmand vm15, vm2;
	s30 =	sshra.s32 s0, $0x1F;
	p0 =	slt.s32 s0, $0x1;
	p1 =	sne.s32 s24, $0x0  }
0x1e8: {  	v63 =	vld [tilespmem:s5+$0x0];
	v62 =	vsel vm1, $0xFFFFFFFF, v1;
	s5 =	sshrl.u32 s30, $0x1B;
	p0 =	por !p0, !p1  }
0x1e9: {  	v7 =	vadd.s32 v62, v7;
	s0 =	sadd.s32 s5, s0;
	s5 =	simm.s32 $0x1;
	p0 =	por !p0, !p0  }
0x1ea: {  	v5 =	vand.u32 $0x1F, v5;
	v7 =	vshll.u32 v7, $0x7;
	s0 =	sshra.s32 s0, $0x5;
	s5 =	simm.s32 @!p0 $0x0  }
0x1eb: {  	v5 =	vor.u32 v5, v7;
	s5 =	ssub.s32 s0, s5  }
0x1ec: {  	p1 =	slt.s32 s5, $0xFFFFFFF5  }
.Ltmp21:
0x1ed: {  	_ = 	snop;
	(pc) =	sbr.rel @p1 .LBB2_33-.Ltmp21, $4  }
0x1ee: {  	_ = 	snop  }
0x1ef: {  	v6 =	vsub.s32 v6, v3  }
0x1f0: {  	v6 =	vnsel vm0, $0x1880, v6;
	[tilespmem:v5+s18+$0x0] =	vst.idx.msk vm0, v63  }
0x1f1: {  	[tilespmem:v5+s19+$0x0] =	vst.idx.msk vm0, v6  }
0x1f2: {  	s6 =	simm.s32 $0xFFFFFFFF  }
0x1f3: {  	s6 =	simm.s32 @!p0 $0x0  }
0x1f4: {  	s0 =	sadd.s32 s6, s0  }
0x1f5: {  	s0 =	sadd.s32 $0xC, s0  }
0x1f6: {  	p1 =	sne.s32 s0, $0x1  }
.Ltmp22:
0x1f7: {  	_ = 	snop;
	(pc) =	sbr.rel @!p1 .LBB2_27-.Ltmp22, $4  }
0x1f8: {  	s24 =	simm.s32 $0x0  }
0x1f9: {  	s12 =	simm.s32 $0x2A00;
	s7 =	smulhi.u32 $0xAAAAAAAB, s24  }
0x1fa: {  	s20 =	simm.s32 $0x1;
	s13 =	simm.s32 $0x5000;
	s22 =	simm.s32 $0x1  }
0x1fb: {  	p0 =	por $0x0, $0x0;
	s6 =	simm.s32 $0x1000;
	s11 =	sshrl.u32 s7, $0x3  }
0x1fc: {  	s16 =	smov.u32 s29;
	s15 =	smov.u32 s28  }
0x1fd: {  	s14 =	smov.u32 s17;
	s17 =	smov.u32 s25;
	s25 =	smov.u32 s31  }
0x1fe: {  	s31 =	smov.u32 s26;
	s30 =	smov.u32 s9;
	s7 =	smul.u32 $0xFFFFFFD0, s11  }
0x1ff: {  	s24 =	simm.s32 $0x2;
	s28 =	smul.u32 $0xFFFD0000, s11;
	p0 =	por $0x1, $0x1  }
0x200: {  	p2 =	sne.s32 s0, $0x2;
	s13 =	simm.s32 $0x6000;
	s7 =	sshra.s32 s7, $0x2  }
0x201: {  	s29 =	smulhi.u32 $0xAAAAAAAB, s22;
	s20 =	simm.s32 $0x2;
	s21 =	sadd.s32 $0x1, s7  }
0x202: {  	p1 =	sle.s32 s5, $0x0;
	s9 =	simm.s32 @!p0 $0xD;
	_ =	swait.ge @!p0 [sflag:s21], $0x1000  }
0x203: {  	s11 =	simm.s32 @!p0 $0x20;
	s7 =	sshra.s32 s28, $0x2;
	[sflag:s21] =	ssyncset.done @!p0 $0x0  }
.Ltmp23:
0x204: {  	s8 =	sadd.s32 $0x5000, s7;
	[sflag:s21] =	ssyncadd.s32 @!p0 $0xFFFFF000;
	(pc) =	sbr.rel @!p2 .LBB2_29-.Ltmp23, $4  }
0x205: {  	[spmem:s2] =	stream.indirect.scatter.add.f32 @!p0 [tilespmem:s8], [sflag:$0xD], $0x80, s12, s11, $0xb8;
	[tilespmem:$0x1F480] =	vst v63  }
0x206: {  	s23 =	simm.s32 $0x1000;
	s7 =	simm.s32 $0x1000;
	_ =	swait.ge @!p0 [sflag:s9], $0x1000  }
0x207: {  	s12 =	simm.s32 $0x2A80;
	s11 =	sshrl.u32 s29, $0x3;
	[sflag:s9] =	ssyncset.done @!p0 $0x0  }
0x208: {  	[sflag:s9] =	ssyncadd.s32 @!p0 $0xFFFFF000;
	s9 =	simm.s32 @!p1 $0x20;
	p0 =	por $0x1, $0x1  }
.LBB2_30:
0x209: {  	s26 =	smul.u32 $0xFFFFFFD0, s11;
	s23 =	sadd.s32 $0x80, s23;
	s28 =	smov.u32 s22  }
0x20a: {  	s22 =	smov.u32 s24;
	s24 =	sadd.s32 $0x1, s24;
	s29 =	smov.u32 s13  }
0x20b: {  	[tilespmem:s8], [sflag:s21] =	stream.indirect.gather @!p1 [hbm4b:s4+s9], $0x80, s7, s9, $0xb8;
	[tilespmem:$0x1F480] =	vst v63  }
0x20c: {  	p2 =	sne.s32 s0, s24;
	s7 =	smov.u32 s23;
	s8 =	sshra.s32 s26, $0x2  }
0x20d: {  	p3 =	slt.u32 s28, $0xC;
	s21 =	sadd.s32 s8, s20;
	s8 =	smul.u32 $0xFFFD0000, s11  }
0x20e: {  	s13 =	sadd.s32 $0x1000, s13;
	s9 =	simm.s32 @!p3 $0xD;
	_ =	swait.ge @!p3 [sflag:s21], $0x1000  }
0x20f: {  	s11 =	simm.s32 @!p3 $0x20;
	s8 =	sshra.s32 s8, $0x2;
	[sflag:s21] =	ssyncset.done @!p3 $0x0  }
.Ltmp24:
0x210: {  	s8 =	sadd.s32 s8, s29;
	[sflag:s21] =	ssyncadd.s32 @!p3 $0xFFFFF000;
	(pc) =	sbr.rel @p2 .LBB2_30-.Ltmp24, $4  }
0x211: {  	[spmem:s2] =	stream.indirect.scatter.add.f32 @!p3 [tilespmem:s8], [sflag:$0xD], $0x80, s12, s11, $0xb8;
	[tilespmem:$0x1F480] =	vst v63  }
0x212: {  	s20 =	sadd.s32 $0x1, s20;
	s11 =	smulhi.u32 $0xAAAAAAAB, s22;
	_ =	swait.ge @!p3 [sflag:s9], $0x1000  }
0x213: {  	p1 =	sge.s32 s28, s5;
	s12 =	sadd.s32 $0x80, s12;
	[sflag:s9] =	ssyncset.done @!p3 $0x0  }
0x214: {  	s11 =	sshrl.u32 s11, $0x3;
	[sflag:s9] =	ssyncadd.s32 @!p3 $0xFFFFF000;
	s9 =	simm.s32 @!p1 $0x20  }
.Ltmp25:
0x215: {  	(pc) =	sbr.rel .LBB2_32-.Ltmp25, $4  }
0x216: {  	s24 =	smov.u32 s22;
	s26 =	smov.u32 s31  }
0x217: {  	s31 =	smov.u32 s25;
	s25 =	smov.u32 s17;
	s17 =	smov.u32 s14  }
0x218: {  	s14 =	simm.s32 $0x80;
	s28 =	smov.u32 s15;
	s15 =	simm.s32 $0x400  }
0x219: {  	s29 =	smov.u32 s16;
	s16 =	simm.s32 $0xD;
	s22 =	rddreg [dreg:$0x1e]  }
.LBB2_29:
.Ltmp26:
0x21a: {  	s23 =	simm.s32 $0x1000;
	(pc) =	sbr.rel .LBB2_32-.Ltmp26, $4  }
0x21b: {  	s24 =	simm.s32 $0x1;
	s7 =	simm.s32 $0x1000;
	s26 =	smov.u32 s31  }
0x21c: {  	s31 =	smov.u32 s25;
	s25 =	smov.u32 s17;
	s17 =	smov.u32 s14  }
0x21d: {  	s14 =	simm.s32 $0x80;
	s28 =	smov.u32 s15;
	s15 =	simm.s32 $0x400  }
0x21e: {  	s29 =	smov.u32 s16;
	s16 =	simm.s32 $0xD;
	s22 =	rddreg [dreg:$0x1e]  }
.LBB2_36:
0x21f: {  	_ =	sfence.sel $0x180000  }
0x220: {  	[bflag:$0x0] =	sbarrier.arrive $0xFFFF  }
0x221: {  	_ =	strace $0x9000004A  }
0x222: {  	s0 =	stileid.u32;
	[bflag:$0x2] =	sbarrier.arrive $0xFFFF  }
0x223: {  	p0 =	sne.s32 s0, $0x0;
	s0 =	rddreg [dreg:$0x2]  }
0x224: {  	s0 =	sadd.s32 @!p0 $0x100000, s0  }
0x225: {  	[sflag:s0] =	ssyncadd.tile.s32 @!p0 $0x1;
	_ =	shalt  }
.Lfunc_end2:
_tile_overlayer_lowered:
.L_overlay_start_2:
0x226: {  	(tag) =	ssettag $0x2  }
0x227: {  	s0 =	rddreg [dreg:$0x0];
	s2 =	stileid.u32  }
0x228: {  	s1 =	rddreg [dreg:$0x1];
	p0 =	sne.s32 s2, $0x0  }
0x229: {  	s3 =	rddreg [dreg:$0x2];
	[bflag:$0x3] =	sbarrier.arrive $0xFFFF;
	s2 =	simm.s32 @!p0 $0x1C0D  }
0x22a: {  	[timem:s3], [sflag:s2] =	dma.local @!p0 [hbm:s0], s1  }
0x22b: {  	s0 =	simm.s32 @!p0 $0xD  }
0x22c: {  	_ =	swait.ge @!p0 [sflag:s0], s1  }
0x22d: {  	s1 =	ssub.s32 @!p0 $0x0, s1;
	[sflag:s0] =	ssyncset.done @!p0 $0x0  }
0x22e: {  	[sflag:s0] =	ssyncadd.s32 @!p0 s1  }
0x22f: {  	[bflag:$0x3] =	sbarrier.arrive $0xFFFF  }
0x230: {  	_ =	shalt  }

// kernel: kernel.15.cloned.1.call-start
scs
__scs_entry_jumppad:
0x0: {  	(pc) =	sbr.rel $0x88, $3  }
0x1: {  	(tag) =	ssettag $0x0;
	lr =	simm.s32 $0x1  }
0x2: {  	[smem:$0x3F8C] =	sst lr;
	_ =	strace $0xD0000000  }
0x3: {  	_ = 	snop  }
0x4: {  	_ = 	snop  }
0x5: {  	_ = 	snop  }
0x6: {  	_ = 	snop  }
0x7: {  	_ = 	snop  }
__scs_overlays_trampoline_lowered:
0x8: {  	[smem:$0x3F9B] =	sst s0  }
0x9: {  	[smem:$0x3F9C] =	sst s1  }
0xa: {  	[smem:$0x3F9D] =	sst s2  }
0xb: {  	[smem:$0x3F9E] =	sst s3  }
0xc: {  	[smem:$0x3F9F] =	sst s4  }
0xd: {  	[smem:$0x3FA0] =	sst s5  }
0xe: {  	[smem:$0x3FA1] =	sst s6  }
0xf: {  	[smem:$0x3FA2] =	sst s7  }
0x10: {  	[smem:$0x3FA3] =	sst s8  }
0x11: {  	[smem:$0x3FA4] =	sst s9;
	s0 =	simm.s32 @!p0 $0x0  }
0x12: {  	s1 =	sld [smem:$0x3F8A];
	s0 =	simm.s32 @p0 $0x1  }
0x13: {  	[smem:$0x3FA5] =	sst s0;
	s0 =	simm.s32 @!p1 $0x0  }
0x14: {  	s2 =	sld [smem:$0x3F89];
	s0 =	simm.s32 @p1 $0x1  }
0x15: {  	[smem:$0x3FA6] =	sst s0;
	s0 =	simm.s32 @!p2 $0x0  }
0x16: {  	s3 =	sld [smem:$0x3FDB];
	s0 =	simm.s32 @p2 $0x1  }
0x17: {  	s4 =	simm.s32 $0x1BF5;
	[smem:$0x3FA8] =	sst s0  }
0x18: {  	s0 =	sld [smem:$0x3F8B];
	_ =	swait.ge [sflag:s4], $0x0  }
0x19: {  	s7 =	sld [smem:$0x3F8C]  }
0x1a: {  	s8 =	sadd.s32 $0xFFFFE003, lr  }
0x1b: {  	s9 =	sadd.s32 $0xFFFFFEF7, lr;
	s5 =	simm.s32 $0xFFFFFFFF;
	p2 =	slt.u32 s8, $0xFFFFF086  }
0x1c: {  	p1 =	slt.u32 s9, $0xF7A;
	s5 =	simm.s32 @!p2 $0x0  }
0x1d: {  	s5 =	simm.s32 @p1 $0x1;
	p0 =	seq.s32 s7, s2  }
0x1e: {  	s7 =	smul.u32 @!p0 $0xF7A, s2;
	p2 =	seq.s32 @!p0 s5, $0x0  }
0x1f: {  	s9 =	smul.u32 $0xF7A, s1;
	s8 =	simm.s32 @!p0 $0x1BF5;
	p2 =	por !p2, p0  }
0x20: {  	[sflag:s8] =	ssyncset.s32 @!p0 $0xFFFFF086;
	s6 =	sadd.s32 @!p0 s3, s7;
	s7 =	simm.s32 @!p0 $0x108  }
0x21: {  	s3 =	sadd.s32 s3, s9;
	s6 =	sadd.s32 @!p0 $0x88, s6;
	s7 =	simm.s32 @p2 $0x1082  }
0x22: {  	[simem:s7], [sflag:s8] =	dma.local @!p0 [hbm:s6], $0xF7A  }
0x23: {  	s9 =	sor.u32 $0xD0000000, s2;
	s6 =	simm.s32 $0x108;
	_ =	swait.ge @!p0 [sflag:s8], $0x0  }
0x24: {  	s3 =	sadd.s32 $0x88, s3;
	s6 =	simm.s32 @!p1 $0x1082;
	[sflag:s4] =	ssyncset.s32 $0xFFFFF086  }
0x25: {  	[simem:s6], [sflag:s4] =	dma.local [hbm:s3], $0xF7A  }
0x26: {  	[smem:$0x3F8C] =	sst s1;
	(tag) =	ssettag s2;
	_ =	strace s9  }
0x27: {  	s1 =	sld [smem:$0x3F9C]  }
0x28: {  	s2 =	sld [smem:$0x3F9D]  }
0x29: {  	s4 =	sld [smem:$0x3F9F]  }
0x2a: {  	p0 =	seq.s32 s5, $0x0;
	s5 =	sld [smem:$0x3FA0]  }
0x2b: {  	s6 =	sld [smem:$0x3FA1]  }
0x2c: {  	s7 =	sld [smem:$0x3FA2]  }
0x2d: {  	s3 =	simm.s32 $0x108;
	s8 =	sld [smem:$0x3FA3]  }
0x2e: {  	s3 =	simm.s32 @!p0 $0x1082;
	s9 =	sld [smem:$0x3FA4]  }
0x2f: {  	lr =	sadd.s32 s0, s3;
	s0 =	sld [smem:$0x3F9B]  }
0x30: {  	s3 =	sld [smem:$0x3F9E]  }
0x31: {  	[smem:$0x3FA7] =	sst s10  }
0x32: {  	s10 =	sld [smem:$0x3FA5];
	_ =	sdelay $0x3  }
0x33: {  	p0 =	seq.s32 s10, $0x1;
	s10 =	sld [smem:$0x3FA7];
	_ =	sdelay $0x3  }
0x34: {  	[smem:$0x3FA7] =	sst s10  }
0x35: {  	s10 =	sld [smem:$0x3FA6];
	_ =	sdelay $0x3  }
0x36: {  	p1 =	seq.s32 s10, $0x1;
	s10 =	sld [smem:$0x3FA7];
	_ =	sdelay $0x3  }
0x37: {  	[smem:$0x3FA7] =	sst s10  }
0x38: {  	s10 =	sld [smem:$0x3FA8]  }
0x39: {  	_ = 	snop;
	(pc) =	sbr.ind lr, $3  }
0x3a: {  	_ = 	snop  }
0x3b: {  	_ = 	snop  }
0x3c: {  	p2 =	seq.s32 s10, $0x1;
	s10 =	sld [smem:$0x3FA7]  }
0x3d: {  	_ =	shalt  }
0x3e: {  	_ =	shalt  }
0x3f: {  	_ =	shalt  }
0x40: {  	_ =	shalt  }
0x41: {  	_ =	shalt  }
0x42: {  	_ =	shalt  }
0x43: {  	_ =	shalt  }
0x44: {  	_ =	shalt  }
0x45: {  	_ =	shalt  }
0x46: {  	_ =	shalt  }
0x47: {  	_ =	shalt  }
0x48: {  	_ =	shalt  }
0x49: {  	_ =	shalt  }
0x4a: {  	_ =	shalt  }
0x4b: {  	_ =	shalt  }
0x4c: {  	_ =	shalt  }
0x4d: {  	_ =	shalt  }
0x4e: {  	_ =	shalt  }
0x4f: {  	_ =	shalt  }
0x50: {  	_ =	shalt  }
0x51: {  	_ =	shalt  }
0x52: {  	_ =	shalt  }
0x53: {  	_ =	shalt  }
0x54: {  	_ =	shalt  }
0x55: {  	_ =	shalt  }
0x56: {  	_ =	shalt  }
0x57: {  	_ =	shalt  }
0x58: {  	_ =	shalt  }
0x59: {  	_ =	shalt  }
0x5a: {  	_ =	shalt  }
0x5b: {  	_ =	shalt  }
0x5c: {  	_ =	shalt  }
0x5d: {  	_ =	shalt  }
0x5e: {  	_ =	shalt  }
0x5f: {  	_ =	shalt  }
0x60: {  	_ =	shalt  }
0x61: {  	_ =	shalt  }
0x62: {  	_ =	shalt  }
0x63: {  	_ =	shalt  }
0x64: {  	_ =	shalt  }
0x65: {  	_ =	shalt  }
0x66: {  	_ =	shalt  }
0x67: {  	_ =	shalt  }
0x68: {  	_ =	shalt  }
0x69: {  	_ =	shalt  }
0x6a: {  	_ =	shalt  }
0x6b: {  	_ =	shalt  }
0x6c: {  	_ =	shalt  }
0x6d: {  	_ =	shalt  }
0x6e: {  	_ =	shalt  }
0x6f: {  	_ =	shalt  }
0x70: {  	_ =	shalt  }
0x71: {  	_ =	shalt  }
0x72: {  	_ =	shalt  }
0x73: {  	_ =	shalt  }
0x74: {  	_ =	shalt  }
0x75: {  	_ =	shalt  }
0x76: {  	_ =	shalt  }
0x77: {  	_ =	shalt  }
0x78: {  	_ =	shalt  }
0x79: {  	_ =	shalt  }
0x7a: {  	_ =	shalt  }
0x7b: {  	_ =	shalt  }
0x7c: {  	_ =	shalt  }
0x7d: {  	_ =	shalt  }
0x7e: {  	_ =	shalt  }
0x7f: {  	_ =	shalt  }
0x80: {  	_ =	shalt  }
0x81: {  	_ =	shalt  }
0x82: {  	_ =	shalt  }
0x83: {  	_ =	shalt  }
0x84: {  	_ =	shalt  }
0x85: {  	_ =	shalt  }
0x86: {  	_ =	shalt  }
0x87: {  	_ =	shalt  }
.Lfunc_end0:
.L_simem_size_0:
called_computation.2_lowered:
.L_overlay_start_0:
0x88: {  	s2 =	sld [smem:$0x3FD9]  }
0x89: {  	s3 =	sld [smem:$0x3FFE];
	_ =	sdelay $0x1  }
0x8a: {  	s1 =	srdreg.scid  }
0x8b: {  	s0 =	sand.u32 $0x1, s1  }
0x8c: {  	s16 =	sshll.u32 s0, $0xA;
	s2 =	sadd.s32 s3, s2  }
0x8d: {  	s2 =	sadd.s32 s2, s16  }
0x8e: {  	[smem:$0x3FB3] =	sst s2  }
0x8f: {  	_ = 	snop  }
0x90: {  	(tm) =	ssettm $0x1  }
0x91: {  	s17 =	sld [smem:$0x3FFB];
	_ =	sdelay $0x3  }
0x92: {  	_ =	strace s17  }
0x93: {  	s2 =	sld [smem:$0x3FFC];
	_ =	sdelay $0x3  }
0x94: {  	_ =	strace s2  }
0x95: {  	s2 =	sld [smem:$0x3FFD];
	_ =	sdelay $0x3  }
0x96: {  	_ =	strace s2  }
0x97: {  	_ =	strace $0x8FFFFFFF  }
0x98: {  	s18 =	sld [smem:$0x3FDB];
	_ =	sdelay $0x1  }
0x99: {  	s19 =	simm.s32 $_scs_section_size  }
0x9a: {  	s4 =	simm.s32 $_size__tile_overlayer_lowered;
	s5 =	simm.s32 $_tile_overlayer_lowered  }
0x9b: {  	s22 =	simm.s32 $0x1BFF;
	s21 =	sshll.u32 s5, $0x1;
	s2 =	sadd.s32 s19, s18  }
0x9c: {  	s6 =	simm.s32 $0x0;
	s20 =	sshll.u32 s4, $0x1;
	s4 =	sadd.s32 s21, s2  }
0x9d: {  	[timem:s6], [sflag:s22] =	dma.local [hbm:s4], s20  }
0x9e: {  	_ =	swait.ge [sflag:s22], s20  }
0x9f: {  	s3 =	ssub.s32 $0x0, s20;
	[sflag:s22] =	ssyncset.done $0x0  }
0xa0: {  	[sflag:s22] =	ssyncadd.s32 s3;
	_ =	sdelay $0x1  }
0xa1: {  	s23 =	simm.s32 $0x1B8B  }
0xa2: {  	_ =	swait.ge [sflag:s23], $0x1  }
0xa3: {  	[sflag:s23] =	ssyncset.done $0x0  }
0xa4: {  	s25 =	simm.s32 $0x1B8E;
	s24 =	sld [smem:$0x3FFE];
	[sflag:s23] =	ssyncadd.s32 $0xFFFFFFFF  }
0xa5: {  	s26 =	simm.s32 $execute0_lowered;
	[smem:$0x3FD2] =	sst s25  }
0xa6: {  	s4 =	sshll.u32 s26, $0x1;
	_ =	strace $0x8000004C;
	[dreg:$0x1] =	wrdreg $0xFFFFFFFF  }
0xa7: {  	s28 =	simm.s32 $_size_execute0_lowered;
	s2 =	sadd.s32 s2, s4;
	[dreg:$0x0] =	wrdreg $0x0  }
0xa8: {  	s4 =	sshll.u32 s28, $0x1;
	[dreg:$0x2] =	wrdreg s2  }
0xa9: {  	[dreg:$0x3] =	wrdreg s4  }
0xaa: {  	[dreg:$0x4] =	wrdreg $0xC0  }
0xab: {  	_ =	task [dreg:s6], $0x5FFFF  }
0xac: {  	[dreg:$0x1] =	wrdreg $0xFFFFFFFF  }
0xad: {  	[dreg:$0x0] =	wrdreg $0x60  }
0xae: {  	[dreg:$0x2] =	wrdreg s24  }
0xaf: {  	[dreg:$0x3] =	wrdreg $0x130000  }
0xb0: {  	[dreg:$0x4] =	wrdreg $0x9  }
0xb1: {  	_ =	task.clear_ibuf [dreg:s6], $0x5FFFF;
	_ =	strace $0x9000004C  }
0xb2: {  	s29 =	simm.s32 $0x9;
	_ =	strace $0x8000004E  }
0xb3: {  	_ =	swait.ge [sflag:s29], $0x1  }
0xb4: {  	[sflag:s29] =	ssyncadd.s32 $0xFFFFFFFF  }
0xb5: {  	_ =	strace $0x9000004E  }
0xb6: {  	_ =	sfence  }
0xb7: {  	s30 =	sld [smem:$0x0];
	_ =	sdelay $0x2  }
0xb8: {  	s31 =	sshll.u32 s1, $0xD;
	s1 =	sshrl.u32 s1, $0x2  }
0xb9: {  	s3 =	sand.u32 $0x4000, s31;
	s1 =	sadd.s32 s1, s30  }
0xba: {  	s0 =	sor.u32 s3, s0;
	s1 =	sshll.u32 s1, $0x11  }
0xbb: {  	s0 =	sor.u32 s1, s0  }
0xbc: {  	s0 =	sadd.s32 $0x8F2B, s0  }
0xbd: {  	[sflag:s0] =	ssyncadd.remote.s32 $0x1  }
0xbe: {  	_ =	sfence.sel $0xFFFF  }
0xbf: {  	[dreg:$0x0] =	wrdreg $0xFFFFFFFF;
	(pc) =	sbr.abs _section_cstart, $3  }
0xc0: {  	[dreg:$0x1] =	wrdreg $0xFFFFFFFF  }
0xc1: {  	_ =	task.clear_ibuf [dreg:s6], $0x2FFFF;
	_ =	strace $0x9FFFFFFF  }
0xc2: {  	(tm) =	ssettm $0x7FFFFFFF  }
0xc3: {  	_ =	shalt  }
tec
execute0_lowered:
.L_overlay_start_1:
0x0: {  	(tag) =	ssettag $0x1  }
0x1: {  	s0 =	rddreg [dreg:$0x0]  }
0x2: {  	s1 =	rddreg [dreg:$0x1];
	s8 =	simm.s32 $0x0  }
0x3: {  	s3 =	srdreg.scid;
	[smem:$0x7FF] =	sst s8;
	s6 =	sadd.s32 $0x2E00, s0  }
0x4: {  	s3 =	sand.u32 $0x1, s3;
	_ =	strace $0x8000004D;
	[dreg:$0x5] =	wrdreg s6  }
0x5: {  	s13 =	sadd.s32 $0x158400, s0;
	[dreg:$0x4] =	wrdreg s3  }
0x6: {  	s15 =	sadd.s32 $0x3200, s0;
	[dreg:$0x6] =	wrdreg s13  }
0x7: {  	s16 =	sadd.s32 $0x3600, s0;
	[dreg:$0xa] =	wrdreg s15  }
0x8: {  	s17 =	sadd.s32 $0x3A00, s0;
	[dreg:$0xb] =	wrdreg s16  }
0x9: {  	s18 =	sadd.s32 $0x3E00, s0;
	[dreg:$0xc] =	wrdreg s17  }
0xa: {  	s19 =	sadd.s32 $0x4200, s0;
	[dreg:$0xd] =	wrdreg s18  }
0xb: {  	s21 =	sadd.s32 $0x158800, s0;
	[dreg:$0xe] =	wrdreg s19  }
0xc: {  	s7 =	stileid.u32;
	s22 =	sadd.s32 $0x158C00, s0;
	[dreg:$0xf] =	wrdreg s21  }
0xd: {  	s2 =	sshll.u32 s7, $0xC;
	s23 =	sadd.s32 $0x4600, s0;
	[dreg:$0x10] =	wrdreg s22  }
0xe: {  	s5 =	smul.u32 $0x31000, s7;
	s24 =	sadd.s32 $0x159000, s0;
	[dreg:$0x11] =	wrdreg s23  }
0xf: {  	s4 =	sadd.s32 $0x468400, s0;
	s25 =	sadd.s32 $0x159400, s0;
	[dreg:$0x12] =	wrdreg s24  }
0x10: {  	s7 =	smul.u32 $0x188, s7;
	s26 =	sadd.s32 $0x159800, s0;
	[dreg:$0x13] =	wrdreg s25  }
0x11: {  	s2 =	sadd.s32 s2, s0;
	s3 =	ssub.s32 $0x2, s3;
	[dreg:$0x14] =	wrdreg s26  }
0x12: {  	s0 =	sadd.s32 $0x159C00, s0;
	s5 =	sshrl.u32 s5, $0x2;
	[dreg:$0x8] =	wrdreg s7  }
0x13: {  	s14 =	sshrl.u32 s3, $0x1;
	s9 =	sadd.s32 $0x138400, s2;
	[dreg:$0x15] =	wrdreg s0  }
0x14: {  	s2 =	sadd.s32 $0x148400, s2;
	[dreg:$0x1c] =	wrdreg s9;
	s20 =	ssub.s32 s3, s14  }
0x15: {  	s10 =	sadd.s32 s5, s1;
	[dreg:$0x1d] =	wrdreg s2;
	s28 =	smax.u32 s20, $0x1  }
0x16: {  	s29 =	sadd.s32 $0x6000, s10;
	[dreg:$0x16] =	wrdreg s28  }
0x17: {  	s30 =	sadd.s32 $0x8000, s10;
	[dreg:$0x18] =	wrdreg s29  }
0x18: {  	s7 =	smov.u32 s10;
	[dreg:$0x19] =	wrdreg s30  }
.Ltmp0:
0x19: {  	s11 =	sadd.s32 $0x2000, s10;
	[dreg:$0x7] =	wrdreg s7;
	(pc) =	sbr.rel .LBB2_1-.Ltmp0, $4  }
0x1a: {  	s6 =	sadd.s32 $0x4000, s10;
	[dreg:$0x9] =	wrdreg s11  }
0x1b: {  	s5 =	sadd.s32 $0xA000, s10;
	[dreg:$0x17] =	wrdreg s6  }
0x1c: {  	s31 =	sadd.s32 $0xC000, s10;
	[dreg:$0x1a] =	wrdreg s5  }
0x1d: {  	v0 =	vimm.f32 $0.0e+00;
	v1 =	vimm.s32 $0x0;
	v2 =	vimm.s32 $0x1880;
	s18 =	simm.s32 $0x1000;
	s19 =	simm.s32 $0x3000;
	[dreg:$0x1b] =	wrdreg s31  }
.LBB2_35:
0x1e: {  	s8 =	rddreg [dreg:$0x3]  }
0x1f: {  	s0 =	rddreg [dreg:$0x16];
	s8 =	sadd.s32 $0x1, s8  }
0x20: {  	p0 =	sne.s32 s8, s0  }
.Ltmp1:
0x21: {  	_ = 	snop;
	(pc) =	sbr.rel @!p0 .LBB2_36-.Ltmp1, $1  }
0x22: {  	_ =	sdelay $0x3  }
.LBB2_1:
0x23: {  	[dreg:$0x3] =	wrdreg s8;
	s0 =	simm.s32 $0x0;
	s2 =	simm.s32 $0x200  }
.LBB2_2:
0x24: {  	p0 =	sne.s32 s2, $0x7E00;
	[tilespmem:s0+$0x11070] =	vst v0  }
0x25: {  	[tilespmem:s0+$0x11000] =	vst v0  }
0x26: {  	[tilespmem:s0+$0x11010] =	vst v0  }
.Ltmp2:
0x27: {  	[tilespmem:s0+$0x11020] =	vst v0;
	(pc) =	sbr.rel @p0 .LBB2_2-.Ltmp2, $4  }
0x28: {  	[tilespmem:s0+$0x11030] =	vst v0  }
0x29: {  	[tilespmem:s0+$0x11040] =	vst v0  }
0x2a: {  	[tilespmem:s0+$0x11050] =	vst v0  }
0x2b: {  	[tilespmem:s0+$0x11060] =	vst v0;
	s0 =	sshra.s32 s2, $0x2;
	s2 =	sadd.s32 $0x200, s2  }
0x2c: {  	[tilespmem:s0+$0x11070] =	vst v0  }
0x2d: {  	[tilespmem:s0+$0x11000] =	vst v0  }
0x2e: {  	[tilespmem:s0+$0x11010] =	vst v0;
	s28 =	rddreg [dreg:$0x18]  }
.Ltmp3:
0x2f: {  	[tilespmem:s0+$0x11020] =	vst v0;
	s9 =	rddreg [dreg:$0x19];
	(pc) =	sbr.rel .LBB2_4-.Ltmp3, $4  }
0x30: {  	[tilespmem:s0+$0x11030] =	vst v0;
	s5 =	rddreg [dreg:$0x1a]  }
0x31: {  	[tilespmem:s0+$0x11040] =	vst v0;
	s25 =	simm.s32 $0x0;
	s2 =	rddreg [dreg:$0x1b];
	s12 =	simm.s32 $0x1  }
0x32: {  	[tilespmem:s0+$0x11050] =	vst v0;
	s13 =	simm.s32 $0x2;
	s20 =	simm.s32 $0x3;
	s21 =	simm.s32 $0x4  }
0x33: {  	[tilespmem:s0+$0x11060] =	vst v0;
	s22 =	simm.s32 $0x5;
	s23 =	simm.s32 $0x6;
	s24 =	simm.s32 $0x7  }
.LBB2_18:
0x34: {  	s0 =	rddreg [dreg:$0x8];
	[bflag:$0x0] =	sbarrier.arrive $0xFFFF  }
0x35: {  	s2 =	stileid.u32;
	s3 =	rddreg [dreg:$0x5]  }
0x36: {  	s0 =	sadd.s32 s0, s17;
	s2 =	sshll.u32 s2, $0x6;
	s7 =	rddreg [dreg:$0x7]  }
0x37: {  	s0 =	sshll.u32 s0, $0x4;
	s5 =	sor.u32 $0x1C01, s2;
	s29 =	sshrl.u32 s7, $0x3  }
0x38: {  	s9 =	sor.u32 $0x1C02, s2;
	s3 =	sadd.s32 s3, s0;
	[smem:$0x7FA] =	sst s5  }
0x39: {  	[hbm:s3], [sflag:s5] =	dma.local [spmem:s29], $0x400  }
0x3a: {  	[smem:$0x7FB] =	sst s9  }
0x3b: {  	s11 =	rddreg [dreg:$0x9]  }
0x3c: {  	s3 =	rddreg [dreg:$0xa];
	s6 =	sshrl.u32 s11, $0x3  }
0x3d: {  	s3 =	sadd.s32 s0, s3;
	[smem:$0x7FC] =	sst s6  }
0x3e: {  	[hbm:s3], [sflag:s9] =	dma.local [spmem:s6], $0x400  }
0x3f: {  	s3 =	rddreg [dreg:$0xb]  }
0x40: {  	s6 =	rddreg [dreg:$0x17]  }
0x41: {  	s30 =	sor.u32 $0x1C03, s2;
	s3 =	sadd.s32 s0, s3;
	s17 =	sshrl.u32 s6, $0x3  }
0x42: {  	[hbm:s3], [sflag:s30] =	dma.local [spmem:s17], $0x400  }
0x43: {  	s3 =	rddreg [dreg:$0xc]  }
0x44: {  	s15 =	sshrl.u32 s31, $0x3;
	s14 =	sor.u32 $0x1C04, s2;
	s3 =	sadd.s32 s0, s3  }
0x45: {  	[hbm:s3], [sflag:s14] =	dma.local [spmem:s15], $0x400  }
0x46: {  	s3 =	rddreg [dreg:$0xd]  }
0x47: {  	s8 =	sshrl.u32 s25, $0x3;
	s16 =	sor.u32 $0x1C05, s2;
	s3 =	sadd.s32 s0, s3  }
0x48: {  	[hbm:s3], [sflag:s16] =	dma.local [spmem:s8], $0x400  }
0x49: {  	s3 =	rddreg [dreg:$0xe]  }
0x4a: {  	s28 =	smov.u32 s31;
	s5 =	rddreg [dreg:$0x1a]  }
0x4b: {  	s31 =	sor.u32 $0x1C06, s2;
	s3 =	sadd.s32 s0, s3;
	s26 =	sshrl.u32 s5, $0x3  }
0x4c: {  	[hbm:s3], [sflag:s31] =	dma.local [spmem:s26], $0x400  }
0x4d: {  	s3 =	rddreg [dreg:$0x11]  }
0x4e: {  	s12 =	sor.u32 $0x1C07, s2;
	s2 =	rddreg [dreg:$0x1b]  }
0x4f: {  	s0 =	sadd.s32 s0, s3;
	s3 =	sshrl.u32 s2, $0x3  }
0x50: {  	[hbm:s0], [sflag:s12] =	dma.local [spmem:s3], $0x80  }
0x51: {  	s0 =	smov.u32 s12;
	s12 =	simm.s32 $0x1  }
0x52: {  	_ =	swait.ge [sflag:s12], $0x400  }
0x53: {  	[sflag:s12] =	ssyncset.done $0x0  }
0x54: {  	s13 =	simm.s32 $0x2;
	[sflag:s12] =	ssyncadd.s32 $0xFFFFFC00  }
0x55: {  	_ =	swait.ge [sflag:s13], $0x400  }
0x56: {  	[sflag:s13] =	ssyncset.done $0x0  }
0x57: {  	s20 =	simm.s32 $0x3;
	[sflag:s13] =	ssyncadd.s32 $0xFFFFFC00  }
0x58: {  	_ =	swait.ge [sflag:s20], $0x400  }
0x59: {  	[sflag:s20] =	ssyncset.done $0x0  }
0x5a: {  	s21 =	simm.s32 $0x4;
	[sflag:s20] =	ssyncadd.s32 $0xFFFFFC00  }
0x5b: {  	_ =	swait.ge [sflag:s21], $0x400  }
0x5c: {  	[sflag:s21] =	ssyncset.done $0x0  }
0x5d: {  	s22 =	simm.s32 $0x5;
	[sflag:s21] =	ssyncadd.s32 $0xFFFFFC00  }
0x5e: {  	_ =	swait.ge [sflag:s22], $0x400  }
0x5f: {  	[sflag:s22] =	ssyncset.done $0x0  }
0x60: {  	s23 =	simm.s32 $0x6;
	[sflag:s22] =	ssyncadd.s32 $0xFFFFFC00  }
0x61: {  	_ =	swait.ge [sflag:s23], $0x400  }
0x62: {  	[sflag:s23] =	ssyncset.done $0x0  }
0x63: {  	s24 =	simm.s32 $0x7;
	[sflag:s23] =	ssyncadd.s32 $0xFFFFFC00  }
0x64: {  	_ =	swait.ge [sflag:s24], $0x80  }
0x65: {  	s10 =	sld [smem:$0x7FD];
	_ =	sdelay $0x2  }
0x66: {  	s9 =	smov.u32 s25;
	s25 =	sadd.s32 $0x1, s10  }
0x67: {  	p0 =	sne.s32 s25, $0x4  }
.Ltmp4:
0x68: {  	_ = 	snop;
	(pc) =	sbr.rel @!p0 .LBB2_19-.Ltmp4, $4  }
0x69: {  	[sflag:s24] =	ssyncset.done $0x0  }
0x6a: {  	[sflag:s24] =	ssyncadd.s32 $0xFFFFFF80  }
0x6b: {  	[bflag:$0x0] =	sbarrier.arrive $0xFFFF  }
0x6c: {  	s10 =	simm.s32 $0x0  }
.LBB2_4:
0x6d: {  	s0 =	simm.s32 $0x11000  }
0x6e: {  	[spmem:s7] =	stream.linear.scatter [tilespmem:s0], [sflag:$0x1], $0x2000, $0x38;
	[tilespmem:$0x1F480] =	vst v63  }
0x6f: {  	_ = 	snop  }
0x70: {  	[spmem:s11] =	stream.linear.scatter [tilespmem:s0], [sflag:$0x2], $0x2000, $0x38;
	[tilespmem:$0x1F480] =	vst v63  }
0x71: {  	_ = 	snop  }
0x72: {  	[spmem:s6] =	stream.linear.scatter [tilespmem:s0], [sflag:$0x3], $0x2000, $0x38;
	[tilespmem:$0x1F480] =	vst v63  }
0x73: {  	_ = 	snop  }
0x74: {  	[spmem:s28] =	stream.linear.scatter [tilespmem:s0], [sflag:$0x4], $0x2000, $0x38;
	[tilespmem:$0x1F480] =	vst v63  }
0x75: {  	_ = 	snop  }
0x76: {  	[spmem:s9] =	stream.linear.scatter [tilespmem:s0], [sflag:$0x5], $0x2000, $0x38;
	[tilespmem:$0x1F480] =	vst v63  }
0x77: {  	_ = 	snop  }
0x78: {  	[spmem:s5] =	stream.linear.scatter [tilespmem:s0], [sflag:$0x6], $0x2000, $0x38;
	[tilespmem:$0x1F480] =	vst v63  }
0x79: {  	_ = 	snop  }
0x7a: {  	[spmem:s2] =	stream.linear.scatter [tilespmem:s0], [sflag:$0x7], $0x400, $0x38;
	[tilespmem:$0x1F480] =	vst v63  }
0x7b: {  	_ =	swait.ge [sflag:s12], $0x2000  }
0x7c: {  	[sflag:s12] =	ssyncset.done $0x0  }
0x7d: {  	[sflag:s12] =	ssyncadd.s32 $0xFFFFE000  }
0x7e: {  	_ =	swait.ge [sflag:s13], $0x2000  }
0x7f: {  	[sflag:s13] =	ssyncset.done $0x0  }
0x80: {  	[sflag:s13] =	ssyncadd.s32 $0xFFFFE000  }
0x81: {  	_ =	swait.ge [sflag:s20], $0x2000  }
0x82: {  	[sflag:s20] =	ssyncset.done $0x0  }
0x83: {  	[sflag:s20] =	ssyncadd.s32 $0xFFFFE000  }
0x84: {  	_ =	swait.ge [sflag:s21], $0x2000  }
0x85: {  	[sflag:s21] =	ssyncset.done $0x0  }
0x86: {  	[sflag:s21] =	ssyncadd.s32 $0xFFFFE000  }
0x87: {  	_ =	swait.ge [sflag:s22], $0x2000  }
0x88: {  	[sflag:s22] =	ssyncset.done $0x0  }
0x89: {  	[sflag:s22] =	ssyncadd.s32 $0xFFFFE000  }
0x8a: {  	_ =	swait.ge [sflag:s23], $0x2000  }
0x8b: {  	[smem:$0x7FD] =	sst s25;
	[sflag:s23] =	ssyncset.done $0x0  }
0x8c: {  	s29 =	sshll.u32 s25, $0x1;
	s30 =	rddreg [dreg:$0x4];
	[sflag:s23] =	ssyncadd.s32 $0xFFFFE000  }
.Ltmp5:
0x8d: {  	s0 =	sor.u32 s30, s29;
	_ =	swait.ge [sflag:s24], $0x400;
	(pc) =	sbr.rel .LBB2_5-.Ltmp5, $4  }
0x8e: {  	s31 =	smov.u32 s28;
	s17 =	smul.u32 $0x1880, s0;
	[sflag:s24] =	ssyncset.done $0x0  }
0x8f: {  	s14 =	simm.s32 $0x80;
	s15 =	simm.s32 $0x400;
	[sflag:s24] =	ssyncadd.s32 $0xFFFFFC00  }
0x90: {  	s16 =	simm.s32 $0xD;
	s0 =	sadd.s32 $0x1880, s17;
	[bflag:$0x0] =	sbarrier.arrive $0xFFFF  }
0x91: {  	s5 =	simm.s32 $0x0;
	s25 =	smov.u32 s9;
	v3 =	vmov s17;
	v4 =	vmov s0;
	s11 =	rddreg [dreg:$0x1c]  }
.LBB2_11:
0x92: {  	s13 =	simm.s32 $0x1000  }
.LBB2_16:
0x93: {  	s9 =	smul.u32 $0xFFFFFFD0, s22;
	p1 =	por p1, !p0  }
0x94: {  	[tilespmem:s21], [sflag:s10] =	stream.indirect.gather @!p1 [hbm4b:s4+s24], $0x80, s23, s24, $0xb8;
	[tilespmem:$0x1F480] =	vst v63  }
0x95: {  	s9 =	sshra.s32 s9, $0x2  }
0x96: {  	s30 =	smul.u32 $0xFFFD0000, s22;
	p1 =	slt.u32 s20, $0xC;
	s0 =	sadd.s32 s9, s0  }
0x97: {  	_ =	swait.ge @!p1 [sflag:s0], $0x1000  }
0x98: {  	s10 =	simm.s32 @!p1 $0xD;
	s9 =	sshra.s32 s30, $0x2;
	[sflag:s0] =	ssyncset.done @!p1 $0x0  }
0x99: {  	s12 =	simm.s32 @!p1 $0x20;
	s8 =	sadd.s32 s9, s8;
	[sflag:s0] =	ssyncadd.s32 @!p1 $0xFFFFF000  }
0x9a: {  	[spmem:s1] =	stream.indirect.scatter.add.f32 @!p1 [tilespmem:s8], [sflag:$0xD], $0x80, s7, s12, $0xb8;
	[tilespmem:$0x1F480] =	vst v63  }
0x9b: {  	_ =	swait.ge @!p1 [sflag:s10], $0x1000  }
0x9c: {  	p2 =	sge.s32 s20, s2;
	s7 =	sadd.s32 @p0 $0x80, s13;
	[sflag:s10] =	ssyncset.done @!p1 $0x0  }
0x9d: {  	s2 =	simm.s32 @!p2 $0x20;
	s6 =	smov.u32 @p0 s7;
	[sflag:s10] =	ssyncadd.s32 @!p1 $0xFFFFF000  }
0x9e: {  	[tilespmem:s8], [sflag:s0] =	stream.indirect.gather @!p2 [hbm4b:s4+s2], $0x80, s6, s2, $0xb8;
	[tilespmem:$0x1F480] =	vst v63  }
.LBB2_17:
0x9f: {  	s5 =	sadd.s32 $0x1, s5  }
0xa0: {  	p0 =	sne.s32 s5, $0x8  }
.Ltmp6:
0xa1: {  	_ = 	snop;
	(pc) =	sbr.rel @!p0 .LBB2_18-.Ltmp6, $1  }
0xa2: {  	_ =	sdelay $0x3  }
.LBB2_5:
0xa3: {  	s0 =	sshll.u32 s5, $0x4  }
0xa4: {  	s2 =	simm.s32 $0x0;
	s0 =	sadd.s32 s0, s11  }
0xa5: {  	[tilespmem:s2], [sflag:$0xD] =	stream.strided.gather [hbm4b:s0+s14], $0x1000, s15, s14, $0x38;
	[tilespmem:$0x1F480] =	vst v63  }
0xa6: {  	_ =	swait.ge [sflag:s16], $0x1000  }
0xa7: {  	[sflag:s16] =	ssyncset.done $0x0  }
0xa8: {  	s6 =	simm.s32 $0x200;
	s0 =	simm.s32 $0x0;
	[sflag:s16] =	ssyncadd.s32 $0xFFFFF000  }
.LBB2_6:
0xa9: {  	p0 =	sne.s32 s6, $0x7E00;
	[tilespmem:s0+$0x3010] =	vst v2;
	s7 =	smov.u32 s6;
	s6 =	sadd.s32 $0x200, s6  }
.Ltmp7:
0xaa: {  	[tilespmem:s0+$0x1010] =	vst v1;
	(pc) =	sbr.rel @p0 .LBB2_6-.Ltmp7, $3  }
0xab: {  	[tilespmem:s0+$0x1000] =	vst v1  }
0xac: {  	[tilespmem:s0+$0x3000] =	vst v2;
	_ =	sdelay $0x1  }
0xad: {  	s0 =	sshra.s32 s7, $0x2  }
0xae: {  	[tilespmem:s0+$0x3010] =	vst v2  }
0xaf: {  	[tilespmem:s0+$0x1010] =	vst v1  }
0xb0: {  	[tilespmem:s0+$0x1000] =	vst v1  }
0xb1: {  	[tilespmem:s0+$0x3000] =	vst v2;
	s29 =	sand.u32 $0x7F0, s2  }
0xb2: {  	v5 =	vld [tilespmem:s29+$0x800];
	_ =	sdelay $0x4  }
0xb3: {  	vm0 =	vge.s32 v5, v3;
	vm1 =	vlt.s32 v5, v4  }
0xb4: {  	vm0 =	vmand vm0, vm1  }
0xb5: {  	v6 =	vsel vm0, $0x1, v1  }
0xb6: {  	(xrf0) =	vadd.scan.msk.s32 $0xffff, v6;
	_ =	sdelay $0x2  }
0xb7: {  	v6 =	vmov s2  }
0xb8: {  	v6 =	vadd.s32 $0xFFFFFFFF, v6  }
0xb9: {  	v6 =	vbroadcast v6, $0x0  }
0xba: {  	v7, _, _ =	vpop (xrf0)  }
0xbb: {  	v6 =	vadd.s32 v7, v6;
	(v2sf) =	vpush v7, $0xF  }
0xbc: {  	v7 =	vshra.s32 v6, $0x1F  }
0xbd: {  	v7 =	vshrl.u32 v7, $0x1B  }
0xbe: {  	v7 =	vadd.s32 v7, v6  }
0xbf: {  	v7 =	vshra.s32 v7, $0x5  }
0xc0: {  	v8 =	vshll.u32 v7, $0x5  }
0xc1: {  	vm15 =	vlt.s32 v6, $0x1;
	vm2 =	vne.s32 v6, v8  }
0xc2: {  	vm1 =	vmand vm15, vm2  }
0xc3: {  	v62 =	vsel vm1, $0xFFFFFFFF, v1  }
0xc4: {  	v7 =	vadd.s32 v62, v7  }
0xc5: {  	v6 =	vand.u32 $0x1F, v6;
	v7 =	vshll.u32 v7, $0x7  }
0xc6: {  	v63 =	vld [tilespmem:s2+$0x0];
	v6 =	vor.u32 v6, v7;
	_ =	sdelay $0x3  }
0xc7: {  	v5 =	vsub.s32 v5, v3;
	s30 =	spop (v2sf)  }
0xc8: {  	s7 =	simm.s32 $0x10;
	v7 =	vnsel vm0, $0x1880, v5;
	[tilespmem:v6+s18+$0x0] =	vst.idx.msk vm0, v63;
	s6 =	sadd.s32 $0x0, s30  }
0xc9: {  	s0 =	simm.s32 $0x20;
	s7 =	sand.u32 $0x7F0, s7;
	v5 =	vmov s6;
	[tilespmem:v6+s19+$0x0] =	vst.idx.msk vm0, v7  }
.LBB2_8:
0xca: {  	p0 =	sne.s32 s0, $0x7F0;
	v6 =	vld [tilespmem:s7+$0x800];
	v5 =	vadd.s32 $0xFFFFFFFF, v5  }
0xcb: {  	v5 =	vbroadcast v5, $0x0;
	_ =	sdelay $0x3  }
0xcc: {  	vm0 =	vge.s32 v6, v3;
	vm1 =	vlt.s32 v6, v4;
	v6 =	vsub.s32 v6, v3  }
0xcd: {  	vm0 =	vmand vm0, vm1  }
0xce: {  	v7 =	vsel vm0, $0x1, v1;
	v6 =	vnsel vm0, $0x1880, v6  }
0xcf: {  	(xrf0) =	vadd.scan.msk.s32 $0xffff, v7;
	_ =	sdelay $0x5  }
0xd0: {  	v7, _, _ =	vpop (xrf0)  }
0xd1: {  	v5 =	vadd.s32 v7, v5;
	(v2sf) =	vpush v7, $0xF  }
0xd2: {  	v7 =	vshra.s32 v5, $0x1F;
	vm1 =	vlt.s32 v5, $0x1;
	v8 =	vand.u32 $0x1F, v5  }
0xd3: {  	v7 =	vshrl.u32 v7, $0x1B  }
0xd4: {  	v7 =	vadd.s32 v7, v5  }
0xd5: {  	v7 =	vshra.s32 v7, $0x5  }
0xd6: {  	v9 =	vshll.u32 v7, $0x5  }
0xd7: {  	vm2 =	vne.s32 v5, v9  }
0xd8: {  	vm1 =	vmand vm1, vm2  }
0xd9: {  	v5 =	vsel vm1, $0xFFFFFFFF, v1  }
0xda: {  	v5 =	vadd.s32 v5, v7  }
0xdb: {  	s2 =	sadd.s32 $0x10, s2;
	v5 =	vshll.u32 v5, $0x7  }
0xdc: {  	v7 =	vld [tilespmem:s2+$0x0];
	v8 =	vor.u32 v8, v5;
	_ =	sdelay $0x1  }
.Ltmp8:
0xdd: {  	(pc) =	sbr.rel @p0 .LBB2_8-.Ltmp8, $4  }
0xde: {  	_ = 	snop  }
0xdf: {  	s7 =	spop (v2sf)  }
0xe0: {  	[tilespmem:v8+s18+$0x0] =	vst.idx.msk vm0, v7;
	s6 =	sadd.s32 s6, s7  }
0xe1: {  	s7 =	sand.u32 $0x7F0, s0;
	s0 =	sadd.s32 $0x10, s0;
	v5 =	vmov s6;
	[tilespmem:v8+s19+$0x0] =	vst.idx.msk vm0, v6  }
0xe2: {  	v6 =	vld [tilespmem:s7+$0x800];
	_ =	sdelay $0x4  }
0xe3: {  	vm0 =	vge.s32 v6, v3;
	vm1 =	vlt.s32 v6, v4  }
0xe4: {  	vm0 =	vmand vm0, vm1  }
0xe5: {  	v7 =	vsel vm0, $0x1, v1  }
0xe6: {  	(xrf0) =	vadd.scan.msk.s32 $0xffff, v7;
	_ =	sdelay $0x5  }
0xe7: {  	v7, _, _ =	vpop (xrf0)  }
0xe8: {  	(v2sf) =	vpush v7, $0xF;
	_ =	sdelay $0x8  }
0xe9: {  	v5 =	vadd.s32 $0xFFFFFFFF, v5  }
0xea: {  	v5 =	vbroadcast v5, $0x0;
	_ =	sdelay $0x1  }
0xeb: {  	v5 =	vadd.s32 v7, v5  }
0xec: {  	v7 =	vshra.s32 v5, $0x1F  }
0xed: {  	v7 =	vshrl.u32 v7, $0x1B  }
0xee: {  	v7 =	vadd.s32 v7, v5;
	s0 =	spop (v2sf)  }
0xef: {  	v7 =	vshra.s32 v7, $0x5;
	s0 =	sadd.s32 s6, s0  }
0xf0: {  	v8 =	vshll.u32 v7, $0x5;
	s0 =	sadd.s32 $0x1F, s0  }
0xf1: {  	s2 =	sadd.s32 $0x10, s2;
	vm15 =	vlt.s32 v5, $0x1;
	vm2 =	vne.s32 v5, v8;
	s29 =	sand.u32 $0x1F, s0  }
0xf2: {  	vm1 =	vmand vm15, vm2;
	s30 =	sshra.s32 s0, $0x1F;
	p0 =	slt.s32 s0, $0x1;
	p1 =	sne.s32 s29, $0x0  }
0xf3: {  	v63 =	vld [tilespmem:s2+$0x0];
	v62 =	vsel vm1, $0xFFFFFFFF, v1;
	s2 =	sshrl.u32 s30, $0x1B;
	p0 =	por !p0, !p1  }
0xf4: {  	v7 =	vadd.s32 v62, v7;
	s0 =	sadd.s32 s2, s0;
	s2 =	simm.s32 $0x1;
	p0 =	por !p0, !p0  }
0xf5: {  	v5 =	vand.u32 $0x1F, v5;
	v7 =	vshll.u32 v7, $0x7;
	s0 =	sshra.s32 s0, $0x5;
	s2 =	simm.s32 @!p0 $0x0  }
0xf6: {  	v5 =	vor.u32 v5, v7;
	s2 =	ssub.s32 s0, s2  }
0xf7: {  	p1 =	slt.s32 s2, $0xFFFFFFF5  }
.Ltmp9:
0xf8: {  	_ = 	snop;
	(pc) =	sbr.rel @p1 .LBB2_17-.Ltmp9, $4  }
0xf9: {  	_ = 	snop  }
0xfa: {  	v6 =	vsub.s32 v6, v3  }
0xfb: {  	v6 =	vnsel vm0, $0x1880, v6;
	[tilespmem:v5+s18+$0x0] =	vst.idx.msk vm0, v63  }
0xfc: {  	[tilespmem:v5+s19+$0x0] =	vst.idx.msk vm0, v6  }
0xfd: {  	s6 =	simm.s32 $0xFFFFFFFF  }
0xfe: {  	s6 =	simm.s32 @!p0 $0x0  }
0xff: {  	s0 =	sadd.s32 s6, s0  }
0x100: {  	s9 =	sadd.s32 $0xC, s0  }
0x101: {  	p1 =	sne.s32 s9, $0x1  }
.Ltmp10:
0x102: {  	_ = 	snop;
	(pc) =	sbr.rel @!p1 .LBB2_11-.Ltmp10, $4  }
0x103: {  	s20 =	simm.s32 $0x0  }
0x104: {  	s7 =	simm.s32 $0x2A00;
	s10 =	smulhi.u32 $0xAAAAAAAB, s20  }
0x105: {  	s8 =	simm.s32 $0x5000;
	s12 =	simm.s32 $0x1;
	p0 =	por $0x0, $0x0  }
0x106: {  	s6 =	simm.s32 $0x1000;
	s0 =	simm.s32 $0x1;
	s22 =	sshrl.u32 s10, $0x3  }
0x107: {  	s0 =	smul.u32 $0xFFFFFFD0, s22  }
0x108: {  	s20 =	simm.s32 $0x2;
	s29 =	smul.u32 $0xFFFD0000, s22;
	p0 =	por $0x1, $0x1  }
0x109: {  	p2 =	sne.s32 s9, $0x2;
	s8 =	simm.s32 $0x6000;
	s0 =	sshra.s32 s0, $0x2  }
0x10a: {  	s30 =	smulhi.u32 $0xAAAAAAAB, s12;
	p1 =	sle.s32 s2, $0x0;
	s10 =	sadd.s32 $0x1, s0  }
0x10b: {  	s23 =	simm.s32 $0x1000;
	s13 =	simm.s32 @!p0 $0xD;
	_ =	swait.ge @!p0 [sflag:s10], $0x1000  }
0x10c: {  	s22 =	simm.s32 @!p0 $0x20;
	s0 =	sshra.s32 s29, $0x2;
	[sflag:s10] =	ssyncset.done @!p0 $0x0  }
.Ltmp11:
0x10d: {  	s21 =	sadd.s32 $0x5000, s0;
	[sflag:s10] =	ssyncadd.s32 @!p0 $0xFFFFF000;
	(pc) =	sbr.rel @!p2 .LBB2_13-.Ltmp11, $4  }
0x10e: {  	[spmem:s1] =	stream.indirect.scatter.add.f32 @!p0 [tilespmem:s21], [sflag:$0xD], $0x80, s7, s22, $0xb8;
	[tilespmem:$0x1F480] =	vst v63  }
0x10f: {  	s24 =	simm.s32 @!p1 $0x20;
	s0 =	simm.s32 $0x2;
	_ =	swait.ge @!p0 [sflag:s13], $0x1000  }
0x110: {  	s7 =	simm.s32 $0x2A80;
	s22 =	sshrl.u32 s30, $0x3;
	[sflag:s13] =	ssyncset.done @!p0 $0x0  }
0x111: {  	[sflag:s13] =	ssyncadd.s32 @!p0 $0xFFFFF000;
	p0 =	por $0x1, $0x1;
	s13 =	simm.s32 $0x1000  }
.LBB2_14:
0x112: {  	s26 =	smul.u32 $0xFFFFFFD0, s22;
	s13 =	sadd.s32 $0x80, s13;
	s28 =	smov.u32 s12  }
0x113: {  	s12 =	smov.u32 s20;
	s20 =	sadd.s32 $0x1, s20;
	s29 =	smov.u32 s8  }
0x114: {  	[tilespmem:s21], [sflag:s10] =	stream.indirect.gather @!p1 [hbm4b:s4+s24], $0x80, s23, s24, $0xb8;
	[tilespmem:$0x1F480] =	vst v63  }
0x115: {  	p2 =	sne.s32 s9, s20;
	s23 =	smov.u32 s13;
	s10 =	sshra.s32 s26, $0x2  }
0x116: {  	s21 =	smul.u32 $0xFFFD0000, s22;
	p3 =	slt.u32 s28, $0xC;
	s10 =	sadd.s32 s10, s0  }
0x117: {  	s8 =	sadd.s32 $0x1000, s8;
	s24 =	simm.s32 @!p3 $0xD;
	_ =	swait.ge @!p3 [sflag:s10], $0x1000  }
0x118: {  	s22 =	simm.s32 @!p3 $0x20;
	s21 =	sshra.s32 s21, $0x2;
	[sflag:s10] =	ssyncset.done @!p3 $0x0  }
.Ltmp12:
0x119: {  	s21 =	sadd.s32 s21, s29;
	[sflag:s10] =	ssyncadd.s32 @!p3 $0xFFFFF000;
	(pc) =	sbr.rel @p2 .LBB2_14-.Ltmp12, $4  }
0x11a: {  	[spmem:s1] =	stream.indirect.scatter.add.f32 @!p3 [tilespmem:s21], [sflag:$0xD], $0x80, s7, s22, $0xb8;
	[tilespmem:$0x1F480] =	vst v63  }
0x11b: {  	s0 =	sadd.s32 $0x1, s0;
	s22 =	smulhi.u32 $0xAAAAAAAB, s12;
	_ =	swait.ge @!p3 [sflag:s24], $0x1000  }
0x11c: {  	p1 =	sge.s32 s28, s2;
	s7 =	sadd.s32 $0x80, s7;
	[sflag:s24] =	ssyncset.done @!p3 $0x0  }
0x11d: {  	s22 =	sshrl.u32 s22, $0x3;
	[sflag:s24] =	ssyncadd.s32 @!p3 $0xFFFFF000;
	s24 =	simm.s32 @!p1 $0x20  }
.Ltmp13:
0x11e: {  	(pc) =	sbr.rel .LBB2_16-.Ltmp13, $2  }
0x11f: {  	_ =	sdelay $0x2  }
0x120: {  	s20 =	smov.u32 s12  }
.LBB2_13:
.Ltmp14:
0x121: {  	(pc) =	sbr.rel .LBB2_16-.Ltmp14, $2  }
0x122: {  	_ =	sdelay $0x2  }
0x123: {  	s13 =	simm.s32 $0x1000;
	s20 =	simm.s32 $0x1;
	s23 =	simm.s32 $0x1000  }
.LBB2_19:
0x124: {  	[smem:$0x7F7] =	sst s3  }
0x125: {  	[smem:$0x7F8] =	sst s26  }
0x126: {  	[dreg:$0x1f] =	wrdreg s31  }
0x127: {  	s9 =	simm.s32 $0x1;
	s12 =	simm.s32 $0x2;
	s13 =	simm.s32 $0x3  }
0x128: {  	s20 =	simm.s32 $0x4;
	s21 =	simm.s32 $0x5;
	s22 =	simm.s32 $0x6  }
.Ltmp15:
0x129: {  	s25 =	sld [smem:$0x7FC];
	s3 =	smov.u32 s30;
	(pc) =	sbr.rel .LBB2_20-.Ltmp15, $4  }
0x12a: {  	s26 =	smov.u32 s17;
	s17 =	smov.u32 s14;
	s14 =	simm.s32 $0x80  }
0x12b: {  	s28 =	smov.u32 s15;
	s15 =	simm.s32 $0x400;
	s31 =	sld [smem:$0x7FB]  }
0x12c: {  	s30 =	smov.u32 s29;
	s23 =	smov.u32 s8;
	[smem:$0x7F9] =	sst s0  }
0x12d: {  	s29 =	smov.u32 s16;
	s16 =	simm.s32 $0xD;
	[dreg:$0x1e] =	wrdreg s23  }
.LBB2_34:
0x12e: {  	s2 =	sld [smem:$0x7F5];
	_ =	sdelay $0x1  }
0x12f: {  	s0 =	rddreg [dreg:$0x8]  }
0x130: {  	[bflag:$0x0] =	sbarrier.arrive $0xFFFF;
	s0 =	sadd.s32 s0, s2  }
0x131: {  	s22 =	rddreg [dreg:$0x6];
	s0 =	sshll.u32 s0, $0x4  }
0x132: {  	s2 =	sadd.s32 s22, s0  }
0x133: {  	[hbm:s2], [sflag:s21] =	dma.local [spmem:s30], $0x400  }
0x134: {  	s2 =	rddreg [dreg:$0xf]  }
0x135: {  	s2 =	sadd.s32 s0, s2  }
0x136: {  	[hbm:s2], [sflag:s31] =	dma.local [spmem:s25], $0x400  }
0x137: {  	s2 =	rddreg [dreg:$0x10]  }
0x138: {  	s2 =	sadd.s32 s0, s2  }
0x139: {  	[hbm:s2], [sflag:s3] =	dma.local [spmem:s26], $0x400  }
0x13a: {  	s2 =	rddreg [dreg:$0x12]  }
0x13b: {  	s2 =	sadd.s32 s0, s2  }
0x13c: {  	[hbm:s2], [sflag:s17] =	dma.local [spmem:s28], $0x400  }
0x13d: {  	s2 =	rddreg [dreg:$0x13]  }
0x13e: {  	s2 =	sadd.s32 s0, s2  }
0x13f: {  	[hbm:s2], [sflag:s29] =	dma.local [spmem:s23], $0x400  }
0x140: {  	s2 =	rddreg [dreg:$0x14]  }
0x141: {  	s2 =	sadd.s32 s0, s2  }
0x142: {  	[hbm:s2], [sflag:s11] =	dma.local [spmem:s8], $0x400  }
0x143: {  	s24 =	sld [smem:$0x7F9]  }
0x144: {  	s2 =	rddreg [dreg:$0x15]  }
0x145: {  	s0 =	sadd.s32 s0, s2  }
0x146: {  	[hbm:s0], [sflag:s24] =	dma.local [spmem:s9], $0x80  }
0x147: {  	s9 =	simm.s32 $0x1  }
0x148: {  	_ =	swait.ge [sflag:s9], $0x400  }
0x149: {  	[sflag:s9] =	ssyncset.done $0x0  }
0x14a: {  	s12 =	simm.s32 $0x2;
	[sflag:s9] =	ssyncadd.s32 $0xFFFFFC00  }
0x14b: {  	_ =	swait.ge [sflag:s12], $0x400  }
0x14c: {  	[sflag:s12] =	ssyncset.done $0x0  }
0x14d: {  	s13 =	simm.s32 $0x3;
	[sflag:s12] =	ssyncadd.s32 $0xFFFFFC00  }
0x14e: {  	_ =	swait.ge [sflag:s13], $0x400  }
0x14f: {  	[sflag:s13] =	ssyncset.done $0x0  }
0x150: {  	s20 =	simm.s32 $0x4;
	[sflag:s13] =	ssyncadd.s32 $0xFFFFFC00  }
0x151: {  	_ =	swait.ge [sflag:s20], $0x400  }
0x152: {  	[sflag:s20] =	ssyncset.done $0x0  }
0x153: {  	s21 =	simm.s32 $0x5;
	[sflag:s20] =	ssyncadd.s32 $0xFFFFFC00  }
0x154: {  	_ =	swait.ge [sflag:s21], $0x400  }
0x155: {  	[sflag:s21] =	ssyncset.done $0x0  }
0x156: {  	s22 =	simm.s32 $0x6;
	[sflag:s21] =	ssyncadd.s32 $0xFFFFFC00  }
0x157: {  	_ =	swait.ge [sflag:s22], $0x400  }
0x158: {  	[sflag:s22] =	ssyncset.done $0x0  }
0x159: {  	s24 =	simm.s32 $0x7;
	[sflag:s22] =	ssyncadd.s32 $0xFFFFFC00  }
0x15a: {  	_ =	swait.ge [sflag:s24], $0x80  }
0x15b: {  	[sflag:s24] =	ssyncset.done $0x0  }
0x15c: {  	s10 =	sadd.s32 $0x1, s10;
	[sflag:s24] =	ssyncadd.s32 $0xFFFFFF80  }
0x15d: {  	p0 =	sne.s32 s10, $0x4;
	[bflag:$0x0] =	sbarrier.arrive $0xFFFF  }
.Ltmp16:
0x15e: {  	s7 =	rddreg [dreg:$0x7];
	(pc) =	sbr.rel @!p0 .LBB2_35-.Ltmp16, $4  }
0x15f: {  	s11 =	rddreg [dreg:$0x9]  }
0x160: {  	s6 =	rddreg [dreg:$0x17]  }
0x161: {  	s5 =	rddreg [dreg:$0x1a]  }
0x162: {  	s2 =	rddreg [dreg:$0x1b]  }
.LBB2_20:
0x163: {  	s8 =	simm.s32 $0x11000  }
0x164: {  	[spmem:s7] =	stream.linear.scatter [tilespmem:s8], [sflag:$0x1], $0x2000, $0x38;
	[tilespmem:$0x1F480] =	vst v63  }
0x165: {  	_ = 	snop  }
0x166: {  	[spmem:s11] =	stream.linear.scatter [tilespmem:s8], [sflag:$0x2], $0x2000, $0x38;
	[tilespmem:$0x1F480] =	vst v63  }
0x167: {  	_ = 	snop  }
0x168: {  	[spmem:s6] =	stream.linear.scatter [tilespmem:s8], [sflag:$0x3], $0x2000, $0x38;
	[tilespmem:$0x1F480] =	vst v63  }
0x169: {  	s0 =	rddreg [dreg:$0x18]  }
0x16a: {  	[spmem:s0] =	stream.linear.scatter [tilespmem:s8], [sflag:$0x4], $0x2000, $0x38;
	[tilespmem:$0x1F480] =	vst v63  }
0x16b: {  	s11 =	rddreg [dreg:$0x19]  }
0x16c: {  	[spmem:s11] =	stream.linear.scatter [tilespmem:s8], [sflag:$0x5], $0x2000, $0x38;
	[tilespmem:$0x1F480] =	vst v63  }
0x16d: {  	_ = 	snop  }
0x16e: {  	[spmem:s5] =	stream.linear.scatter [tilespmem:s8], [sflag:$0x6], $0x2000, $0x38;
	[tilespmem:$0x1F480] =	vst v63  }
0x16f: {  	_ = 	snop  }
0x170: {  	[spmem:s2] =	stream.linear.scatter [tilespmem:s8], [sflag:$0x7], $0x400, $0x38;
	[tilespmem:$0x1F480] =	vst v63  }
0x171: {  	_ =	swait.ge [sflag:s9], $0x2000  }
0x172: {  	[sflag:s9] =	ssyncset.done $0x0  }
0x173: {  	[sflag:s9] =	ssyncadd.s32 $0xFFFFE000  }
0x174: {  	_ =	swait.ge [sflag:s12], $0x2000  }
0x175: {  	[sflag:s12] =	ssyncset.done $0x0  }
0x176: {  	[sflag:s12] =	ssyncadd.s32 $0xFFFFE000  }
0x177: {  	_ =	swait.ge [sflag:s13], $0x2000  }
0x178: {  	[sflag:s13] =	ssyncset.done $0x0  }
0x179: {  	[sflag:s13] =	ssyncadd.s32 $0xFFFFE000  }
0x17a: {  	_ =	swait.ge [sflag:s20], $0x2000  }
0x17b: {  	[sflag:s20] =	ssyncset.done $0x0  }
0x17c: {  	[sflag:s20] =	ssyncadd.s32 $0xFFFFE000  }
0x17d: {  	_ =	swait.ge [sflag:s21], $0x2000  }
0x17e: {  	[sflag:s21] =	ssyncset.done $0x0  }
0x17f: {  	[sflag:s21] =	ssyncadd.s32 $0xFFFFE000  }
0x180: {  	_ =	swait.ge [sflag:s22], $0x2000  }
0x181: {  	[sflag:s22] =	ssyncset.done $0x0  }
0x182: {  	[sflag:s22] =	ssyncadd.s32 $0xFFFFE000  }
0x183: {  	s20 =	sshll.u32 s10, $0x1;
	s21 =	rddreg [dreg:$0x4];
	_ =	swait.ge [sflag:s24], $0x400  }
0x184: {  	s0 =	sor.u32 s21, s20;
	[sflag:s24] =	ssyncset.done $0x0  }
0x185: {  	s2 =	smul.u32 $0x1880, s0;
	[sflag:s24] =	ssyncadd.s32 $0xFFFFFC00  }
0x186: {  	[bflag:$0x0] =	sbarrier.arrive $0xFFFF  }
0x187: {  	[smem:$0x7F5] =	sst s2  }
.Ltmp17:
0x188: {  	s11 =	rddreg [dreg:$0x1f];
	(pc) =	sbr.rel .LBB2_21-.Ltmp17, $4  }
0x189: {  	s8 =	sld [smem:$0x7F8]  }
0x18a: {  	s9 =	sld [smem:$0x7F7]  }
0x18b: {  	s0 =	sadd.s32 $0x1880, s2;
	s21 =	sld [smem:$0x7FA]  }
0x18c: {  	v3 =	vmov s2;
	v4 =	vmov s0;
	s2 =	simm.s32 $0x0;
	[smem:$0x7F6] =	sst s10  }
.LBB2_27:
0x18d: {  	s22 =	smov.u32 s30  }
0x18e: {  	s23 =	simm.s32 $0x1000;
	s11 =	rddreg [dreg:$0x1f];
	s30 =	smov.u32 s21  }
.LBB2_32:
0x18f: {  	s0 =	smul.u32 $0xFFFFFFD0, s9;
	p1 =	por p1, !p0  }
0x190: {  	[tilespmem:s5], [sflag:s21] =	stream.indirect.gather @!p1 [hbm4b:s4+s10], $0x80, s8, s10, $0xb8;
	[tilespmem:$0x1F480] =	vst v63  }
0x191: {  	s0 =	sshra.s32 s0, $0x2  }
0x192: {  	s21 =	smul.u32 $0xFFFD0000, s9;
	p1 =	slt.u32 s24, $0xC;
	s0 =	sadd.s32 s0, s20  }
0x193: {  	_ =	swait.ge @!p1 [sflag:s0], $0x1000  }
0x194: {  	s8 =	simm.s32 @!p1 $0xD;
	s5 =	sshra.s32 s21, $0x2;
	[sflag:s0] =	ssyncset.done @!p1 $0x0  }
0x195: {  	s9 =	simm.s32 @!p1 $0x20;
	s5 =	sadd.s32 s5, s13;
	[sflag:s0] =	ssyncadd.s32 @!p1 $0xFFFFF000  }
0x196: {  	[spmem:s1] =	stream.indirect.scatter.add.f32 @!p1 [tilespmem:s5], [sflag:$0xD], $0x80, s12, s9, $0xb8;
	[tilespmem:$0x1F480] =	vst v63  }
0x197: {  	_ =	swait.ge @!p1 [sflag:s8], $0x1000  }
0x198: {  	p2 =	sge.s32 s24, s6;
	s9 =	sadd.s32 @p0 $0x80, s23;
	s23 =	rddreg [dreg:$0x1e]  }
0x199: {  	s6 =	simm.s32 @!p2 $0x20;
	s7 =	smov.u32 @p0 s9;
	s9 =	sld [smem:$0x7F7]  }
0x19a: {  	s21 =	smov.u32 s30;
	[sflag:s8] =	ssyncset.done @!p1 $0x0;
	s10 =	sld [smem:$0x7F6]  }
0x19b: {  	s30 =	smov.u32 s22;
	[sflag:s8] =	ssyncadd.s32 @!p1 $0xFFFFF000;
	s8 =	sld [smem:$0x7F8]  }
0x19c: {  	[tilespmem:s5], [sflag:s0] =	stream.indirect.gather @!p2 [hbm4b:s4+s6], $0x80, s7, s6, $0xb8;
	[tilespmem:$0x1F480] =	vst v63  }
.LBB2_33:
0x19d: {  	s2 =	sadd.s32 $0x1, s2  }
0x19e: {  	p0 =	sne.s32 s2, $0x8  }
.Ltmp18:
0x19f: {  	_ = 	snop;
	(pc) =	sbr.rel @!p0 .LBB2_34-.Ltmp18, $1  }
0x1a0: {  	_ =	sdelay $0x3  }
.LBB2_21:
0x1a1: {  	s0 =	sshll.u32 s2, $0x4;
	s5 =	rddreg [dreg:$0x1d]  }
0x1a2: {  	s6 =	simm.s32 $0x0;
	s0 =	sadd.s32 s0, s5  }
0x1a3: {  	[tilespmem:s6], [sflag:$0xD] =	stream.strided.gather [hbm4b:s0+s14], $0x1000, s15, s14, $0x38;
	[tilespmem:$0x1F480] =	vst v63  }
0x1a4: {  	_ =	swait.ge [sflag:s16], $0x1000  }
0x1a5: {  	[sflag:s16] =	ssyncset.done $0x0  }
0x1a6: {  	s5 =	simm.s32 $0x200;
	s0 =	simm.s32 $0x0;
	[sflag:s16] =	ssyncadd.s32 $0xFFFFF000  }
.LBB2_22:
0x1a7: {  	p0 =	sne.s32 s5, $0x7E00;
	[tilespmem:s0+$0x3010] =	vst v2;
	s7 =	smov.u32 s5;
	s5 =	sadd.s32 $0x200, s5  }
.Ltmp19:
0x1a8: {  	[tilespmem:s0+$0x1010] =	vst v1;
	(pc) =	sbr.rel @p0 .LBB2_22-.Ltmp19, $3  }
0x1a9: {  	[tilespmem:s0+$0x1000] =	vst v1  }
0x1aa: {  	[tilespmem:s0+$0x3000] =	vst v2;
	_ =	sdelay $0x1  }
0x1ab: {  	s0 =	sshra.s32 s7, $0x2  }
0x1ac: {  	[tilespmem:s0+$0x3010] =	vst v2  }
0x1ad: {  	[tilespmem:s0+$0x1010] =	vst v1  }
0x1ae: {  	[tilespmem:s0+$0x1000] =	vst v1  }
0x1af: {  	[tilespmem:s0+$0x3000] =	vst v2;
	s22 =	sand.u32 $0x7F0, s6  }
0x1b0: {  	v5 =	vld [tilespmem:s22+$0x800];
	_ =	sdelay $0x4  }
0x1b1: {  	vm0 =	vge.s32 v5, v3;
	vm1 =	vlt.s32 v5, v4  }
0x1b2: {  	vm0 =	vmand vm0, vm1  }
0x1b3: {  	v6 =	vsel vm0, $0x1, v1  }
0x1b4: {  	(xrf0) =	vadd.scan.msk.s32 $0xffff, v6;
	_ =	sdelay $0x2  }
0x1b5: {  	v6 =	vmov s6  }
0x1b6: {  	v6 =	vadd.s32 $0xFFFFFFFF, v6  }
0x1b7: {  	v6 =	vbroadcast v6, $0x0  }
0x1b8: {  	v7, _, _ =	vpop (xrf0)  }
0x1b9: {  	v6 =	vadd.s32 v7, v6;
	(v2sf) =	vpush v7, $0xF  }
0x1ba: {  	v7 =	vshra.s32 v6, $0x1F  }
0x1bb: {  	v7 =	vshrl.u32 v7, $0x1B  }
0x1bc: {  	v7 =	vadd.s32 v7, v6  }
0x1bd: {  	v7 =	vshra.s32 v7, $0x5  }
0x1be: {  	v8 =	vshll.u32 v7, $0x5  }
0x1bf: {  	vm15 =	vlt.s32 v6, $0x1;
	vm2 =	vne.s32 v6, v8  }
0x1c0: {  	vm1 =	vmand vm15, vm2  }
0x1c1: {  	v62 =	vsel vm1, $0xFFFFFFFF, v1  }
0x1c2: {  	v7 =	vadd.s32 v62, v7  }
0x1c3: {  	v6 =	vand.u32 $0x1F, v6;
	v7 =	vshll.u32 v7, $0x7  }
0x1c4: {  	v63 =	vld [tilespmem:s6+$0x0];
	v6 =	vor.u32 v6, v7;
	_ =	sdelay $0x3  }
0x1c5: {  	v5 =	vsub.s32 v5, v3;
	s24 =	spop (v2sf)  }
0x1c6: {  	s5 =	simm.s32 $0x10;
	v7 =	vnsel vm0, $0x1880, v5;
	[tilespmem:v6+s18+$0x0] =	vst.idx.msk vm0, v63;
	s7 =	sadd.s32 $0x0, s24  }
0x1c7: {  	s0 =	simm.s32 $0x20;
	s5 =	sand.u32 $0x7F0, s5;
	v5 =	vmov s7;
	[tilespmem:v6+s19+$0x0] =	vst.idx.msk vm0, v7  }
.LBB2_24:
0x1c8: {  	p0 =	sne.s32 s0, $0x7F0;
	v6 =	vld [tilespmem:s5+$0x800];
	v5 =	vadd.s32 $0xFFFFFFFF, v5  }
0x1c9: {  	v5 =	vbroadcast v5, $0x0;
	_ =	sdelay $0x3  }
0x1ca: {  	vm0 =	vge.s32 v6, v3;
	vm1 =	vlt.s32 v6, v4;
	v6 =	vsub.s32 v6, v3  }
0x1cb: {  	vm0 =	vmand vm0, vm1  }
0x1cc: {  	v7 =	vsel vm0, $0x1, v1;
	v6 =	vnsel vm0, $0x1880, v6  }
0x1cd: {  	(xrf0) =	vadd.scan.msk.s32 $0xffff, v7;
	_ =	sdelay $0x5  }
0x1ce: {  	v7, _, _ =	vpop (xrf0)  }
0x1cf: {  	v5 =	vadd.s32 v7, v5;
	(v2sf) =	vpush v7, $0xF  }
0x1d0: {  	v7 =	vshra.s32 v5, $0x1F;
	vm1 =	vlt.s32 v5, $0x1;
	v8 =	vand.u32 $0x1F, v5  }
0x1d1: {  	v7 =	vshrl.u32 v7, $0x1B  }
0x1d2: {  	v7 =	vadd.s32 v7, v5  }
0x1d3: {  	v7 =	vshra.s32 v7, $0x5  }
0x1d4: {  	v9 =	vshll.u32 v7, $0x5  }
0x1d5: {  	vm2 =	vne.s32 v5, v9  }
0x1d6: {  	vm1 =	vmand vm1, vm2  }
0x1d7: {  	v5 =	vsel vm1, $0xFFFFFFFF, v1  }
0x1d8: {  	v5 =	vadd.s32 v5, v7  }
0x1d9: {  	s6 =	sadd.s32 $0x10, s6;
	v5 =	vshll.u32 v5, $0x7  }
0x1da: {  	v7 =	vld [tilespmem:s6+$0x0];
	v8 =	vor.u32 v8, v5;
	_ =	sdelay $0x1  }
.Ltmp20:
0x1db: {  	(pc) =	sbr.rel @p0 .LBB2_24-.Ltmp20, $4  }
0x1dc: {  	_ = 	snop  }
0x1dd: {  	s5 =	spop (v2sf)  }
0x1de: {  	[tilespmem:v8+s18+$0x0] =	vst.idx.msk vm0, v7;
	s7 =	sadd.s32 s7, s5  }
0x1df: {  	s5 =	sand.u32 $0x7F0, s0;
	s0 =	sadd.s32 $0x10, s0;
	v5 =	vmov s7;
	[tilespmem:v8+s19+$0x0] =	vst.idx.msk vm0, v6  }
0x1e0: {  	v6 =	vld [tilespmem:s5+$0x800];
	_ =	sdelay $0x4  }
0x1e1: {  	vm0 =	vge.s32 v6, v3;
	vm1 =	vlt.s32 v6, v4  }
0x1e2: {  	vm0 =	vmand vm0, vm1  }
0x1e3: {  	v7 =	vsel vm0, $0x1, v1  }
0x1e4: {  	(xrf0) =	vadd.scan.msk.s32 $0xffff, v7;
	_ =	sdelay $0x5  }
0x1e5: {  	v7, _, _ =	vpop (xrf0)  }
0x1e6: {  	(v2sf) =	vpush v7, $0xF;
	_ =	sdelay $0x8  }
0x1e7: {  	v5 =	vadd.s32 $0xFFFFFFFF, v5  }
0x1e8: {  	v5 =	vbroadcast v5, $0x0;
	_ =	sdelay $0x1  }
0x1e9: {  	v5 =	vadd.s32 v7, v5  }
0x1ea: {  	v7 =	vshra.s32 v5, $0x1F  }
0x1eb: {  	v7 =	vshrl.u32 v7, $0x1B  }
0x1ec: {  	v7 =	vadd.s32 v7, v5;
	s0 =	spop (v2sf)  }
0x1ed: {  	v7 =	vshra.s32 v7, $0x5;
	s0 =	sadd.s32 s7, s0  }
0x1ee: {  	v8 =	vshll.u32 v7, $0x5;
	s0 =	sadd.s32 $0x1F, s0  }
0x1ef: {  	vm15 =	vlt.s32 v5, $0x1;
	vm2 =	vne.s32 v5, v8;
	s22 =	sand.u32 $0x1F, s0  }
0x1f0: {  	vm1 =	vmand vm15, vm2;
	s24 =	sshra.s32 s0, $0x1F;
	p0 =	slt.s32 s0, $0x1;
	p1 =	sne.s32 s22, $0x0  }
0x1f1: {  	v62 =	vsel vm1, $0xFFFFFFFF, v1;
	s5 =	sshrl.u32 s24, $0x1B;
	p0 =	por !p0, !p1  }
0x1f2: {  	v7 =	vadd.s32 v62, v7;
	s0 =	sadd.s32 s5, s0;
	s5 =	simm.s32 $0x1;
	p0 =	por !p0, !p0  }
0x1f3: {  	s20 =	sadd.s32 $0x10, s6;
	v5 =	vand.u32 $0x1F, v5;
	v7 =	vshll.u32 v7, $0x7;
	s0 =	sshra.s32 s0, $0x5;
	s5 =	simm.s32 @!p0 $0x0  }
0x1f4: {  	v63 =	vld [tilespmem:s20+$0x0];
	v5 =	vor.u32 v5, v7;
	s6 =	ssub.s32 s0, s5  }
0x1f5: {  	p1 =	slt.s32 s6, $0xFFFFFFF5  }
.Ltmp21:
0x1f6: {  	_ = 	snop;
	(pc) =	sbr.rel @p1 .LBB2_33-.Ltmp21, $4  }
0x1f7: {  	_ = 	snop  }
0x1f8: {  	v6 =	vsub.s32 v6, v3  }
0x1f9: {  	v6 =	vnsel vm0, $0x1880, v6;
	[tilespmem:v5+s18+$0x0] =	vst.idx.msk vm0, v63  }
0x1fa: {  	[tilespmem:v5+s19+$0x0] =	vst.idx.msk vm0, v6  }
0x1fb: {  	s5 =	simm.s32 $0xFFFFFFFF  }
0x1fc: {  	s5 =	simm.s32 @!p0 $0x0  }
0x1fd: {  	s0 =	sadd.s32 s5, s0  }
0x1fe: {  	s0 =	sadd.s32 $0xC, s0  }
0x1ff: {  	p1 =	sne.s32 s0, $0x1  }
.Ltmp22:
0x200: {  	_ = 	snop;
	(pc) =	sbr.rel @!p1 .LBB2_27-.Ltmp22, $4  }
0x201: {  	s24 =	simm.s32 $0x0  }
0x202: {  	s7 =	simm.s32 $0x1000;
	s23 =	smulhi.u32 $0xAAAAAAAB, s24  }
0x203: {  	s12 =	simm.s32 $0x2A00;
	s20 =	simm.s32 $0x1;
	s13 =	simm.s32 $0x5000  }
0x204: {  	s22 =	simm.s32 $0x1;
	p0 =	por $0x0, $0x0;
	s9 =	sshrl.u32 s23, $0x3  }
0x205: {  	s16 =	smov.u32 s29;
	s15 =	smov.u32 s28;
	s14 =	smov.u32 s17  }
0x206: {  	s17 =	smov.u32 s26;
	s11 =	smov.u32 s25;
	s25 =	smov.u32 s31  }
0x207: {  	s31 =	smov.u32 s30;
	s30 =	smov.u32 s21;
	s5 =	smul.u32 $0xFFFFFFD0, s9  }
0x208: {  	s24 =	simm.s32 $0x2;
	s28 =	smul.u32 $0xFFFD0000, s9;
	p0 =	por $0x1, $0x1  }
0x209: {  	p2 =	sne.s32 s0, $0x2;
	s13 =	simm.s32 $0x6000;
	s5 =	sshra.s32 s5, $0x2  }
0x20a: {  	s29 =	smulhi.u32 $0xAAAAAAAB, s22;
	s20 =	simm.s32 $0x2;
	s21 =	sadd.s32 $0x1, s5  }
0x20b: {  	p1 =	sle.s32 s6, $0x0;
	s8 =	simm.s32 @!p0 $0xD;
	_ =	swait.ge @!p0 [sflag:s21], $0x1000  }
0x20c: {  	s9 =	simm.s32 @!p0 $0x20;
	s5 =	sshra.s32 s28, $0x2;
	[sflag:s21] =	ssyncset.done @!p0 $0x0  }
.Ltmp23:
0x20d: {  	s5 =	sadd.s32 $0x5000, s5;
	[sflag:s21] =	ssyncadd.s32 @!p0 $0xFFFFF000;
	(pc) =	sbr.rel @!p2 .LBB2_29-.Ltmp23, $4  }
0x20e: {  	[spmem:s1] =	stream.indirect.scatter.add.f32 @!p0 [tilespmem:s5], [sflag:$0xD], $0x80, s12, s9, $0xb8;
	[tilespmem:$0x1F480] =	vst v63  }
0x20f: {  	s23 =	simm.s32 $0x1000;
	s10 =	simm.s32 @!p1 $0x20;
	_ =	swait.ge @!p0 [sflag:s8], $0x1000  }
0x210: {  	s12 =	simm.s32 $0x2A80;
	s9 =	sshrl.u32 s29, $0x3;
	[sflag:s8] =	ssyncset.done @!p0 $0x0  }
0x211: {  	[sflag:s8] =	ssyncadd.s32 @!p0 $0xFFFFF000;
	p0 =	por $0x1, $0x1;
	s8 =	simm.s32 $0x1000  }
.LBB2_30:
0x212: {  	s26 =	smul.u32 $0xFFFFFFD0, s9;
	s23 =	sadd.s32 $0x80, s23;
	s28 =	smov.u32 s22  }
0x213: {  	s22 =	smov.u32 s24;
	s24 =	sadd.s32 $0x1, s24;
	s29 =	smov.u32 s13  }
0x214: {  	[tilespmem:s5], [sflag:s21] =	stream.indirect.gather @!p1 [hbm4b:s4+s10], $0x80, s8, s10, $0xb8;
	[tilespmem:$0x1F480] =	vst v63  }
0x215: {  	p2 =	sne.s32 s0, s24;
	s8 =	smov.u32 s23;
	s5 =	sshra.s32 s26, $0x2  }
0x216: {  	p3 =	slt.u32 s28, $0xC;
	s21 =	sadd.s32 s5, s20;
	s5 =	smul.u32 $0xFFFD0000, s9  }
0x217: {  	s13 =	sadd.s32 $0x1000, s13;
	s10 =	simm.s32 @!p3 $0xD;
	_ =	swait.ge @!p3 [sflag:s21], $0x1000  }
0x218: {  	s9 =	simm.s32 @!p3 $0x20;
	s5 =	sshra.s32 s5, $0x2;
	[sflag:s21] =	ssyncset.done @!p3 $0x0  }
.Ltmp24:
0x219: {  	s5 =	sadd.s32 s5, s29;
	[sflag:s21] =	ssyncadd.s32 @!p3 $0xFFFFF000;
	(pc) =	sbr.rel @p2 .LBB2_30-.Ltmp24, $4  }
0x21a: {  	[spmem:s1] =	stream.indirect.scatter.add.f32 @!p3 [tilespmem:s5], [sflag:$0xD], $0x80, s12, s9, $0xb8;
	[tilespmem:$0x1F480] =	vst v63  }
0x21b: {  	s20 =	sadd.s32 $0x1, s20;
	s9 =	smulhi.u32 $0xAAAAAAAB, s22;
	_ =	swait.ge @!p3 [sflag:s10], $0x1000  }
0x21c: {  	p1 =	sge.s32 s28, s6;
	s12 =	sadd.s32 $0x80, s12;
	[sflag:s10] =	ssyncset.done @!p3 $0x0  }
0x21d: {  	s9 =	sshrl.u32 s9, $0x3;
	[sflag:s10] =	ssyncadd.s32 @!p3 $0xFFFFF000;
	s10 =	simm.s32 @!p1 $0x20  }
.Ltmp25:
0x21e: {  	(pc) =	sbr.rel .LBB2_32-.Ltmp25, $4  }
0x21f: {  	s24 =	smov.u32 s22;
	s22 =	smov.u32 s31;
	s31 =	smov.u32 s25  }
0x220: {  	s25 =	smov.u32 s11;
	s26 =	smov.u32 s17;
	s17 =	smov.u32 s14  }
0x221: {  	s14 =	simm.s32 $0x80;
	s28 =	smov.u32 s15;
	s15 =	simm.s32 $0x400  }
0x222: {  	s29 =	smov.u32 s16;
	s16 =	simm.s32 $0xD;
	s11 =	rddreg [dreg:$0x1f]  }
.LBB2_29:
.Ltmp26:
0x223: {  	s23 =	simm.s32 $0x1000;
	s24 =	simm.s32 $0x1;
	(pc) =	sbr.rel .LBB2_32-.Ltmp26, $4  }
0x224: {  	s8 =	simm.s32 $0x1000;
	s22 =	smov.u32 s31;
	s31 =	smov.u32 s25  }
0x225: {  	s25 =	smov.u32 s11;
	s26 =	smov.u32 s17;
	s17 =	smov.u32 s14  }
0x226: {  	s14 =	simm.s32 $0x80;
	s28 =	smov.u32 s15;
	s15 =	simm.s32 $0x400  }
0x227: {  	s29 =	smov.u32 s16;
	s16 =	simm.s32 $0xD;
	s11 =	rddreg [dreg:$0x1f]  }
.LBB2_36:
0x228: {  	_ =	sfence.sel $0x180000  }
0x229: {  	[bflag:$0x0] =	sbarrier.arrive $0xFFFF  }
0x22a: {  	_ =	strace $0x9000004D  }
0x22b: {  	s0 =	stileid.u32;
	[bflag:$0x2] =	sbarrier.arrive $0xFFFF  }
0x22c: {  	p0 =	sne.s32 s0, $0x0;
	s0 =	rddreg [dreg:$0x2]  }
0x22d: {  	s0 =	sadd.s32 @!p0 $0x100000, s0  }
0x22e: {  	[sflag:s0] =	ssyncadd.tile.s32 @!p0 $0x1;
	_ =	shalt  }
.Lfunc_end2:
_tile_overlayer_lowered:
.L_overlay_start_2:
0x22f: {  	(tag) =	ssettag $0x2  }
0x230: {  	s0 =	rddreg [dreg:$0x0];
	s2 =	stileid.u32  }
0x231: {  	s1 =	rddreg [dreg:$0x1];
	p0 =	sne.s32 s2, $0x0  }
0x232: {  	s3 =	rddreg [dreg:$0x2];
	[bflag:$0x3] =	sbarrier.arrive $0xFFFF;
	s2 =	simm.s32 @!p0 $0x1C0D  }
0x233: {  	[timem:s3], [sflag:s2] =	dma.local @!p0 [hbm:s0], s1  }
0x234: {  	s0 =	simm.s32 @!p0 $0xD  }
0x235: {  	_ =	swait.ge @!p0 [sflag:s0], s1  }
0x236: {  	s1 =	ssub.s32 @!p0 $0x0, s1;
	[sflag:s0] =	ssyncset.done @!p0 $0x0  }
0x237: {  	[sflag:s0] =	ssyncadd.s32 @!p0 s1  }
0x238: {  	[bflag:$0x3] =	sbarrier.arrive $0xFFFF  }
0x239: {  	_ =	shalt  }

// kernel: kernel.9.cloned.1.call-start
scs
__scs_entry_jumppad:
0x0: {  	(pc) =	sbr.rel $0x88, $3  }
0x1: {  	(tag) =	ssettag $0x0;
	lr =	simm.s32 $0x1  }
0x2: {  	[smem:$0x3F8C] =	sst lr;
	_ =	strace $0xD0000000  }
0x3: {  	_ = 	snop  }
0x4: {  	_ = 	snop  }
0x5: {  	_ = 	snop  }
0x6: {  	_ = 	snop  }
0x7: {  	_ = 	snop  }
__scs_overlays_trampoline_lowered:
0x8: {  	[smem:$0x3F9B] =	sst s0  }
0x9: {  	[smem:$0x3F9C] =	sst s1  }
0xa: {  	[smem:$0x3F9D] =	sst s2  }
0xb: {  	[smem:$0x3F9E] =	sst s3  }
0xc: {  	[smem:$0x3F9F] =	sst s4  }
0xd: {  	[smem:$0x3FA0] =	sst s5  }
0xe: {  	[smem:$0x3FA1] =	sst s6  }
0xf: {  	[smem:$0x3FA2] =	sst s7  }
0x10: {  	[smem:$0x3FA3] =	sst s8  }
0x11: {  	[smem:$0x3FA4] =	sst s9;
	s0 =	simm.s32 @!p0 $0x0  }
0x12: {  	s1 =	sld [smem:$0x3F8A];
	s0 =	simm.s32 @p0 $0x1  }
0x13: {  	[smem:$0x3FA5] =	sst s0;
	s0 =	simm.s32 @!p1 $0x0  }
0x14: {  	s2 =	sld [smem:$0x3F89];
	s0 =	simm.s32 @p1 $0x1  }
0x15: {  	[smem:$0x3FA6] =	sst s0;
	s0 =	simm.s32 @!p2 $0x0  }
0x16: {  	s3 =	sld [smem:$0x3FDB];
	s0 =	simm.s32 @p2 $0x1  }
0x17: {  	s4 =	simm.s32 $0x1BF5;
	[smem:$0x3FA8] =	sst s0  }
0x18: {  	s0 =	sld [smem:$0x3F8B];
	_ =	swait.ge [sflag:s4], $0x0  }
0x19: {  	s7 =	sld [smem:$0x3F8C]  }
0x1a: {  	s8 =	sadd.s32 $0xFFFFE003, lr  }
0x1b: {  	s9 =	sadd.s32 $0xFFFFFEF7, lr;
	s5 =	simm.s32 $0xFFFFFFFF;
	p2 =	slt.u32 s8, $0xFFFFF086  }
0x1c: {  	p1 =	slt.u32 s9, $0xF7A;
	s5 =	simm.s32 @!p2 $0x0  }
0x1d: {  	s5 =	simm.s32 @p1 $0x1;
	p0 =	seq.s32 s7, s2  }
0x1e: {  	s7 =	smul.u32 @!p0 $0xF7A, s2;
	p2 =	seq.s32 @!p0 s5, $0x0  }
0x1f: {  	s9 =	smul.u32 $0xF7A, s1;
	s8 =	simm.s32 @!p0 $0x1BF5;
	p2 =	por !p2, p0  }
0x20: {  	[sflag:s8] =	ssyncset.s32 @!p0 $0xFFFFF086;
	s6 =	sadd.s32 @!p0 s3, s7;
	s7 =	simm.s32 @!p0 $0x108  }
0x21: {  	s3 =	sadd.s32 s3, s9;
	s6 =	sadd.s32 @!p0 $0x88, s6;
	s7 =	simm.s32 @p2 $0x1082  }
0x22: {  	[simem:s7], [sflag:s8] =	dma.local @!p0 [hbm:s6], $0xF7A  }
0x23: {  	s9 =	sor.u32 $0xD0000000, s2;
	s6 =	simm.s32 $0x108;
	_ =	swait.ge @!p0 [sflag:s8], $0x0  }
0x24: {  	s3 =	sadd.s32 $0x88, s3;
	s6 =	simm.s32 @!p1 $0x1082;
	[sflag:s4] =	ssyncset.s32 $0xFFFFF086  }
0x25: {  	[simem:s6], [sflag:s4] =	dma.local [hbm:s3], $0xF7A  }
0x26: {  	[smem:$0x3F8C] =	sst s1;
	(tag) =	ssettag s2;
	_ =	strace s9  }
0x27: {  	s1 =	sld [smem:$0x3F9C]  }
0x28: {  	s2 =	sld [smem:$0x3F9D]  }
0x29: {  	s4 =	sld [smem:$0x3F9F]  }
0x2a: {  	p0 =	seq.s32 s5, $0x0;
	s5 =	sld [smem:$0x3FA0]  }
0x2b: {  	s6 =	sld [smem:$0x3FA1]  }
0x2c: {  	s7 =	sld [smem:$0x3FA2]  }
0x2d: {  	s3 =	simm.s32 $0x108;
	s8 =	sld [smem:$0x3FA3]  }
0x2e: {  	s3 =	simm.s32 @!p0 $0x1082;
	s9 =	sld [smem:$0x3FA4]  }
0x2f: {  	lr =	sadd.s32 s0, s3;
	s0 =	sld [smem:$0x3F9B]  }
0x30: {  	s3 =	sld [smem:$0x3F9E]  }
0x31: {  	[smem:$0x3FA7] =	sst s10  }
0x32: {  	s10 =	sld [smem:$0x3FA5];
	_ =	sdelay $0x3  }
0x33: {  	p0 =	seq.s32 s10, $0x1;
	s10 =	sld [smem:$0x3FA7];
	_ =	sdelay $0x3  }
0x34: {  	[smem:$0x3FA7] =	sst s10  }
0x35: {  	s10 =	sld [smem:$0x3FA6];
	_ =	sdelay $0x3  }
0x36: {  	p1 =	seq.s32 s10, $0x1;
	s10 =	sld [smem:$0x3FA7];
	_ =	sdelay $0x3  }
0x37: {  	[smem:$0x3FA7] =	sst s10  }
0x38: {  	s10 =	sld [smem:$0x3FA8]  }
0x39: {  	_ = 	snop;
	(pc) =	sbr.ind lr, $3  }
0x3a: {  	_ = 	snop  }
0x3b: {  	_ = 	snop  }
0x3c: {  	p2 =	seq.s32 s10, $0x1;
	s10 =	sld [smem:$0x3FA7]  }
0x3d: {  	_ =	shalt  }
0x3e: {  	_ =	shalt  }
0x3f: {  	_ =	shalt  }
0x40: {  	_ =	shalt  }
0x41: {  	_ =	shalt  }
0x42: {  	_ =	shalt  }
0x43: {  	_ =	shalt  }
0x44: {  	_ =	shalt  }
0x45: {  	_ =	shalt  }
0x46: {  	_ =	shalt  }
0x47: {  	_ =	shalt  }
0x48: {  	_ =	shalt  }
0x49: {  	_ =	shalt  }
0x4a: {  	_ =	shalt  }
0x4b: {  	_ =	shalt  }
0x4c: {  	_ =	shalt  }
0x4d: {  	_ =	shalt  }
0x4e: {  	_ =	shalt  }
0x4f: {  	_ =	shalt  }
0x50: {  	_ =	shalt  }
0x51: {  	_ =	shalt  }
0x52: {  	_ =	shalt  }
0x53: {  	_ =	shalt  }
0x54: {  	_ =	shalt  }
0x55: {  	_ =	shalt  }
0x56: {  	_ =	shalt  }
0x57: {  	_ =	shalt  }
0x58: {  	_ =	shalt  }
0x59: {  	_ =	shalt  }
0x5a: {  	_ =	shalt  }
0x5b: {  	_ =	shalt  }
0x5c: {  	_ =	shalt  }
0x5d: {  	_ =	shalt  }
0x5e: {  	_ =	shalt  }
0x5f: {  	_ =	shalt  }
0x60: {  	_ =	shalt  }
0x61: {  	_ =	shalt  }
0x62: {  	_ =	shalt  }
0x63: {  	_ =	shalt  }
0x64: {  	_ =	shalt  }
0x65: {  	_ =	shalt  }
0x66: {  	_ =	shalt  }
0x67: {  	_ =	shalt  }
0x68: {  	_ =	shalt  }
0x69: {  	_ =	shalt  }
0x6a: {  	_ =	shalt  }
0x6b: {  	_ =	shalt  }
0x6c: {  	_ =	shalt  }
0x6d: {  	_ =	shalt  }
0x6e: {  	_ =	shalt  }
0x6f: {  	_ =	shalt  }
0x70: {  	_ =	shalt  }
0x71: {  	_ =	shalt  }
0x72: {  	_ =	shalt  }
0x73: {  	_ =	shalt  }
0x74: {  	_ =	shalt  }
0x75: {  	_ =	shalt  }
0x76: {  	_ =	shalt  }
0x77: {  	_ =	shalt  }
0x78: {  	_ =	shalt  }
0x79: {  	_ =	shalt  }
0x7a: {  	_ =	shalt  }
0x7b: {  	_ =	shalt  }
0x7c: {  	_ =	shalt  }
0x7d: {  	_ =	shalt  }
0x7e: {  	_ =	shalt  }
0x7f: {  	_ =	shalt  }
0x80: {  	_ =	shalt  }
0x81: {  	_ =	shalt  }
0x82: {  	_ =	shalt  }
0x83: {  	_ =	shalt  }
0x84: {  	_ =	shalt  }
0x85: {  	_ =	shalt  }
0x86: {  	_ =	shalt  }
0x87: {  	_ =	shalt  }
.Lfunc_end0:
.L_simem_size_0:
called_computation_lowered:
.L_overlay_start_0:
0x88: {  	s2 =	sld [smem:$0x3FD9]  }
0x89: {  	s3 =	sld [smem:$0x3FFE];
	_ =	sdelay $0x1  }
0x8a: {  	s1 =	srdreg.scid  }
0x8b: {  	s0 =	sand.u32 $0x1, s1  }
0x8c: {  	s16 =	sshll.u32 s0, $0xA;
	s2 =	sadd.s32 s3, s2  }
0x8d: {  	s2 =	sadd.s32 s2, s16  }
0x8e: {  	[smem:$0x3FB3] =	sst s2  }
0x8f: {  	_ = 	snop  }
0x90: {  	(tm) =	ssettm $0x1  }
0x91: {  	s17 =	sld [smem:$0x3FFB];
	_ =	sdelay $0x3  }
0x92: {  	_ =	strace s17  }
0x93: {  	s2 =	sld [smem:$0x3FFC];
	_ =	sdelay $0x3  }
0x94: {  	_ =	strace s2  }
0x95: {  	s2 =	sld [smem:$0x3FFD];
	_ =	sdelay $0x3  }
0x96: {  	_ =	strace s2  }
0x97: {  	_ =	strace $0x8FFFFFFF  }
0x98: {  	s18 =	sld [smem:$0x3FDB];
	_ =	sdelay $0x1  }
0x99: {  	s19 =	simm.s32 $_scs_section_size  }
0x9a: {  	s4 =	simm.s32 $_size__tile_overlayer_lowered;
	s5 =	simm.s32 $_tile_overlayer_lowered  }
0x9b: {  	s22 =	simm.s32 $0x1BFF;
	s21 =	sshll.u32 s5, $0x1;
	s2 =	sadd.s32 s19, s18  }
0x9c: {  	s6 =	simm.s32 $0x0;
	s20 =	sshll.u32 s4, $0x1;
	s4 =	sadd.s32 s21, s2  }
0x9d: {  	[timem:s6], [sflag:s22] =	dma.local [hbm:s4], s20  }
0x9e: {  	_ =	swait.ge [sflag:s22], s20  }
0x9f: {  	s3 =	ssub.s32 $0x0, s20;
	[sflag:s22] =	ssyncset.done $0x0  }
0xa0: {  	[sflag:s22] =	ssyncadd.s32 s3;
	_ =	sdelay $0x1  }
0xa1: {  	s23 =	simm.s32 $0x1B8B  }
0xa2: {  	_ =	swait.ge [sflag:s23], $0x1  }
0xa3: {  	[sflag:s23] =	ssyncset.done $0x0  }
0xa4: {  	s25 =	simm.s32 $0x1B8E;
	s24 =	sld [smem:$0x3FFE];
	[sflag:s23] =	ssyncadd.s32 $0xFFFFFFFF  }
0xa5: {  	s26 =	simm.s32 $execute0_lowered;
	[smem:$0x3FD2] =	sst s25  }
0xa6: {  	s4 =	sshll.u32 s26, $0x1;
	_ =	strace $0x80000046;
	[dreg:$0x1] =	wrdreg $0xFFFFFFFF  }
0xa7: {  	s28 =	simm.s32 $_size_execute0_lowered;
	s2 =	sadd.s32 s2, s4;
	[dreg:$0x0] =	wrdreg $0x0  }
0xa8: {  	s4 =	sshll.u32 s28, $0x1;
	[dreg:$0x2] =	wrdreg s2  }
0xa9: {  	[dreg:$0x3] =	wrdreg s4  }
0xaa: {  	[dreg:$0x4] =	wrdreg $0xC0  }
0xab: {  	_ =	task [dreg:s6], $0x5FFFF  }
0xac: {  	[dreg:$0x1] =	wrdreg $0xFFFFFFFF  }
0xad: {  	[dreg:$0x0] =	wrdreg $0x60  }
0xae: {  	[dreg:$0x2] =	wrdreg s24  }
0xaf: {  	[dreg:$0x3] =	wrdreg $0x9  }
0xb0: {  	_ =	task.clear_ibuf [dreg:s6], $0x4FFFF;
	_ =	strace $0x90000046  }
0xb1: {  	s29 =	simm.s32 $0x9;
	_ =	strace $0x80000048  }
0xb2: {  	_ =	swait.ge [sflag:s29], $0x1  }
0xb3: {  	[sflag:s29] =	ssyncadd.s32 $0xFFFFFFFF  }
0xb4: {  	_ =	strace $0x90000048  }
0xb5: {  	_ =	sfence  }
0xb6: {  	s30 =	sld [smem:$0x0];
	_ =	sdelay $0x2  }
0xb7: {  	s31 =	sshll.u32 s1, $0xD;
	s1 =	sshrl.u32 s1, $0x2  }
0xb8: {  	s3 =	sand.u32 $0x4000, s31;
	s1 =	sadd.s32 s1, s30  }
0xb9: {  	s0 =	sor.u32 s3, s0;
	s1 =	sshll.u32 s1, $0x11  }
0xba: {  	s0 =	sor.u32 s1, s0  }
0xbb: {  	s0 =	sadd.s32 $0x8F2B, s0  }
0xbc: {  	[sflag:s0] =	ssyncadd.remote.s32 $0x1  }
0xbd: {  	_ =	sfence.sel $0xFFFF  }
0xbe: {  	[dreg:$0x0] =	wrdreg $0xFFFFFFFF;
	(pc) =	sbr.abs _section_cstart, $3  }
0xbf: {  	[dreg:$0x1] =	wrdreg $0xFFFFFFFF  }
0xc0: {  	_ =	task.clear_ibuf [dreg:s6], $0x2FFFF;
	_ =	strace $0x9FFFFFFF  }
0xc1: {  	(tm) =	ssettm $0x7FFFFFFF  }
tec
execute0_lowered:
.L_overlay_start_1:
0x0: {  	(tag) =	ssettag $0x1  }
0x1: {  	s0 =	srdreg.scid  }
0x2: {  	s4 =	rddreg [dreg:$0x0];
	s14 =	simm.s32 $0x80;
	s15 =	simm.s32 $0x400  }
0x3: {  	s16 =	simm.s32 $0x1;
	s3 =	sand.u32 $0x1, s0;
	s0 =	stileid.u32  }
0x4: {  	s17 =	simm.s32 $0x800;
	s1 =	sshll.u32 s3, $0x4;
	s6 =	sshll.u32 s0, $0x7  }
0x5: {  	s7 =	sshll.u32 s3, $0xD;
	s30 =	sshll.u32 s0, $0xB;
	s3 =	ssub.s32 $0x2, s3  }
0x6: {  	s8 =	sshll.u32 s0, $0x4;
	s2 =	sor.u32 s0, s1;
	s1 =	rddreg [dreg:$0x1]  }
0x7: {  	s6 =	sand.u32 $0x380, s6;
	s29 =	sadd.s32 s7, s4;
	s5 =	sshrl.u32 s2, $0x3  }
0x8: {  	s7 =	sand.u32 $0x4000, s30;
	s9 =	sshrl.u32 s3, $0x1;
	s5 =	smul.u32 $0x62000, s5  }
0x9: {  	s8 =	sand.u32 $0x70, s8;
	s2 =	simm.s32 $0x0;
	s9 =	ssub.s32 s3, s9  }
0xa: {  	[smem:$0x7FF] =	sst s2;
	s5 =	sor.u32 s6, s5;
	s6 =	sadd.s32 s7, s29  }
0xb: {  	_ =	strace $0x80000047;
	s5 =	sshrl.u32 s5, $0x3;
	s13 =	sadd.s32 s8, s6  }
0xc: {  	s7 =	smax.u32 s9, $0x1;
	s31 =	sadd.s32 s5, s4;
	s3 =	sadd.s32 $0x2E00, s13  }
0xd: {  	s5 =	sadd.s32 $0xAE00, s13;
	s8 =	sadd.s32 $0x3600, s13;
	s9 =	sadd.s32 $0x3E00, s13  }
0xe: {  	s10 =	sadd.s32 $0x4600, s13;
	s11 =	sadd.s32 $0xB600, s13;
	s12 =	sadd.s32 $0xBE00, s13  }
0xf: {  	v0 =	vimm.f32 $0.0e+00;
	v1 =	vimm.f32 $1.000000000e+00;
	s13 =	sadd.s32 $0xC600, s13;
	s4 =	sadd.s32 $0x12E00, s31;
	s6 =	sadd.s32 $0x43E00, s31  }
.LBB2_1:
0x10: {  	s18 =	simm.s32 $0x40;
	s19 =	simm.s32 $0x0  }
.LBB2_2:
0x11: {  	p0 =	sne.s32 s18, $0x30FC0;
	[tilespmem:s19+$0x800] =	vst v0;
	s19 =	smov.u32 s18;
	s18 =	sadd.s32 $0x40, s18  }
.Ltmp0:
0x12: {  	(pc) =	sbr.rel @p0 .LBB2_2-.Ltmp0, $2  }
0x13: {  	_ =	sdelay $0x2  }
0x14: {  	s19 =	sshra.s32 s19, $0x2  }
0x15: {  	[tilespmem:s19+$0x800] =	vst v0;
	s18 =	simm.s32 $0x0  }
0x16: {  	[tilespmem:s18], [sflag:$0x1] =	stream.strided.gather [hbm4b:s3+s14], $0x800, s15, s14, $0x38;
	[tilespmem:$0xCC00] =	vst v63  }
0x17: {  	_ =	swait.ge [sflag:s16], $0x800  }
0x18: {  	[sflag:s16] =	ssyncset.done $0x0  }
0x19: {  	s19 =	simm.s32 $0x0;
	s18 =	simm.s32 $0x40;
	[sflag:s16] =	ssyncadd.s32 $0xFFFFF800  }
.LBB2_4:
0x1a: {  	p0 =	sne.s32 s18, $0x1FC0;
	v2 =	vld [tilespmem:s19+$0x0];
	_ =	sdelay $0x4  }
0x1b: {  	vm0 =	vgt.s32 v2, $0xFFFFFFFF;
	vm1 =	vgt.s32 v2, $0x0  }
0x1c: {  	v2 =	vnsel vm1, $0x0, v2  }
.Ltmp1:
0x1d: {  	(pc) =	sbr.rel @p0 .LBB2_4-.Ltmp1, $2  }
0x1e: {  	_ =	sdelay $0x2  }
0x1f: {  	s19 =	sshra.s32 s18, $0x2;
	s18 =	sadd.s32 $0x40, s18;
	[tilespmem:v2+s17+$0x0] =	vst.idx.add.f32.msk vm0, v1  }
0x20: {  	v2 =	vld [tilespmem:s19+$0x0];
	_ =	sdelay $0x4  }
0x21: {  	vm0 =	vgt.s32 v2, $0xFFFFFFFF;
	vm1 =	vgt.s32 v2, $0x0  }
0x22: {  	v2 =	vnsel vm1, $0x0, v2;
	_ =	sdelay $0x4  }
0x23: {  	s18 =	simm.s32 $0x0;
	[tilespmem:v2+s17+$0x0] =	vst.idx.add.f32.msk vm0, v1  }
0x24: {  	[tilespmem:s18], [sflag:$0x1] =	stream.strided.gather [hbm4b:s8+s14], $0x800, s15, s14, $0x38;
	[tilespmem:$0xCC00] =	vst v63  }
0x25: {  	_ =	swait.ge [sflag:s16], $0x800  }
0x26: {  	[sflag:s16] =	ssyncset.done $0x0  }
0x27: {  	s19 =	simm.s32 $0x0;
	s18 =	simm.s32 $0x40;
	[sflag:s16] =	ssyncadd.s32 $0xFFFFF800  }
.LBB2_6:
0x28: {  	p0 =	sne.s32 s18, $0x1FC0;
	v2 =	vld [tilespmem:s19+$0x0];
	_ =	sdelay $0x4  }
0x29: {  	vm0 =	vgt.s32 v2, $0xFFFFFFFF;
	vm1 =	vgt.s32 v2, $0x0  }
0x2a: {  	v2 =	vnsel vm1, $0x0, v2  }
.Ltmp2:
0x2b: {  	(pc) =	sbr.rel @p0 .LBB2_6-.Ltmp2, $2  }
0x2c: {  	_ =	sdelay $0x2  }
0x2d: {  	s19 =	sshra.s32 s18, $0x2;
	s18 =	sadd.s32 $0x40, s18;
	[tilespmem:v2+s17+$0x0] =	vst.idx.add.f32.msk vm0, v1  }
0x2e: {  	v2 =	vld [tilespmem:s19+$0x0];
	_ =	sdelay $0x4  }
0x2f: {  	vm0 =	vgt.s32 v2, $0xFFFFFFFF;
	vm1 =	vgt.s32 v2, $0x0  }
0x30: {  	v2 =	vnsel vm1, $0x0, v2;
	_ =	sdelay $0x4  }
0x31: {  	s18 =	simm.s32 $0x0;
	[tilespmem:v2+s17+$0x0] =	vst.idx.add.f32.msk vm0, v1  }
0x32: {  	[tilespmem:s18], [sflag:$0x1] =	stream.strided.gather [hbm4b:s9+s14], $0x800, s15, s14, $0x38;
	[tilespmem:$0xCC00] =	vst v63  }
0x33: {  	_ =	swait.ge [sflag:s16], $0x800  }
0x34: {  	[sflag:s16] =	ssyncset.done $0x0  }
0x35: {  	s19 =	simm.s32 $0x0;
	s18 =	simm.s32 $0x40;
	[sflag:s16] =	ssyncadd.s32 $0xFFFFF800  }
.LBB2_8:
0x36: {  	p0 =	sne.s32 s18, $0x1FC0;
	v2 =	vld [tilespmem:s19+$0x0];
	_ =	sdelay $0x4  }
0x37: {  	vm0 =	vgt.s32 v2, $0xFFFFFFFF;
	vm1 =	vgt.s32 v2, $0x0  }
0x38: {  	v2 =	vnsel vm1, $0x0, v2  }
.Ltmp3:
0x39: {  	(pc) =	sbr.rel @p0 .LBB2_8-.Ltmp3, $2  }
0x3a: {  	_ =	sdelay $0x2  }
0x3b: {  	s19 =	sshra.s32 s18, $0x2;
	s18 =	sadd.s32 $0x40, s18;
	[tilespmem:v2+s17+$0x0] =	vst.idx.add.f32.msk vm0, v1  }
0x3c: {  	v2 =	vld [tilespmem:s19+$0x0];
	_ =	sdelay $0x4  }
0x3d: {  	vm0 =	vgt.s32 v2, $0xFFFFFFFF;
	vm1 =	vgt.s32 v2, $0x0  }
0x3e: {  	v2 =	vnsel vm1, $0x0, v2;
	_ =	sdelay $0x4  }
0x3f: {  	s18 =	simm.s32 $0x0;
	[tilespmem:v2+s17+$0x0] =	vst.idx.add.f32.msk vm0, v1  }
0x40: {  	[tilespmem:s18], [sflag:$0x1] =	stream.strided.gather [hbm4b:s10+s14], $0x800, s15, s14, $0x38;
	[tilespmem:$0xCC00] =	vst v63  }
0x41: {  	_ =	swait.ge [sflag:s16], $0x800  }
0x42: {  	[sflag:s16] =	ssyncset.done $0x0  }
0x43: {  	s19 =	simm.s32 $0x0;
	s18 =	simm.s32 $0x40;
	[sflag:s16] =	ssyncadd.s32 $0xFFFFF800  }
.LBB2_10:
0x44: {  	p0 =	sne.s32 s18, $0x1FC0;
	v2 =	vld [tilespmem:s19+$0x0];
	_ =	sdelay $0x4  }
0x45: {  	vm0 =	vgt.s32 v2, $0xFFFFFFFF;
	vm1 =	vgt.s32 v2, $0x0  }
0x46: {  	v2 =	vnsel vm1, $0x0, v2  }
.Ltmp4:
0x47: {  	(pc) =	sbr.rel @p0 .LBB2_10-.Ltmp4, $2  }
0x48: {  	_ =	sdelay $0x2  }
0x49: {  	s19 =	sshra.s32 s18, $0x2;
	s18 =	sadd.s32 $0x40, s18;
	[tilespmem:v2+s17+$0x0] =	vst.idx.add.f32.msk vm0, v1  }
0x4a: {  	v2 =	vld [tilespmem:s19+$0x0];
	_ =	sdelay $0x4  }
0x4b: {  	vm0 =	vgt.s32 v2, $0xFFFFFFFF;
	vm1 =	vgt.s32 v2, $0x0  }
0x4c: {  	v2 =	vnsel vm1, $0x0, v2;
	_ =	sdelay $0x4  }
0x4d: {  	[tilespmem:v2+s17+$0x0] =	vst.idx.add.f32.msk vm0, v1  }
0x4e: {  	[hbm4b:s4+s14] =	stream.strided.scatter [tilespmem:s17], [sflag:$0x1], $0xC400, s15, s14, $0x38;
	[tilespmem:$0xCC00] =	vst v63  }
0x4f: {  	_ =	swait.ge [sflag:s16], $0xC400  }
0x50: {  	[sflag:s16] =	ssyncset.done $0x0  }
0x51: {  	s18 =	simm.s32 $0x40;
	s19 =	simm.s32 $0x0;
	[sflag:s16] =	ssyncadd.s32 $0xFFFF3C00  }
.LBB2_12:
0x52: {  	p0 =	sne.s32 s18, $0x30FC0;
	[tilespmem:s19+$0x800] =	vst v0;
	s19 =	smov.u32 s18;
	s18 =	sadd.s32 $0x40, s18  }
.Ltmp5:
0x53: {  	(pc) =	sbr.rel @p0 .LBB2_12-.Ltmp5, $2  }
0x54: {  	_ =	sdelay $0x2  }
0x55: {  	s19 =	sshra.s32 s19, $0x2  }
0x56: {  	[tilespmem:s19+$0x800] =	vst v0;
	s18 =	simm.s32 $0x0  }
0x57: {  	[tilespmem:s18], [sflag:$0x1] =	stream.strided.gather [hbm4b:s5+s14], $0x800, s15, s14, $0x38;
	[tilespmem:$0xCC00] =	vst v63  }
0x58: {  	_ =	swait.ge [sflag:s16], $0x800  }
0x59: {  	[sflag:s16] =	ssyncset.done $0x0  }
0x5a: {  	s19 =	simm.s32 $0x0;
	s18 =	simm.s32 $0x40;
	[sflag:s16] =	ssyncadd.s32 $0xFFFFF800  }
.LBB2_14:
0x5b: {  	p0 =	sne.s32 s18, $0x1FC0;
	v2 =	vld [tilespmem:s19+$0x0];
	_ =	sdelay $0x4  }
0x5c: {  	vm0 =	vgt.s32 v2, $0xFFFFFFFF;
	vm1 =	vgt.s32 v2, $0x0  }
0x5d: {  	v2 =	vnsel vm1, $0x0, v2  }
.Ltmp6:
0x5e: {  	(pc) =	sbr.rel @p0 .LBB2_14-.Ltmp6, $2  }
0x5f: {  	_ =	sdelay $0x2  }
0x60: {  	s19 =	sshra.s32 s18, $0x2;
	s18 =	sadd.s32 $0x40, s18;
	[tilespmem:v2+s17+$0x0] =	vst.idx.add.f32.msk vm0, v1  }
0x61: {  	v2 =	vld [tilespmem:s19+$0x0];
	_ =	sdelay $0x4  }
0x62: {  	vm0 =	vgt.s32 v2, $0xFFFFFFFF;
	vm1 =	vgt.s32 v2, $0x0  }
0x63: {  	v2 =	vnsel vm1, $0x0, v2;
	_ =	sdelay $0x4  }
0x64: {  	s18 =	simm.s32 $0x0;
	[tilespmem:v2+s17+$0x0] =	vst.idx.add.f32.msk vm0, v1  }
0x65: {  	[tilespmem:s18], [sflag:$0x1] =	stream.strided.gather [hbm4b:s11+s14], $0x800, s15, s14, $0x38;
	[tilespmem:$0xCC00] =	vst v63  }
0x66: {  	_ =	swait.ge [sflag:s16], $0x800  }
0x67: {  	[sflag:s16] =	ssyncset.done $0x0  }
0x68: {  	s19 =	simm.s32 $0x0;
	s18 =	simm.s32 $0x40;
	[sflag:s16] =	ssyncadd.s32 $0xFFFFF800  }
.LBB2_16:
0x69: {  	p0 =	sne.s32 s18, $0x1FC0;
	v2 =	vld [tilespmem:s19+$0x0];
	_ =	sdelay $0x4  }
0x6a: {  	vm0 =	vgt.s32 v2, $0xFFFFFFFF;
	vm1 =	vgt.s32 v2, $0x0  }
0x6b: {  	v2 =	vnsel vm1, $0x0, v2  }
.Ltmp7:
0x6c: {  	(pc) =	sbr.rel @p0 .LBB2_16-.Ltmp7, $2  }
0x6d: {  	_ =	sdelay $0x2  }
0x6e: {  	s19 =	sshra.s32 s18, $0x2;
	s18 =	sadd.s32 $0x40, s18;
	[tilespmem:v2+s17+$0x0] =	vst.idx.add.f32.msk vm0, v1  }
0x6f: {  	v2 =	vld [tilespmem:s19+$0x0];
	_ =	sdelay $0x4  }
0x70: {  	vm0 =	vgt.s32 v2, $0xFFFFFFFF;
	vm1 =	vgt.s32 v2, $0x0  }
0x71: {  	v2 =	vnsel vm1, $0x0, v2;
	_ =	sdelay $0x4  }
0x72: {  	s18 =	simm.s32 $0x0;
	[tilespmem:v2+s17+$0x0] =	vst.idx.add.f32.msk vm0, v1  }
0x73: {  	[tilespmem:s18], [sflag:$0x1] =	stream.strided.gather [hbm4b:s12+s14], $0x800, s15, s14, $0x38;
	[tilespmem:$0xCC00] =	vst v63  }
0x74: {  	_ =	swait.ge [sflag:s16], $0x800  }
0x75: {  	[sflag:s16] =	ssyncset.done $0x0  }
0x76: {  	s19 =	simm.s32 $0x0;
	s18 =	simm.s32 $0x40;
	[sflag:s16] =	ssyncadd.s32 $0xFFFFF800  }
.LBB2_18:
0x77: {  	p0 =	sne.s32 s18, $0x1FC0;
	v2 =	vld [tilespmem:s19+$0x0];
	_ =	sdelay $0x4  }
0x78: {  	vm0 =	vgt.s32 v2, $0xFFFFFFFF;
	vm1 =	vgt.s32 v2, $0x0  }
0x79: {  	v2 =	vnsel vm1, $0x0, v2  }
.Ltmp8:
0x7a: {  	(pc) =	sbr.rel @p0 .LBB2_18-.Ltmp8, $2  }
0x7b: {  	_ =	sdelay $0x2  }
0x7c: {  	s19 =	sshra.s32 s18, $0x2;
	s18 =	sadd.s32 $0x40, s18;
	[tilespmem:v2+s17+$0x0] =	vst.idx.add.f32.msk vm0, v1  }
0x7d: {  	v2 =	vld [tilespmem:s19+$0x0];
	_ =	sdelay $0x4  }
0x7e: {  	vm0 =	vgt.s32 v2, $0xFFFFFFFF;
	vm1 =	vgt.s32 v2, $0x0  }
0x7f: {  	v2 =	vnsel vm1, $0x0, v2;
	_ =	sdelay $0x4  }
0x80: {  	s18 =	simm.s32 $0x0;
	[tilespmem:v2+s17+$0x0] =	vst.idx.add.f32.msk vm0, v1  }
0x81: {  	[tilespmem:s18], [sflag:$0x1] =	stream.strided.gather [hbm4b:s13+s14], $0x800, s15, s14, $0x38;
	[tilespmem:$0xCC00] =	vst v63  }
0x82: {  	_ =	swait.ge [sflag:s16], $0x800  }
0x83: {  	[sflag:s16] =	ssyncset.done $0x0  }
0x84: {  	s19 =	simm.s32 $0x0;
	s18 =	simm.s32 $0x40;
	[sflag:s16] =	ssyncadd.s32 $0xFFFFF800  }
.LBB2_20:
0x85: {  	p0 =	sne.s32 s18, $0x1FC0;
	v2 =	vld [tilespmem:s19+$0x0];
	_ =	sdelay $0x4  }
0x86: {  	vm0 =	vgt.s32 v2, $0xFFFFFFFF;
	vm1 =	vgt.s32 v2, $0x0  }
0x87: {  	v2 =	vnsel vm1, $0x0, v2  }
.Ltmp9:
0x88: {  	(pc) =	sbr.rel @p0 .LBB2_20-.Ltmp9, $2  }
0x89: {  	_ =	sdelay $0x2  }
0x8a: {  	s19 =	sshra.s32 s18, $0x2;
	s18 =	sadd.s32 $0x40, s18;
	[tilespmem:v2+s17+$0x0] =	vst.idx.add.f32.msk vm0, v1  }
0x8b: {  	v2 =	vld [tilespmem:s19+$0x0];
	_ =	sdelay $0x4  }
0x8c: {  	vm0 =	vgt.s32 v2, $0xFFFFFFFF;
	vm1 =	vgt.s32 v2, $0x0  }
0x8d: {  	v2 =	vnsel vm1, $0x0, v2;
	_ =	sdelay $0x2  }
0x8e: {  	s2 =	sadd.s32 $0x1, s2  }
0x8f: {  	p0 =	sne.s32 s2, s7  }
.Ltmp10:
0x90: {  	[tilespmem:v2+s17+$0x0] =	vst.idx.add.f32.msk vm0, v1;
	(pc) =	sbr.rel @p0 .LBB2_1-.Ltmp10, $4  }
0x91: {  	[hbm4b:s6+s14] =	stream.strided.scatter [tilespmem:s17], [sflag:$0x1], $0xC400, s15, s14, $0x38;
	[tilespmem:$0xCC00] =	vst v63  }
0x92: {  	_ =	swait.ge [sflag:s16], $0xC400  }
0x93: {  	[sflag:s16] =	ssyncset.done $0x0  }
0x94: {  	[sflag:s16] =	ssyncadd.s32 $0xFFFF3C00  }
0x95: {  	_ =	sfence.sel $0x180000  }
0x96: {  	[bflag:$0x0] =	sbarrier.arrive $0xFFFF  }
0x97: {  	p0 =	sne.s32 s0, $0x0;
	_ =	strace $0x90000047  }
0x98: {  	s0 =	sadd.s32 @!p0 $0x100000, s1;
	[bflag:$0x2] =	sbarrier.arrive $0xFFFF  }
0x99: {  	[sflag:s0] =	ssyncadd.tile.s32 @!p0 $0x1;
	_ =	shalt  }
.Lfunc_end2:
_tile_overlayer_lowered:
.L_overlay_start_2:
0x9a: {  	(tag) =	ssettag $0x2  }
0x9b: {  	s0 =	rddreg [dreg:$0x0];
	s2 =	stileid.u32  }
0x9c: {  	s1 =	rddreg [dreg:$0x1];
	p0 =	sne.s32 s2, $0x0  }
0x9d: {  	s3 =	rddreg [dreg:$0x2];
	[bflag:$0x3] =	sbarrier.arrive $0xFFFF;
	s2 =	simm.s32 @!p0 $0x1C01  }
0x9e: {  	[timem:s3], [sflag:s2] =	dma.local @!p0 [hbm:s0], s1  }
0x9f: {  	s0 =	simm.s32 @!p0 $0x1  }
0xa0: {  	_ =	swait.ge @!p0 [sflag:s0], s1  }
0xa1: {  	s1 =	ssub.s32 @!p0 $0x0, s1;
	[sflag:s0] =	ssyncset.done @!p0 $0x0  }
0xa2: {  	[sflag:s0] =	ssyncadd.s32 @!p0 s1  }
0xa3: {  	[bflag:$0x3] =	sbarrier.arrive $0xFFFF  }
0xa4: {  	_ =	shalt  }

</sc_bundles>
